<compile_context>
chip_gen: v7x
topology: tpu7x:2x2x1
jax: 0.10.2.dev20260603
libtpu: 0.0.44.dev20260713+nightly
codegen_flags: <defaults>
</compile_context>

<pallas_src>
import functools

import jax
import jax.numpy as jnp
from jax import lax
from jax.experimental import pallas as pl
from jax.experimental.pallas import tpu as pltpu
from jax.experimental.pallas import tpu_sc as plsc

N = 10000
E = 320000
D = 128
F = 384
NP = 10240
RT = NP // 16
CH = 128
NCH = 79
NFAST = 80
NSLOW = 80
NCHUNKS = 16 * (NFAST + NSLOW)
EP = NCHUNKS * CH
BR = 512

_MESH = plsc.VectorSubcoreMesh(core_axis_name="c", subcore_axis_name="s")


@functools.partial(
    pl.kernel,
    mesh=_MESH,
    out_type=jax.ShapeDtypeStruct((2, NP, 16), jnp.float32),
    scratch_types=[
        pltpu.VMEM((NCH, CH), jnp.int32),
        pltpu.VMEM((CH, 16), jnp.float32),
        pltpu.VMEM_SHARED((NP, 16), jnp.float32),
    ],
    compiler_params=pltpu.CompilerParams(use_tc_tiling_on_sc=False),
)
def _deg_kernel(dst_hbm, ones_hbm, zeros_hbm, out_hbm, dst_v, ones_v, acc):
    c = lax.axis_index("c")
    s = lax.axis_index("s")
    wid = c * 16 + s
    pltpu.sync_copy(zeros_hbm, acc.at[pl.ds(s * RT, RT)])
    pltpu.sync_copy(dst_hbm.at[wid], dst_v)
    pltpu.sync_copy(ones_hbm, ones_v)
    plsc.subcore_barrier()

    def body(j, carry):
        pltpu.sync_copy(ones_v, acc.at[dst_v.at[j]], add=True)
        return carry

    lax.fori_loop(0, NCH, body, 0)
    plsc.subcore_barrier()
    pltpu.sync_copy(acc.at[pl.ds(s * RT, RT)], out_hbm.at[c, pl.ds(s * RT, RT)])


@functools.partial(
    pl.kernel,
    mesh=_MESH,
    out_type=jax.ShapeDtypeStruct((3, 2, NP, D), jnp.float32),
    scratch_types=[
        pltpu.VMEM((2, CH), jnp.int32),
        pltpu.VMEM((NFAST, CH), jnp.int32),
        pltpu.VMEM((CH, D), jnp.float32),
        pltpu.VMEM((CH, D), jnp.float32),
        pltpu.SemaphoreType.DMA,
        pltpu.SemaphoreType.DMA,
        pltpu.SemaphoreType.DMA,
        pltpu.SemaphoreType.DMA,
        pltpu.SemaphoreType.DMA,
        pltpu.SemaphoreType.DMA,
        pltpu.VMEM_SHARED((NP, D), jnp.float32),
    ],
)
def _scatter_kernel(tab0, tab1, tab2, src_hbm, dst_hbm, zeros_hbm, out_hbm,
                    sidx, dst_v, bufa, bufb, semg0, semg1, semi0, semi1,
                    semsc0, semsc1, acc):
    c = lax.axis_index("c")
    s = lax.axis_index("s")
    bufs = (bufa, bufb)
    semg = (semg0, semg1)
    semi = (semi0, semi1)
    semsc = (semsc0, semsc1)

    def run(base, n):
        pltpu.sync_copy(dst_hbm.at[pl.ds(base, n)], dst_v.at[pl.ds(0, n)])

        def start_sidx(j, b):
            pltpu.async_copy(src_hbm.at[base + j], sidx.at[b], semi[b])

        def wait_sidx(j, b):
            pltpu.make_async_copy(src_hbm.at[base + j], sidx.at[b],
                                  semi[b]).wait()

        for t, tab in enumerate((tab0, tab1, tab2)):
            pltpu.sync_copy(zeros_hbm, acc.at[pl.ds(s * RT, RT)])
            plsc.subcore_barrier()

            def start_gather(j, b, tab=tab):
                pltpu.async_copy(tab.at[sidx.at[b]], bufs[b], semg[b])

            def wait_gather(b, tab=tab):
                pltpu.make_async_copy(tab.at[sidx.at[b]], bufs[b],
                                      semg[b]).wait()

            def start_scatter(j, b):
                pltpu.async_copy(bufs[b], acc.at[dst_v.at[j]], semsc[b],
                                 add=True)

            def wait_scatter(j, b):
                pltpu.make_async_copy(bufs[b], acc.at[dst_v.at[j]],
                                      semsc[b]).wait()

            start_sidx(0, 0)
            start_sidx(1, 1)
            wait_sidx(0, 0)
            start_gather(0, 0)

            def step(j, b, guard2, guard1, first=False):
                def advance():
                    wait_sidx(j + 1, 1 - b)
                    if first:
                        @pl.when(j > 0)
                        def _():
                            wait_scatter(j - 1, 1 - b)
                    else:
                        wait_scatter(j - 1, 1 - b)
                    start_gather(j + 1, 1 - b)

                if guard1:
                    @pl.when(j + 1 < n)
                    def _():
                        advance()
                else:
                    advance()
                wait_gather(b)
                start_scatter(j, b)
                if guard2:
                    @pl.when(j + 2 < n)
                    def _():
                        start_sidx(j + 2, b)
                else:
                    start_sidx(j + 2, b)

            def body(g, carry):
                step(2 * g, 0, guard2=True, guard1=False, first=True)
                step(2 * g + 1, 1, guard2=True, guard1=True)
                return carry

            lax.fori_loop(0, n // 2, body, 0)
            wait_scatter(n - 2, 0)
            wait_scatter(n - 1, 1)

            plsc.subcore_barrier()
            pltpu.sync_copy(acc.at[pl.ds(s * RT, RT)],
                            out_hbm.at[t, c, pl.ds(s * RT, RT)])

    run((c * 16 + s) * NFAST, NFAST)


def _dinv_block(d_ref):
    deg = d_ref[0][:, 0:1] + d_ref[1][:, 0:1] + 1.0
    return lax.rsqrt(deg), jnp.sqrt(deg)


def _tc1_body(x_ref, w_ref, d_ref, o0_ref, o1_ref, o2_ref):
    dinv, _ = _dinv_block(d_ref)
    hp = jnp.dot(x_ref[...], w_ref[...],
                 preferred_element_type=jnp.float32) * dinv
    o0_ref[...] = hp[:, :D]
    o1_ref[...] = hp[:, D:2 * D]
    o2_ref[...] = hp[:, 2 * D:]


def _combine(s_ref, h_refs, d_ref, b_refs):
    dinv, sdeg = _dinv_block(d_ref)
    outs = []
    for t, (h_ref, b_ref) in enumerate(zip(h_refs, b_refs)):
        hp = h_ref[...]
        p = dinv * (s_ref[t, 0] + s_ref[t, 1] + hp)
        if t == 0:
            outs.append(p + b_ref[...])
        elif t == 1:
            outs.append(sdeg * hp - p + b_ref[...])
        else:
            outs.append(sdeg * hp + p + b_ref[...])
    return outs, dinv


def _tc2_body(s_ref, h0_ref, h1_ref, h2_ref, d_ref, b0_ref, b1_ref, b2_ref,
              w0_ref, w1_ref, w2_ref, o0_ref, o1_ref, o2_ref):
    cs, dinv = _combine(s_ref, (h0_ref, h1_ref, h2_ref), d_ref,
                        (b0_ref, b1_ref, b2_ref))
    for cmb, w_ref, o_ref in zip(cs, (w0_ref, w1_ref, w2_ref),
                                 (o0_ref, o1_ref, o2_ref)):
        o_ref[...] = jnp.dot(jnp.maximum(cmb, 0.0), w_ref[...],
                             preferred_element_type=jnp.float32) * dinv


def _tc3_body(s_ref, h0_ref, h1_ref, h2_ref, d_ref, b0_ref, b1_ref, b2_ref,
              w_ref, lb_ref, o_ref):
    cs, _ = _combine(s_ref, (h0_ref, h1_ref, h2_ref), d_ref,
                     (b0_ref, b1_ref, b2_ref))
    acc = lb_ref[...].astype(jnp.float32)
    for t, cmb in enumerate(cs):
        acc = acc + jnp.dot(cmb, w_ref[pl.ds(t * D, D), :],
                            preferred_element_type=jnp.float32)
    o_ref[...] = acc


_spec_rows = pl.BlockSpec((BR, D), lambda i: (i, 0))
_spec_full = lambda a, b: pl.BlockSpec((a, b), lambda i: (0, 0))
_spec_deg = pl.BlockSpec((2, BR, 16), lambda i: (0, i, 0))
_spec_s = pl.BlockSpec((3, 2, BR, D), lambda i: (0, 0, i, 0))
_out_rows = jax.ShapeDtypeStruct((NP, D), jnp.float32)

_tc1 = pl.pallas_call(
    _tc1_body,
    grid=(NP // BR,),
    in_specs=[_spec_rows, _spec_full(D, F), _spec_deg],
    out_specs=[_spec_rows] * 3,
    out_shape=[_out_rows] * 3,
)

_tc2 = pl.pallas_call(
    _tc2_body,
    grid=(NP // BR,),
    in_specs=[_spec_s, _spec_rows, _spec_rows, _spec_rows, _spec_deg]
             + [_spec_full(1, D)] * 3 + [_spec_full(D, D)] * 3,
    out_specs=[_spec_rows] * 3,
    out_shape=[_out_rows] * 3,
)

_tc3 = pl.pallas_call(
    _tc3_body,
    grid=(NP // BR,),
    in_specs=[_spec_s, _spec_rows, _spec_rows, _spec_rows, _spec_deg]
             + [_spec_full(1, D)] * 3 + [_spec_full(F, D), _spec_full(1, D)],
    out_specs=_spec_rows,
    out_shape=_out_rows,
)


def kernel(x, edge_index, W1_0, b1_0, W2_0, b2_0, W1_1, b1_1, W2_1, b2_1,
           W1_2, b1_2, W2_2, b2_2, lin_W, lin_b):
    f32 = jnp.float32
    W1f = jnp.concatenate([W1_0, W1_1, W1_2], axis=1)
    b1s = [b.reshape(1, D) for b in (b1_0, b1_1, b1_2)]
    b2s = [b.reshape(1, D) for b in (b2_0, b2_1, b2_2)]

    xp = jnp.pad(x, ((0, NP - N), (0, 0)))
    pad_dst = N + (jnp.arange(EP - E, dtype=jnp.int32) % (NP - N))
    pad_src = jnp.arange(EP - E, dtype=jnp.int32) % N
    src = jnp.concatenate([edge_index[0], pad_src])
    dst = jnp.concatenate([edge_index[1], pad_dst])
    src_m = src.reshape(NCHUNKS, CH)
    dst_m = dst.reshape(NCHUNKS, CH)
    dst_d = dst[:32 * NCH * CH].reshape(32, NCH, CH)

    ones16 = jnp.ones((CH, 16), f32)
    zdeg = jnp.zeros((RT, 16), f32)
    zacc = jnp.zeros((RT, D), f32)

    degacc = _deg_kernel(dst_d, ones16, zdeg)
    h1a, h1b, h1c = _tc1(xp, W1f, degacc)
    s1 = _scatter_kernel(h1a, h1b, h1c, src_m, dst_m, zacc)
    h2a, h2b, h2c = _tc2(s1, h1a, h1b, h1c, degacc, *b1s, W2_0, W2_1, W2_2)
    s2 = _scatter_kernel(h2a, h2b, h2c, src_m, dst_m, zacc)
    out = _tc3(s2, h2a, h2b, h2c, degacc, *b2s, lin_W, lin_b.reshape(1, D))
    return out[:N]

# --- scband reference (transcript-rebuilt; emitter-appended) ---
"""Pipeline reference for scband-mix-gnn-61100204753735 (READ-ONLY COPY).

The authoritative reference and input builder live on the scoring server;
editing this copy changes nothing except your own understanding.
"""

import jax, jax.numpy as jnp
import numpy as np

N = 10000
E = 320000
D_IN = 128
D_HID = 128
D_OUT = 128
MODES = ("original", "heterophily", "homophily")


def setup_inputs(seed: int = 0) -> dict:
    key = jax.random.key(seed)
    ks = jax.random.split(key, 16)
    inp = {}
    inp["x"] = jax.random.normal(ks[0], (N, D_IN), dtype=jnp.float32)
    inp["edge_index"] = jax.random.randint(ks[1], (2, E), 0, N, dtype=jnp.int32)
    k = 2
    for i in range(3):
        inp["W1_%d" % i] = jax.random.normal(ks[k], (D_IN, D_HID), dtype=jnp.float32) / np.sqrt(D_IN); k += 1
        inp["b1_%d" % i] = jnp.zeros((D_HID,), dtype=jnp.float32)
        inp["W2_%d" % i] = jax.random.normal(ks[k], (D_HID, D_OUT), dtype=jnp.float32) / np.sqrt(D_HID); k += 1
        inp["b2_%d" % i] = jnp.zeros((D_OUT,), dtype=jnp.float32)
    inp["lin_W"] = jax.random.normal(ks[k], (3 * D_OUT, D_OUT), dtype=jnp.float32) / np.sqrt(3 * D_OUT)
    inp["lin_b"] = jnp.zeros((D_OUT,), dtype=jnp.float32)
    return inp


def _gcn_norm(edge_index):
    # symmetric GCN normalization with added self-loops
    src, dst = edge_index[0], edge_index[1]
    loop = jnp.arange(N, dtype=src.dtype)
    src2 = jnp.concatenate([src, loop])
    dst2 = jnp.concatenate([dst, loop])
    deg = jax.ops.segment_sum(jnp.ones_like(dst2, dtype=jnp.float32), dst2, num_segments=N)
    dinv = jnp.where(deg > 0, 1.0 / jnp.sqrt(deg), 0.0)
    norm = dinv[src2] * dinv[dst2]
    return src2, dst2, norm


def reference(x, edge_index, W1_0, b1_0, W2_0, b2_0, W1_1, b1_1, W2_1, b2_1, W1_2, b1_2, W2_2, b2_2, lin_W, lin_b):
    src2, dst2, norm = _gcn_norm(edge_index)

    def prop(h):
        return jax.ops.segment_sum(h[src2] * norm[:, None], dst2, num_segments=N)

    def conv(h_in, W, b, mode):
        h = h_in @ W
        p = prop(h)
        if mode == "original":
            return p + b            # standard low-pass GCN conv
        elif mode == "heterophily":
            return h - p + b        # high-pass (I - A_hat) filter
        else:
            return h + p + b        # homophily-boosted (I + A_hat) filter

    params = [(W1_0, b1_0, W2_0, b2_0), (W1_1, b1_1, W2_1, b2_1), (W1_2, b1_2, W2_2, b2_2)]
    outs = []
    for (W1, b1, W2, b2), mode in zip(params, MODES):
        h = jax.nn.relu(conv(x, W1, b1, mode))  # dropout omitted (eval mode)
        outs.append(conv(h, W2, b2, mode))
    out = jnp.concatenate(outs, axis=-1) @ lin_W + lin_b
    return out

if __name__ == "__main__":
    import jax
    _d = setup_inputs()
    print(jax.jit(kernel)(*tuple(_d.values())))

</pallas_src>

<mosaic_0001>
#map = affine_map<(d0, d1) -> (0, 0)>
#map1 = affine_map<(d0, d1) -> (0, 0, 0, 0)>
module attributes {stable_mosaic.version = 14 : i64} {
  func.func @_scatter_kernel(%arg0: i32, %arg1: i32, %arg2: memref<10240x128xf32, #tpu.memory_space<hbm>>, %arg3: memref<10240x128xf32, #tpu.memory_space<hbm>>, %arg4: memref<10240x128xf32, #tpu.memory_space<hbm>>, %arg5: memref<2560x128xi32, #tpu.memory_space<hbm>>, %arg6: memref<2560x128xi32, #tpu.memory_space<hbm>>, %arg7: memref<640x128xf32, #tpu.memory_space<hbm>>, %arg8: memref<3x2x10240x128xf32, #tpu.memory_space<hbm>>, %arg9: memref<2x128xi32, #tpu.memory_space<vmem>>, %arg10: memref<80x128xi32, #tpu.memory_space<vmem>>, %arg11: memref<128x128xf32, #tpu.memory_space<vmem>>, %arg12: memref<128x128xf32, #tpu.memory_space<vmem>>, %arg13: memref<!tpu.dma_semaphore, #tpu.memory_space<semaphore_mem>>, %arg14: memref<!tpu.dma_semaphore, #tpu.memory_space<semaphore_mem>>, %arg15: memref<!tpu.dma_semaphore, #tpu.memory_space<semaphore_mem>>, %arg16: memref<!tpu.dma_semaphore, #tpu.memory_space<semaphore_mem>>, %arg17: memref<!tpu.dma_semaphore, #tpu.memory_space<semaphore_mem>>, %arg18: memref<!tpu.dma_semaphore, #tpu.memory_space<semaphore_mem>>, %arg19: memref<10240x128xf32, #tpu.memory_space<vmem_shared>>) attributes {dimension_semantics = [#tpu.dimension_semantics<core_parallel>, #tpu.dimension_semantics<subcore_parallel>], iteration_bounds = array<i64: 2, 16>, scalar_prefetch = 0 : i64, scratch_operands = 11 : i64, tpu.core_type = #tpu.core_type<sc_vector_subcore>, window_params = [{transform_indices = #map}, {transform_indices = #map}, {transform_indices = #map}, {transform_indices = #map}, {transform_indices = #map}, {transform_indices = #map}, {transform_indices = #map1}]} {
    %mul3A = arith.constant 16 : i32
    %mul3A_0 = arith.muli %arg0, %mul3A : i32
    %add3A = arith.addi %mul3A_0, %arg1 : i32
    %mul3A_1 = arith.constant 80 : i32
    %mul3A_2 = arith.muli %add3A, %mul3A_1 : i32
    "tpu.region"() ({
      %run_scoped3A_241 = tpu.sem_alloc : memref<!tpu.dma_semaphore, #tpu.memory_space<semaphore_mem>>
      %dma_start3A_242 = arith.constant 0 : i32
      %dma_start3A_243 = arith.constant 0 : i32
      %dma_start3A_244 = tpu.memref_slice %arg10[%dma_start3A_242, %dma_start3A_243] : memref<80x128xi32, #tpu.memory_space<vmem>> -> memref<80x128xi32, #tpu.memory_space<vmem>>
      %dma_start3A_245 = arith.constant 0 : i32
      %dma_start3A_246 = tpu.memref_slice %arg6[%mul3A_2, %dma_start3A_245] : memref<2560x128xi32, #tpu.memory_space<hbm>> -> memref<80x128xi32, #tpu.memory_space<hbm>>
      %dma_start3A_247 = arith.constant 0 : i32
      %dma_start3A_248 = arith.constant 0 : i32
      %dma_start3A_249 = tpu.memref_slice %arg10[%dma_start3A_247, %dma_start3A_248] : memref<80x128xi32, #tpu.memory_space<vmem>> -> memref<80x128xi32, #tpu.memory_space<vmem>>
      %dma_start3A_250 = arith.constant 0 : i32
      %dma_start3A_251 = tpu.memref_slice %arg6[%mul3A_2, %dma_start3A_250] : memref<2560x128xi32, #tpu.memory_space<hbm>> -> memref<80x128xi32, #tpu.memory_space<hbm>>
      tpu.enqueue_dma source(%dma_start3A_251 : memref<80x128xi32, #tpu.memory_space<hbm>>) target(%dma_start3A_249 : memref<80x128xi32, #tpu.memory_space<vmem>>) target_semaphore(%run_scoped3A_241 : memref<!tpu.dma_semaphore, #tpu.memory_space<semaphore_mem>>)
      %dma_wait3A_252 = arith.constant 0 : i32
      %dma_wait3A_253 = arith.constant 0 : i32
      %dma_wait3A_254 = tpu.memref_slice %arg10[%dma_wait3A_252, %dma_wait3A_253] : memref<80x128xi32, #tpu.memory_space<vmem>> -> memref<80x128xi32, #tpu.memory_space<vmem>>
      %dma_wait3A_255 = arith.constant 0 : i32
      %dma_wait3A_256 = tpu.memref_slice %arg6[%mul3A_2, %dma_wait3A_255] : memref<2560x128xi32, #tpu.memory_space<hbm>> -> memref<80x128xi32, #tpu.memory_space<hbm>>
      %dma_wait3A_257 = arith.constant 0 : i32
      %dma_wait3A_258 = arith.constant 0 : i32
      %dma_wait3A_259 = tpu.memref_slice %arg10[%dma_wait3A_257, %dma_wait3A_258] : memref<80x128xi32, #tpu.memory_space<vmem>> -> memref<80x128xi32, #tpu.memory_space<vmem>>
      %dma_wait3A_260 = arith.constant 0 : i32
      %dma_wait3A_261 = tpu.memref_slice %arg6[%mul3A_2, %dma_wait3A_260] : memref<2560x128xi32, #tpu.memory_space<hbm>> -> memref<80x128xi32, #tpu.memory_space<hbm>>
      tpu.wait_dma2 semaphore(%run_scoped3A_241 : memref<!tpu.dma_semaphore, #tpu.memory_space<semaphore_mem>>) src(%dma_wait3A_261 : memref<80x128xi32, #tpu.memory_space<hbm>>) dst(%dma_wait3A_259 : memref<80x128xi32, #tpu.memory_space<vmem>>)
      tpu.yield
    }) : () -> ()
    %mul3A_3 = arith.constant 640 : i32
    %mul3A_4 = arith.muli %arg1, %mul3A_3 : i32
    "tpu.region"() ({
      %run_scoped3A_241 = tpu.sem_alloc : memref<!tpu.dma_semaphore, #tpu.memory_space<semaphore_mem>>
      %dma_start3A_242 = arith.constant 0 : i32
      %dma_start3A_243 = tpu.memref_slice %arg19[%mul3A_4, %dma_start3A_242] : memref<10240x128xf32, #tpu.memory_space<vmem_shared>> -> memref<640x128xf32, #tpu.memory_space<vmem_shared>>
      tpu.enqueue_dma source(%arg7 : memref<640x128xf32, #tpu.memory_space<hbm>>) target(%dma_start3A_243 : memref<640x128xf32, #tpu.memory_space<vmem_shared>>) target_semaphore(%run_scoped3A_241 : memref<!tpu.dma_semaphore, #tpu.memory_space<semaphore_mem>>)
      %dma_wait3A_244 = arith.constant 0 : i32
      %dma_wait3A_245 = tpu.memref_slice %arg19[%mul3A_4, %dma_wait3A_244] : memref<10240x128xf32, #tpu.memory_space<vmem_shared>> -> memref<640x128xf32, #tpu.memory_space<vmem_shared>>
      tpu.wait_dma2 semaphore(%run_scoped3A_241 : memref<!tpu.dma_semaphore, #tpu.memory_space<semaphore_mem>>) src(%arg7 : memref<640x128xf32, #tpu.memory_space<hbm>>) dst(%dma_wait3A_245 : memref<640x128xf32, #tpu.memory_space<vmem_shared>>)
      tpu.yield
    }) : () -> ()
    %barrier3A = arith.constant 0 : index
    tpu.barrier barrier_id(%barrier3A)
    %add3A_5 = arith.constant 0 : i32
    %add3A_6 = arith.addi %mul3A_2, %add3A_5 : i32
    %dma_start3A = arith.constant 0 : i32
    %dma_start3A_7 = arith.constant 0 : i32
    %dma_start3A_8 = tpu.memref_slice %arg9[%dma_start3A, %dma_start3A_7] : memref<2x128xi32, #tpu.memory_space<vmem>> -> memref<1x128xi32, #tpu.memory_space<vmem>>
    %dma_start3A_9 = tpu.memref_squeeze %dma_start3A_8 : memref<1x128xi32, #tpu.memory_space<vmem>> -> memref<128xi32, #tpu.memory_space<vmem>>
    %dma_start3A_10 = arith.constant 0 : i32
    %dma_start3A_11 = tpu.memref_slice %arg5[%add3A_6, %dma_start3A_10] : memref<2560x128xi32, #tpu.memory_space<hbm>> -> memref<1x128xi32, #tpu.memory_space<hbm>>
    %dma_start3A_12 = tpu.memref_squeeze %dma_start3A_11 : memref<1x128xi32, #tpu.memory_space<hbm>> -> memref<128xi32, #tpu.memory_space<hbm>>
    %dma_start3A_13 = arith.constant 0 : i32
    %dma_start3A_14 = tpu.memref_slice %arg9[%dma_start3A, %dma_start3A_13] : memref<2x128xi32, #tpu.memory_space<vmem>> -> memref<1x128xi32, #tpu.memory_space<vmem>>
    %dma_start3A_15 = tpu.memref_squeeze %dma_start3A_14 : memref<1x128xi32, #tpu.memory_space<vmem>> -> memref<128xi32, #tpu.memory_space<vmem>>
    %dma_start3A_16 = arith.constant 0 : i32
    %dma_start3A_17 = tpu.memref_slice %arg5[%add3A_6, %dma_start3A_16] : memref<2560x128xi32, #tpu.memory_space<hbm>> -> memref<1x128xi32, #tpu.memory_space<hbm>>
    %dma_start3A_18 = tpu.memref_squeeze %dma_start3A_17 : memref<1x128xi32, #tpu.memory_space<hbm>> -> memref<128xi32, #tpu.memory_space<hbm>>
    tpu.enqueue_dma source(%dma_start3A_18 : memref<128xi32, #tpu.memory_space<hbm>>) target(%dma_start3A_15 : memref<128xi32, #tpu.memory_space<vmem>>) target_semaphore(%arg15 : memref<!tpu.dma_semaphore, #tpu.memory_space<semaphore_mem>>)
    %add3A_19 = arith.constant 1 : i32
    %add3A_20 = arith.addi %mul3A_2, %add3A_19 : i32
    %dma_start3A_21 = arith.constant 1 : i32
    %dma_start3A_22 = arith.constant 0 : i32
    %dma_start3A_23 = tpu.memref_slice %arg9[%dma_start3A_21, %dma_start3A_22] : memref<2x128xi32, #tpu.memory_space<vmem>> -> memref<1x128xi32, #tpu.memory_space<vmem>>
    %dma_start3A_24 = tpu.memref_squeeze %dma_start3A_23 : memref<1x128xi32, #tpu.memory_space<vmem>> -> memref<128xi32, #tpu.memory_space<vmem>>
    %dma_start3A_25 = arith.constant 0 : i32
    %dma_start3A_26 = tpu.memref_slice %arg5[%add3A_20, %dma_start3A_25] : memref<2560x128xi32, #tpu.memory_space<hbm>> -> memref<1x128xi32, #tpu.memory_space<hbm>>
    %dma_start3A_27 = tpu.memref_squeeze %dma_start3A_26 : memref<1x128xi32, #tpu.memory_space<hbm>> -> memref<128xi32, #tpu.memory_space<hbm>>
    %dma_start3A_28 = arith.constant 0 : i32
    %dma_start3A_29 = tpu.memref_slice %arg9[%dma_start3A_21, %dma_start3A_28] : memref<2x128xi32, #tpu.memory_space<vmem>> -> memref<1x128xi32, #tpu.memory_space<vmem>>
    %dma_start3A_30 = tpu.memref_squeeze %dma_start3A_29 : memref<1x128xi32, #tpu.memory_space<vmem>> -> memref<128xi32, #tpu.memory_space<vmem>>
    %dma_start3A_31 = arith.constant 0 : i32
    %dma_start3A_32 = tpu.memref_slice %arg5[%add3A_20, %dma_start3A_31] : memref<2560x128xi32, #tpu.memory_space<hbm>> -> memref<1x128xi32, #tpu.memory_space<hbm>>
    %dma_start3A_33 = tpu.memref_squeeze %dma_start3A_32 : memref<1x128xi32, #tpu.memory_space<hbm>> -> memref<128xi32, #tpu.memory_space<hbm>>
    tpu.enqueue_dma source(%dma_start3A_33 : memref<128xi32, #tpu.memory_space<hbm>>) target(%dma_start3A_30 : memref<128xi32, #tpu.memory_space<vmem>>) target_semaphore(%arg16 : memref<!tpu.dma_semaphore, #tpu.memory_space<semaphore_mem>>)
    %add3A_34 = arith.constant 0 : i32
    %add3A_35 = arith.addi %mul3A_2, %add3A_34 : i32
    %dma_wait3A = arith.constant 0 : i32
    %dma_wait3A_36 = arith.constant 0 : i32
    %dma_wait3A_37 = tpu.memref_slice %arg9[%dma_wait3A, %dma_wait3A_36] : memref<2x128xi32, #tpu.memory_space<vmem>> -> memref<1x128xi32, #tpu.memory_space<vmem>>
    %dma_wait3A_38 = tpu.memref_squeeze %dma_wait3A_37 : memref<1x128xi32, #tpu.memory_space<vmem>> -> memref<128xi32, #tpu.memory_space<vmem>>
    %dma_wait3A_39 = arith.constant 0 : i32
    %dma_wait3A_40 = tpu.memref_slice %arg5[%add3A_35, %dma_wait3A_39] : memref<2560x128xi32, #tpu.memory_space<hbm>> -> memref<1x128xi32, #tpu.memory_space<hbm>>
    %dma_wait3A_41 = tpu.memref_squeeze %dma_wait3A_40 : memref<1x128xi32, #tpu.memory_space<hbm>> -> memref<128xi32, #tpu.memory_space<hbm>>
    %dma_wait3A_42 = arith.constant 0 : i32
    %dma_wait3A_43 = tpu.memref_slice %arg9[%dma_wait3A, %dma_wait3A_42] : memref<2x128xi32, #tpu.memory_space<vmem>> -> memref<1x128xi32, #tpu.memory_space<vmem>>
    %dma_wait3A_44 = tpu.memref_squeeze %dma_wait3A_43 : memref<1x128xi32, #tpu.memory_space<vmem>> -> memref<128xi32, #tpu.memory_space<vmem>>
    %dma_wait3A_45 = arith.constant 0 : i32
    %dma_wait3A_46 = tpu.memref_slice %arg5[%add3A_35, %dma_wait3A_45] : memref<2560x128xi32, #tpu.memory_space<hbm>> -> memref<1x128xi32, #tpu.memory_space<hbm>>
    %dma_wait3A_47 = tpu.memref_squeeze %dma_wait3A_46 : memref<1x128xi32, #tpu.memory_space<hbm>> -> memref<128xi32, #tpu.memory_space<hbm>>
    tpu.wait_dma2 semaphore(%arg15 : memref<!tpu.dma_semaphore, #tpu.memory_space<semaphore_mem>>) src(%dma_wait3A_47 : memref<128xi32, #tpu.memory_space<hbm>>) dst(%dma_wait3A_44 : memref<128xi32, #tpu.memory_space<vmem>>)
    %dma_start3A_48 = arith.constant 0 : i32
    %dma_start3A_49 = arith.constant 0 : i32
    %dma_start3A_50 = tpu.memref_slice %arg9[%dma_start3A_48, %dma_start3A_49] : memref<2x128xi32, #tpu.memory_space<vmem>> -> memref<1x128xi32, #tpu.memory_space<vmem>>
    %dma_start3A_51 = tpu.memref_squeeze %dma_start3A_50 : memref<1x128xi32, #tpu.memory_space<vmem>> -> memref<128xi32, #tpu.memory_space<vmem>>
    %dma_start3A_52 = arith.constant 0 : i32
    %dma_start3A_53 = arith.constant 0 : i32
    %dma_start3A_54 = tpu.memref_slice %arg2[%dma_start3A_52, %dma_start3A_53] : memref<10240x128xf32, #tpu.memory_space<hbm>> -> memref<10240x128xf32, #tpu.memory_space<hbm>>
    tpu.enqueue_indirect_dma source(%dma_start3A_54 : memref<10240x128xf32, #tpu.memory_space<hbm>>) target(%arg11 : memref<128x128xf32, #tpu.memory_space<vmem>>) offsets(%dma_start3A_51 : memref<128xi32, #tpu.memory_space<vmem>>) semaphore(%arg13 : memref<!tpu.dma_semaphore, #tpu.memory_space<semaphore_mem>>)
    %scan3A = arith.constant 0 : i32
    %scan3A_55 = arith.constant 0 : i32
    %scan3A_56 = arith.constant 40 : i32
    %scan3A_57 = arith.addi %scan3A_55, %scan3A_56 : i32
    %scan3A_58 = arith.constant 1 : i32
    scf.for %scan3A_241 = %scan3A_55 to %scan3A_57 step %scan3A_58  : i32 {
      %mul3A_242 = arith.constant 2 : i32
      %mul3A_243 = arith.muli %mul3A_242, %scan3A_241 : i32
      %add3A_244 = arith.constant 1 : i32
      %add3A_245 = arith.addi %mul3A_243, %add3A_244 : i32
      %add3A_246 = arith.addi %mul3A_2, %add3A_245 : i32
      %dma_wait3A_247 = arith.constant 1 : i32
      %dma_wait3A_248 = arith.constant 0 : i32
      %dma_wait3A_249 = tpu.memref_slice %arg9[%dma_wait3A_247, %dma_wait3A_248] : memref<2x128xi32, #tpu.memory_space<vmem>> -> memref<1x128xi32, #tpu.memory_space<vmem>>
      %dma_wait3A_250 = tpu.memref_squeeze %dma_wait3A_249 : memref<1x128xi32, #tpu.memory_space<vmem>> -> memref<128xi32, #tpu.memory_space<vmem>>
      %dma_wait3A_251 = arith.constant 0 : i32
      %dma_wait3A_252 = tpu.memref_slice %arg5[%add3A_246, %dma_wait3A_251] : memref<2560x128xi32, #tpu.memory_space<hbm>> -> memref<1x128xi32, #tpu.memory_space<hbm>>
      %dma_wait3A_253 = tpu.memref_squeeze %dma_wait3A_252 : memref<1x128xi32, #tpu.memory_space<hbm>> -> memref<128xi32, #tpu.memory_space<hbm>>
      %dma_wait3A_254 = arith.constant 0 : i32
      %dma_wait3A_255 = tpu.memref_slice %arg9[%dma_wait3A_247, %dma_wait3A_254] : memref<2x128xi32, #tpu.memory_space<vmem>> -> memref<1x128xi32, #tpu.memory_space<vmem>>
      %dma_wait3A_256 = tpu.memref_squeeze %dma_wait3A_255 : memref<1x128xi32, #tpu.memory_space<vmem>> -> memref<128xi32, #tpu.memory_space<vmem>>
      %dma_wait3A_257 = arith.constant 0 : i32
      %dma_wait3A_258 = tpu.memref_slice %arg5[%add3A_246, %dma_wait3A_257] : memref<2560x128xi32, #tpu.memory_space<hbm>> -> memref<1x128xi32, #tpu.memory_space<hbm>>
      %dma_wait3A_259 = tpu.memref_squeeze %dma_wait3A_258 : memref<1x128xi32, #tpu.memory_space<hbm>> -> memref<128xi32, #tpu.memory_space<hbm>>
      tpu.wait_dma2 semaphore(%arg16 : memref<!tpu.dma_semaphore, #tpu.memory_space<semaphore_mem>>) src(%dma_wait3A_259 : memref<128xi32, #tpu.memory_space<hbm>>) dst(%dma_wait3A_256 : memref<128xi32, #tpu.memory_space<vmem>>)
      %gt3A = arith.constant 0 : i32
      %gt3A_260 = arith.cmpi sgt, %mul3A_243, %gt3A : i32
      %convert_element_type3A = arith.extui %gt3A_260 : i1 to i32
      %cond3A = arith.constant 0 : i32
      %cond3A_261 = arith.cmpi ne, %convert_element_type3A, %cond3A : i32
      scf.if %cond3A_261 {
        %sub3A = arith.constant 1 : i32
        %sub3A_321 = arith.subi %mul3A_243, %sub3A : i32
        %dma_wait3A_322 = arith.constant 0 : i32
        %dma_wait3A_323 = tpu.memref_slice %arg10[%sub3A_321, %dma_wait3A_322] : memref<80x128xi32, #tpu.memory_space<vmem>> -> memref<1x128xi32, #tpu.memory_space<vmem>>
        %dma_wait3A_324 = tpu.memref_squeeze %dma_wait3A_323 : memref<1x128xi32, #tpu.memory_space<vmem>> -> memref<128xi32, #tpu.memory_space<vmem>>
        %dma_wait3A_325 = arith.constant 0 : i32
        %dma_wait3A_326 = arith.constant 0 : i32
        %dma_wait3A_327 = tpu.memref_slice %arg19[%dma_wait3A_325, %dma_wait3A_326] : memref<10240x128xf32, #tpu.memory_space<vmem_shared>> -> memref<10240x128xf32, #tpu.memory_space<vmem_shared>>
        tpu.wait_indirect_dma semaphore(%arg18 : memref<!tpu.dma_semaphore, #tpu.memory_space<semaphore_mem>>) src(%arg12 : memref<128x128xf32, #tpu.memory_space<vmem>>) dst(%dma_wait3A_327 : memref<10240x128xf32, #tpu.memory_space<vmem_shared>>)
      } else {
      }
      %add3A_262 = arith.constant 1 : i32
      %add3A_263 = arith.addi %mul3A_243, %add3A_262 : i32
      %dma_start3A_264 = arith.constant 1 : i32
      %dma_start3A_265 = arith.constant 0 : i32
      %dma_start3A_266 = tpu.memref_slice %arg9[%dma_start3A_264, %dma_start3A_265] : memref<2x128xi32, #tpu.memory_space<vmem>> -> memref<1x128xi32, #tpu.memory_space<vmem>>
      %dma_start3A_267 = tpu.memref_squeeze %dma_start3A_266 : memref<1x128xi32, #tpu.memory_space<vmem>> -> memref<128xi32, #tpu.memory_space<vmem>>
      %dma_start3A_268 = arith.constant 0 : i32
      %dma_start3A_269 = arith.constant 0 : i32
      %dma_start3A_270 = tpu.memref_slice %arg2[%dma_start3A_268, %dma_start3A_269] : memref<10240x128xf32, #tpu.memory_space<hbm>> -> memref<10240x128xf32, #tpu.memory_space<hbm>>
      tpu.enqueue_indirect_dma source(%dma_start3A_270 : memref<10240x128xf32, #tpu.memory_space<hbm>>) target(%arg12 : memref<128x128xf32, #tpu.memory_space<vmem>>) offsets(%dma_start3A_267 : memref<128xi32, #tpu.memory_space<vmem>>) semaphore(%arg14 : memref<!tpu.dma_semaphore, #tpu.memory_space<semaphore_mem>>)
      %dma_wait3A_271 = arith.constant 0 : i32
      %dma_wait3A_272 = arith.constant 0 : i32
      %dma_wait3A_273 = tpu.memref_slice %arg9[%dma_wait3A_271, %dma_wait3A_272] : memref<2x128xi32, #tpu.memory_space<vmem>> -> memref<1x128xi32, #tpu.memory_space<vmem>>
      %dma_wait3A_274 = tpu.memref_squeeze %dma_wait3A_273 : memref<1x128xi32, #tpu.memory_space<vmem>> -> memref<128xi32, #tpu.memory_space<vmem>>
      %dma_wait3A_275 = arith.constant 0 : i32
      %dma_wait3A_276 = arith.constant 0 : i32
      %dma_wait3A_277 = tpu.memref_slice %arg2[%dma_wait3A_275, %dma_wait3A_276] : memref<10240x128xf32, #tpu.memory_space<hbm>> -> memref<10240x128xf32, #tpu.memory_space<hbm>>
      tpu.wait_indirect_dma semaphore(%arg13 : memref<!tpu.dma_semaphore, #tpu.memory_space<semaphore_mem>>) src(%dma_wait3A_277 : memref<10240x128xf32, #tpu.memory_space<hbm>>) dst(%arg11 : memref<128x128xf32, #tpu.memory_space<vmem>>)
      %dma_start3A_278 = arith.constant 0 : i32
      %dma_start3A_279 = tpu.memref_slice %arg10[%mul3A_243, %dma_start3A_278] : memref<80x128xi32, #tpu.memory_space<vmem>> -> memref<1x128xi32, #tpu.memory_space<vmem>>
      %dma_start3A_280 = tpu.memref_squeeze %dma_start3A_279 : memref<1x128xi32, #tpu.memory_space<vmem>> -> memref<128xi32, #tpu.memory_space<vmem>>
      %dma_start3A_281 = arith.constant 0 : i32
      %dma_start3A_282 = arith.constant 0 : i32
      %dma_start3A_283 = tpu.memref_slice %arg19[%dma_start3A_281, %dma_start3A_282] : memref<10240x128xf32, #tpu.memory_space<vmem_shared>> -> memref<10240x128xf32, #tpu.memory_space<vmem_shared>>
      tpu.enqueue_indirect_dma source(%arg11 : memref<128x128xf32, #tpu.memory_space<vmem>>) target(%dma_start3A_283 : memref<10240x128xf32, #tpu.memory_space<vmem_shared>>) offsets(%dma_start3A_280 : memref<128xi32, #tpu.memory_space<vmem>>) semaphore(%arg17 : memref<!tpu.dma_semaphore, #tpu.memory_space<semaphore_mem>>) {add = true}
      %add3A_284 = arith.constant 2 : i32
      %add3A_285 = arith.addi %mul3A_243, %add3A_284 : i32
      %lt3A = arith.constant 80 : i32
      %lt3A_286 = arith.cmpi slt, %add3A_285, %lt3A : i32
      %convert_element_type3A_287 = arith.extui %lt3A_286 : i1 to i32
      %cond3A_288 = arith.constant 0 : i32
      %cond3A_289 = arith.cmpi ne, %convert_element_type3A_287, %cond3A_288 : i32
      scf.if %cond3A_289 {
        %add3A_321 = arith.constant 2 : i32
        %add3A_322 = arith.addi %mul3A_243, %add3A_321 : i32
        %add3A_323 = arith.addi %mul3A_2, %add3A_322 : i32
        %dma_start3A_324 = arith.constant 0 : i32
        %dma_start3A_325 = arith.constant 0 : i32
        %dma_start3A_326 = tpu.memref_slice %arg9[%dma_start3A_324, %dma_start3A_325] : memref<2x128xi32, #tpu.memory_space<vmem>> -> memref<1x128xi32, #tpu.memory_space<vmem>>
        %dma_start3A_327 = tpu.memref_squeeze %dma_start3A_326 : memref<1x128xi32, #tpu.memory_space<vmem>> -> memref<128xi32, #tpu.memory_space<vmem>>
        %dma_start3A_328 = arith.constant 0 : i32
        %dma_start3A_329 = tpu.memref_slice %arg5[%add3A_323, %dma_start3A_328] : memref<2560x128xi32, #tpu.memory_space<hbm>> -> memref<1x128xi32, #tpu.memory_space<hbm>>
        %dma_start3A_330 = tpu.memref_squeeze %dma_start3A_329 : memref<1x128xi32, #tpu.memory_space<hbm>> -> memref<128xi32, #tpu.memory_space<hbm>>
        %dma_start3A_331 = arith.constant 0 : i32
        %dma_start3A_332 = tpu.memref_slice %arg9[%dma_start3A_324, %dma_start3A_331] : memref<2x128xi32, #tpu.memory_space<vmem>> -> memref<1x128xi32, #tpu.memory_space<vmem>>
        %dma_start3A_333 = tpu.memref_squeeze %dma_start3A_332 : memref<1x128xi32, #tpu.memory_space<vmem>> -> memref<128xi32, #tpu.memory_space<vmem>>
        %dma_start3A_334 = arith.constant 0 : i32
        %dma_start3A_335 = tpu.memref_slice %arg5[%add3A_323, %dma_start3A_334] : memref<2560x128xi32, #tpu.memory_space<hbm>> -> memref<1x128xi32, #tpu.memory_space<hbm>>
        %dma_start3A_336 = tpu.memref_squeeze %dma_start3A_335 : memref<1x128xi32, #tpu.memory_space<hbm>> -> memref<128xi32, #tpu.memory_space<hbm>>
        tpu.enqueue_dma source(%dma_start3A_336 : memref<128xi32, #tpu.memory_space<hbm>>) target(%dma_start3A_333 : memref<128xi32, #tpu.memory_space<vmem>>) target_semaphore(%arg15 : memref<!tpu.dma_semaphore, #tpu.memory_space<semaphore_mem>>)
      } else {
      }
      %mul3A_290 = arith.constant 2 : i32
      %mul3A_291 = arith.muli %mul3A_290, %scan3A_241 : i32
      %add3A_292 = arith.constant 1 : i32
      %add3A_293 = arith.addi %mul3A_291, %add3A_292 : i32
      %add3A_294 = arith.constant 1 : i32
      %add3A_295 = arith.addi %add3A_293, %add3A_294 : i32
      %lt3A_296 = arith.constant 80 : i32
      %lt3A_297 = arith.cmpi slt, %add3A_295, %lt3A_296 : i32
      %convert_element_type3A_298 = arith.extui %lt3A_297 : i1 to i32
      %cond3A_299 = arith.constant 0 : i32
      %cond3A_300 = arith.cmpi ne, %convert_element_type3A_298, %cond3A_299 : i32
      scf.if %cond3A_300 {
        %add3A_321 = arith.constant 1 : i32
        %add3A_322 = arith.addi %add3A_293, %add3A_321 : i32
        %add3A_323 = arith.addi %mul3A_2, %add3A_322 : i32
        %dma_wait3A_324 = arith.constant 0 : i32
        %dma_wait3A_325 = arith.constant 0 : i32
        %dma_wait3A_326 = tpu.memref_slice %arg9[%dma_wait3A_324, %dma_wait3A_325] : memref<2x128xi32, #tpu.memory_space<vmem>> -> memref<1x128xi32, #tpu.memory_space<vmem>>
        %dma_wait3A_327 = tpu.memref_squeeze %dma_wait3A_326 : memref<1x128xi32, #tpu.memory_space<vmem>> -> memref<128xi32, #tpu.memory_space<vmem>>
        %dma_wait3A_328 = arith.constant 0 : i32
        %dma_wait3A_329 = tpu.memref_slice %arg5[%add3A_323, %dma_wait3A_328] : memref<2560x128xi32, #tpu.memory_space<hbm>> -> memref<1x128xi32, #tpu.memory_space<hbm>>
        %dma_wait3A_330 = tpu.memref_squeeze %dma_wait3A_329 : memref<1x128xi32, #tpu.memory_space<hbm>> -> memref<128xi32, #tpu.memory_space<hbm>>
        %dma_wait3A_331 = arith.constant 0 : i32
        %dma_wait3A_332 = tpu.memref_slice %arg9[%dma_wait3A_324, %dma_wait3A_331] : memref<2x128xi32, #tpu.memory_space<vmem>> -> memref<1x128xi32, #tpu.memory_space<vmem>>
        %dma_wait3A_333 = tpu.memref_squeeze %dma_wait3A_332 : memref<1x128xi32, #tpu.memory_space<vmem>> -> memref<128xi32, #tpu.memory_space<vmem>>
        %dma_wait3A_334 = arith.constant 0 : i32
        %dma_wait3A_335 = tpu.memref_slice %arg5[%add3A_323, %dma_wait3A_334] : memref<2560x128xi32, #tpu.memory_space<hbm>> -> memref<1x128xi32, #tpu.memory_space<hbm>>
        %dma_wait3A_336 = tpu.memref_squeeze %dma_wait3A_335 : memref<1x128xi32, #tpu.memory_space<hbm>> -> memref<128xi32, #tpu.memory_space<hbm>>
        tpu.wait_dma2 semaphore(%arg15 : memref<!tpu.dma_semaphore, #tpu.memory_space<semaphore_mem>>) src(%dma_wait3A_336 : memref<128xi32, #tpu.memory_space<hbm>>) dst(%dma_wait3A_333 : memref<128xi32, #tpu.memory_space<vmem>>)
        %sub3A = arith.constant 1 : i32
        %sub3A_337 = arith.subi %add3A_293, %sub3A : i32
        %dma_wait3A_338 = arith.constant 0 : i32
        %dma_wait3A_339 = tpu.memref_slice %arg10[%sub3A_337, %dma_wait3A_338] : memref<80x128xi32, #tpu.memory_space<vmem>> -> memref<1x128xi32, #tpu.memory_space<vmem>>
        %dma_wait3A_340 = tpu.memref_squeeze %dma_wait3A_339 : memref<1x128xi32, #tpu.memory_space<vmem>> -> memref<128xi32, #tpu.memory_space<vmem>>
        %dma_wait3A_341 = arith.constant 0 : i32
        %dma_wait3A_342 = arith.constant 0 : i32
        %dma_wait3A_343 = tpu.memref_slice %arg19[%dma_wait3A_341, %dma_wait3A_342] : memref<10240x128xf32, #tpu.memory_space<vmem_shared>> -> memref<10240x128xf32, #tpu.memory_space<vmem_shared>>
        tpu.wait_indirect_dma semaphore(%arg17 : memref<!tpu.dma_semaphore, #tpu.memory_space<semaphore_mem>>) src(%arg11 : memref<128x128xf32, #tpu.memory_space<vmem>>) dst(%dma_wait3A_343 : memref<10240x128xf32, #tpu.memory_space<vmem_shared>>)
        %add3A_344 = arith.constant 1 : i32
        %add3A_345 = arith.addi %add3A_293, %add3A_344 : i32
        %dma_start3A_346 = arith.constant 0 : i32
        %dma_start3A_347 = arith.constant 0 : i32
        %dma_start3A_348 = tpu.memref_slice %arg9[%dma_start3A_346, %dma_start3A_347] : memref<2x128xi32, #tpu.memory_space<vmem>> -> memref<1x128xi32, #tpu.memory_space<vmem>>
        %dma_start3A_349 = tpu.memref_squeeze %dma_start3A_348 : memref<1x128xi32, #tpu.memory_space<vmem>> -> memref<128xi32, #tpu.memory_space<vmem>>
        %dma_start3A_350 = arith.constant 0 : i32
        %dma_start3A_351 = arith.constant 0 : i32
        %dma_start3A_352 = tpu.memref_slice %arg2[%dma_start3A_350, %dma_start3A_351] : memref<10240x128xf32, #tpu.memory_space<hbm>> -> memref<10240x128xf32, #tpu.memory_space<hbm>>
        tpu.enqueue_indirect_dma source(%dma_start3A_352 : memref<10240x128xf32, #tpu.memory_space<hbm>>) target(%arg11 : memref<128x128xf32, #tpu.memory_space<vmem>>) offsets(%dma_start3A_349 : memref<128xi32, #tpu.memory_space<vmem>>) semaphore(%arg13 : memref<!tpu.dma_semaphore, #tpu.memory_space<semaphore_mem>>)
      } else {
      }
      %dma_wait3A_301 = arith.constant 1 : i32
      %dma_wait3A_302 = arith.constant 0 : i32
      %dma_wait3A_303 = tpu.memref_slice %arg9[%dma_wait3A_301, %dma_wait3A_302] : memref<2x128xi32, #tpu.memory_space<vmem>> -> memref<1x128xi32, #tpu.memory_space<vmem>>
      %dma_wait3A_304 = tpu.memref_squeeze %dma_wait3A_303 : memref<1x128xi32, #tpu.memory_space<vmem>> -> memref<128xi32, #tpu.memory_space<vmem>>
      %dma_wait3A_305 = arith.constant 0 : i32
      %dma_wait3A_306 = arith.constant 0 : i32
      %dma_wait3A_307 = tpu.memref_slice %arg2[%dma_wait3A_305, %dma_wait3A_306] : memref<10240x128xf32, #tpu.memory_space<hbm>> -> memref<10240x128xf32, #tpu.memory_space<hbm>>
      tpu.wait_indirect_dma semaphore(%arg14 : memref<!tpu.dma_semaphore, #tpu.memory_space<semaphore_mem>>) src(%dma_wait3A_307 : memref<10240x128xf32, #tpu.memory_space<hbm>>) dst(%arg12 : memref<128x128xf32, #tpu.memory_space<vmem>>)
      %dma_start3A_308 = arith.constant 0 : i32
      %dma_start3A_309 = tpu.memref_slice %arg10[%add3A_293, %dma_start3A_308] : memref<80x128xi32, #tpu.memory_space<vmem>> -> memref<1x128xi32, #tpu.memory_space<vmem>>
      %dma_start3A_310 = tpu.memref_squeeze %dma_start3A_309 : memref<1x128xi32, #tpu.memory_space<vmem>> -> memref<128xi32, #tpu.memory_space<vmem>>
      %dma_start3A_311 = arith.constant 0 : i32
      %dma_start3A_312 = arith.constant 0 : i32
      %dma_start3A_313 = tpu.memref_slice %arg19[%dma_start3A_311, %dma_start3A_312] : memref<10240x128xf32, #tpu.memory_space<vmem_shared>> -> memref<10240x128xf32, #tpu.memory_space<vmem_shared>>
      tpu.enqueue_indirect_dma source(%arg12 : memref<128x128xf32, #tpu.memory_space<vmem>>) target(%dma_start3A_313 : memref<10240x128xf32, #tpu.memory_space<vmem_shared>>) offsets(%dma_start3A_310 : memref<128xi32, #tpu.memory_space<vmem>>) semaphore(%arg18 : memref<!tpu.dma_semaphore, #tpu.memory_space<semaphore_mem>>) {add = true}
      %add3A_314 = arith.constant 2 : i32
      %add3A_315 = arith.addi %add3A_293, %add3A_314 : i32
      %lt3A_316 = arith.constant 80 : i32
      %lt3A_317 = arith.cmpi slt, %add3A_315, %lt3A_316 : i32
      %convert_element_type3A_318 = arith.extui %lt3A_317 : i1 to i32
      %cond3A_319 = arith.constant 0 : i32
      %cond3A_320 = arith.cmpi ne, %convert_element_type3A_318, %cond3A_319 : i32
      scf.if %cond3A_320 {
        %add3A_321 = arith.constant 2 : i32
        %add3A_322 = arith.addi %add3A_293, %add3A_321 : i32
        %add3A_323 = arith.addi %mul3A_2, %add3A_322 : i32
        %dma_start3A_324 = arith.constant 1 : i32
        %dma_start3A_325 = arith.constant 0 : i32
        %dma_start3A_326 = tpu.memref_slice %arg9[%dma_start3A_324, %dma_start3A_325] : memref<2x128xi32, #tpu.memory_space<vmem>> -> memref<1x128xi32, #tpu.memory_space<vmem>>
        %dma_start3A_327 = tpu.memref_squeeze %dma_start3A_326 : memref<1x128xi32, #tpu.memory_space<vmem>> -> memref<128xi32, #tpu.memory_space<vmem>>
        %dma_start3A_328 = arith.constant 0 : i32
        %dma_start3A_329 = tpu.memref_slice %arg5[%add3A_323, %dma_start3A_328] : memref<2560x128xi32, #tpu.memory_space<hbm>> -> memref<1x128xi32, #tpu.memory_space<hbm>>
        %dma_start3A_330 = tpu.memref_squeeze %dma_start3A_329 : memref<1x128xi32, #tpu.memory_space<hbm>> -> memref<128xi32, #tpu.memory_space<hbm>>
        %dma_start3A_331 = arith.constant 0 : i32
        %dma_start3A_332 = tpu.memref_slice %arg9[%dma_start3A_324, %dma_start3A_331] : memref<2x128xi32, #tpu.memory_space<vmem>> -> memref<1x128xi32, #tpu.memory_space<vmem>>
        %dma_start3A_333 = tpu.memref_squeeze %dma_start3A_332 : memref<1x128xi32, #tpu.memory_space<vmem>> -> memref<128xi32, #tpu.memory_space<vmem>>
        %dma_start3A_334 = arith.constant 0 : i32
        %dma_start3A_335 = tpu.memref_slice %arg5[%add3A_323, %dma_start3A_334] : memref<2560x128xi32, #tpu.memory_space<hbm>> -> memref<1x128xi32, #tpu.memory_space<hbm>>
        %dma_start3A_336 = tpu.memref_squeeze %dma_start3A_335 : memref<1x128xi32, #tpu.memory_space<hbm>> -> memref<128xi32, #tpu.memory_space<hbm>>
        tpu.enqueue_dma source(%dma_start3A_336 : memref<128xi32, #tpu.memory_space<hbm>>) target(%dma_start3A_333 : memref<128xi32, #tpu.memory_space<vmem>>) target_semaphore(%arg16 : memref<!tpu.dma_semaphore, #tpu.memory_space<semaphore_mem>>)
      } else {
      }
    }
    %scan3A_59 = arith.constant 40 : i32
    %dma_wait3A_60 = arith.constant 78 : i32
    %dma_wait3A_61 = arith.constant 0 : i32
    %dma_wait3A_62 = tpu.memref_slice %arg10[%dma_wait3A_60, %dma_wait3A_61] : memref<80x128xi32, #tpu.memory_space<vmem>> -> memref<1x128xi32, #tpu.memory_space<vmem>>
    %dma_wait3A_63 = tpu.memref_squeeze %dma_wait3A_62 : memref<1x128xi32, #tpu.memory_space<vmem>> -> memref<128xi32, #tpu.memory_space<vmem>>
    %dma_wait3A_64 = arith.constant 0 : i32
    %dma_wait3A_65 = arith.constant 0 : i32
    %dma_wait3A_66 = tpu.memref_slice %arg19[%dma_wait3A_64, %dma_wait3A_65] : memref<10240x128xf32, #tpu.memory_space<vmem_shared>> -> memref<10240x128xf32, #tpu.memory_space<vmem_shared>>
    tpu.wait_indirect_dma semaphore(%arg17 : memref<!tpu.dma_semaphore, #tpu.memory_space<semaphore_mem>>) src(%arg11 : memref<128x128xf32, #tpu.memory_space<vmem>>) dst(%dma_wait3A_66 : memref<10240x128xf32, #tpu.memory_space<vmem_shared>>)
    %dma_wait3A_67 = arith.constant 79 : i32
    %dma_wait3A_68 = arith.constant 0 : i32
    %dma_wait3A_69 = tpu.memref_slice %arg10[%dma_wait3A_67, %dma_wait3A_68] : memref<80x128xi32, #tpu.memory_space<vmem>> -> memref<1x128xi32, #tpu.memory_space<vmem>>
    %dma_wait3A_70 = tpu.memref_squeeze %dma_wait3A_69 : memref<1x128xi32, #tpu.memory_space<vmem>> -> memref<128xi32, #tpu.memory_space<vmem>>
    %dma_wait3A_71 = arith.constant 0 : i32
    %dma_wait3A_72 = arith.constant 0 : i32
    %dma_wait3A_73 = tpu.memref_slice %arg19[%dma_wait3A_71, %dma_wait3A_72] : memref<10240x128xf32, #tpu.memory_space<vmem_shared>> -> memref<10240x128xf32, #tpu.memory_space<vmem_shared>>
    tpu.wait_indirect_dma semaphore(%arg18 : memref<!tpu.dma_semaphore, #tpu.memory_space<semaphore_mem>>) src(%arg12 : memref<128x128xf32, #tpu.memory_space<vmem>>) dst(%dma_wait3A_73 : memref<10240x128xf32, #tpu.memory_space<vmem_shared>>)
    %barrier3A_74 = arith.constant 0 : index
    tpu.barrier barrier_id(%barrier3A_74)
    %mul3A_75 = arith.constant 640 : i32
    %mul3A_76 = arith.muli %arg1, %mul3A_75 : i32
    %mul3A_77 = arith.constant 640 : i32
    %mul3A_78 = arith.muli %arg1, %mul3A_77 : i32
    %run_scoped3A = arith.constant 0 : i32
    "tpu.region"() ({
      %run_scoped3A_241 = tpu.sem_alloc : memref<!tpu.dma_semaphore, #tpu.memory_space<semaphore_mem>>
      %dma_start3A_242 = arith.constant 0 : i32
      %dma_start3A_243 = tpu.memref_slice %arg8[%run_scoped3A, %arg0, %mul3A_78, %dma_start3A_242] : memref<3x2x10240x128xf32, #tpu.memory_space<hbm>> -> memref<1x1x640x128xf32, #tpu.memory_space<hbm>>
      %dma_start3A_244 = tpu.memref_squeeze %dma_start3A_243 : memref<1x1x640x128xf32, #tpu.memory_space<hbm>> -> memref<640x128xf32, #tpu.memory_space<hbm>>
      %dma_start3A_245 = arith.constant 0 : i32
      %dma_start3A_246 = tpu.memref_slice %arg19[%mul3A_76, %dma_start3A_245] : memref<10240x128xf32, #tpu.memory_space<vmem_shared>> -> memref<640x128xf32, #tpu.memory_space<vmem_shared>>
      tpu.enqueue_dma source(%dma_start3A_246 : memref<640x128xf32, #tpu.memory_space<vmem_shared>>) target(%dma_start3A_244 : memref<640x128xf32, #tpu.memory_space<hbm>>) target_semaphore(%run_scoped3A_241 : memref<!tpu.dma_semaphore, #tpu.memory_space<semaphore_mem>>)
      %dma_wait3A_247 = arith.constant 0 : i32
      %dma_wait3A_248 = tpu.memref_slice %arg8[%run_scoped3A, %arg0, %mul3A_78, %dma_wait3A_247] : memref<3x2x10240x128xf32, #tpu.memory_space<hbm>> -> memref<1x1x640x128xf32, #tpu.memory_space<hbm>>
      %dma_wait3A_249 = tpu.memref_squeeze %dma_wait3A_248 : memref<1x1x640x128xf32, #tpu.memory_space<hbm>> -> memref<640x128xf32, #tpu.memory_space<hbm>>
      %dma_wait3A_250 = arith.constant 0 : i32
      %dma_wait3A_251 = tpu.memref_slice %arg19[%mul3A_76, %dma_wait3A_250] : memref<10240x128xf32, #tpu.memory_space<vmem_shared>> -> memref<640x128xf32, #tpu.memory_space<vmem_shared>>
      tpu.wait_dma2 semaphore(%run_scoped3A_241 : memref<!tpu.dma_semaphore, #tpu.memory_space<semaphore_mem>>) src(%dma_wait3A_251 : memref<640x128xf32, #tpu.memory_space<vmem_shared>>) dst(%dma_wait3A_249 : memref<640x128xf32, #tpu.memory_space<hbm>>)
      tpu.yield
    }) : () -> ()
    %mul3A_79 = arith.constant 640 : i32
    %mul3A_80 = arith.muli %arg1, %mul3A_79 : i32
    "tpu.region"() ({
      %run_scoped3A_241 = tpu.sem_alloc : memref<!tpu.dma_semaphore, #tpu.memory_space<semaphore_mem>>
      %dma_start3A_242 = arith.constant 0 : i32
      %dma_start3A_243 = tpu.memref_slice %arg19[%mul3A_80, %dma_start3A_242] : memref<10240x128xf32, #tpu.memory_space<vmem_shared>> -> memref<640x128xf32, #tpu.memory_space<vmem_shared>>
      tpu.enqueue_dma source(%arg7 : memref<640x128xf32, #tpu.memory_space<hbm>>) target(%dma_start3A_243 : memref<640x128xf32, #tpu.memory_space<vmem_shared>>) target_semaphore(%run_scoped3A_241 : memref<!tpu.dma_semaphore, #tpu.memory_space<semaphore_mem>>)
      %dma_wait3A_244 = arith.constant 0 : i32
      %dma_wait3A_245 = tpu.memref_slice %arg19[%mul3A_80, %dma_wait3A_244] : memref<10240x128xf32, #tpu.memory_space<vmem_shared>> -> memref<640x128xf32, #tpu.memory_space<vmem_shared>>
      tpu.wait_dma2 semaphore(%run_scoped3A_241 : memref<!tpu.dma_semaphore, #tpu.memory_space<semaphore_mem>>) src(%arg7 : memref<640x128xf32, #tpu.memory_space<hbm>>) dst(%dma_wait3A_245 : memref<640x128xf32, #tpu.memory_space<vmem_shared>>)
      tpu.yield
    }) : () -> ()
    %barrier3A_81 = arith.constant 0 : index
    tpu.barrier barrier_id(%barrier3A_81)
    %add3A_82 = arith.constant 0 : i32
    %add3A_83 = arith.addi %mul3A_2, %add3A_82 : i32
    %dma_start3A_84 = arith.constant 0 : i32
    %dma_start3A_85 = arith.constant 0 : i32
    %dma_start3A_86 = tpu.memref_slice %arg9[%dma_start3A_84, %dma_start3A_85] : memref<2x128xi32, #tpu.memory_space<vmem>> -> memref<1x128xi32, #tpu.memory_space<vmem>>
    %dma_start3A_87 = tpu.memref_squeeze %dma_start3A_86 : memref<1x128xi32, #tpu.memory_space<vmem>> -> memref<128xi32, #tpu.memory_space<vmem>>
    %dma_start3A_88 = arith.constant 0 : i32
    %dma_start3A_89 = tpu.memref_slice %arg5[%add3A_83, %dma_start3A_88] : memref<2560x128xi32, #tpu.memory_space<hbm>> -> memref<1x128xi32, #tpu.memory_space<hbm>>
    %dma_start3A_90 = tpu.memref_squeeze %dma_start3A_89 : memref<1x128xi32, #tpu.memory_space<hbm>> -> memref<128xi32, #tpu.memory_space<hbm>>
    %dma_start3A_91 = arith.constant 0 : i32
    %dma_start3A_92 = tpu.memref_slice %arg9[%dma_start3A_84, %dma_start3A_91] : memref<2x128xi32, #tpu.memory_space<vmem>> -> memref<1x128xi32, #tpu.memory_space<vmem>>
    %dma_start3A_93 = tpu.memref_squeeze %dma_start3A_92 : memref<1x128xi32, #tpu.memory_space<vmem>> -> memref<128xi32, #tpu.memory_space<vmem>>
    %dma_start3A_94 = arith.constant 0 : i32
    %dma_start3A_95 = tpu.memref_slice %arg5[%add3A_83, %dma_start3A_94] : memref<2560x128xi32, #tpu.memory_space<hbm>> -> memref<1x128xi32, #tpu.memory_space<hbm>>
    %dma_start3A_96 = tpu.memref_squeeze %dma_start3A_95 : memref<1x128xi32, #tpu.memory_space<hbm>> -> memref<128xi32, #tpu.memory_space<hbm>>
    tpu.enqueue_dma source(%dma_start3A_96 : memref<128xi32, #tpu.memory_space<hbm>>) target(%dma_start3A_93 : memref<128xi32, #tpu.memory_space<vmem>>) target_semaphore(%arg15 : memref<!tpu.dma_semaphore, #tpu.memory_space<semaphore_mem>>)
    %add3A_97 = arith.constant 1 : i32
    %add3A_98 = arith.addi %mul3A_2, %add3A_97 : i32
    %dma_start3A_99 = arith.constant 1 : i32
    %dma_start3A_100 = arith.constant 0 : i32
    %dma_start3A_101 = tpu.memref_slice %arg9[%dma_start3A_99, %dma_start3A_100] : memref<2x128xi32, #tpu.memory_space<vmem>> -> memref<1x128xi32, #tpu.memory_space<vmem>>
    %dma_start3A_102 = tpu.memref_squeeze %dma_start3A_101 : memref<1x128xi32, #tpu.memory_space<vmem>> -> memref<128xi32, #tpu.memory_space<vmem>>
    %dma_start3A_103 = arith.constant 0 : i32
    %dma_start3A_104 = tpu.memref_slice %arg5[%add3A_98, %dma_start3A_103] : memref<2560x128xi32, #tpu.memory_space<hbm>> -> memref<1x128xi32, #tpu.memory_space<hbm>>
    %dma_start3A_105 = tpu.memref_squeeze %dma_start3A_104 : memref<1x128xi32, #tpu.memory_space<hbm>> -> memref<128xi32, #tpu.memory_space<hbm>>
    %dma_start3A_106 = arith.constant 0 : i32
    %dma_start3A_107 = tpu.memref_slice %arg9[%dma_start3A_99, %dma_start3A_106] : memref<2x128xi32, #tpu.memory_space<vmem>> -> memref<1x128xi32, #tpu.memory_space<vmem>>
    %dma_start3A_108 = tpu.memref_squeeze %dma_start3A_107 : memref<1x128xi32, #tpu.memory_space<vmem>> -> memref<128xi32, #tpu.memory_space<vmem>>
    %dma_start3A_109 = arith.constant 0 : i32
    %dma_start3A_110 = tpu.memref_slice %arg5[%add3A_98, %dma_start3A_109] : memref<2560x128xi32, #tpu.memory_space<hbm>> -> memref<1x128xi32, #tpu.memory_space<hbm>>
    %dma_start3A_111 = tpu.memref_squeeze %dma_start3A_110 : memref<1x128xi32, #tpu.memory_space<hbm>> -> memref<128xi32, #tpu.memory_space<hbm>>
    tpu.enqueue_dma source(%dma_start3A_111 : memref<128xi32, #tpu.memory_space<hbm>>) target(%dma_start3A_108 : memref<128xi32, #tpu.memory_space<vmem>>) target_semaphore(%arg16 : memref<!tpu.dma_semaphore, #tpu.memory_space<semaphore_mem>>)
    %add3A_112 = arith.constant 0 : i32
    %add3A_113 = arith.addi %mul3A_2, %add3A_112 : i32
    %dma_wait3A_114 = arith.constant 0 : i32
    %dma_wait3A_115 = arith.constant 0 : i32
    %dma_wait3A_116 = tpu.memref_slice %arg9[%dma_wait3A_114, %dma_wait3A_115] : memref<2x128xi32, #tpu.memory_space<vmem>> -> memref<1x128xi32, #tpu.memory_space<vmem>>
    %dma_wait3A_117 = tpu.memref_squeeze %dma_wait3A_116 : memref<1x128xi32, #tpu.memory_space<vmem>> -> memref<128xi32, #tpu.memory_space<vmem>>
    %dma_wait3A_118 = arith.constant 0 : i32
    %dma_wait3A_119 = tpu.memref_slice %arg5[%add3A_113, %dma_wait3A_118] : memref<2560x128xi32, #tpu.memory_space<hbm>> -> memref<1x128xi32, #tpu.memory_space<hbm>>
    %dma_wait3A_120 = tpu.memref_squeeze %dma_wait3A_119 : memref<1x128xi32, #tpu.memory_space<hbm>> -> memref<128xi32, #tpu.memory_space<hbm>>
    %dma_wait3A_121 = arith.constant 0 : i32
    %dma_wait3A_122 = tpu.memref_slice %arg9[%dma_wait3A_114, %dma_wait3A_121] : memref<2x128xi32, #tpu.memory_space<vmem>> -> memref<1x128xi32, #tpu.memory_space<vmem>>
    %dma_wait3A_123 = tpu.memref_squeeze %dma_wait3A_122 : memref<1x128xi32, #tpu.memory_space<vmem>> -> memref<128xi32, #tpu.memory_space<vmem>>
    %dma_wait3A_124 = arith.constant 0 : i32
    %dma_wait3A_125 = tpu.memref_slice %arg5[%add3A_113, %dma_wait3A_124] : memref<2560x128xi32, #tpu.memory_space<hbm>> -> memref<1x128xi32, #tpu.memory_space<hbm>>
    %dma_wait3A_126 = tpu.memref_squeeze %dma_wait3A_125 : memref<1x128xi32, #tpu.memory_space<hbm>> -> memref<128xi32, #tpu.memory_space<hbm>>
    tpu.wait_dma2 semaphore(%arg15 : memref<!tpu.dma_semaphore, #tpu.memory_space<semaphore_mem>>) src(%dma_wait3A_126 : memref<128xi32, #tpu.memory_space<hbm>>) dst(%dma_wait3A_123 : memref<128xi32, #tpu.memory_space<vmem>>)
    %dma_start3A_127 = arith.constant 0 : i32
    %dma_start3A_128 = arith.constant 0 : i32
    %dma_start3A_129 = tpu.memref_slice %arg9[%dma_start3A_127, %dma_start3A_128] : memref<2x128xi32, #tpu.memory_space<vmem>> -> memref<1x128xi32, #tpu.memory_space<vmem>>
    %dma_start3A_130 = tpu.memref_squeeze %dma_start3A_129 : memref<1x128xi32, #tpu.memory_space<vmem>> -> memref<128xi32, #tpu.memory_space<vmem>>
    %dma_start3A_131 = arith.constant 0 : i32
    %dma_start3A_132 = arith.constant 0 : i32
    %dma_start3A_133 = tpu.memref_slice %arg3[%dma_start3A_131, %dma_start3A_132] : memref<10240x128xf32, #tpu.memory_space<hbm>> -> memref<10240x128xf32, #tpu.memory_space<hbm>>
    tpu.enqueue_indirect_dma source(%dma_start3A_133 : memref<10240x128xf32, #tpu.memory_space<hbm>>) target(%arg11 : memref<128x128xf32, #tpu.memory_space<vmem>>) offsets(%dma_start3A_130 : memref<128xi32, #tpu.memory_space<vmem>>) semaphore(%arg13 : memref<!tpu.dma_semaphore, #tpu.memory_space<semaphore_mem>>)
    %scan3A_134 = arith.constant 0 : i32
    %scan3A_135 = arith.constant 0 : i32
    %scan3A_136 = arith.constant 40 : i32
    %scan3A_137 = arith.addi %scan3A_135, %scan3A_136 : i32
    %scan3A_138 = arith.constant 1 : i32
    scf.for %scan3A_241 = %scan3A_135 to %scan3A_137 step %scan3A_138  : i32 {
      %mul3A_242 = arith.constant 2 : i32
      %mul3A_243 = arith.muli %mul3A_242, %scan3A_241 : i32
      %add3A_244 = arith.constant 1 : i32
      %add3A_245 = arith.addi %mul3A_243, %add3A_244 : i32
      %add3A_246 = arith.addi %mul3A_2, %add3A_245 : i32
      %dma_wait3A_247 = arith.constant 1 : i32
      %dma_wait3A_248 = arith.constant 0 : i32
      %dma_wait3A_249 = tpu.memref_slice %arg9[%dma_wait3A_247, %dma_wait3A_248] : memref<2x128xi32, #tpu.memory_space<vmem>> -> memref<1x128xi32, #tpu.memory_space<vmem>>
      %dma_wait3A_250 = tpu.memref_squeeze %dma_wait3A_249 : memref<1x128xi32, #tpu.memory_space<vmem>> -> memref<128xi32, #tpu.memory_space<vmem>>
      %dma_wait3A_251 = arith.constant 0 : i32
      %dma_wait3A_252 = tpu.memref_slice %arg5[%add3A_246, %dma_wait3A_251] : memref<2560x128xi32, #tpu.memory_space<hbm>> -> memref<1x128xi32, #tpu.memory_space<hbm>>
      %dma_wait3A_253 = tpu.memref_squeeze %dma_wait3A_252 : memref<1x128xi32, #tpu.memory_space<hbm>> -> memref<128xi32, #tpu.memory_space<hbm>>
      %dma_wait3A_254 = arith.constant 0 : i32
      %dma_wait3A_255 = tpu.memref_slice %arg9[%dma_wait3A_247, %dma_wait3A_254] : memref<2x128xi32, #tpu.memory_space<vmem>> -> memref<1x128xi32, #tpu.memory_space<vmem>>
      %dma_wait3A_256 = tpu.memref_squeeze %dma_wait3A_255 : memref<1x128xi32, #tpu.memory_space<vmem>> -> memref<128xi32, #tpu.memory_space<vmem>>
      %dma_wait3A_257 = arith.constant 0 : i32
      %dma_wait3A_258 = tpu.memref_slice %arg5[%add3A_246, %dma_wait3A_257] : memref<2560x128xi32, #tpu.memory_space<hbm>> -> memref<1x128xi32, #tpu.memory_space<hbm>>
      %dma_wait3A_259 = tpu.memref_squeeze %dma_wait3A_258 : memref<1x128xi32, #tpu.memory_space<hbm>> -> memref<128xi32, #tpu.memory_space<hbm>>
      tpu.wait_dma2 semaphore(%arg16 : memref<!tpu.dma_semaphore, #tpu.memory_space<semaphore_mem>>) src(%dma_wait3A_259 : memref<128xi32, #tpu.memory_space<hbm>>) dst(%dma_wait3A_256 : memref<128xi32, #tpu.memory_space<vmem>>)
      %gt3A = arith.constant 0 : i32
      %gt3A_260 = arith.cmpi sgt, %mul3A_243, %gt3A : i32
      %convert_element_type3A = arith.extui %gt3A_260 : i1 to i32
      %cond3A = arith.constant 0 : i32
      %cond3A_261 = arith.cmpi ne, %convert_element_type3A, %cond3A : i32
      scf.if %cond3A_261 {
        %sub3A = arith.constant 1 : i32
        %sub3A_321 = arith.subi %mul3A_243, %sub3A : i32
        %dma_wait3A_322 = arith.constant 0 : i32
        %dma_wait3A_323 = tpu.memref_slice %arg10[%sub3A_321, %dma_wait3A_322] : memref<80x128xi32, #tpu.memory_space<vmem>> -> memref<1x128xi32, #tpu.memory_space<vmem>>
        %dma_wait3A_324 = tpu.memref_squeeze %dma_wait3A_323 : memref<1x128xi32, #tpu.memory_space<vmem>> -> memref<128xi32, #tpu.memory_space<vmem>>
        %dma_wait3A_325 = arith.constant 0 : i32
        %dma_wait3A_326 = arith.constant 0 : i32
        %dma_wait3A_327 = tpu.memref_slice %arg19[%dma_wait3A_325, %dma_wait3A_326] : memref<10240x128xf32, #tpu.memory_space<vmem_shared>> -> memref<10240x128xf32, #tpu.memory_space<vmem_shared>>
        tpu.wait_indirect_dma semaphore(%arg18 : memref<!tpu.dma_semaphore, #tpu.memory_space<semaphore_mem>>) src(%arg12 : memref<128x128xf32, #tpu.memory_space<vmem>>) dst(%dma_wait3A_327 : memref<10240x128xf32, #tpu.memory_space<vmem_shared>>)
      } else {
      }
      %add3A_262 = arith.constant 1 : i32
      %add3A_263 = arith.addi %mul3A_243, %add3A_262 : i32
      %dma_start3A_264 = arith.constant 1 : i32
      %dma_start3A_265 = arith.constant 0 : i32
      %dma_start3A_266 = tpu.memref_slice %arg9[%dma_start3A_264, %dma_start3A_265] : memref<2x128xi32, #tpu.memory_space<vmem>> -> memref<1x128xi32, #tpu.memory_space<vmem>>
      %dma_start3A_267 = tpu.memref_squeeze %dma_start3A_266 : memref<1x128xi32, #tpu.memory_space<vmem>> -> memref<128xi32, #tpu.memory_space<vmem>>
      %dma_start3A_268 = arith.constant 0 : i32
      %dma_start3A_269 = arith.constant 0 : i32
      %dma_start3A_270 = tpu.memref_slice %arg3[%dma_start3A_268, %dma_start3A_269] : memref<10240x128xf32, #tpu.memory_space<hbm>> -> memref<10240x128xf32, #tpu.memory_space<hbm>>
      tpu.enqueue_indirect_dma source(%dma_start3A_270 : memref<10240x128xf32, #tpu.memory_space<hbm>>) target(%arg12 : memref<128x128xf32, #tpu.memory_space<vmem>>) offsets(%dma_start3A_267 : memref<128xi32, #tpu.memory_space<vmem>>) semaphore(%arg14 : memref<!tpu.dma_semaphore, #tpu.memory_space<semaphore_mem>>)
      %dma_wait3A_271 = arith.constant 0 : i32
      %dma_wait3A_272 = arith.constant 0 : i32
      %dma_wait3A_273 = tpu.memref_slice %arg9[%dma_wait3A_271, %dma_wait3A_272] : memref<2x128xi32, #tpu.memory_space<vmem>> -> memref<1x128xi32, #tpu.memory_space<vmem>>
      %dma_wait3A_274 = tpu.memref_squeeze %dma_wait3A_273 : memref<1x128xi32, #tpu.memory_space<vmem>> -> memref<128xi32, #tpu.memory_space<vmem>>
      %dma_wait3A_275 = arith.constant 0 : i32
      %dma_wait3A_276 = arith.constant 0 : i32
      %dma_wait3A_277 = tpu.memref_slice %arg3[%dma_wait3A_275, %dma_wait3A_276] : memref<10240x128xf32, #tpu.memory_space<hbm>> -> memref<10240x128xf32, #tpu.memory_space<hbm>>
      tpu.wait_indirect_dma semaphore(%arg13 : memref<!tpu.dma_semaphore, #tpu.memory_space<semaphore_mem>>) src(%dma_wait3A_277 : memref<10240x128xf32, #tpu.memory_space<hbm>>) dst(%arg11 : memref<128x128xf32, #tpu.memory_space<vmem>>)
      %dma_start3A_278 = arith.constant 0 : i32
      %dma_start3A_279 = tpu.memref_slice %arg10[%mul3A_243, %dma_start3A_278] : memref<80x128xi32, #tpu.memory_space<vmem>> -> memref<1x128xi32, #tpu.memory_space<vmem>>
      %dma_start3A_280 = tpu.memref_squeeze %dma_start3A_279 : memref<1x128xi32, #tpu.memory_space<vmem>> -> memref<128xi32, #tpu.memory_space<vmem>>
      %dma_start3A_281 = arith.constant 0 : i32
      %dma_start3A_282 = arith.constant 0 : i32
      %dma_start3A_283 = tpu.memref_slice %arg19[%dma_start3A_281, %dma_start3A_282] : memref<10240x128xf32, #tpu.memory_space<vmem_shared>> -> memref<10240x128xf32, #tpu.memory_space<vmem_shared>>
      tpu.enqueue_indirect_dma source(%arg11 : memref<128x128xf32, #tpu.memory_space<vmem>>) target(%dma_start3A_283 : memref<10240x128xf32, #tpu.memory_space<vmem_shared>>) offsets(%dma_start3A_280 : memref<128xi32, #tpu.memory_space<vmem>>) semaphore(%arg17 : memref<!tpu.dma_semaphore, #tpu.memory_space<semaphore_mem>>) {add = true}
      %add3A_284 = arith.constant 2 : i32
      %add3A_285 = arith.addi %mul3A_243, %add3A_284 : i32
      %lt3A = arith.constant 80 : i32
      %lt3A_286 = arith.cmpi slt, %add3A_285, %lt3A : i32
      %convert_element_type3A_287 = arith.extui %lt3A_286 : i1 to i32
      %cond3A_288 = arith.constant 0 : i32
      %cond3A_289 = arith.cmpi ne, %convert_element_type3A_287, %cond3A_288 : i32
      scf.if %cond3A_289 {
        %add3A_321 = arith.constant 2 : i32
        %add3A_322 = arith.addi %mul3A_243, %add3A_321 : i32
        %add3A_323 = arith.addi %mul3A_2, %add3A_322 : i32
        %dma_start3A_324 = arith.constant 0 : i32
        %dma_start3A_325 = arith.constant 0 : i32
        %dma_start3A_326 = tpu.memref_slice %arg9[%dma_start3A_324, %dma_start3A_325] : memref<2x128xi32, #tpu.memory_space<vmem>> -> memref<1x128xi32, #tpu.memory_space<vmem>>
        %dma_start3A_327 = tpu.memref_squeeze %dma_start3A_326 : memref<1x128xi32, #tpu.memory_space<vmem>> -> memref<128xi32, #tpu.memory_space<vmem>>
        %dma_start3A_328 = arith.constant 0 : i32
        %dma_start3A_329 = tpu.memref_slice %arg5[%add3A_323, %dma_start3A_328] : memref<2560x128xi32, #tpu.memory_space<hbm>> -> memref<1x128xi32, #tpu.memory_space<hbm>>
        %dma_start3A_330 = tpu.memref_squeeze %dma_start3A_329 : memref<1x128xi32, #tpu.memory_space<hbm>> -> memref<128xi32, #tpu.memory_space<hbm>>
        %dma_start3A_331 = arith.constant 0 : i32
        %dma_start3A_332 = tpu.memref_slice %arg9[%dma_start3A_324, %dma_start3A_331] : memref<2x128xi32, #tpu.memory_space<vmem>> -> memref<1x128xi32, #tpu.memory_space<vmem>>
        %dma_start3A_333 = tpu.memref_squeeze %dma_start3A_332 : memref<1x128xi32, #tpu.memory_space<vmem>> -> memref<128xi32, #tpu.memory_space<vmem>>
        %dma_start3A_334 = arith.constant 0 : i32
        %dma_start3A_335 = tpu.memref_slice %arg5[%add3A_323, %dma_start3A_334] : memref<2560x128xi32, #tpu.memory_space<hbm>> -> memref<1x128xi32, #tpu.memory_space<hbm>>
        %dma_start3A_336 = tpu.memref_squeeze %dma_start3A_335 : memref<1x128xi32, #tpu.memory_space<hbm>> -> memref<128xi32, #tpu.memory_space<hbm>>
        tpu.enqueue_dma source(%dma_start3A_336 : memref<128xi32, #tpu.memory_space<hbm>>) target(%dma_start3A_333 : memref<128xi32, #tpu.memory_space<vmem>>) target_semaphore(%arg15 : memref<!tpu.dma_semaphore, #tpu.memory_space<semaphore_mem>>)
      } else {
      }
      %mul3A_290 = arith.constant 2 : i32
      %mul3A_291 = arith.muli %mul3A_290, %scan3A_241 : i32
      %add3A_292 = arith.constant 1 : i32
      %add3A_293 = arith.addi %mul3A_291, %add3A_292 : i32
      %add3A_294 = arith.constant 1 : i32
      %add3A_295 = arith.addi %add3A_293, %add3A_294 : i32
      %lt3A_296 = arith.constant 80 : i32
      %lt3A_297 = arith.cmpi slt, %add3A_295, %lt3A_296 : i32
      %convert_element_type3A_298 = arith.extui %lt3A_297 : i1 to i32
      %cond3A_299 = arith.constant 0 : i32
      %cond3A_300 = arith.cmpi ne, %convert_element_type3A_298, %cond3A_299 : i32
      scf.if %cond3A_300 {
        %add3A_321 = arith.constant 1 : i32
        %add3A_322 = arith.addi %add3A_293, %add3A_321 : i32
        %add3A_323 = arith.addi %mul3A_2, %add3A_322 : i32
        %dma_wait3A_324 = arith.constant 0 : i32
        %dma_wait3A_325 = arith.constant 0 : i32
        %dma_wait3A_326 = tpu.memref_slice %arg9[%dma_wait3A_324, %dma_wait3A_325] : memref<2x128xi32, #tpu.memory_space<vmem>> -> memref<1x128xi32, #tpu.memory_space<vmem>>
        %dma_wait3A_327 = tpu.memref_squeeze %dma_wait3A_326 : memref<1x128xi32, #tpu.memory_space<vmem>> -> memref<128xi32, #tpu.memory_space<vmem>>
        %dma_wait3A_328 = arith.constant 0 : i32
        %dma_wait3A_329 = tpu.memref_slice %arg5[%add3A_323, %dma_wait3A_328] : memref<2560x128xi32, #tpu.memory_space<hbm>> -> memref<1x128xi32, #tpu.memory_space<hbm>>
        %dma_wait3A_330 = tpu.memref_squeeze %dma_wait3A_329 : memref<1x128xi32, #tpu.memory_space<hbm>> -> memref<128xi32, #tpu.memory_space<hbm>>
        %dma_wait3A_331 = arith.constant 0 : i32
        %dma_wait3A_332 = tpu.memref_slice %arg9[%dma_wait3A_324, %dma_wait3A_331] : memref<2x128xi32, #tpu.memory_space<vmem>> -> memref<1x128xi32, #tpu.memory_space<vmem>>
        %dma_wait3A_333 = tpu.memref_squeeze %dma_wait3A_332 : memref<1x128xi32, #tpu.memory_space<vmem>> -> memref<128xi32, #tpu.memory_space<vmem>>
        %dma_wait3A_334 = arith.constant 0 : i32
        %dma_wait3A_335 = tpu.memref_slice %arg5[%add3A_323, %dma_wait3A_334] : memref<2560x128xi32, #tpu.memory_space<hbm>> -> memref<1x128xi32, #tpu.memory_space<hbm>>
        %dma_wait3A_336 = tpu.memref_squeeze %dma_wait3A_335 : memref<1x128xi32, #tpu.memory_space<hbm>> -> memref<128xi32, #tpu.memory_space<hbm>>
        tpu.wait_dma2 semaphore(%arg15 : memref<!tpu.dma_semaphore, #tpu.memory_space<semaphore_mem>>) src(%dma_wait3A_336 : memref<128xi32, #tpu.memory_space<hbm>>) dst(%dma_wait3A_333 : memref<128xi32, #tpu.memory_space<vmem>>)
        %sub3A = arith.constant 1 : i32
        %sub3A_337 = arith.subi %add3A_293, %sub3A : i32
        %dma_wait3A_338 = arith.constant 0 : i32
        %dma_wait3A_339 = tpu.memref_slice %arg10[%sub3A_337, %dma_wait3A_338] : memref<80x128xi32, #tpu.memory_space<vmem>> -> memref<1x128xi32, #tpu.memory_space<vmem>>
        %dma_wait3A_340 = tpu.memref_squeeze %dma_wait3A_339 : memref<1x128xi32, #tpu.memory_space<vmem>> -> memref<128xi32, #tpu.memory_space<vmem>>
        %dma_wait3A_341 = arith.constant 0 : i32
        %dma_wait3A_342 = arith.constant 0 : i32
        %dma_wait3A_343 = tpu.memref_slice %arg19[%dma_wait3A_341, %dma_wait3A_342] : memref<10240x128xf32, #tpu.memory_space<vmem_shared>> -> memref<10240x128xf32, #tpu.memory_space<vmem_shared>>
        tpu.wait_indirect_dma semaphore(%arg17 : memref<!tpu.dma_semaphore, #tpu.memory_space<semaphore_mem>>) src(%arg11 : memref<128x128xf32, #tpu.memory_space<vmem>>) dst(%dma_wait3A_343 : memref<10240x128xf32, #tpu.memory_space<vmem_shared>>)
        %add3A_344 = arith.constant 1 : i32
        %add3A_345 = arith.addi %add3A_293, %add3A_344 : i32
        %dma_start3A_346 = arith.constant 0 : i32
        %dma_start3A_347 = arith.constant 0 : i32
        %dma_start3A_348 = tpu.memref_slice %arg9[%dma_start3A_346, %dma_start3A_347] : memref<2x128xi32, #tpu.memory_space<vmem>> -> memref<1x128xi32, #tpu.memory_space<vmem>>
        %dma_start3A_349 = tpu.memref_squeeze %dma_start3A_348 : memref<1x128xi32, #tpu.memory_space<vmem>> -> memref<128xi32, #tpu.memory_space<vmem>>
        %dma_start3A_350 = arith.constant 0 : i32
        %dma_start3A_351 = arith.constant 0 : i32
        %dma_start3A_352 = tpu.memref_slice %arg3[%dma_start3A_350, %dma_start3A_351] : memref<10240x128xf32, #tpu.memory_space<hbm>> -> memref<10240x128xf32, #tpu.memory_space<hbm>>
        tpu.enqueue_indirect_dma source(%dma_start3A_352 : memref<10240x128xf32, #tpu.memory_space<hbm>>) target(%arg11 : memref<128x128xf32, #tpu.memory_space<vmem>>) offsets(%dma_start3A_349 : memref<128xi32, #tpu.memory_space<vmem>>) semaphore(%arg13 : memref<!tpu.dma_semaphore, #tpu.memory_space<semaphore_mem>>)
      } else {
      }
      %dma_wait3A_301 = arith.constant 1 : i32
      %dma_wait3A_302 = arith.constant 0 : i32
      %dma_wait3A_303 = tpu.memref_slice %arg9[%dma_wait3A_301, %dma_wait3A_302] : memref<2x128xi32, #tpu.memory_space<vmem>> -> memref<1x128xi32, #tpu.memory_space<vmem>>
      %dma_wait3A_304 = tpu.memref_squeeze %dma_wait3A_303 : memref<1x128xi32, #tpu.memory_space<vmem>> -> memref<128xi32, #tpu.memory_space<vmem>>
      %dma_wait3A_305 = arith.constant 0 : i32
      %dma_wait3A_306 = arith.constant 0 : i32
      %dma_wait3A_307 = tpu.memref_slice %arg3[%dma_wait3A_305, %dma_wait3A_306] : memref<10240x128xf32, #tpu.memory_space<hbm>> -> memref<10240x128xf32, #tpu.memory_space<hbm>>
      tpu.wait_indirect_dma semaphore(%arg14 : memref<!tpu.dma_semaphore, #tpu.memory_space<semaphore_mem>>) src(%dma_wait3A_307 : memref<10240x128xf32, #tpu.memory_space<hbm>>) dst(%arg12 : memref<128x128xf32, #tpu.memory_space<vmem>>)
      %dma_start3A_308 = arith.constant 0 : i32
      %dma_start3A_309 = tpu.memref_slice %arg10[%add3A_293, %dma_start3A_308] : memref<80x128xi32, #tpu.memory_space<vmem>> -> memref<1x128xi32, #tpu.memory_space<vmem>>
      %dma_start3A_310 = tpu.memref_squeeze %dma_start3A_309 : memref<1x128xi32, #tpu.memory_space<vmem>> -> memref<128xi32, #tpu.memory_space<vmem>>
      %dma_start3A_311 = arith.constant 0 : i32
      %dma_start3A_312 = arith.constant 0 : i32
      %dma_start3A_313 = tpu.memref_slice %arg19[%dma_start3A_311, %dma_start3A_312] : memref<10240x128xf32, #tpu.memory_space<vmem_shared>> -> memref<10240x128xf32, #tpu.memory_space<vmem_shared>>
      tpu.enqueue_indirect_dma source(%arg12 : memref<128x128xf32, #tpu.memory_space<vmem>>) target(%dma_start3A_313 : memref<10240x128xf32, #tpu.memory_space<vmem_shared>>) offsets(%dma_start3A_310 : memref<128xi32, #tpu.memory_space<vmem>>) semaphore(%arg18 : memref<!tpu.dma_semaphore, #tpu.memory_space<semaphore_mem>>) {add = true}
      %add3A_314 = arith.constant 2 : i32
      %add3A_315 = arith.addi %add3A_293, %add3A_314 : i32
      %lt3A_316 = arith.constant 80 : i32
      %lt3A_317 = arith.cmpi slt, %add3A_315, %lt3A_316 : i32
      %convert_element_type3A_318 = arith.extui %lt3A_317 : i1 to i32
      %cond3A_319 = arith.constant 0 : i32
      %cond3A_320 = arith.cmpi ne, %convert_element_type3A_318, %cond3A_319 : i32
      scf.if %cond3A_320 {
        %add3A_321 = arith.constant 2 : i32
        %add3A_322 = arith.addi %add3A_293, %add3A_321 : i32
        %add3A_323 = arith.addi %mul3A_2, %add3A_322 : i32
        %dma_start3A_324 = arith.constant 1 : i32
        %dma_start3A_325 = arith.constant 0 : i32
        %dma_start3A_326 = tpu.memref_slice %arg9[%dma_start3A_324, %dma_start3A_325] : memref<2x128xi32, #tpu.memory_space<vmem>> -> memref<1x128xi32, #tpu.memory_space<vmem>>
        %dma_start3A_327 = tpu.memref_squeeze %dma_start3A_326 : memref<1x128xi32, #tpu.memory_space<vmem>> -> memref<128xi32, #tpu.memory_space<vmem>>
        %dma_start3A_328 = arith.constant 0 : i32
        %dma_start3A_329 = tpu.memref_slice %arg5[%add3A_323, %dma_start3A_328] : memref<2560x128xi32, #tpu.memory_space<hbm>> -> memref<1x128xi32, #tpu.memory_space<hbm>>
        %dma_start3A_330 = tpu.memref_squeeze %dma_start3A_329 : memref<1x128xi32, #tpu.memory_space<hbm>> -> memref<128xi32, #tpu.memory_space<hbm>>
        %dma_start3A_331 = arith.constant 0 : i32
        %dma_start3A_332 = tpu.memref_slice %arg9[%dma_start3A_324, %dma_start3A_331] : memref<2x128xi32, #tpu.memory_space<vmem>> -> memref<1x128xi32, #tpu.memory_space<vmem>>
        %dma_start3A_333 = tpu.memref_squeeze %dma_start3A_332 : memref<1x128xi32, #tpu.memory_space<vmem>> -> memref<128xi32, #tpu.memory_space<vmem>>
        %dma_start3A_334 = arith.constant 0 : i32
        %dma_start3A_335 = tpu.memref_slice %arg5[%add3A_323, %dma_start3A_334] : memref<2560x128xi32, #tpu.memory_space<hbm>> -> memref<1x128xi32, #tpu.memory_space<hbm>>
        %dma_start3A_336 = tpu.memref_squeeze %dma_start3A_335 : memref<1x128xi32, #tpu.memory_space<hbm>> -> memref<128xi32, #tpu.memory_space<hbm>>
        tpu.enqueue_dma source(%dma_start3A_336 : memref<128xi32, #tpu.memory_space<hbm>>) target(%dma_start3A_333 : memref<128xi32, #tpu.memory_space<vmem>>) target_semaphore(%arg16 : memref<!tpu.dma_semaphore, #tpu.memory_space<semaphore_mem>>)
      } else {
      }
    }
    %scan3A_139 = arith.constant 40 : i32
    %dma_wait3A_140 = arith.constant 78 : i32
    %dma_wait3A_141 = arith.constant 0 : i32
    %dma_wait3A_142 = tpu.memref_slice %arg10[%dma_wait3A_140, %dma_wait3A_141] : memref<80x128xi32, #tpu.memory_space<vmem>> -> memref<1x128xi32, #tpu.memory_space<vmem>>
    %dma_wait3A_143 = tpu.memref_squeeze %dma_wait3A_142 : memref<1x128xi32, #tpu.memory_space<vmem>> -> memref<128xi32, #tpu.memory_space<vmem>>
    %dma_wait3A_144 = arith.constant 0 : i32
    %dma_wait3A_145 = arith.constant 0 : i32
    %dma_wait3A_146 = tpu.memref_slice %arg19[%dma_wait3A_144, %dma_wait3A_145] : memref<10240x128xf32, #tpu.memory_space<vmem_shared>> -> memref<10240x128xf32, #tpu.memory_space<vmem_shared>>
    tpu.wait_indirect_dma semaphore(%arg17 : memref<!tpu.dma_semaphore, #tpu.memory_space<semaphore_mem>>) src(%arg11 : memref<128x128xf32, #tpu.memory_space<vmem>>) dst(%dma_wait3A_146 : memref<10240x128xf32, #tpu.memory_space<vmem_shared>>)
    %dma_wait3A_147 = arith.constant 79 : i32
    %dma_wait3A_148 = arith.constant 0 : i32
    %dma_wait3A_149 = tpu.memref_slice %arg10[%dma_wait3A_147, %dma_wait3A_148] : memref<80x128xi32, #tpu.memory_space<vmem>> -> memref<1x128xi32, #tpu.memory_space<vmem>>
    %dma_wait3A_150 = tpu.memref_squeeze %dma_wait3A_149 : memref<1x128xi32, #tpu.memory_space<vmem>> -> memref<128xi32, #tpu.memory_space<vmem>>
    %dma_wait3A_151 = arith.constant 0 : i32
    %dma_wait3A_152 = arith.constant 0 : i32
    %dma_wait3A_153 = tpu.memref_slice %arg19[%dma_wait3A_151, %dma_wait3A_152] : memref<10240x128xf32, #tpu.memory_space<vmem_shared>> -> memref<10240x128xf32, #tpu.memory_space<vmem_shared>>
    tpu.wait_indirect_dma semaphore(%arg18 : memref<!tpu.dma_semaphore, #tpu.memory_space<semaphore_mem>>) src(%arg12 : memref<128x128xf32, #tpu.memory_space<vmem>>) dst(%dma_wait3A_153 : memref<10240x128xf32, #tpu.memory_space<vmem_shared>>)
    %barrier3A_154 = arith.constant 0 : index
    tpu.barrier barrier_id(%barrier3A_154)
    %mul3A_155 = arith.constant 640 : i32
    %mul3A_156 = arith.muli %arg1, %mul3A_155 : i32
    %mul3A_157 = arith.constant 640 : i32
    %mul3A_158 = arith.muli %arg1, %mul3A_157 : i32
    %run_scoped3A_159 = arith.constant 1 : i32
    "tpu.region"() ({
      %run_scoped3A_241 = tpu.sem_alloc : memref<!tpu.dma_semaphore, #tpu.memory_space<semaphore_mem>>
      %dma_start3A_242 = arith.constant 0 : i32
      %dma_start3A_243 = tpu.memref_slice %arg8[%run_scoped3A_159, %arg0, %mul3A_158, %dma_start3A_242] : memref<3x2x10240x128xf32, #tpu.memory_space<hbm>> -> memref<1x1x640x128xf32, #tpu.memory_space<hbm>>
      %dma_start3A_244 = tpu.memref_squeeze %dma_start3A_243 : memref<1x1x640x128xf32, #tpu.memory_space<hbm>> -> memref<640x128xf32, #tpu.memory_space<hbm>>
      %dma_start3A_245 = arith.constant 0 : i32
      %dma_start3A_246 = tpu.memref_slice %arg19[%mul3A_156, %dma_start3A_245] : memref<10240x128xf32, #tpu.memory_space<vmem_shared>> -> memref<640x128xf32, #tpu.memory_space<vmem_shared>>
      tpu.enqueue_dma source(%dma_start3A_246 : memref<640x128xf32, #tpu.memory_space<vmem_shared>>) target(%dma_start3A_244 : memref<640x128xf32, #tpu.memory_space<hbm>>) target_semaphore(%run_scoped3A_241 : memref<!tpu.dma_semaphore, #tpu.memory_space<semaphore_mem>>)
      %dma_wait3A_247 = arith.constant 0 : i32
      %dma_wait3A_248 = tpu.memref_slice %arg8[%run_scoped3A_159, %arg0, %mul3A_158, %dma_wait3A_247] : memref<3x2x10240x128xf32, #tpu.memory_space<hbm>> -> memref<1x1x640x128xf32, #tpu.memory_space<hbm>>
      %dma_wait3A_249 = tpu.memref_squeeze %dma_wait3A_248 : memref<1x1x640x128xf32, #tpu.memory_space<hbm>> -> memref<640x128xf32, #tpu.memory_space<hbm>>
      %dma_wait3A_250 = arith.constant 0 : i32
      %dma_wait3A_251 = tpu.memref_slice %arg19[%mul3A_156, %dma_wait3A_250] : memref<10240x128xf32, #tpu.memory_space<vmem_shared>> -> memref<640x128xf32, #tpu.memory_space<vmem_shared>>
      tpu.wait_dma2 semaphore(%run_scoped3A_241 : memref<!tpu.dma_semaphore, #tpu.memory_space<semaphore_mem>>) src(%dma_wait3A_251 : memref<640x128xf32, #tpu.memory_space<vmem_shared>>) dst(%dma_wait3A_249 : memref<640x128xf32, #tpu.memory_space<hbm>>)
      tpu.yield
    }) : () -> ()
    %mul3A_160 = arith.constant 640 : i32
    %mul3A_161 = arith.muli %arg1, %mul3A_160 : i32
    "tpu.region"() ({
      %run_scoped3A_241 = tpu.sem_alloc : memref<!tpu.dma_semaphore, #tpu.memory_space<semaphore_mem>>
      %dma_start3A_242 = arith.constant 0 : i32
      %dma_start3A_243 = tpu.memref_slice %arg19[%mul3A_161, %dma_start3A_242] : memref<10240x128xf32, #tpu.memory_space<vmem_shared>> -> memref<640x128xf32, #tpu.memory_space<vmem_shared>>
      tpu.enqueue_dma source(%arg7 : memref<640x128xf32, #tpu.memory_space<hbm>>) target(%dma_start3A_243 : memref<640x128xf32, #tpu.memory_space<vmem_shared>>) target_semaphore(%run_scoped3A_241 : memref<!tpu.dma_semaphore, #tpu.memory_space<semaphore_mem>>)
      %dma_wait3A_244 = arith.constant 0 : i32
      %dma_wait3A_245 = tpu.memref_slice %arg19[%mul3A_161, %dma_wait3A_244] : memref<10240x128xf32, #tpu.memory_space<vmem_shared>> -> memref<640x128xf32, #tpu.memory_space<vmem_shared>>
      tpu.wait_dma2 semaphore(%run_scoped3A_241 : memref<!tpu.dma_semaphore, #tpu.memory_space<semaphore_mem>>) src(%arg7 : memref<640x128xf32, #tpu.memory_space<hbm>>) dst(%dma_wait3A_245 : memref<640x128xf32, #tpu.memory_space<vmem_shared>>)
      tpu.yield
    }) : () -> ()
    %barrier3A_162 = arith.constant 0 : index
    tpu.barrier barrier_id(%barrier3A_162)
    %add3A_163 = arith.constant 0 : i32
    %add3A_164 = arith.addi %mul3A_2, %add3A_163 : i32
    %dma_start3A_165 = arith.constant 0 : i32
    %dma_start3A_166 = arith.constant 0 : i32
    %dma_start3A_167 = tpu.memref_slice %arg9[%dma_start3A_165, %dma_start3A_166] : memref<2x128xi32, #tpu.memory_space<vmem>> -> memref<1x128xi32, #tpu.memory_space<vmem>>
    %dma_start3A_168 = tpu.memref_squeeze %dma_start3A_167 : memref<1x128xi32, #tpu.memory_space<vmem>> -> memref<128xi32, #tpu.memory_space<vmem>>
    %dma_start3A_169 = arith.constant 0 : i32
    %dma_start3A_170 = tpu.memref_slice %arg5[%add3A_164, %dma_start3A_169] : memref<2560x128xi32, #tpu.memory_space<hbm>> -> memref<1x128xi32, #tpu.memory_space<hbm>>
    %dma_start3A_171 = tpu.memref_squeeze %dma_start3A_170 : memref<1x128xi32, #tpu.memory_space<hbm>> -> memref<128xi32, #tpu.memory_space<hbm>>
    %dma_start3A_172 = arith.constant 0 : i32
    %dma_start3A_173 = tpu.memref_slice %arg9[%dma_start3A_165, %dma_start3A_172] : memref<2x128xi32, #tpu.memory_space<vmem>> -> memref<1x128xi32, #tpu.memory_space<vmem>>
    %dma_start3A_174 = tpu.memref_squeeze %dma_start3A_173 : memref<1x128xi32, #tpu.memory_space<vmem>> -> memref<128xi32, #tpu.memory_space<vmem>>
    %dma_start3A_175 = arith.constant 0 : i32
    %dma_start3A_176 = tpu.memref_slice %arg5[%add3A_164, %dma_start3A_175] : memref<2560x128xi32, #tpu.memory_space<hbm>> -> memref<1x128xi32, #tpu.memory_space<hbm>>
    %dma_start3A_177 = tpu.memref_squeeze %dma_start3A_176 : memref<1x128xi32, #tpu.memory_space<hbm>> -> memref<128xi32, #tpu.memory_space<hbm>>
    tpu.enqueue_dma source(%dma_start3A_177 : memref<128xi32, #tpu.memory_space<hbm>>) target(%dma_start3A_174 : memref<128xi32, #tpu.memory_space<vmem>>) target_semaphore(%arg15 : memref<!tpu.dma_semaphore, #tpu.memory_space<semaphore_mem>>)
    %add3A_178 = arith.constant 1 : i32
    %add3A_179 = arith.addi %mul3A_2, %add3A_178 : i32
    %dma_start3A_180 = arith.constant 1 : i32
    %dma_start3A_181 = arith.constant 0 : i32
    %dma_start3A_182 = tpu.memref_slice %arg9[%dma_start3A_180, %dma_start3A_181] : memref<2x128xi32, #tpu.memory_space<vmem>> -> memref<1x128xi32, #tpu.memory_space<vmem>>
    %dma_start3A_183 = tpu.memref_squeeze %dma_start3A_182 : memref<1x128xi32, #tpu.memory_space<vmem>> -> memref<128xi32, #tpu.memory_space<vmem>>
    %dma_start3A_184 = arith.constant 0 : i32
    %dma_start3A_185 = tpu.memref_slice %arg5[%add3A_179, %dma_start3A_184] : memref<2560x128xi32, #tpu.memory_space<hbm>> -> memref<1x128xi32, #tpu.memory_space<hbm>>
    %dma_start3A_186 = tpu.memref_squeeze %dma_start3A_185 : memref<1x128xi32, #tpu.memory_space<hbm>> -> memref<128xi32, #tpu.memory_space<hbm>>
    %dma_start3A_187 = arith.constant 0 : i32
    %dma_start3A_188 = tpu.memref_slice %arg9[%dma_start3A_180, %dma_start3A_187] : memref<2x128xi32, #tpu.memory_space<vmem>> -> memref<1x128xi32, #tpu.memory_space<vmem>>
    %dma_start3A_189 = tpu.memref_squeeze %dma_start3A_188 : memref<1x128xi32, #tpu.memory_space<vmem>> -> memref<128xi32, #tpu.memory_space<vmem>>
    %dma_start3A_190 = arith.constant 0 : i32
    %dma_start3A_191 = tpu.memref_slice %arg5[%add3A_179, %dma_start3A_190] : memref<2560x128xi32, #tpu.memory_space<hbm>> -> memref<1x128xi32, #tpu.memory_space<hbm>>
    %dma_start3A_192 = tpu.memref_squeeze %dma_start3A_191 : memref<1x128xi32, #tpu.memory_space<hbm>> -> memref<128xi32, #tpu.memory_space<hbm>>
    tpu.enqueue_dma source(%dma_start3A_192 : memref<128xi32, #tpu.memory_space<hbm>>) target(%dma_start3A_189 : memref<128xi32, #tpu.memory_space<vmem>>) target_semaphore(%arg16 : memref<!tpu.dma_semaphore, #tpu.memory_space<semaphore_mem>>)
    %add3A_193 = arith.constant 0 : i32
    %add3A_194 = arith.addi %mul3A_2, %add3A_193 : i32
    %dma_wait3A_195 = arith.constant 0 : i32
    %dma_wait3A_196 = arith.constant 0 : i32
    %dma_wait3A_197 = tpu.memref_slice %arg9[%dma_wait3A_195, %dma_wait3A_196] : memref<2x128xi32, #tpu.memory_space<vmem>> -> memref<1x128xi32, #tpu.memory_space<vmem>>
    %dma_wait3A_198 = tpu.memref_squeeze %dma_wait3A_197 : memref<1x128xi32, #tpu.memory_space<vmem>> -> memref<128xi32, #tpu.memory_space<vmem>>
    %dma_wait3A_199 = arith.constant 0 : i32
    %dma_wait3A_200 = tpu.memref_slice %arg5[%add3A_194, %dma_wait3A_199] : memref<2560x128xi32, #tpu.memory_space<hbm>> -> memref<1x128xi32, #tpu.memory_space<hbm>>
    %dma_wait3A_201 = tpu.memref_squeeze %dma_wait3A_200 : memref<1x128xi32, #tpu.memory_space<hbm>> -> memref<128xi32, #tpu.memory_space<hbm>>
    %dma_wait3A_202 = arith.constant 0 : i32
    %dma_wait3A_203 = tpu.memref_slice %arg9[%dma_wait3A_195, %dma_wait3A_202] : memref<2x128xi32, #tpu.memory_space<vmem>> -> memref<1x128xi32, #tpu.memory_space<vmem>>
    %dma_wait3A_204 = tpu.memref_squeeze %dma_wait3A_203 : memref<1x128xi32, #tpu.memory_space<vmem>> -> memref<128xi32, #tpu.memory_space<vmem>>
    %dma_wait3A_205 = arith.constant 0 : i32
    %dma_wait3A_206 = tpu.memref_slice %arg5[%add3A_194, %dma_wait3A_205] : memref<2560x128xi32, #tpu.memory_space<hbm>> -> memref<1x128xi32, #tpu.memory_space<hbm>>
    %dma_wait3A_207 = tpu.memref_squeeze %dma_wait3A_206 : memref<1x128xi32, #tpu.memory_space<hbm>> -> memref<128xi32, #tpu.memory_space<hbm>>
    tpu.wait_dma2 semaphore(%arg15 : memref<!tpu.dma_semaphore, #tpu.memory_space<semaphore_mem>>) src(%dma_wait3A_207 : memref<128xi32, #tpu.memory_space<hbm>>) dst(%dma_wait3A_204 : memref<128xi32, #tpu.memory_space<vmem>>)
    %dma_start3A_208 = arith.constant 0 : i32
    %dma_start3A_209 = arith.constant 0 : i32
    %dma_start3A_210 = tpu.memref_slice %arg9[%dma_start3A_208, %dma_start3A_209] : memref<2x128xi32, #tpu.memory_space<vmem>> -> memref<1x128xi32, #tpu.memory_space<vmem>>
    %dma_start3A_211 = tpu.memref_squeeze %dma_start3A_210 : memref<1x128xi32, #tpu.memory_space<vmem>> -> memref<128xi32, #tpu.memory_space<vmem>>
    %dma_start3A_212 = arith.constant 0 : i32
    %dma_start3A_213 = arith.constant 0 : i32
    %dma_start3A_214 = tpu.memref_slice %arg4[%dma_start3A_212, %dma_start3A_213] : memref<10240x128xf32, #tpu.memory_space<hbm>> -> memref<10240x128xf32, #tpu.memory_space<hbm>>
    tpu.enqueue_indirect_dma source(%dma_start3A_214 : memref<10240x128xf32, #tpu.memory_space<hbm>>) target(%arg11 : memref<128x128xf32, #tpu.memory_space<vmem>>) offsets(%dma_start3A_211 : memref<128xi32, #tpu.memory_space<vmem>>) semaphore(%arg13 : memref<!tpu.dma_semaphore, #tpu.memory_space<semaphore_mem>>)
    %scan3A_215 = arith.constant 0 : i32
    %scan3A_216 = arith.constant 0 : i32
    %scan3A_217 = arith.constant 40 : i32
    %scan3A_218 = arith.addi %scan3A_216, %scan3A_217 : i32
    %scan3A_219 = arith.constant 1 : i32
    scf.for %scan3A_241 = %scan3A_216 to %scan3A_218 step %scan3A_219  : i32 {
      %mul3A_242 = arith.constant 2 : i32
      %mul3A_243 = arith.muli %mul3A_242, %scan3A_241 : i32
      %add3A_244 = arith.constant 1 : i32
      %add3A_245 = arith.addi %mul3A_243, %add3A_244 : i32
      %add3A_246 = arith.addi %mul3A_2, %add3A_245 : i32
      %dma_wait3A_247 = arith.constant 1 : i32
      %dma_wait3A_248 = arith.constant 0 : i32
      %dma_wait3A_249 = tpu.memref_slice %arg9[%dma_wait3A_247, %dma_wait3A_248] : memref<2x128xi32, #tpu.memory_space<vmem>> -> memref<1x128xi32, #tpu.memory_space<vmem>>
      %dma_wait3A_250 = tpu.memref_squeeze %dma_wait3A_249 : memref<1x128xi32, #tpu.memory_space<vmem>> -> memref<128xi32, #tpu.memory_space<vmem>>
      %dma_wait3A_251 = arith.constant 0 : i32
      %dma_wait3A_252 = tpu.memref_slice %arg5[%add3A_246, %dma_wait3A_251] : memref<2560x128xi32, #tpu.memory_space<hbm>> -> memref<1x128xi32, #tpu.memory_space<hbm>>
      %dma_wait3A_253 = tpu.memref_squeeze %dma_wait3A_252 : memref<1x128xi32, #tpu.memory_space<hbm>> -> memref<128xi32, #tpu.memory_space<hbm>>
      %dma_wait3A_254 = arith.constant 0 : i32
      %dma_wait3A_255 = tpu.memref_slice %arg9[%dma_wait3A_247, %dma_wait3A_254] : memref<2x128xi32, #tpu.memory_space<vmem>> -> memref<1x128xi32, #tpu.memory_space<vmem>>
      %dma_wait3A_256 = tpu.memref_squeeze %dma_wait3A_255 : memref<1x128xi32, #tpu.memory_space<vmem>> -> memref<128xi32, #tpu.memory_space<vmem>>
      %dma_wait3A_257 = arith.constant 0 : i32
      %dma_wait3A_258 = tpu.memref_slice %arg5[%add3A_246, %dma_wait3A_257] : memref<2560x128xi32, #tpu.memory_space<hbm>> -> memref<1x128xi32, #tpu.memory_space<hbm>>
      %dma_wait3A_259 = tpu.memref_squeeze %dma_wait3A_258 : memref<1x128xi32, #tpu.memory_space<hbm>> -> memref<128xi32, #tpu.memory_space<hbm>>
      tpu.wait_dma2 semaphore(%arg16 : memref<!tpu.dma_semaphore, #tpu.memory_space<semaphore_mem>>) src(%dma_wait3A_259 : memref<128xi32, #tpu.memory_space<hbm>>) dst(%dma_wait3A_256 : memref<128xi32, #tpu.memory_space<vmem>>)
      %gt3A = arith.constant 0 : i32
      %gt3A_260 = arith.cmpi sgt, %mul3A_243, %gt3A : i32
      %convert_element_type3A = arith.extui %gt3A_260 : i1 to i32
      %cond3A = arith.constant 0 : i32
      %cond3A_261 = arith.cmpi ne, %convert_element_type3A, %cond3A : i32
      scf.if %cond3A_261 {
        %sub3A = arith.constant 1 : i32
        %sub3A_321 = arith.subi %mul3A_243, %sub3A : i32
        %dma_wait3A_322 = arith.constant 0 : i32
        %dma_wait3A_323 = tpu.memref_slice %arg10[%sub3A_321, %dma_wait3A_322] : memref<80x128xi32, #tpu.memory_space<vmem>> -> memref<1x128xi32, #tpu.memory_space<vmem>>
        %dma_wait3A_324 = tpu.memref_squeeze %dma_wait3A_323 : memref<1x128xi32, #tpu.memory_space<vmem>> -> memref<128xi32, #tpu.memory_space<vmem>>
        %dma_wait3A_325 = arith.constant 0 : i32
        %dma_wait3A_326 = arith.constant 0 : i32
        %dma_wait3A_327 = tpu.memref_slice %arg19[%dma_wait3A_325, %dma_wait3A_326] : memref<10240x128xf32, #tpu.memory_space<vmem_shared>> -> memref<10240x128xf32, #tpu.memory_space<vmem_shared>>
        tpu.wait_indirect_dma semaphore(%arg18 : memref<!tpu.dma_semaphore, #tpu.memory_space<semaphore_mem>>) src(%arg12 : memref<128x128xf32, #tpu.memory_space<vmem>>) dst(%dma_wait3A_327 : memref<10240x128xf32, #tpu.memory_space<vmem_shared>>)
      } else {
      }
      %add3A_262 = arith.constant 1 : i32
      %add3A_263 = arith.addi %mul3A_243, %add3A_262 : i32
      %dma_start3A_264 = arith.constant 1 : i32
      %dma_start3A_265 = arith.constant 0 : i32
      %dma_start3A_266 = tpu.memref_slice %arg9[%dma_start3A_264, %dma_start3A_265] : memref<2x128xi32, #tpu.memory_space<vmem>> -> memref<1x128xi32, #tpu.memory_space<vmem>>
      %dma_start3A_267 = tpu.memref_squeeze %dma_start3A_266 : memref<1x128xi32, #tpu.memory_space<vmem>> -> memref<128xi32, #tpu.memory_space<vmem>>
      %dma_start3A_268 = arith.constant 0 : i32
      %dma_start3A_269 = arith.constant 0 : i32
      %dma_start3A_270 = tpu.memref_slice %arg4[%dma_start3A_268, %dma_start3A_269] : memref<10240x128xf32, #tpu.memory_space<hbm>> -> memref<10240x128xf32, #tpu.memory_space<hbm>>
      tpu.enqueue_indirect_dma source(%dma_start3A_270 : memref<10240x128xf32, #tpu.memory_space<hbm>>) target(%arg12 : memref<128x128xf32, #tpu.memory_space<vmem>>) offsets(%dma_start3A_267 : memref<128xi32, #tpu.memory_space<vmem>>) semaphore(%arg14 : memref<!tpu.dma_semaphore, #tpu.memory_space<semaphore_mem>>)
      %dma_wait3A_271 = arith.constant 0 : i32
      %dma_wait3A_272 = arith.constant 0 : i32
      %dma_wait3A_273 = tpu.memref_slice %arg9[%dma_wait3A_271, %dma_wait3A_272] : memref<2x128xi32, #tpu.memory_space<vmem>> -> memref<1x128xi32, #tpu.memory_space<vmem>>
      %dma_wait3A_274 = tpu.memref_squeeze %dma_wait3A_273 : memref<1x128xi32, #tpu.memory_space<vmem>> -> memref<128xi32, #tpu.memory_space<vmem>>
      %dma_wait3A_275 = arith.constant 0 : i32
      %dma_wait3A_276 = arith.constant 0 : i32
      %dma_wait3A_277 = tpu.memref_slice %arg4[%dma_wait3A_275, %dma_wait3A_276] : memref<10240x128xf32, #tpu.memory_space<hbm>> -> memref<10240x128xf32, #tpu.memory_space<hbm>>
      tpu.wait_indirect_dma semaphore(%arg13 : memref<!tpu.dma_semaphore, #tpu.memory_space<semaphore_mem>>) src(%dma_wait3A_277 : memref<10240x128xf32, #tpu.memory_space<hbm>>) dst(%arg11 : memref<128x128xf32, #tpu.memory_space<vmem>>)
      %dma_start3A_278 = arith.constant 0 : i32
      %dma_start3A_279 = tpu.memref_slice %arg10[%mul3A_243, %dma_start3A_278] : memref<80x128xi32, #tpu.memory_space<vmem>> -> memref<1x128xi32, #tpu.memory_space<vmem>>
      %dma_start3A_280 = tpu.memref_squeeze %dma_start3A_279 : memref<1x128xi32, #tpu.memory_space<vmem>> -> memref<128xi32, #tpu.memory_space<vmem>>
      %dma_start3A_281 = arith.constant 0 : i32
      %dma_start3A_282 = arith.constant 0 : i32
      %dma_start3A_283 = tpu.memref_slice %arg19[%dma_start3A_281, %dma_start3A_282] : memref<10240x128xf32, #tpu.memory_space<vmem_shared>> -> memref<10240x128xf32, #tpu.memory_space<vmem_shared>>
      tpu.enqueue_indirect_dma source(%arg11 : memref<128x128xf32, #tpu.memory_space<vmem>>) target(%dma_start3A_283 : memref<10240x128xf32, #tpu.memory_space<vmem_shared>>) offsets(%dma_start3A_280 : memref<128xi32, #tpu.memory_space<vmem>>) semaphore(%arg17 : memref<!tpu.dma_semaphore, #tpu.memory_space<semaphore_mem>>) {add = true}
      %add3A_284 = arith.constant 2 : i32
      %add3A_285 = arith.addi %mul3A_243, %add3A_284 : i32
      %lt3A = arith.constant 80 : i32
      %lt3A_286 = arith.cmpi slt, %add3A_285, %lt3A : i32
      %convert_element_type3A_287 = arith.extui %lt3A_286 : i1 to i32
      %cond3A_288 = arith.constant 0 : i32
      %cond3A_289 = arith.cmpi ne, %convert_element_type3A_287, %cond3A_288 : i32
      scf.if %cond3A_289 {
        %add3A_321 = arith.constant 2 : i32
        %add3A_322 = arith.addi %mul3A_243, %add3A_321 : i32
        %add3A_323 = arith.addi %mul3A_2, %add3A_322 : i32
        %dma_start3A_324 = arith.constant 0 : i32
        %dma_start3A_325 = arith.constant 0 : i32
        %dma_start3A_326 = tpu.memref_slice %arg9[%dma_start3A_324, %dma_start3A_325] : memref<2x128xi32, #tpu.memory_space<vmem>> -> memref<1x128xi32, #tpu.memory_space<vmem>>
        %dma_start3A_327 = tpu.memref_squeeze %dma_start3A_326 : memref<1x128xi32, #tpu.memory_space<vmem>> -> memref<128xi32, #tpu.memory_space<vmem>>
        %dma_start3A_328 = arith.constant 0 : i32
        %dma_start3A_329 = tpu.memref_slice %arg5[%add3A_323, %dma_start3A_328] : memref<2560x128xi32, #tpu.memory_space<hbm>> -> memref<1x128xi32, #tpu.memory_space<hbm>>
        %dma_start3A_330 = tpu.memref_squeeze %dma_start3A_329 : memref<1x128xi32, #tpu.memory_space<hbm>> -> memref<128xi32, #tpu.memory_space<hbm>>
        %dma_start3A_331 = arith.constant 0 : i32
        %dma_start3A_332 = tpu.memref_slice %arg9[%dma_start3A_324, %dma_start3A_331] : memref<2x128xi32, #tpu.memory_space<vmem>> -> memref<1x128xi32, #tpu.memory_space<vmem>>
        %dma_start3A_333 = tpu.memref_squeeze %dma_start3A_332 : memref<1x128xi32, #tpu.memory_space<vmem>> -> memref<128xi32, #tpu.memory_space<vmem>>
        %dma_start3A_334 = arith.constant 0 : i32
        %dma_start3A_335 = tpu.memref_slice %arg5[%add3A_323, %dma_start3A_334] : memref<2560x128xi32, #tpu.memory_space<hbm>> -> memref<1x128xi32, #tpu.memory_space<hbm>>
        %dma_start3A_336 = tpu.memref_squeeze %dma_start3A_335 : memref<1x128xi32, #tpu.memory_space<hbm>> -> memref<128xi32, #tpu.memory_space<hbm>>
        tpu.enqueue_dma source(%dma_start3A_336 : memref<128xi32, #tpu.memory_space<hbm>>) target(%dma_start3A_333 : memref<128xi32, #tpu.memory_space<vmem>>) target_semaphore(%arg15 : memref<!tpu.dma_semaphore, #tpu.memory_space<semaphore_mem>>)
      } else {
      }
      %mul3A_290 = arith.constant 2 : i32
      %mul3A_291 = arith.muli %mul3A_290, %scan3A_241 : i32
      %add3A_292 = arith.constant 1 : i32
      %add3A_293 = arith.addi %mul3A_291, %add3A_292 : i32
      %add3A_294 = arith.constant 1 : i32
      %add3A_295 = arith.addi %add3A_293, %add3A_294 : i32
      %lt3A_296 = arith.constant 80 : i32
      %lt3A_297 = arith.cmpi slt, %add3A_295, %lt3A_296 : i32
      %convert_element_type3A_298 = arith.extui %lt3A_297 : i1 to i32
      %cond3A_299 = arith.constant 0 : i32
      %cond3A_300 = arith.cmpi ne, %convert_element_type3A_298, %cond3A_299 : i32
      scf.if %cond3A_300 {
        %add3A_321 = arith.constant 1 : i32
        %add3A_322 = arith.addi %add3A_293, %add3A_321 : i32
        %add3A_323 = arith.addi %mul3A_2, %add3A_322 : i32
        %dma_wait3A_324 = arith.constant 0 : i32
        %dma_wait3A_325 = arith.constant 0 : i32
        %dma_wait3A_326 = tpu.memref_slice %arg9[%dma_wait3A_324, %dma_wait3A_325] : memref<2x128xi32, #tpu.memory_space<vmem>> -> memref<1x128xi32, #tpu.memory_space<vmem>>
        %dma_wait3A_327 = tpu.memref_squeeze %dma_wait3A_326 : memref<1x128xi32, #tpu.memory_space<vmem>> -> memref<128xi32, #tpu.memory_space<vmem>>
        %dma_wait3A_328 = arith.constant 0 : i32
        %dma_wait3A_329 = tpu.memref_slice %arg5[%add3A_323, %dma_wait3A_328] : memref<2560x128xi32, #tpu.memory_space<hbm>> -> memref<1x128xi32, #tpu.memory_space<hbm>>
        %dma_wait3A_330 = tpu.memref_squeeze %dma_wait3A_329 : memref<1x128xi32, #tpu.memory_space<hbm>> -> memref<128xi32, #tpu.memory_space<hbm>>
        %dma_wait3A_331 = arith.constant 0 : i32
        %dma_wait3A_332 = tpu.memref_slice %arg9[%dma_wait3A_324, %dma_wait3A_331] : memref<2x128xi32, #tpu.memory_space<vmem>> -> memref<1x128xi32, #tpu.memory_space<vmem>>
        %dma_wait3A_333 = tpu.memref_squeeze %dma_wait3A_332 : memref<1x128xi32, #tpu.memory_space<vmem>> -> memref<128xi32, #tpu.memory_space<vmem>>
        %dma_wait3A_334 = arith.constant 0 : i32
        %dma_wait3A_335 = tpu.memref_slice %arg5[%add3A_323, %dma_wait3A_334] : memref<2560x128xi32, #tpu.memory_space<hbm>> -> memref<1x128xi32, #tpu.memory_space<hbm>>
        %dma_wait3A_336 = tpu.memref_squeeze %dma_wait3A_335 : memref<1x128xi32, #tpu.memory_space<hbm>> -> memref<128xi32, #tpu.memory_space<hbm>>
        tpu.wait_dma2 semaphore(%arg15 : memref<!tpu.dma_semaphore, #tpu.memory_space<semaphore_mem>>) src(%dma_wait3A_336 : memref<128xi32, #tpu.memory_space<hbm>>) dst(%dma_wait3A_333 : memref<128xi32, #tpu.memory_space<vmem>>)
        %sub3A = arith.constant 1 : i32
        %sub3A_337 = arith.subi %add3A_293, %sub3A : i32
        %dma_wait3A_338 = arith.constant 0 : i32
        %dma_wait3A_339 = tpu.memref_slice %arg10[%sub3A_337, %dma_wait3A_338] : memref<80x128xi32, #tpu.memory_space<vmem>> -> memref<1x128xi32, #tpu.memory_space<vmem>>
        %dma_wait3A_340 = tpu.memref_squeeze %dma_wait3A_339 : memref<1x128xi32, #tpu.memory_space<vmem>> -> memref<128xi32, #tpu.memory_space<vmem>>
        %dma_wait3A_341 = arith.constant 0 : i32
        %dma_wait3A_342 = arith.constant 0 : i32
        %dma_wait3A_343 = tpu.memref_slice %arg19[%dma_wait3A_341, %dma_wait3A_342] : memref<10240x128xf32, #tpu.memory_space<vmem_shared>> -> memref<10240x128xf32, #tpu.memory_space<vmem_shared>>
        tpu.wait_indirect_dma semaphore(%arg17 : memref<!tpu.dma_semaphore, #tpu.memory_space<semaphore_mem>>) src(%arg11 : memref<128x128xf32, #tpu.memory_space<vmem>>) dst(%dma_wait3A_343 : memref<10240x128xf32, #tpu.memory_space<vmem_shared>>)
        %add3A_344 = arith.constant 1 : i32
        %add3A_345 = arith.addi %add3A_293, %add3A_344 : i32
        %dma_start3A_346 = arith.constant 0 : i32
        %dma_start3A_347 = arith.constant 0 : i32
        %dma_start3A_348 = tpu.memref_slice %arg9[%dma_start3A_346, %dma_start3A_347] : memref<2x128xi32, #tpu.memory_space<vmem>> -> memref<1x128xi32, #tpu.memory_space<vmem>>
        %dma_start3A_349 = tpu.memref_squeeze %dma_start3A_348 : memref<1x128xi32, #tpu.memory_space<vmem>> -> memref<128xi32, #tpu.memory_space<vmem>>
        %dma_start3A_350 = arith.constant 0 : i32
        %dma_start3A_351 = arith.constant 0 : i32
        %dma_start3A_352 = tpu.memref_slice %arg4[%dma_start3A_350, %dma_start3A_351] : memref<10240x128xf32, #tpu.memory_space<hbm>> -> memref<10240x128xf32, #tpu.memory_space<hbm>>
        tpu.enqueue_indirect_dma source(%dma_start3A_352 : memref<10240x128xf32, #tpu.memory_space<hbm>>) target(%arg11 : memref<128x128xf32, #tpu.memory_space<vmem>>) offsets(%dma_start3A_349 : memref<128xi32, #tpu.memory_space<vmem>>) semaphore(%arg13 : memref<!tpu.dma_semaphore, #tpu.memory_space<semaphore_mem>>)
      } else {
      }
      %dma_wait3A_301 = arith.constant 1 : i32
      %dma_wait3A_302 = arith.constant 0 : i32
      %dma_wait3A_303 = tpu.memref_slice %arg9[%dma_wait3A_301, %dma_wait3A_302] : memref<2x128xi32, #tpu.memory_space<vmem>> -> memref<1x128xi32, #tpu.memory_space<vmem>>
      %dma_wait3A_304 = tpu.memref_squeeze %dma_wait3A_303 : memref<1x128xi32, #tpu.memory_space<vmem>> -> memref<128xi32, #tpu.memory_space<vmem>>
      %dma_wait3A_305 = arith.constant 0 : i32
      %dma_wait3A_306 = arith.constant 0 : i32
      %dma_wait3A_307 = tpu.memref_slice %arg4[%dma_wait3A_305, %dma_wait3A_306] : memref<10240x128xf32, #tpu.memory_space<hbm>> -> memref<10240x128xf32, #tpu.memory_space<hbm>>
      tpu.wait_indirect_dma semaphore(%arg14 : memref<!tpu.dma_semaphore, #tpu.memory_space<semaphore_mem>>) src(%dma_wait3A_307 : memref<10240x128xf32, #tpu.memory_space<hbm>>) dst(%arg12 : memref<128x128xf32, #tpu.memory_space<vmem>>)
      %dma_start3A_308 = arith.constant 0 : i32
      %dma_start3A_309 = tpu.memref_slice %arg10[%add3A_293, %dma_start3A_308] : memref<80x128xi32, #tpu.memory_space<vmem>> -> memref<1x128xi32, #tpu.memory_space<vmem>>
      %dma_start3A_310 = tpu.memref_squeeze %dma_start3A_309 : memref<1x128xi32, #tpu.memory_space<vmem>> -> memref<128xi32, #tpu.memory_space<vmem>>
      %dma_start3A_311 = arith.constant 0 : i32
      %dma_start3A_312 = arith.constant 0 : i32
      %dma_start3A_313 = tpu.memref_slice %arg19[%dma_start3A_311, %dma_start3A_312] : memref<10240x128xf32, #tpu.memory_space<vmem_shared>> -> memref<10240x128xf32, #tpu.memory_space<vmem_shared>>
      tpu.enqueue_indirect_dma source(%arg12 : memref<128x128xf32, #tpu.memory_space<vmem>>) target(%dma_start3A_313 : memref<10240x128xf32, #tpu.memory_space<vmem_shared>>) offsets(%dma_start3A_310 : memref<128xi32, #tpu.memory_space<vmem>>) semaphore(%arg18 : memref<!tpu.dma_semaphore, #tpu.memory_space<semaphore_mem>>) {add = true}
      %add3A_314 = arith.constant 2 : i32
      %add3A_315 = arith.addi %add3A_293, %add3A_314 : i32
      %lt3A_316 = arith.constant 80 : i32
      %lt3A_317 = arith.cmpi slt, %add3A_315, %lt3A_316 : i32
      %convert_element_type3A_318 = arith.extui %lt3A_317 : i1 to i32
      %cond3A_319 = arith.constant 0 : i32
      %cond3A_320 = arith.cmpi ne, %convert_element_type3A_318, %cond3A_319 : i32
      scf.if %cond3A_320 {
        %add3A_321 = arith.constant 2 : i32
        %add3A_322 = arith.addi %add3A_293, %add3A_321 : i32
        %add3A_323 = arith.addi %mul3A_2, %add3A_322 : i32
        %dma_start3A_324 = arith.constant 1 : i32
        %dma_start3A_325 = arith.constant 0 : i32
        %dma_start3A_326 = tpu.memref_slice %arg9[%dma_start3A_324, %dma_start3A_325] : memref<2x128xi32, #tpu.memory_space<vmem>> -> memref<1x128xi32, #tpu.memory_space<vmem>>
        %dma_start3A_327 = tpu.memref_squeeze %dma_start3A_326 : memref<1x128xi32, #tpu.memory_space<vmem>> -> memref<128xi32, #tpu.memory_space<vmem>>
        %dma_start3A_328 = arith.constant 0 : i32
        %dma_start3A_329 = tpu.memref_slice %arg5[%add3A_323, %dma_start3A_328] : memref<2560x128xi32, #tpu.memory_space<hbm>> -> memref<1x128xi32, #tpu.memory_space<hbm>>
        %dma_start3A_330 = tpu.memref_squeeze %dma_start3A_329 : memref<1x128xi32, #tpu.memory_space<hbm>> -> memref<128xi32, #tpu.memory_space<hbm>>
        %dma_start3A_331 = arith.constant 0 : i32
        %dma_start3A_332 = tpu.memref_slice %arg9[%dma_start3A_324, %dma_start3A_331] : memref<2x128xi32, #tpu.memory_space<vmem>> -> memref<1x128xi32, #tpu.memory_space<vmem>>
        %dma_start3A_333 = tpu.memref_squeeze %dma_start3A_332 : memref<1x128xi32, #tpu.memory_space<vmem>> -> memref<128xi32, #tpu.memory_space<vmem>>
        %dma_start3A_334 = arith.constant 0 : i32
        %dma_start3A_335 = tpu.memref_slice %arg5[%add3A_323, %dma_start3A_334] : memref<2560x128xi32, #tpu.memory_space<hbm>> -> memref<1x128xi32, #tpu.memory_space<hbm>>
        %dma_start3A_336 = tpu.memref_squeeze %dma_start3A_335 : memref<1x128xi32, #tpu.memory_space<hbm>> -> memref<128xi32, #tpu.memory_space<hbm>>
        tpu.enqueue_dma source(%dma_start3A_336 : memref<128xi32, #tpu.memory_space<hbm>>) target(%dma_start3A_333 : memref<128xi32, #tpu.memory_space<vmem>>) target_semaphore(%arg16 : memref<!tpu.dma_semaphore, #tpu.memory_space<semaphore_mem>>)
      } else {
      }
    }
    %scan3A_220 = arith.constant 40 : i32
    %dma_wait3A_221 = arith.constant 78 : i32
    %dma_wait3A_222 = arith.constant 0 : i32
    %dma_wait3A_223 = tpu.memref_slice %arg10[%dma_wait3A_221, %dma_wait3A_222] : memref<80x128xi32, #tpu.memory_space<vmem>> -> memref<1x128xi32, #tpu.memory_space<vmem>>
    %dma_wait3A_224 = tpu.memref_squeeze %dma_wait3A_223 : memref<1x128xi32, #tpu.memory_space<vmem>> -> memref<128xi32, #tpu.memory_space<vmem>>
    %dma_wait3A_225 = arith.constant 0 : i32
    %dma_wait3A_226 = arith.constant 0 : i32
    %dma_wait3A_227 = tpu.memref_slice %arg19[%dma_wait3A_225, %dma_wait3A_226] : memref<10240x128xf32, #tpu.memory_space<vmem_shared>> -> memref<10240x128xf32, #tpu.memory_space<vmem_shared>>
    tpu.wait_indirect_dma semaphore(%arg17 : memref<!tpu.dma_semaphore, #tpu.memory_space<semaphore_mem>>) src(%arg11 : memref<128x128xf32, #tpu.memory_space<vmem>>) dst(%dma_wait3A_227 : memref<10240x128xf32, #tpu.memory_space<vmem_shared>>)
    %dma_wait3A_228 = arith.constant 79 : i32
    %dma_wait3A_229 = arith.constant 0 : i32
    %dma_wait3A_230 = tpu.memref_slice %arg10[%dma_wait3A_228, %dma_wait3A_229] : memref<80x128xi32, #tpu.memory_space<vmem>> -> memref<1x128xi32, #tpu.memory_space<vmem>>
    %dma_wait3A_231 = tpu.memref_squeeze %dma_wait3A_230 : memref<1x128xi32, #tpu.memory_space<vmem>> -> memref<128xi32, #tpu.memory_space<vmem>>
    %dma_wait3A_232 = arith.constant 0 : i32
    %dma_wait3A_233 = arith.constant 0 : i32
    %dma_wait3A_234 = tpu.memref_slice %arg19[%dma_wait3A_232, %dma_wait3A_233] : memref<10240x128xf32, #tpu.memory_space<vmem_shared>> -> memref<10240x128xf32, #tpu.memory_space<vmem_shared>>
    tpu.wait_indirect_dma semaphore(%arg18 : memref<!tpu.dma_semaphore, #tpu.memory_space<semaphore_mem>>) src(%arg12 : memref<128x128xf32, #tpu.memory_space<vmem>>) dst(%dma_wait3A_234 : memref<10240x128xf32, #tpu.memory_space<vmem_shared>>)
    %barrier3A_235 = arith.constant 0 : index
    tpu.barrier barrier_id(%barrier3A_235)
    %mul3A_236 = arith.constant 640 : i32
    %mul3A_237 = arith.muli %arg1, %mul3A_236 : i32
    %mul3A_238 = arith.constant 640 : i32
    %mul3A_239 = arith.muli %arg1, %mul3A_238 : i32
    %run_scoped3A_240 = arith.constant 2 : i32
    "tpu.region"() ({
      %run_scoped3A_241 = tpu.sem_alloc : memref<!tpu.dma_semaphore, #tpu.memory_space<semaphore_mem>>
      %dma_start3A_242 = arith.constant 0 : i32
      %dma_start3A_243 = tpu.memref_slice %arg8[%run_scoped3A_240, %arg0, %mul3A_239, %dma_start3A_242] : memref<3x2x10240x128xf32, #tpu.memory_space<hbm>> -> memref<1x1x640x128xf32, #tpu.memory_space<hbm>>
      %dma_start3A_244 = tpu.memref_squeeze %dma_start3A_243 : memref<1x1x640x128xf32, #tpu.memory_space<hbm>> -> memref<640x128xf32, #tpu.memory_space<hbm>>
      %dma_start3A_245 = arith.constant 0 : i32
      %dma_start3A_246 = tpu.memref_slice %arg19[%mul3A_237, %dma_start3A_245] : memref<10240x128xf32, #tpu.memory_space<vmem_shared>> -> memref<640x128xf32, #tpu.memory_space<vmem_shared>>
      tpu.enqueue_dma source(%dma_start3A_246 : memref<640x128xf32, #tpu.memory_space<vmem_shared>>) target(%dma_start3A_244 : memref<640x128xf32, #tpu.memory_space<hbm>>) target_semaphore(%run_scoped3A_241 : memref<!tpu.dma_semaphore, #tpu.memory_space<semaphore_mem>>)
      %dma_wait3A_247 = arith.constant 0 : i32
      %dma_wait3A_248 = tpu.memref_slice %arg8[%run_scoped3A_240, %arg0, %mul3A_239, %dma_wait3A_247] : memref<3x2x10240x128xf32, #tpu.memory_space<hbm>> -> memref<1x1x640x128xf32, #tpu.memory_space<hbm>>
      %dma_wait3A_249 = tpu.memref_squeeze %dma_wait3A_248 : memref<1x1x640x128xf32, #tpu.memory_space<hbm>> -> memref<640x128xf32, #tpu.memory_space<hbm>>
      %dma_wait3A_250 = arith.constant 0 : i32
      %dma_wait3A_251 = tpu.memref_slice %arg19[%mul3A_237, %dma_wait3A_250] : memref<10240x128xf32, #tpu.memory_space<vmem_shared>> -> memref<640x128xf32, #tpu.memory_space<vmem_shared>>
      tpu.wait_dma2 semaphore(%run_scoped3A_241 : memref<!tpu.dma_semaphore, #tpu.memory_space<semaphore_mem>>) src(%dma_wait3A_251 : memref<640x128xf32, #tpu.memory_space<vmem_shared>>) dst(%dma_wait3A_249 : memref<640x128xf32, #tpu.memory_space<hbm>>)
      tpu.yield
    }) : () -> ()
    return
  }
}

#map = affine_map<(d0, d1) -> (0, 0, 0)>
#map1 = affine_map<(d0, d1) -> (0, 0)>
module attributes {stable_mosaic.version = 14 : i64} {
  func.func @_deg_kernel(%arg0: i32, %arg1: i32, %arg2: memref<32x79x128xi32, #tpu.memory_space<hbm>>, %arg3: memref<128x16xf32, #tpu.memory_space<hbm>>, %arg4: memref<640x16xf32, #tpu.memory_space<hbm>>, %arg5: memref<2x10240x16xf32, #tpu.memory_space<hbm>>, %arg6: memref<79x128xi32, #tpu.memory_space<vmem>>, %arg7: memref<128x16xf32, #tpu.memory_space<vmem>>, %arg8: memref<10240x16xf32, #tpu.memory_space<vmem_shared>>) attributes {dimension_semantics = [#tpu.dimension_semantics<core_parallel>, #tpu.dimension_semantics<subcore_parallel>], iteration_bounds = array<i64: 2, 16>, scalar_prefetch = 0 : i64, scratch_operands = 3 : i64, tpu.core_type = #tpu.core_type<sc_vector_subcore>, window_params = [{transform_indices = #map}, {transform_indices = #map1}, {transform_indices = #map1}, {transform_indices = #map}]} {
    %mul3A = arith.constant 16 : i32
    %mul3A_0 = arith.muli %arg0, %mul3A : i32
    %add3A = arith.addi %mul3A_0, %arg1 : i32
    %mul3A_1 = arith.constant 640 : i32
    %mul3A_2 = arith.muli %arg1, %mul3A_1 : i32
    "tpu.region"() ({
      %run_scoped3A = tpu.sem_alloc : memref<!tpu.dma_semaphore, #tpu.memory_space<semaphore_mem>>
      %dma_start3A = arith.constant 0 : i32
      %dma_start3A_13 = tpu.memref_slice %arg8[%mul3A_2, %dma_start3A] : memref<10240x16xf32, #tpu.memory_space<vmem_shared>> -> memref<640x16xf32, #tpu.memory_space<vmem_shared>>
      tpu.enqueue_dma source(%arg4 : memref<640x16xf32, #tpu.memory_space<hbm>>) target(%dma_start3A_13 : memref<640x16xf32, #tpu.memory_space<vmem_shared>>) target_semaphore(%run_scoped3A : memref<!tpu.dma_semaphore, #tpu.memory_space<semaphore_mem>>)
      %dma_wait3A = arith.constant 0 : i32
      %dma_wait3A_14 = tpu.memref_slice %arg8[%mul3A_2, %dma_wait3A] : memref<10240x16xf32, #tpu.memory_space<vmem_shared>> -> memref<640x16xf32, #tpu.memory_space<vmem_shared>>
      tpu.wait_dma2 semaphore(%run_scoped3A : memref<!tpu.dma_semaphore, #tpu.memory_space<semaphore_mem>>) src(%arg4 : memref<640x16xf32, #tpu.memory_space<hbm>>) dst(%dma_wait3A_14 : memref<640x16xf32, #tpu.memory_space<vmem_shared>>)
      tpu.yield
    }) : () -> ()
    "tpu.region"() ({
      %run_scoped3A = tpu.sem_alloc : memref<!tpu.dma_semaphore, #tpu.memory_space<semaphore_mem>>
      %dma_start3A = arith.constant 0 : i32
      %dma_start3A_13 = arith.constant 0 : i32
      %dma_start3A_14 = tpu.memref_slice %arg2[%add3A, %dma_start3A, %dma_start3A_13] : memref<32x79x128xi32, #tpu.memory_space<hbm>> -> memref<1x79x128xi32, #tpu.memory_space<hbm>>
      %dma_start3A_15 = tpu.memref_squeeze %dma_start3A_14 : memref<1x79x128xi32, #tpu.memory_space<hbm>> -> memref<79x128xi32, #tpu.memory_space<hbm>>
      %dma_start3A_16 = arith.constant 0 : i32
      %dma_start3A_17 = arith.constant 0 : i32
      %dma_start3A_18 = tpu.memref_slice %arg2[%add3A, %dma_start3A_16, %dma_start3A_17] : memref<32x79x128xi32, #tpu.memory_space<hbm>> -> memref<1x79x128xi32, #tpu.memory_space<hbm>>
      %dma_start3A_19 = tpu.memref_squeeze %dma_start3A_18 : memref<1x79x128xi32, #tpu.memory_space<hbm>> -> memref<79x128xi32, #tpu.memory_space<hbm>>
      tpu.enqueue_dma source(%dma_start3A_19 : memref<79x128xi32, #tpu.memory_space<hbm>>) target(%arg6 : memref<79x128xi32, #tpu.memory_space<vmem>>) target_semaphore(%run_scoped3A : memref<!tpu.dma_semaphore, #tpu.memory_space<semaphore_mem>>)
      %dma_wait3A = arith.constant 0 : i32
      %dma_wait3A_20 = arith.constant 0 : i32
      %dma_wait3A_21 = tpu.memref_slice %arg2[%add3A, %dma_wait3A, %dma_wait3A_20] : memref<32x79x128xi32, #tpu.memory_space<hbm>> -> memref<1x79x128xi32, #tpu.memory_space<hbm>>
      %dma_wait3A_22 = tpu.memref_squeeze %dma_wait3A_21 : memref<1x79x128xi32, #tpu.memory_space<hbm>> -> memref<79x128xi32, #tpu.memory_space<hbm>>
      %dma_wait3A_23 = arith.constant 0 : i32
      %dma_wait3A_24 = arith.constant 0 : i32
      %dma_wait3A_25 = tpu.memref_slice %arg2[%add3A, %dma_wait3A_23, %dma_wait3A_24] : memref<32x79x128xi32, #tpu.memory_space<hbm>> -> memref<1x79x128xi32, #tpu.memory_space<hbm>>
      %dma_wait3A_26 = tpu.memref_squeeze %dma_wait3A_25 : memref<1x79x128xi32, #tpu.memory_space<hbm>> -> memref<79x128xi32, #tpu.memory_space<hbm>>
      tpu.wait_dma2 semaphore(%run_scoped3A : memref<!tpu.dma_semaphore, #tpu.memory_space<semaphore_mem>>) src(%dma_wait3A_26 : memref<79x128xi32, #tpu.memory_space<hbm>>) dst(%arg6 : memref<79x128xi32, #tpu.memory_space<vmem>>)
      tpu.yield
    }) : () -> ()
    "tpu.region"() ({
      %run_scoped3A = tpu.sem_alloc : memref<!tpu.dma_semaphore, #tpu.memory_space<semaphore_mem>>
      tpu.enqueue_dma source(%arg3 : memref<128x16xf32, #tpu.memory_space<hbm>>) target(%arg7 : memref<128x16xf32, #tpu.memory_space<vmem>>) target_semaphore(%run_scoped3A : memref<!tpu.dma_semaphore, #tpu.memory_space<semaphore_mem>>)
      tpu.wait_dma2 semaphore(%run_scoped3A : memref<!tpu.dma_semaphore, #tpu.memory_space<semaphore_mem>>) src(%arg3 : memref<128x16xf32, #tpu.memory_space<hbm>>) dst(%arg7 : memref<128x16xf32, #tpu.memory_space<vmem>>)
      tpu.yield
    }) : () -> ()
    %barrier3A = arith.constant 0 : index
    tpu.barrier barrier_id(%barrier3A)
    %scan3A = arith.constant 0 : i32
    %scan3A_3 = arith.constant 0 : i32
    %scan3A_4 = arith.constant 79 : i32
    %scan3A_5 = arith.addi %scan3A_3, %scan3A_4 : i32
    %scan3A_6 = arith.constant 1 : i32
    scf.for %scan3A_13 = %scan3A_3 to %scan3A_5 step %scan3A_6  : i32 {
      "tpu.region"() ({
        %run_scoped3A = tpu.sem_alloc : memref<!tpu.dma_semaphore, #tpu.memory_space<semaphore_mem>>
        %dma_start3A = arith.constant 0 : i32
        %dma_start3A_14 = tpu.memref_slice %arg6[%scan3A_13, %dma_start3A] : memref<79x128xi32, #tpu.memory_space<vmem>> -> memref<1x128xi32, #tpu.memory_space<vmem>>
        %dma_start3A_15 = tpu.memref_squeeze %dma_start3A_14 : memref<1x128xi32, #tpu.memory_space<vmem>> -> memref<128xi32, #tpu.memory_space<vmem>>
        %dma_start3A_16 = arith.constant 0 : i32
        %dma_start3A_17 = arith.constant 0 : i32
        %dma_start3A_18 = tpu.memref_slice %arg8[%dma_start3A_16, %dma_start3A_17] : memref<10240x16xf32, #tpu.memory_space<vmem_shared>> -> memref<10240x16xf32, #tpu.memory_space<vmem_shared>>
        tpu.enqueue_indirect_dma source(%arg7 : memref<128x16xf32, #tpu.memory_space<vmem>>) target(%dma_start3A_18 : memref<10240x16xf32, #tpu.memory_space<vmem_shared>>) offsets(%dma_start3A_15 : memref<128xi32, #tpu.memory_space<vmem>>) semaphore(%run_scoped3A : memref<!tpu.dma_semaphore, #tpu.memory_space<semaphore_mem>>) {add = true}
        %dma_wait3A = arith.constant 0 : i32
        %dma_wait3A_19 = tpu.memref_slice %arg6[%scan3A_13, %dma_wait3A] : memref<79x128xi32, #tpu.memory_space<vmem>> -> memref<1x128xi32, #tpu.memory_space<vmem>>
        %dma_wait3A_20 = tpu.memref_squeeze %dma_wait3A_19 : memref<1x128xi32, #tpu.memory_space<vmem>> -> memref<128xi32, #tpu.memory_space<vmem>>
        %dma_wait3A_21 = arith.constant 0 : i32
        %dma_wait3A_22 = arith.constant 0 : i32
        %dma_wait3A_23 = tpu.memref_slice %arg8[%dma_wait3A_21, %dma_wait3A_22] : memref<10240x16xf32, #tpu.memory_space<vmem_shared>> -> memref<10240x16xf32, #tpu.memory_space<vmem_shared>>
        tpu.wait_indirect_dma semaphore(%run_scoped3A : memref<!tpu.dma_semaphore, #tpu.memory_space<semaphore_mem>>) src(%arg7 : memref<128x16xf32, #tpu.memory_space<vmem>>) dst(%dma_wait3A_23 : memref<10240x16xf32, #tpu.memory_space<vmem_shared>>)
        tpu.yield
      }) : () -> ()
    }
    %scan3A_7 = arith.constant 79 : i32
    %barrier3A_8 = arith.constant 0 : index
    tpu.barrier barrier_id(%barrier3A_8)
    %mul3A_9 = arith.constant 640 : i32
    %mul3A_10 = arith.muli %arg1, %mul3A_9 : i32
    %mul3A_11 = arith.constant 640 : i32
    %mul3A_12 = arith.muli %arg1, %mul3A_11 : i32
    "tpu.region"() ({
      %run_scoped3A = tpu.sem_alloc : memref<!tpu.dma_semaphore, #tpu.memory_space<semaphore_mem>>
      %dma_start3A = arith.constant 0 : i32
      %dma_start3A_13 = tpu.memref_slice %arg5[%arg0, %mul3A_12, %dma_start3A] : memref<2x10240x16xf32, #tpu.memory_space<hbm>> -> memref<1x640x16xf32, #tpu.memory_space<hbm>>
      %dma_start3A_14 = tpu.memref_squeeze %dma_start3A_13 : memref<1x640x16xf32, #tpu.memory_space<hbm>> -> memref<640x16xf32, #tpu.memory_space<hbm>>
      %dma_start3A_15 = arith.constant 0 : i32
      %dma_start3A_16 = tpu.memref_slice %arg8[%mul3A_10, %dma_start3A_15] : memref<10240x16xf32, #tpu.memory_space<vmem_shared>> -> memref<640x16xf32, #tpu.memory_space<vmem_shared>>
      tpu.enqueue_dma source(%dma_start3A_16 : memref<640x16xf32, #tpu.memory_space<vmem_shared>>) target(%dma_start3A_14 : memref<640x16xf32, #tpu.memory_space<hbm>>) target_semaphore(%run_scoped3A : memref<!tpu.dma_semaphore, #tpu.memory_space<semaphore_mem>>)
      %dma_wait3A = arith.constant 0 : i32
      %dma_wait3A_17 = tpu.memref_slice %arg5[%arg0, %mul3A_12, %dma_wait3A] : memref<2x10240x16xf32, #tpu.memory_space<hbm>> -> memref<1x640x16xf32, #tpu.memory_space<hbm>>
      %dma_wait3A_18 = tpu.memref_squeeze %dma_wait3A_17 : memref<1x640x16xf32, #tpu.memory_space<hbm>> -> memref<640x16xf32, #tpu.memory_space<hbm>>
      %dma_wait3A_19 = arith.constant 0 : i32
      %dma_wait3A_20 = tpu.memref_slice %arg8[%mul3A_10, %dma_wait3A_19] : memref<10240x16xf32, #tpu.memory_space<vmem_shared>> -> memref<640x16xf32, #tpu.memory_space<vmem_shared>>
      tpu.wait_dma2 semaphore(%run_scoped3A : memref<!tpu.dma_semaphore, #tpu.memory_space<semaphore_mem>>) src(%dma_wait3A_20 : memref<640x16xf32, #tpu.memory_space<vmem_shared>>) dst(%dma_wait3A_18 : memref<640x16xf32, #tpu.memory_space<hbm>>)
      tpu.yield
    }) : () -> ()
    return
  }
}

#map = affine_map<(d0, d1) -> (0, 0)>
#map1 = affine_map<(d0, d1) -> (0, 0, 0, 0)>
module attributes {stable_mosaic.version = 14 : i64} {
  func.func @_scatter_kernel(%arg0: i32, %arg1: i32, %arg2: memref<10240x128xf32, #tpu.memory_space<hbm>>, %arg3: memref<10240x128xf32, #tpu.memory_space<hbm>>, %arg4: memref<10240x128xf32, #tpu.memory_space<hbm>>, %arg5: memref<2560x128xi32, #tpu.memory_space<hbm>>, %arg6: memref<2560x128xi32, #tpu.memory_space<hbm>>, %arg7: memref<640x128xf32, #tpu.memory_space<hbm>>, %arg8: memref<3x2x10240x128xf32, #tpu.memory_space<hbm>>, %arg9: memref<2x128xi32, #tpu.memory_space<vmem>>, %arg10: memref<80x128xi32, #tpu.memory_space<vmem>>, %arg11: memref<128x128xf32, #tpu.memory_space<vmem>>, %arg12: memref<128x128xf32, #tpu.memory_space<vmem>>, %arg13: memref<!tpu.dma_semaphore, #tpu.memory_space<semaphore_mem>>, %arg14: memref<!tpu.dma_semaphore, #tpu.memory_space<semaphore_mem>>, %arg15: memref<!tpu.dma_semaphore, #tpu.memory_space<semaphore_mem>>, %arg16: memref<!tpu.dma_semaphore, #tpu.memory_space<semaphore_mem>>, %arg17: memref<!tpu.dma_semaphore, #tpu.memory_space<semaphore_mem>>, %arg18: memref<!tpu.dma_semaphore, #tpu.memory_space<semaphore_mem>>, %arg19: memref<10240x128xf32, #tpu.memory_space<vmem_shared>>) attributes {dimension_semantics = [#tpu.dimension_semantics<core_parallel>, #tpu.dimension_semantics<subcore_parallel>], iteration_bounds = array<i64: 2, 16>, scalar_prefetch = 0 : i64, scratch_operands = 11 : i64, tpu.core_type = #tpu.core_type<sc_vector_subcore>, window_params = [{transform_indices = #map}, {transform_indices = #map}, {transform_indices = #map}, {transform_indices = #map}, {transform_indices = #map}, {transform_indices = #map}, {transform_indices = #map1}]} {
    %mul3A = arith.constant 16 : i32
    %mul3A_0 = arith.muli %arg0, %mul3A : i32
    %add3A = arith.addi %mul3A_0, %arg1 : i32
    %mul3A_1 = arith.constant 80 : i32
    %mul3A_2 = arith.muli %add3A, %mul3A_1 : i32
    "tpu.region"() ({
      %run_scoped3A_241 = tpu.sem_alloc : memref<!tpu.dma_semaphore, #tpu.memory_space<semaphore_mem>>
      %dma_start3A_242 = arith.constant 0 : i32
      %dma_start3A_243 = arith.constant 0 : i32
      %dma_start3A_244 = tpu.memref_slice %arg10[%dma_start3A_242, %dma_start3A_243] : memref<80x128xi32, #tpu.memory_space<vmem>> -> memref<80x128xi32, #tpu.memory_space<vmem>>
      %dma_start3A_245 = arith.constant 0 : i32
      %dma_start3A_246 = tpu.memref_slice %arg6[%mul3A_2, %dma_start3A_245] : memref<2560x128xi32, #tpu.memory_space<hbm>> -> memref<80x128xi32, #tpu.memory_space<hbm>>
      %dma_start3A_247 = arith.constant 0 : i32
      %dma_start3A_248 = arith.constant 0 : i32
      %dma_start3A_249 = tpu.memref_slice %arg10[%dma_start3A_247, %dma_start3A_248] : memref<80x128xi32, #tpu.memory_space<vmem>> -> memref<80x128xi32, #tpu.memory_space<vmem>>
      %dma_start3A_250 = arith.constant 0 : i32
      %dma_start3A_251 = tpu.memref_slice %arg6[%mul3A_2, %dma_start3A_250] : memref<2560x128xi32, #tpu.memory_space<hbm>> -> memref<80x128xi32, #tpu.memory_space<hbm>>
      tpu.enqueue_dma source(%dma_start3A_251 : memref<80x128xi32, #tpu.memory_space<hbm>>) target(%dma_start3A_249 : memref<80x128xi32, #tpu.memory_space<vmem>>) target_semaphore(%run_scoped3A_241 : memref<!tpu.dma_semaphore, #tpu.memory_space<semaphore_mem>>)
      %dma_wait3A_252 = arith.constant 0 : i32
      %dma_wait3A_253 = arith.constant 0 : i32
      %dma_wait3A_254 = tpu.memref_slice %arg10[%dma_wait3A_252, %dma_wait3A_253] : memref<80x128xi32, #tpu.memory_space<vmem>> -> memref<80x128xi32, #tpu.memory_space<vmem>>
      %dma_wait3A_255 = arith.constant 0 : i32
      %dma_wait3A_256 = tpu.memref_slice %arg6[%mul3A_2, %dma_wait3A_255] : memref<2560x128xi32, #tpu.memory_space<hbm>> -> memref<80x128xi32, #tpu.memory_space<hbm>>
      %dma_wait3A_257 = arith.constant 0 : i32
      %dma_wait3A_258 = arith.constant 0 : i32
      %dma_wait3A_259 = tpu.memref_slice %arg10[%dma_wait3A_257, %dma_wait3A_258] : memref<80x128xi32, #tpu.memory_space<vmem>> -> memref<80x128xi32, #tpu.memory_space<vmem>>
      %dma_wait3A_260 = arith.constant 0 : i32
      %dma_wait3A_261 = tpu.memref_slice %arg6[%mul3A_2, %dma_wait3A_260] : memref<2560x128xi32, #tpu.memory_space<hbm>> -> memref<80x128xi32, #tpu.memory_space<hbm>>
      tpu.wait_dma2 semaphore(%run_scoped3A_241 : memref<!tpu.dma_semaphore, #tpu.memory_space<semaphore_mem>>) src(%dma_wait3A_261 : memref<80x128xi32, #tpu.memory_space<hbm>>) dst(%dma_wait3A_259 : memref<80x128xi32, #tpu.memory_space<vmem>>)
      tpu.yield
    }) : () -> ()
    %mul3A_3 = arith.constant 640 : i32
    %mul3A_4 = arith.muli %arg1, %mul3A_3 : i32
    "tpu.region"() ({
      %run_scoped3A_241 = tpu.sem_alloc : memref<!tpu.dma_semaphore, #tpu.memory_space<semaphore_mem>>
      %dma_start3A_242 = arith.constant 0 : i32
      %dma_start3A_243 = tpu.memref_slice %arg19[%mul3A_4, %dma_start3A_242] : memref<10240x128xf32, #tpu.memory_space<vmem_shared>> -> memref<640x128xf32, #tpu.memory_space<vmem_shared>>
      tpu.enqueue_dma source(%arg7 : memref<640x128xf32, #tpu.memory_space<hbm>>) target(%dma_start3A_243 : memref<640x128xf32, #tpu.memory_space<vmem_shared>>) target_semaphore(%run_scoped3A_241 : memref<!tpu.dma_semaphore, #tpu.memory_space<semaphore_mem>>)
      %dma_wait3A_244 = arith.constant 0 : i32
      %dma_wait3A_245 = tpu.memref_slice %arg19[%mul3A_4, %dma_wait3A_244] : memref<10240x128xf32, #tpu.memory_space<vmem_shared>> -> memref<640x128xf32, #tpu.memory_space<vmem_shared>>
      tpu.wait_dma2 semaphore(%run_scoped3A_241 : memref<!tpu.dma_semaphore, #tpu.memory_space<semaphore_mem>>) src(%arg7 : memref<640x128xf32, #tpu.memory_space<hbm>>) dst(%dma_wait3A_245 : memref<640x128xf32, #tpu.memory_space<vmem_shared>>)
      tpu.yield
    }) : () -> ()
    %barrier3A = arith.constant 0 : index
    tpu.barrier barrier_id(%barrier3A)
    %add3A_5 = arith.constant 0 : i32
    %add3A_6 = arith.addi %mul3A_2, %add3A_5 : i32
    %dma_start3A = arith.constant 0 : i32
    %dma_start3A_7 = arith.constant 0 : i32
    %dma_start3A_8 = tpu.memref_slice %arg9[%dma_start3A, %dma_start3A_7] : memref<2x128xi32, #tpu.memory_space<vmem>> -> memref<1x128xi32, #tpu.memory_space<vmem>>
    %dma_start3A_9 = tpu.memref_squeeze %dma_start3A_8 : memref<1x128xi32, #tpu.memory_space<vmem>> -> memref<128xi32, #tpu.memory_space<vmem>>
    %dma_start3A_10 = arith.constant 0 : i32
    %dma_start3A_11 = tpu.memref_slice %arg5[%add3A_6, %dma_start3A_10] : memref<2560x128xi32, #tpu.memory_space<hbm>> -> memref<1x128xi32, #tpu.memory_space<hbm>>
    %dma_start3A_12 = tpu.memref_squeeze %dma_start3A_11 : memref<1x128xi32, #tpu.memory_space<hbm>> -> memref<128xi32, #tpu.memory_space<hbm>>
    %dma_start3A_13 = arith.constant 0 : i32
    %dma_start3A_14 = tpu.memref_slice %arg9[%dma_start3A, %dma_start3A_13] : memref<2x128xi32, #tpu.memory_space<vmem>> -> memref<1x128xi32, #tpu.memory_space<vmem>>
    %dma_start3A_15 = tpu.memref_squeeze %dma_start3A_14 : memref<1x128xi32, #tpu.memory_space<vmem>> -> memref<128xi32, #tpu.memory_space<vmem>>
    %dma_start3A_16 = arith.constant 0 : i32
    %dma_start3A_17 = tpu.memref_slice %arg5[%add3A_6, %dma_start3A_16] : memref<2560x128xi32, #tpu.memory_space<hbm>> -> memref<1x128xi32, #tpu.memory_space<hbm>>
    %dma_start3A_18 = tpu.memref_squeeze %dma_start3A_17 : memref<1x128xi32, #tpu.memory_space<hbm>> -> memref<128xi32, #tpu.memory_space<hbm>>
    tpu.enqueue_dma source(%dma_start3A_18 : memref<128xi32, #tpu.memory_space<hbm>>) target(%dma_start3A_15 : memref<128xi32, #tpu.memory_space<vmem>>) target_semaphore(%arg15 : memref<!tpu.dma_semaphore, #tpu.memory_space<semaphore_mem>>)
    %add3A_19 = arith.constant 1 : i32
    %add3A_20 = arith.addi %mul3A_2, %add3A_19 : i32
    %dma_start3A_21 = arith.constant 1 : i32
    %dma_start3A_22 = arith.constant 0 : i32
    %dma_start3A_23 = tpu.memref_slice %arg9[%dma_start3A_21, %dma_start3A_22] : memref<2x128xi32, #tpu.memory_space<vmem>> -> memref<1x128xi32, #tpu.memory_space<vmem>>
    %dma_start3A_24 = tpu.memref_squeeze %dma_start3A_23 : memref<1x128xi32, #tpu.memory_space<vmem>> -> memref<128xi32, #tpu.memory_space<vmem>>
    %dma_start3A_25 = arith.constant 0 : i32
    %dma_start3A_26 = tpu.memref_slice %arg5[%add3A_20, %dma_start3A_25] : memref<2560x128xi32, #tpu.memory_space<hbm>> -> memref<1x128xi32, #tpu.memory_space<hbm>>
    %dma_start3A_27 = tpu.memref_squeeze %dma_start3A_26 : memref<1x128xi32, #tpu.memory_space<hbm>> -> memref<128xi32, #tpu.memory_space<hbm>>
    %dma_start3A_28 = arith.constant 0 : i32
    %dma_start3A_29 = tpu.memref_slice %arg9[%dma_start3A_21, %dma_start3A_28] : memref<2x128xi32, #tpu.memory_space<vmem>> -> memref<1x128xi32, #tpu.memory_space<vmem>>
    %dma_start3A_30 = tpu.memref_squeeze %dma_start3A_29 : memref<1x128xi32, #tpu.memory_space<vmem>> -> memref<128xi32, #tpu.memory_space<vmem>>
    %dma_start3A_31 = arith.constant 0 : i32
    %dma_start3A_32 = tpu.memref_slice %arg5[%add3A_20, %dma_start3A_31] : memref<2560x128xi32, #tpu.memory_space<hbm>> -> memref<1x128xi32, #tpu.memory_space<hbm>>
    %dma_start3A_33 = tpu.memref_squeeze %dma_start3A_32 : memref<1x128xi32, #tpu.memory_space<hbm>> -> memref<128xi32, #tpu.memory_space<hbm>>
    tpu.enqueue_dma source(%dma_start3A_33 : memref<128xi32, #tpu.memory_space<hbm>>) target(%dma_start3A_30 : memref<128xi32, #tpu.memory_space<vmem>>) target_semaphore(%arg16 : memref<!tpu.dma_semaphore, #tpu.memory_space<semaphore_mem>>)
    %add3A_34 = arith.constant 0 : i32
    %add3A_35 = arith.addi %mul3A_2, %add3A_34 : i32
    %dma_wait3A = arith.constant 0 : i32
    %dma_wait3A_36 = arith.constant 0 : i32
    %dma_wait3A_37 = tpu.memref_slice %arg9[%dma_wait3A, %dma_wait3A_36] : memref<2x128xi32, #tpu.memory_space<vmem>> -> memref<1x128xi32, #tpu.memory_space<vmem>>
    %dma_wait3A_38 = tpu.memref_squeeze %dma_wait3A_37 : memref<1x128xi32, #tpu.memory_space<vmem>> -> memref<128xi32, #tpu.memory_space<vmem>>
    %dma_wait3A_39 = arith.constant 0 : i32
    %dma_wait3A_40 = tpu.memref_slice %arg5[%add3A_35, %dma_wait3A_39] : memref<2560x128xi32, #tpu.memory_space<hbm>> -> memref<1x128xi32, #tpu.memory_space<hbm>>
    %dma_wait3A_41 = tpu.memref_squeeze %dma_wait3A_40 : memref<1x128xi32, #tpu.memory_space<hbm>> -> memref<128xi32, #tpu.memory_space<hbm>>
    %dma_wait3A_42 = arith.constant 0 : i32
    %dma_wait3A_43 = tpu.memref_slice %arg9[%dma_wait3A, %dma_wait3A_42] : memref<2x128xi32, #tpu.memory_space<vmem>> -> memref<1x128xi32, #tpu.memory_space<vmem>>
    %dma_wait3A_44 = tpu.memref_squeeze %dma_wait3A_43 : memref<1x128xi32, #tpu.memory_space<vmem>> -> memref<128xi32, #tpu.memory_space<vmem>>
    %dma_wait3A_45 = arith.constant 0 : i32
    %dma_wait3A_46 = tpu.memref_slice %arg5[%add3A_35, %dma_wait3A_45] : memref<2560x128xi32, #tpu.memory_space<hbm>> -> memref<1x128xi32, #tpu.memory_space<hbm>>
    %dma_wait3A_47 = tpu.memref_squeeze %dma_wait3A_46 : memref<1x128xi32, #tpu.memory_space<hbm>> -> memref<128xi32, #tpu.memory_space<hbm>>
    tpu.wait_dma2 semaphore(%arg15 : memref<!tpu.dma_semaphore, #tpu.memory_space<semaphore_mem>>) src(%dma_wait3A_47 : memref<128xi32, #tpu.memory_space<hbm>>) dst(%dma_wait3A_44 : memref<128xi32, #tpu.memory_space<vmem>>)
    %dma_start3A_48 = arith.constant 0 : i32
    %dma_start3A_49 = arith.constant 0 : i32
    %dma_start3A_50 = tpu.memref_slice %arg9[%dma_start3A_48, %dma_start3A_49] : memref<2x128xi32, #tpu.memory_space<vmem>> -> memref<1x128xi32, #tpu.memory_space<vmem>>
    %dma_start3A_51 = tpu.memref_squeeze %dma_start3A_50 : memref<1x128xi32, #tpu.memory_space<vmem>> -> memref<128xi32, #tpu.memory_space<vmem>>
    %dma_start3A_52 = arith.constant 0 : i32
    %dma_start3A_53 = arith.constant 0 : i32
    %dma_start3A_54 = tpu.memref_slice %arg2[%dma_start3A_52, %dma_start3A_53] : memref<10240x128xf32, #tpu.memory_space<hbm>> -> memref<10240x128xf32, #tpu.memory_space<hbm>>
    tpu.enqueue_indirect_dma source(%dma_start3A_54 : memref<10240x128xf32, #tpu.memory_space<hbm>>) target(%arg11 : memref<128x128xf32, #tpu.memory_space<vmem>>) offsets(%dma_start3A_51 : memref<128xi32, #tpu.memory_space<vmem>>) semaphore(%arg13 : memref<!tpu.dma_semaphore, #tpu.memory_space<semaphore_mem>>)
    %scan3A = arith.constant 0 : i32
    %scan3A_55 = arith.constant 0 : i32
    %scan3A_56 = arith.constant 40 : i32
    %scan3A_57 = arith.addi %scan3A_55, %scan3A_56 : i32
    %scan3A_58 = arith.constant 1 : i32
    scf.for %scan3A_241 = %scan3A_55 to %scan3A_57 step %scan3A_58  : i32 {
      %mul3A_242 = arith.constant 2 : i32
      %mul3A_243 = arith.muli %mul3A_242, %scan3A_241 : i32
      %add3A_244 = arith.constant 1 : i32
      %add3A_245 = arith.addi %mul3A_243, %add3A_244 : i32
      %add3A_246 = arith.addi %mul3A_2, %add3A_245 : i32
      %dma_wait3A_247 = arith.constant 1 : i32
      %dma_wait3A_248 = arith.constant 0 : i32
      %dma_wait3A_249 = tpu.memref_slice %arg9[%dma_wait3A_247, %dma_wait3A_248] : memref<2x128xi32, #tpu.memory_space<vmem>> -> memref<1x128xi32, #tpu.memory_space<vmem>>
      %dma_wait3A_250 = tpu.memref_squeeze %dma_wait3A_249 : memref<1x128xi32, #tpu.memory_space<vmem>> -> memref<128xi32, #tpu.memory_space<vmem>>
      %dma_wait3A_251 = arith.constant 0 : i32
      %dma_wait3A_252 = tpu.memref_slice %arg5[%add3A_246, %dma_wait3A_251] : memref<2560x128xi32, #tpu.memory_space<hbm>> -> memref<1x128xi32, #tpu.memory_space<hbm>>
      %dma_wait3A_253 = tpu.memref_squeeze %dma_wait3A_252 : memref<1x128xi32, #tpu.memory_space<hbm>> -> memref<128xi32, #tpu.memory_space<hbm>>
      %dma_wait3A_254 = arith.constant 0 : i32
      %dma_wait3A_255 = tpu.memref_slice %arg9[%dma_wait3A_247, %dma_wait3A_254] : memref<2x128xi32, #tpu.memory_space<vmem>> -> memref<1x128xi32, #tpu.memory_space<vmem>>
      %dma_wait3A_256 = tpu.memref_squeeze %dma_wait3A_255 : memref<1x128xi32, #tpu.memory_space<vmem>> -> memref<128xi32, #tpu.memory_space<vmem>>
      %dma_wait3A_257 = arith.constant 0 : i32
      %dma_wait3A_258 = tpu.memref_slice %arg5[%add3A_246, %dma_wait3A_257] : memref<2560x128xi32, #tpu.memory_space<hbm>> -> memref<1x128xi32, #tpu.memory_space<hbm>>
      %dma_wait3A_259 = tpu.memref_squeeze %dma_wait3A_258 : memref<1x128xi32, #tpu.memory_space<hbm>> -> memref<128xi32, #tpu.memory_space<hbm>>
      tpu.wait_dma2 semaphore(%arg16 : memref<!tpu.dma_semaphore, #tpu.memory_space<semaphore_mem>>) src(%dma_wait3A_259 : memref<128xi32, #tpu.memory_space<hbm>>) dst(%dma_wait3A_256 : memref<128xi32, #tpu.memory_space<vmem>>)
      %gt3A = arith.constant 0 : i32
      %gt3A_260 = arith.cmpi sgt, %mul3A_243, %gt3A : i32
      %convert_element_type3A = arith.extui %gt3A_260 : i1 to i32
      %cond3A = arith.constant 0 : i32
      %cond3A_261 = arith.cmpi ne, %convert_element_type3A, %cond3A : i32
      scf.if %cond3A_261 {
        %sub3A = arith.constant 1 : i32
        %sub3A_321 = arith.subi %mul3A_243, %sub3A : i32
        %dma_wait3A_322 = arith.constant 0 : i32
        %dma_wait3A_323 = tpu.memref_slice %arg10[%sub3A_321, %dma_wait3A_322] : memref<80x128xi32, #tpu.memory_space<vmem>> -> memref<1x128xi32, #tpu.memory_space<vmem>>
        %dma_wait3A_324 = tpu.memref_squeeze %dma_wait3A_323 : memref<1x128xi32, #tpu.memory_space<vmem>> -> memref<128xi32, #tpu.memory_space<vmem>>
        %dma_wait3A_325 = arith.constant 0 : i32
        %dma_wait3A_326 = arith.constant 0 : i32
        %dma_wait3A_327 = tpu.memref_slice %arg19[%dma_wait3A_325, %dma_wait3A_326] : memref<10240x128xf32, #tpu.memory_space<vmem_shared>> -> memref<10240x128xf32, #tpu.memory_space<vmem_shared>>
        tpu.wait_indirect_dma semaphore(%arg18 : memref<!tpu.dma_semaphore, #tpu.memory_space<semaphore_mem>>) src(%arg12 : memref<128x128xf32, #tpu.memory_space<vmem>>) dst(%dma_wait3A_327 : memref<10240x128xf32, #tpu.memory_space<vmem_shared>>)
      } else {
      }
      %add3A_262 = arith.constant 1 : i32
      %add3A_263 = arith.addi %mul3A_243, %add3A_262 : i32
      %dma_start3A_264 = arith.constant 1 : i32
      %dma_start3A_265 = arith.constant 0 : i32
      %dma_start3A_266 = tpu.memref_slice %arg9[%dma_start3A_264, %dma_start3A_265] : memref<2x128xi32, #tpu.memory_space<vmem>> -> memref<1x128xi32, #tpu.memory_space<vmem>>
      %dma_start3A_267 = tpu.memref_squeeze %dma_start3A_266 : memref<1x128xi32, #tpu.memory_space<vmem>> -> memref<128xi32, #tpu.memory_space<vmem>>
      %dma_start3A_268 = arith.constant 0 : i32
      %dma_start3A_269 = arith.constant 0 : i32
      %dma_start3A_270 = tpu.memref_slice %arg2[%dma_start3A_268, %dma_start3A_269] : memref<10240x128xf32, #tpu.memory_space<hbm>> -> memref<10240x128xf32, #tpu.memory_space<hbm>>
      tpu.enqueue_indirect_dma source(%dma_start3A_270 : memref<10240x128xf32, #tpu.memory_space<hbm>>) target(%arg12 : memref<128x128xf32, #tpu.memory_space<vmem>>) offsets(%dma_start3A_267 : memref<128xi32, #tpu.memory_space<vmem>>) semaphore(%arg14 : memref<!tpu.dma_semaphore, #tpu.memory_space<semaphore_mem>>)
      %dma_wait3A_271 = arith.constant 0 : i32
      %dma_wait3A_272 = arith.constant 0 : i32
      %dma_wait3A_273 = tpu.memref_slice %arg9[%dma_wait3A_271, %dma_wait3A_272] : memref<2x128xi32, #tpu.memory_space<vmem>> -> memref<1x128xi32, #tpu.memory_space<vmem>>
      %dma_wait3A_274 = tpu.memref_squeeze %dma_wait3A_273 : memref<1x128xi32, #tpu.memory_space<vmem>> -> memref<128xi32, #tpu.memory_space<vmem>>
      %dma_wait3A_275 = arith.constant 0 : i32
      %dma_wait3A_276 = arith.constant 0 : i32
      %dma_wait3A_277 = tpu.memref_slice %arg2[%dma_wait3A_275, %dma_wait3A_276] : memref<10240x128xf32, #tpu.memory_space<hbm>> -> memref<10240x128xf32, #tpu.memory_space<hbm>>
      tpu.wait_indirect_dma semaphore(%arg13 : memref<!tpu.dma_semaphore, #tpu.memory_space<semaphore_mem>>) src(%dma_wait3A_277 : memref<10240x128xf32, #tpu.memory_space<hbm>>) dst(%arg11 : memref<128x128xf32, #tpu.memory_space<vmem>>)
      %dma_start3A_278 = arith.constant 0 : i32
      %dma_start3A_279 = tpu.memref_slice %arg10[%mul3A_243, %dma_start3A_278] : memref<80x128xi32, #tpu.memory_space<vmem>> -> memref<1x128xi32, #tpu.memory_space<vmem>>
      %dma_start3A_280 = tpu.memref_squeeze %dma_start3A_279 : memref<1x128xi32, #tpu.memory_space<vmem>> -> memref<128xi32, #tpu.memory_space<vmem>>
      %dma_start3A_281 = arith.constant 0 : i32
      %dma_start3A_282 = arith.constant 0 : i32
      %dma_start3A_283 = tpu.memref_slice %arg19[%dma_start3A_281, %dma_start3A_282] : memref<10240x128xf32, #tpu.memory_space<vmem_shared>> -> memref<10240x128xf32, #tpu.memory_space<vmem_shared>>
      tpu.enqueue_indirect_dma source(%arg11 : memref<128x128xf32, #tpu.memory_space<vmem>>) target(%dma_start3A_283 : memref<10240x128xf32, #tpu.memory_space<vmem_shared>>) offsets(%dma_start3A_280 : memref<128xi32, #tpu.memory_space<vmem>>) semaphore(%arg17 : memref<!tpu.dma_semaphore, #tpu.memory_space<semaphore_mem>>) {add = true}
      %add3A_284 = arith.constant 2 : i32
      %add3A_285 = arith.addi %mul3A_243, %add3A_284 : i32
      %lt3A = arith.constant 80 : i32
      %lt3A_286 = arith.cmpi slt, %add3A_285, %lt3A : i32
      %convert_element_type3A_287 = arith.extui %lt3A_286 : i1 to i32
      %cond3A_288 = arith.constant 0 : i32
      %cond3A_289 = arith.cmpi ne, %convert_element_type3A_287, %cond3A_288 : i32
      scf.if %cond3A_289 {
        %add3A_321 = arith.constant 2 : i32
        %add3A_322 = arith.addi %mul3A_243, %add3A_321 : i32
        %add3A_323 = arith.addi %mul3A_2, %add3A_322 : i32
        %dma_start3A_324 = arith.constant 0 : i32
        %dma_start3A_325 = arith.constant 0 : i32
        %dma_start3A_326 = tpu.memref_slice %arg9[%dma_start3A_324, %dma_start3A_325] : memref<2x128xi32, #tpu.memory_space<vmem>> -> memref<1x128xi32, #tpu.memory_space<vmem>>
        %dma_start3A_327 = tpu.memref_squeeze %dma_start3A_326 : memref<1x128xi32, #tpu.memory_space<vmem>> -> memref<128xi32, #tpu.memory_space<vmem>>
        %dma_start3A_328 = arith.constant 0 : i32
        %dma_start3A_329 = tpu.memref_slice %arg5[%add3A_323, %dma_start3A_328] : memref<2560x128xi32, #tpu.memory_space<hbm>> -> memref<1x128xi32, #tpu.memory_space<hbm>>
        %dma_start3A_330 = tpu.memref_squeeze %dma_start3A_329 : memref<1x128xi32, #tpu.memory_space<hbm>> -> memref<128xi32, #tpu.memory_space<hbm>>
        %dma_start3A_331 = arith.constant 0 : i32
        %dma_start3A_332 = tpu.memref_slice %arg9[%dma_start3A_324, %dma_start3A_331] : memref<2x128xi32, #tpu.memory_space<vmem>> -> memref<1x128xi32, #tpu.memory_space<vmem>>
        %dma_start3A_333 = tpu.memref_squeeze %dma_start3A_332 : memref<1x128xi32, #tpu.memory_space<vmem>> -> memref<128xi32, #tpu.memory_space<vmem>>
        %dma_start3A_334 = arith.constant 0 : i32
        %dma_start3A_335 = tpu.memref_slice %arg5[%add3A_323, %dma_start3A_334] : memref<2560x128xi32, #tpu.memory_space<hbm>> -> memref<1x128xi32, #tpu.memory_space<hbm>>
        %dma_start3A_336 = tpu.memref_squeeze %dma_start3A_335 : memref<1x128xi32, #tpu.memory_space<hbm>> -> memref<128xi32, #tpu.memory_space<hbm>>
        tpu.enqueue_dma source(%dma_start3A_336 : memref<128xi32, #tpu.memory_space<hbm>>) target(%dma_start3A_333 : memref<128xi32, #tpu.memory_space<vmem>>) target_semaphore(%arg15 : memref<!tpu.dma_semaphore, #tpu.memory_space<semaphore_mem>>)
      } else {
      }
      %mul3A_290 = arith.constant 2 : i32
      %mul3A_291 = arith.muli %mul3A_290, %scan3A_241 : i32
      %add3A_292 = arith.constant 1 : i32
      %add3A_293 = arith.addi %mul3A_291, %add3A_292 : i32
      %add3A_294 = arith.constant 1 : i32
      %add3A_295 = arith.addi %add3A_293, %add3A_294 : i32
      %lt3A_296 = arith.constant 80 : i32
      %lt3A_297 = arith.cmpi slt, %add3A_295, %lt3A_296 : i32
      %convert_element_type3A_298 = arith.extui %lt3A_297 : i1 to i32
      %cond3A_299 = arith.constant 0 : i32
      %cond3A_300 = arith.cmpi ne, %convert_element_type3A_298, %cond3A_299 : i32
      scf.if %cond3A_300 {
        %add3A_321 = arith.constant 1 : i32
        %add3A_322 = arith.addi %add3A_293, %add3A_321 : i32
        %add3A_323 = arith.addi %mul3A_2, %add3A_322 : i32
        %dma_wait3A_324 = arith.constant 0 : i32
        %dma_wait3A_325 = arith.constant 0 : i32
        %dma_wait3A_326 = tpu.memref_slice %arg9[%dma_wait3A_324, %dma_wait3A_325] : memref<2x128xi32, #tpu.memory_space<vmem>> -> memref<1x128xi32, #tpu.memory_space<vmem>>
        %dma_wait3A_327 = tpu.memref_squeeze %dma_wait3A_326 : memref<1x128xi32, #tpu.memory_space<vmem>> -> memref<128xi32, #tpu.memory_space<vmem>>
        %dma_wait3A_328 = arith.constant 0 : i32
        %dma_wait3A_329 = tpu.memref_slice %arg5[%add3A_323, %dma_wait3A_328] : memref<2560x128xi32, #tpu.memory_space<hbm>> -> memref<1x128xi32, #tpu.memory_space<hbm>>
        %dma_wait3A_330 = tpu.memref_squeeze %dma_wait3A_329 : memref<1x128xi32, #tpu.memory_space<hbm>> -> memref<128xi32, #tpu.memory_space<hbm>>
        %dma_wait3A_331 = arith.constant 0 : i32
        %dma_wait3A_332 = tpu.memref_slice %arg9[%dma_wait3A_324, %dma_wait3A_331] : memref<2x128xi32, #tpu.memory_space<vmem>> -> memref<1x128xi32, #tpu.memory_space<vmem>>
        %dma_wait3A_333 = tpu.memref_squeeze %dma_wait3A_332 : memref<1x128xi32, #tpu.memory_space<vmem>> -> memref<128xi32, #tpu.memory_space<vmem>>
        %dma_wait3A_334 = arith.constant 0 : i32
        %dma_wait3A_335 = tpu.memref_slice %arg5[%add3A_323, %dma_wait3A_334] : memref<2560x128xi32, #tpu.memory_space<hbm>> -> memref<1x128xi32, #tpu.memory_space<hbm>>
        %dma_wait3A_336 = tpu.memref_squeeze %dma_wait3A_335 : memref<1x128xi32, #tpu.memory_space<hbm>> -> memref<128xi32, #tpu.memory_space<hbm>>
        tpu.wait_dma2 semaphore(%arg15 : memref<!tpu.dma_semaphore, #tpu.memory_space<semaphore_mem>>) src(%dma_wait3A_336 : memref<128xi32, #tpu.memory_space<hbm>>) dst(%dma_wait3A_333 : memref<128xi32, #tpu.memory_space<vmem>>)
        %sub3A = arith.constant 1 : i32
        %sub3A_337 = arith.subi %add3A_293, %sub3A : i32
        %dma_wait3A_338 = arith.constant 0 : i32
        %dma_wait3A_339 = tpu.memref_slice %arg10[%sub3A_337, %dma_wait3A_338] : memref<80x128xi32, #tpu.memory_space<vmem>> -> memref<1x128xi32, #tpu.memory_space<vmem>>
        %dma_wait3A_340 = tpu.memref_squeeze %dma_wait3A_339 : memref<1x128xi32, #tpu.memory_space<vmem>> -> memref<128xi32, #tpu.memory_space<vmem>>
        %dma_wait3A_341 = arith.constant 0 : i32
        %dma_wait3A_342 = arith.constant 0 : i32
        %dma_wait3A_343 = tpu.memref_slice %arg19[%dma_wait3A_341, %dma_wait3A_342] : memref<10240x128xf32, #tpu.memory_space<vmem_shared>> -> memref<10240x128xf32, #tpu.memory_space<vmem_shared>>
        tpu.wait_indirect_dma semaphore(%arg17 : memref<!tpu.dma_semaphore, #tpu.memory_space<semaphore_mem>>) src(%arg11 : memref<128x128xf32, #tpu.memory_space<vmem>>) dst(%dma_wait3A_343 : memref<10240x128xf32, #tpu.memory_space<vmem_shared>>)
        %add3A_344 = arith.constant 1 : i32
        %add3A_345 = arith.addi %add3A_293, %add3A_344 : i32
        %dma_start3A_346 = arith.constant 0 : i32
        %dma_start3A_347 = arith.constant 0 : i32
        %dma_start3A_348 = tpu.memref_slice %arg9[%dma_start3A_346, %dma_start3A_347] : memref<2x128xi32, #tpu.memory_space<vmem>> -> memref<1x128xi32, #tpu.memory_space<vmem>>
        %dma_start3A_349 = tpu.memref_squeeze %dma_start3A_348 : memref<1x128xi32, #tpu.memory_space<vmem>> -> memref<128xi32, #tpu.memory_space<vmem>>
        %dma_start3A_350 = arith.constant 0 : i32
        %dma_start3A_351 = arith.constant 0 : i32
        %dma_start3A_352 = tpu.memref_slice %arg2[%dma_start3A_350, %dma_start3A_351] : memref<10240x128xf32, #tpu.memory_space<hbm>> -> memref<10240x128xf32, #tpu.memory_space<hbm>>
        tpu.enqueue_indirect_dma source(%dma_start3A_352 : memref<10240x128xf32, #tpu.memory_space<hbm>>) target(%arg11 : memref<128x128xf32, #tpu.memory_space<vmem>>) offsets(%dma_start3A_349 : memref<128xi32, #tpu.memory_space<vmem>>) semaphore(%arg13 : memref<!tpu.dma_semaphore, #tpu.memory_space<semaphore_mem>>)
      } else {
      }
      %dma_wait3A_301 = arith.constant 1 : i32
      %dma_wait3A_302 = arith.constant 0 : i32
      %dma_wait3A_303 = tpu.memref_slice %arg9[%dma_wait3A_301, %dma_wait3A_302] : memref<2x128xi32, #tpu.memory_space<vmem>> -> memref<1x128xi32, #tpu.memory_space<vmem>>
      %dma_wait3A_304 = tpu.memref_squeeze %dma_wait3A_303 : memref<1x128xi32, #tpu.memory_space<vmem>> -> memref<128xi32, #tpu.memory_space<vmem>>
      %dma_wait3A_305 = arith.constant 0 : i32
      %dma_wait3A_306 = arith.constant 0 : i32
      %dma_wait3A_307 = tpu.memref_slice %arg2[%dma_wait3A_305, %dma_wait3A_306] : memref<10240x128xf32, #tpu.memory_space<hbm>> -> memref<10240x128xf32, #tpu.memory_space<hbm>>
      tpu.wait_indirect_dma semaphore(%arg14 : memref<!tpu.dma_semaphore, #tpu.memory_space<semaphore_mem>>) src(%dma_wait3A_307 : memref<10240x128xf32, #tpu.memory_space<hbm>>) dst(%arg12 : memref<128x128xf32, #tpu.memory_space<vmem>>)
      %dma_start3A_308 = arith.constant 0 : i32
      %dma_start3A_309 = tpu.memref_slice %arg10[%add3A_293, %dma_start3A_308] : memref<80x128xi32, #tpu.memory_space<vmem>> -> memref<1x128xi32, #tpu.memory_space<vmem>>
      %dma_start3A_310 = tpu.memref_squeeze %dma_start3A_309 : memref<1x128xi32, #tpu.memory_space<vmem>> -> memref<128xi32, #tpu.memory_space<vmem>>
      %dma_start3A_311 = arith.constant 0 : i32
      %dma_start3A_312 = arith.constant 0 : i32
      %dma_start3A_313 = tpu.memref_slice %arg19[%dma_start3A_311, %dma_start3A_312] : memref<10240x128xf32, #tpu.memory_space<vmem_shared>> -> memref<10240x128xf32, #tpu.memory_space<vmem_shared>>
      tpu.enqueue_indirect_dma source(%arg12 : memref<128x128xf32, #tpu.memory_space<vmem>>) target(%dma_start3A_313 : memref<10240x128xf32, #tpu.memory_space<vmem_shared>>) offsets(%dma_start3A_310 : memref<128xi32, #tpu.memory_space<vmem>>) semaphore(%arg18 : memref<!tpu.dma_semaphore, #tpu.memory_space<semaphore_mem>>) {add = true}
      %add3A_314 = arith.constant 2 : i32
      %add3A_315 = arith.addi %add3A_293, %add3A_314 : i32
      %lt3A_316 = arith.constant 80 : i32
      %lt3A_317 = arith.cmpi slt, %add3A_315, %lt3A_316 : i32
      %convert_element_type3A_318 = arith.extui %lt3A_317 : i1 to i32
      %cond3A_319 = arith.constant 0 : i32
      %cond3A_320 = arith.cmpi ne, %convert_element_type3A_318, %cond3A_319 : i32
      scf.if %cond3A_320 {
        %add3A_321 = arith.constant 2 : i32
        %add3A_322 = arith.addi %add3A_293, %add3A_321 : i32
        %add3A_323 = arith.addi %mul3A_2, %add3A_322 : i32
        %dma_start3A_324 = arith.constant 1 : i32
        %dma_start3A_325 = arith.constant 0 : i32
        %dma_start3A_326 = tpu.memref_slice %arg9[%dma_start3A_324, %dma_start3A_325] : memref<2x128xi32, #tpu.memory_space<vmem>> -> memref<1x128xi32, #tpu.memory_space<vmem>>
        %dma_start3A_327 = tpu.memref_squeeze %dma_start3A_326 : memref<1x128xi32, #tpu.memory_space<vmem>> -> memref<128xi32, #tpu.memory_space<vmem>>
        %dma_start3A_328 = arith.constant 0 : i32
        %dma_start3A_329 = tpu.memref_slice %arg5[%add3A_323, %dma_start3A_328] : memref<2560x128xi32, #tpu.memory_space<hbm>> -> memref<1x128xi32, #tpu.memory_space<hbm>>
        %dma_start3A_330 = tpu.memref_squeeze %dma_start3A_329 : memref<1x128xi32, #tpu.memory_space<hbm>> -> memref<128xi32, #tpu.memory_space<hbm>>
        %dma_start3A_331 = arith.constant 0 : i32
        %dma_start3A_332 = tpu.memref_slice %arg9[%dma_start3A_324, %dma_start3A_331] : memref<2x128xi32, #tpu.memory_space<vmem>> -> memref<1x128xi32, #tpu.memory_space<vmem>>
        %dma_start3A_333 = tpu.memref_squeeze %dma_start3A_332 : memref<1x128xi32, #tpu.memory_space<vmem>> -> memref<128xi32, #tpu.memory_space<vmem>>
        %dma_start3A_334 = arith.constant 0 : i32
        %dma_start3A_335 = tpu.memref_slice %arg5[%add3A_323, %dma_start3A_334] : memref<2560x128xi32, #tpu.memory_space<hbm>> -> memref<1x128xi32, #tpu.memory_space<hbm>>
        %dma_start3A_336 = tpu.memref_squeeze %dma_start3A_335 : memref<1x128xi32, #tpu.memory_space<hbm>> -> memref<128xi32, #tpu.memory_space<hbm>>
        tpu.enqueue_dma source(%dma_start3A_336 : memref<128xi32, #tpu.memory_space<hbm>>) target(%dma_start3A_333 : memref<128xi32, #tpu.memory_space<vmem>>) target_semaphore(%arg16 : memref<!tpu.dma_semaphore, #tpu.memory_space<semaphore_mem>>)
      } else {
      }
    }
    %scan3A_59 = arith.constant 40 : i32
    %dma_wait3A_60 = arith.constant 78 : i32
    %dma_wait3A_61 = arith.constant 0 : i32
    %dma_wait3A_62 = tpu.memref_slice %arg10[%dma_wait3A_60, %dma_wait3A_61] : memref<80x128xi32, #tpu.memory_space<vmem>> -> memref<1x128xi32, #tpu.memory_space<vmem>>
    %dma_wait3A_63 = tpu.memref_squeeze %dma_wait3A_62 : memref<1x128xi32, #tpu.memory_space<vmem>> -> memref<128xi32, #tpu.memory_space<vmem>>
    %dma_wait3A_64 = arith.constant 0 : i32
    %dma_wait3A_65 = arith.constant 0 : i32
    %dma_wait3A_66 = tpu.memref_slice %arg19[%dma_wait3A_64, %dma_wait3A_65] : memref<10240x128xf32, #tpu.memory_space<vmem_shared>> -> memref<10240x128xf32, #tpu.memory_space<vmem_shared>>
    tpu.wait_indirect_dma semaphore(%arg17 : memref<!tpu.dma_semaphore, #tpu.memory_space<semaphore_mem>>) src(%arg11 : memref<128x128xf32, #tpu.memory_space<vmem>>) dst(%dma_wait3A_66 : memref<10240x128xf32, #tpu.memory_space<vmem_shared>>)
    %dma_wait3A_67 = arith.constant 79 : i32
    %dma_wait3A_68 = arith.constant 0 : i32
    %dma_wait3A_69 = tpu.memref_slice %arg10[%dma_wait3A_67, %dma_wait3A_68] : memref<80x128xi32, #tpu.memory_space<vmem>> -> memref<1x128xi32, #tpu.memory_space<vmem>>
    %dma_wait3A_70 = tpu.memref_squeeze %dma_wait3A_69 : memref<1x128xi32, #tpu.memory_space<vmem>> -> memref<128xi32, #tpu.memory_space<vmem>>
    %dma_wait3A_71 = arith.constant 0 : i32
    %dma_wait3A_72 = arith.constant 0 : i32
    %dma_wait3A_73 = tpu.memref_slice %arg19[%dma_wait3A_71, %dma_wait3A_72] : memref<10240x128xf32, #tpu.memory_space<vmem_shared>> -> memref<10240x128xf32, #tpu.memory_space<vmem_shared>>
    tpu.wait_indirect_dma semaphore(%arg18 : memref<!tpu.dma_semaphore, #tpu.memory_space<semaphore_mem>>) src(%arg12 : memref<128x128xf32, #tpu.memory_space<vmem>>) dst(%dma_wait3A_73 : memref<10240x128xf32, #tpu.memory_space<vmem_shared>>)
    %barrier3A_74 = arith.constant 0 : index
    tpu.barrier barrier_id(%barrier3A_74)
    %mul3A_75 = arith.constant 640 : i32
    %mul3A_76 = arith.muli %arg1, %mul3A_75 : i32
    %mul3A_77 = arith.constant 640 : i32
    %mul3A_78 = arith.muli %arg1, %mul3A_77 : i32
    %run_scoped3A = arith.constant 0 : i32
    "tpu.region"() ({
      %run_scoped3A_241 = tpu.sem_alloc : memref<!tpu.dma_semaphore, #tpu.memory_space<semaphore_mem>>
      %dma_start3A_242 = arith.constant 0 : i32
      %dma_start3A_243 = tpu.memref_slice %arg8[%run_scoped3A, %arg0, %mul3A_78, %dma_start3A_242] : memref<3x2x10240x128xf32, #tpu.memory_space<hbm>> -> memref<1x1x640x128xf32, #tpu.memory_space<hbm>>
      %dma_start3A_244 = tpu.memref_squeeze %dma_start3A_243 : memref<1x1x640x128xf32, #tpu.memory_space<hbm>> -> memref<640x128xf32, #tpu.memory_space<hbm>>
      %dma_start3A_245 = arith.constant 0 : i32
      %dma_start3A_246 = tpu.memref_slice %arg19[%mul3A_76, %dma_start3A_245] : memref<10240x128xf32, #tpu.memory_space<vmem_shared>> -> memref<640x128xf32, #tpu.memory_space<vmem_shared>>
      tpu.enqueue_dma source(%dma_start3A_246 : memref<640x128xf32, #tpu.memory_space<vmem_shared>>) target(%dma_start3A_244 : memref<640x128xf32, #tpu.memory_space<hbm>>) target_semaphore(%run_scoped3A_241 : memref<!tpu.dma_semaphore, #tpu.memory_space<semaphore_mem>>)
      %dma_wait3A_247 = arith.constant 0 : i32
      %dma_wait3A_248 = tpu.memref_slice %arg8[%run_scoped3A, %arg0, %mul3A_78, %dma_wait3A_247] : memref<3x2x10240x128xf32, #tpu.memory_space<hbm>> -> memref<1x1x640x128xf32, #tpu.memory_space<hbm>>
      %dma_wait3A_249 = tpu.memref_squeeze %dma_wait3A_248 : memref<1x1x640x128xf32, #tpu.memory_space<hbm>> -> memref<640x128xf32, #tpu.memory_space<hbm>>
      %dma_wait3A_250 = arith.constant 0 : i32
      %dma_wait3A_251 = tpu.memref_slice %arg19[%mul3A_76, %dma_wait3A_250] : memref<10240x128xf32, #tpu.memory_space<vmem_shared>> -> memref<640x128xf32, #tpu.memory_space<vmem_shared>>
      tpu.wait_dma2 semaphore(%run_scoped3A_241 : memref<!tpu.dma_semaphore, #tpu.memory_space<semaphore_mem>>) src(%dma_wait3A_251 : memref<640x128xf32, #tpu.memory_space<vmem_shared>>) dst(%dma_wait3A_249 : memref<640x128xf32, #tpu.memory_space<hbm>>)
      tpu.yield
    }) : () -> ()
    %mul3A_79 = arith.constant 640 : i32
    %mul3A_80 = arith.muli %arg1, %mul3A_79 : i32
    "tpu.region"() ({
      %run_scoped3A_241 = tpu.sem_alloc : memref<!tpu.dma_semaphore, #tpu.memory_space<semaphore_mem>>
      %dma_start3A_242 = arith.constant 0 : i32
      %dma_start3A_243 = tpu.memref_slice %arg19[%mul3A_80, %dma_start3A_242] : memref<10240x128xf32, #tpu.memory_space<vmem_shared>> -> memref<640x128xf32, #tpu.memory_space<vmem_shared>>
      tpu.enqueue_dma source(%arg7 : memref<640x128xf32, #tpu.memory_space<hbm>>) target(%dma_start3A_243 : memref<640x128xf32, #tpu.memory_space<vmem_shared>>) target_semaphore(%run_scoped3A_241 : memref<!tpu.dma_semaphore, #tpu.memory_space<semaphore_mem>>)
      %dma_wait3A_244 = arith.constant 0 : i32
      %dma_wait3A_245 = tpu.memref_slice %arg19[%mul3A_80, %dma_wait3A_244] : memref<10240x128xf32, #tpu.memory_space<vmem_shared>> -> memref<640x128xf32, #tpu.memory_space<vmem_shared>>
      tpu.wait_dma2 semaphore(%run_scoped3A_241 : memref<!tpu.dma_semaphore, #tpu.memory_space<semaphore_mem>>) src(%arg7 : memref<640x128xf32, #tpu.memory_space<hbm>>) dst(%dma_wait3A_245 : memref<640x128xf32, #tpu.memory_space<vmem_shared>>)
      tpu.yield
    }) : () -> ()
    %barrier3A_81 = arith.constant 0 : index
    tpu.barrier barrier_id(%barrier3A_81)
    %add3A_82 = arith.constant 0 : i32
    %add3A_83 = arith.addi %mul3A_2, %add3A_82 : i32
    %dma_start3A_84 = arith.constant 0 : i32
    %dma_start3A_85 = arith.constant 0 : i32
    %dma_start3A_86 = tpu.memref_slice %arg9[%dma_start3A_84, %dma_start3A_85] : memref<2x128xi32, #tpu.memory_space<vmem>> -> memref<1x128xi32, #tpu.memory_space<vmem>>
    %dma_start3A_87 = tpu.memref_squeeze %dma_start3A_86 : memref<1x128xi32, #tpu.memory_space<vmem>> -> memref<128xi32, #tpu.memory_space<vmem>>
    %dma_start3A_88 = arith.constant 0 : i32
    %dma_start3A_89 = tpu.memref_slice %arg5[%add3A_83, %dma_start3A_88] : memref<2560x128xi32, #tpu.memory_space<hbm>> -> memref<1x128xi32, #tpu.memory_space<hbm>>
    %dma_start3A_90 = tpu.memref_squeeze %dma_start3A_89 : memref<1x128xi32, #tpu.memory_space<hbm>> -> memref<128xi32, #tpu.memory_space<hbm>>
    %dma_start3A_91 = arith.constant 0 : i32
    %dma_start3A_92 = tpu.memref_slice %arg9[%dma_start3A_84, %dma_start3A_91] : memref<2x128xi32, #tpu.memory_space<vmem>> -> memref<1x128xi32, #tpu.memory_space<vmem>>
    %dma_start3A_93 = tpu.memref_squeeze %dma_start3A_92 : memref<1x128xi32, #tpu.memory_space<vmem>> -> memref<128xi32, #tpu.memory_space<vmem>>
    %dma_start3A_94 = arith.constant 0 : i32
    %dma_start3A_95 = tpu.memref_slice %arg5[%add3A_83, %dma_start3A_94] : memref<2560x128xi32, #tpu.memory_space<hbm>> -> memref<1x128xi32, #tpu.memory_space<hbm>>
    %dma_start3A_96 = tpu.memref_squeeze %dma_start3A_95 : memref<1x128xi32, #tpu.memory_space<hbm>> -> memref<128xi32, #tpu.memory_space<hbm>>
    tpu.enqueue_dma source(%dma_start3A_96 : memref<128xi32, #tpu.memory_space<hbm>>) target(%dma_start3A_93 : memref<128xi32, #tpu.memory_space<vmem>>) target_semaphore(%arg15 : memref<!tpu.dma_semaphore, #tpu.memory_space<semaphore_mem>>)
    %add3A_97 = arith.constant 1 : i32
    %add3A_98 = arith.addi %mul3A_2, %add3A_97 : i32
    %dma_start3A_99 = arith.constant 1 : i32
    %dma_start3A_100 = arith.constant 0 : i32
    %dma_start3A_101 = tpu.memref_slice %arg9[%dma_start3A_99, %dma_start3A_100] : memref<2x128xi32, #tpu.memory_space<vmem>> -> memref<1x128xi32, #tpu.memory_space<vmem>>
    %dma_start3A_102 = tpu.memref_squeeze %dma_start3A_101 : memref<1x128xi32, #tpu.memory_space<vmem>> -> memref<128xi32, #tpu.memory_space<vmem>>
    %dma_start3A_103 = arith.constant 0 : i32
    %dma_start3A_104 = tpu.memref_slice %arg5[%add3A_98, %dma_start3A_103] : memref<2560x128xi32, #tpu.memory_space<hbm>> -> memref<1x128xi32, #tpu.memory_space<hbm>>
    %dma_start3A_105 = tpu.memref_squeeze %dma_start3A_104 : memref<1x128xi32, #tpu.memory_space<hbm>> -> memref<128xi32, #tpu.memory_space<hbm>>
    %dma_start3A_106 = arith.constant 0 : i32
    %dma_start3A_107 = tpu.memref_slice %arg9[%dma_start3A_99, %dma_start3A_106] : memref<2x128xi32, #tpu.memory_space<vmem>> -> memref<1x128xi32, #tpu.memory_space<vmem>>
    %dma_start3A_108 = tpu.memref_squeeze %dma_start3A_107 : memref<1x128xi32, #tpu.memory_space<vmem>> -> memref<128xi32, #tpu.memory_space<vmem>>
    %dma_start3A_109 = arith.constant 0 : i32
    %dma_start3A_110 = tpu.memref_slice %arg5[%add3A_98, %dma_start3A_109] : memref<2560x128xi32, #tpu.memory_space<hbm>> -> memref<1x128xi32, #tpu.memory_space<hbm>>
    %dma_start3A_111 = tpu.memref_squeeze %dma_start3A_110 : memref<1x128xi32, #tpu.memory_space<hbm>> -> memref<128xi32, #tpu.memory_space<hbm>>
    tpu.enqueue_dma source(%dma_start3A_111 : memref<128xi32, #tpu.memory_space<hbm>>) target(%dma_start3A_108 : memref<128xi32, #tpu.memory_space<vmem>>) target_semaphore(%arg16 : memref<!tpu.dma_semaphore, #tpu.memory_space<semaphore_mem>>)
    %add3A_112 = arith.constant 0 : i32
    %add3A_113 = arith.addi %mul3A_2, %add3A_112 : i32
    %dma_wait3A_114 = arith.constant 0 : i32
    %dma_wait3A_115 = arith.constant 0 : i32
    %dma_wait3A_116 = tpu.memref_slice %arg9[%dma_wait3A_114, %dma_wait3A_115] : memref<2x128xi32, #tpu.memory_space<vmem>> -> memref<1x128xi32, #tpu.memory_space<vmem>>
    %dma_wait3A_117 = tpu.memref_squeeze %dma_wait3A_116 : memref<1x128xi32, #tpu.memory_space<vmem>> -> memref<128xi32, #tpu.memory_space<vmem>>
    %dma_wait3A_118 = arith.constant 0 : i32
    %dma_wait3A_119 = tpu.memref_slice %arg5[%add3A_113, %dma_wait3A_118] : memref<2560x128xi32, #tpu.memory_space<hbm>> -> memref<1x128xi32, #tpu.memory_space<hbm>>
    %dma_wait3A_120 = tpu.memref_squeeze %dma_wait3A_119 : memref<1x128xi32, #tpu.memory_space<hbm>> -> memref<128xi32, #tpu.memory_space<hbm>>
    %dma_wait3A_121 = arith.constant 0 : i32
    %dma_wait3A_122 = tpu.memref_slice %arg9[%dma_wait3A_114, %dma_wait3A_121] : memref<2x128xi32, #tpu.memory_space<vmem>> -> memref<1x128xi32, #tpu.memory_space<vmem>>
    %dma_wait3A_123 = tpu.memref_squeeze %dma_wait3A_122 : memref<1x128xi32, #tpu.memory_space<vmem>> -> memref<128xi32, #tpu.memory_space<vmem>>
    %dma_wait3A_124 = arith.constant 0 : i32
    %dma_wait3A_125 = tpu.memref_slice %arg5[%add3A_113, %dma_wait3A_124] : memref<2560x128xi32, #tpu.memory_space<hbm>> -> memref<1x128xi32, #tpu.memory_space<hbm>>
    %dma_wait3A_126 = tpu.memref_squeeze %dma_wait3A_125 : memref<1x128xi32, #tpu.memory_space<hbm>> -> memref<128xi32, #tpu.memory_space<hbm>>
    tpu.wait_dma2 semaphore(%arg15 : memref<!tpu.dma_semaphore, #tpu.memory_space<semaphore_mem>>) src(%dma_wait3A_126 : memref<128xi32, #tpu.memory_space<hbm>>) dst(%dma_wait3A_123 : memref<128xi32, #tpu.memory_space<vmem>>)
    %dma_start3A_127 = arith.constant 0 : i32
    %dma_start3A_128 = arith.constant 0 : i32
    %dma_start3A_129 = tpu.memref_slice %arg9[%dma_start3A_127, %dma_start3A_128] : memref<2x128xi32, #tpu.memory_space<vmem>> -> memref<1x128xi32, #tpu.memory_space<vmem>>
    %dma_start3A_130 = tpu.memref_squeeze %dma_start3A_129 : memref<1x128xi32, #tpu.memory_space<vmem>> -> memref<128xi32, #tpu.memory_space<vmem>>
    %dma_start3A_131 = arith.constant 0 : i32
    %dma_start3A_132 = arith.constant 0 : i32
    %dma_start3A_133 = tpu.memref_slice %arg3[%dma_start3A_131, %dma_start3A_132] : memref<10240x128xf32, #tpu.memory_space<hbm>> -> memref<10240x128xf32, #tpu.memory_space<hbm>>
    tpu.enqueue_indirect_dma source(%dma_start3A_133 : memref<10240x128xf32, #tpu.memory_space<hbm>>) target(%arg11 : memref<128x128xf32, #tpu.memory_space<vmem>>) offsets(%dma_start3A_130 : memref<128xi32, #tpu.memory_space<vmem>>) semaphore(%arg13 : memref<!tpu.dma_semaphore, #tpu.memory_space<semaphore_mem>>)
    %scan3A_134 = arith.constant 0 : i32
    %scan3A_135 = arith.constant 0 : i32
    %scan3A_136 = arith.constant 40 : i32
    %scan3A_137 = arith.addi %scan3A_135, %scan3A_136 : i32
    %scan3A_138 = arith.constant 1 : i32
    scf.for %scan3A_241 = %scan3A_135 to %scan3A_137 step %scan3A_138  : i32 {
      %mul3A_242 = arith.constant 2 : i32
      %mul3A_243 = arith.muli %mul3A_242, %scan3A_241 : i32
      %add3A_244 = arith.constant 1 : i32
      %add3A_245 = arith.addi %mul3A_243, %add3A_244 : i32
      %add3A_246 = arith.addi %mul3A_2, %add3A_245 : i32
      %dma_wait3A_247 = arith.constant 1 : i32
      %dma_wait3A_248 = arith.constant 0 : i32
      %dma_wait3A_249 = tpu.memref_slice %arg9[%dma_wait3A_247, %dma_wait3A_248] : memref<2x128xi32, #tpu.memory_space<vmem>> -> memref<1x128xi32, #tpu.memory_space<vmem>>
      %dma_wait3A_250 = tpu.memref_squeeze %dma_wait3A_249 : memref<1x128xi32, #tpu.memory_space<vmem>> -> memref<128xi32, #tpu.memory_space<vmem>>
      %dma_wait3A_251 = arith.constant 0 : i32
      %dma_wait3A_252 = tpu.memref_slice %arg5[%add3A_246, %dma_wait3A_251] : memref<2560x128xi32, #tpu.memory_space<hbm>> -> memref<1x128xi32, #tpu.memory_space<hbm>>
      %dma_wait3A_253 = tpu.memref_squeeze %dma_wait3A_252 : memref<1x128xi32, #tpu.memory_space<hbm>> -> memref<128xi32, #tpu.memory_space<hbm>>
      %dma_wait3A_254 = arith.constant 0 : i32
      %dma_wait3A_255 = tpu.memref_slice %arg9[%dma_wait3A_247, %dma_wait3A_254] : memref<2x128xi32, #tpu.memory_space<vmem>> -> memref<1x128xi32, #tpu.memory_space<vmem>>
      %dma_wait3A_256 = tpu.memref_squeeze %dma_wait3A_255 : memref<1x128xi32, #tpu.memory_space<vmem>> -> memref<128xi32, #tpu.memory_space<vmem>>
      %dma_wait3A_257 = arith.constant 0 : i32
      %dma_wait3A_258 = tpu.memref_slice %arg5[%add3A_246, %dma_wait3A_257] : memref<2560x128xi32, #tpu.memory_space<hbm>> -> memref<1x128xi32, #tpu.memory_space<hbm>>
      %dma_wait3A_259 = tpu.memref_squeeze %dma_wait3A_258 : memref<1x128xi32, #tpu.memory_space<hbm>> -> memref<128xi32, #tpu.memory_space<hbm>>
      tpu.wait_dma2 semaphore(%arg16 : memref<!tpu.dma_semaphore, #tpu.memory_space<semaphore_mem>>) src(%dma_wait3A_259 : memref<128xi32, #tpu.memory_space<hbm>>) dst(%dma_wait3A_256 : memref<128xi32, #tpu.memory_space<vmem>>)
      %gt3A = arith.constant 0 : i32
      %gt3A_260 = arith.cmpi sgt, %mul3A_243, %gt3A : i32
      %convert_element_type3A = arith.extui %gt3A_260 : i1 to i32
      %cond3A = arith.constant 0 : i32
      %cond3A_261 = arith.cmpi ne, %convert_element_type3A, %cond3A : i32
      scf.if %cond3A_261 {
        %sub3A = arith.constant 1 : i32
        %sub3A_321 = arith.subi %mul3A_243, %sub3A : i32
        %dma_wait3A_322 = arith.constant 0 : i32
        %dma_wait3A_323 = tpu.memref_slice %arg10[%sub3A_321, %dma_wait3A_322] : memref<80x128xi32, #tpu.memory_space<vmem>> -> memref<1x128xi32, #tpu.memory_space<vmem>>
        %dma_wait3A_324 = tpu.memref_squeeze %dma_wait3A_323 : memref<1x128xi32, #tpu.memory_space<vmem>> -> memref<128xi32, #tpu.memory_space<vmem>>
        %dma_wait3A_325 = arith.constant 0 : i32
        %dma_wait3A_326 = arith.constant 0 : i32
        %dma_wait3A_327 = tpu.memref_slice %arg19[%dma_wait3A_325, %dma_wait3A_326] : memref<10240x128xf32, #tpu.memory_space<vmem_shared>> -> memref<10240x128xf32, #tpu.memory_space<vmem_shared>>
        tpu.wait_indirect_dma semaphore(%arg18 : memref<!tpu.dma_semaphore, #tpu.memory_space<semaphore_mem>>) src(%arg12 : memref<128x128xf32, #tpu.memory_space<vmem>>) dst(%dma_wait3A_327 : memref<10240x128xf32, #tpu.memory_space<vmem_shared>>)
      } else {
      }
      %add3A_262 = arith.constant 1 : i32
      %add3A_263 = arith.addi %mul3A_243, %add3A_262 : i32
      %dma_start3A_264 = arith.constant 1 : i32
      %dma_start3A_265 = arith.constant 0 : i32
      %dma_start3A_266 = tpu.memref_slice %arg9[%dma_start3A_264, %dma_start3A_265] : memref<2x128xi32, #tpu.memory_space<vmem>> -> memref<1x128xi32, #tpu.memory_space<vmem>>
      %dma_start3A_267 = tpu.memref_squeeze %dma_start3A_266 : memref<1x128xi32, #tpu.memory_space<vmem>> -> memref<128xi32, #tpu.memory_space<vmem>>
      %dma_start3A_268 = arith.constant 0 : i32
      %dma_start3A_269 = arith.constant 0 : i32
      %dma_start3A_270 = tpu.memref_slice %arg3[%dma_start3A_268, %dma_start3A_269] : memref<10240x128xf32, #tpu.memory_space<hbm>> -> memref<10240x128xf32, #tpu.memory_space<hbm>>
      tpu.enqueue_indirect_dma source(%dma_start3A_270 : memref<10240x128xf32, #tpu.memory_space<hbm>>) target(%arg12 : memref<128x128xf32, #tpu.memory_space<vmem>>) offsets(%dma_start3A_267 : memref<128xi32, #tpu.memory_space<vmem>>) semaphore(%arg14 : memref<!tpu.dma_semaphore, #tpu.memory_space<semaphore_mem>>)
      %dma_wait3A_271 = arith.constant 0 : i32
      %dma_wait3A_272 = arith.constant 0 : i32
      %dma_wait3A_273 = tpu.memref_slice %arg9[%dma_wait3A_271, %dma_wait3A_272] : memref<2x128xi32, #tpu.memory_space<vmem>> -> memref<1x128xi32, #tpu.memory_space<vmem>>
      %dma_wait3A_274 = tpu.memref_squeeze %dma_wait3A_273 : memref<1x128xi32, #tpu.memory_space<vmem>> -> memref<128xi32, #tpu.memory_space<vmem>>
      %dma_wait3A_275 = arith.constant 0 : i32
      %dma_wait3A_276 = arith.constant 0 : i32
      %dma_wait3A_277 = tpu.memref_slice %arg3[%dma_wait3A_275, %dma_wait3A_276] : memref<10240x128xf32, #tpu.memory_space<hbm>> -> memref<10240x128xf32, #tpu.memory_space<hbm>>
      tpu.wait_indirect_dma semaphore(%arg13 : memref<!tpu.dma_semaphore, #tpu.memory_space<semaphore_mem>>) src(%dma_wait3A_277 : memref<10240x128xf32, #tpu.memory_space<hbm>>) dst(%arg11 : memref<128x128xf32, #tpu.memory_space<vmem>>)
      %dma_start3A_278 = arith.constant 0 : i32
      %dma_start3A_279 = tpu.memref_slice %arg10[%mul3A_243, %dma_start3A_278] : memref<80x128xi32, #tpu.memory_space<vmem>> -> memref<1x128xi32, #tpu.memory_space<vmem>>
      %dma_start3A_280 = tpu.memref_squeeze %dma_start3A_279 : memref<1x128xi32, #tpu.memory_space<vmem>> -> memref<128xi32, #tpu.memory_space<vmem>>
      %dma_start3A_281 = arith.constant 0 : i32
      %dma_start3A_282 = arith.constant 0 : i32
      %dma_start3A_283 = tpu.memref_slice %arg19[%dma_start3A_281, %dma_start3A_282] : memref<10240x128xf32, #tpu.memory_space<vmem_shared>> -> memref<10240x128xf32, #tpu.memory_space<vmem_shared>>
      tpu.enqueue_indirect_dma source(%arg11 : memref<128x128xf32, #tpu.memory_space<vmem>>) target(%dma_start3A_283 : memref<10240x128xf32, #tpu.memory_space<vmem_shared>>) offsets(%dma_start3A_280 : memref<128xi32, #tpu.memory_space<vmem>>) semaphore(%arg17 : memref<!tpu.dma_semaphore, #tpu.memory_space<semaphore_mem>>) {add = true}
      %add3A_284 = arith.constant 2 : i32
      %add3A_285 = arith.addi %mul3A_243, %add3A_284 : i32
      %lt3A = arith.constant 80 : i32
      %lt3A_286 = arith.cmpi slt, %add3A_285, %lt3A : i32
      %convert_element_type3A_287 = arith.extui %lt3A_286 : i1 to i32
      %cond3A_288 = arith.constant 0 : i32
      %cond3A_289 = arith.cmpi ne, %convert_element_type3A_287, %cond3A_288 : i32
      scf.if %cond3A_289 {
        %add3A_321 = arith.constant 2 : i32
        %add3A_322 = arith.addi %mul3A_243, %add3A_321 : i32
        %add3A_323 = arith.addi %mul3A_2, %add3A_322 : i32
        %dma_start3A_324 = arith.constant 0 : i32
        %dma_start3A_325 = arith.constant 0 : i32
        %dma_start3A_326 = tpu.memref_slice %arg9[%dma_start3A_324, %dma_start3A_325] : memref<2x128xi32, #tpu.memory_space<vmem>> -> memref<1x128xi32, #tpu.memory_space<vmem>>
        %dma_start3A_327 = tpu.memref_squeeze %dma_start3A_326 : memref<1x128xi32, #tpu.memory_space<vmem>> -> memref<128xi32, #tpu.memory_space<vmem>>
        %dma_start3A_328 = arith.constant 0 : i32
        %dma_start3A_329 = tpu.memref_slice %arg5[%add3A_323, %dma_start3A_328] : memref<2560x128xi32, #tpu.memory_space<hbm>> -> memref<1x128xi32, #tpu.memory_space<hbm>>
        %dma_start3A_330 = tpu.memref_squeeze %dma_start3A_329 : memref<1x128xi32, #tpu.memory_space<hbm>> -> memref<128xi32, #tpu.memory_space<hbm>>
        %dma_start3A_331 = arith.constant 0 : i32
        %dma_start3A_332 = tpu.memref_slice %arg9[%dma_start3A_324, %dma_start3A_331] : memref<2x128xi32, #tpu.memory_space<vmem>> -> memref<1x128xi32, #tpu.memory_space<vmem>>
        %dma_start3A_333 = tpu.memref_squeeze %dma_start3A_332 : memref<1x128xi32, #tpu.memory_space<vmem>> -> memref<128xi32, #tpu.memory_space<vmem>>
        %dma_start3A_334 = arith.constant 0 : i32
        %dma_start3A_335 = tpu.memref_slice %arg5[%add3A_323, %dma_start3A_334] : memref<2560x128xi32, #tpu.memory_space<hbm>> -> memref<1x128xi32, #tpu.memory_space<hbm>>
        %dma_start3A_336 = tpu.memref_squeeze %dma_start3A_335 : memref<1x128xi32, #tpu.memory_space<hbm>> -> memref<128xi32, #tpu.memory_space<hbm>>
        tpu.enqueue_dma source(%dma_start3A_336 : memref<128xi32, #tpu.memory_space<hbm>>) target(%dma_start3A_333 : memref<128xi32, #tpu.memory_space<vmem>>) target_semaphore(%arg15 : memref<!tpu.dma_semaphore, #tpu.memory_space<semaphore_mem>>)
      } else {
      }
      %mul3A_290 = arith.constant 2 : i32
      %mul3A_291 = arith.muli %mul3A_290, %scan3A_241 : i32
      %add3A_292 = arith.constant 1 : i32
      %add3A_293 = arith.addi %mul3A_291, %add3A_292 : i32
      %add3A_294 = arith.constant 1 : i32
      %add3A_295 = arith.addi %add3A_293, %add3A_294 : i32
      %lt3A_296 = arith.constant 80 : i32
      %lt3A_297 = arith.cmpi slt, %add3A_295, %lt3A_296 : i32
      %convert_element_type3A_298 = arith.extui %lt3A_297 : i1 to i32
      %cond3A_299 = arith.constant 0 : i32
      %cond3A_300 = arith.cmpi ne, %convert_element_type3A_298, %cond3A_299 : i32
      scf.if %cond3A_300 {
        %add3A_321 = arith.constant 1 : i32
        %add3A_322 = arith.addi %add3A_293, %add3A_321 : i32
        %add3A_323 = arith.addi %mul3A_2, %add3A_322 : i32
        %dma_wait3A_324 = arith.constant 0 : i32
        %dma_wait3A_325 = arith.constant 0 : i32
        %dma_wait3A_326 = tpu.memref_slice %arg9[%dma_wait3A_324, %dma_wait3A_325] : memref<2x128xi32, #tpu.memory_space<vmem>> -> memref<1x128xi32, #tpu.memory_space<vmem>>
        %dma_wait3A_327 = tpu.memref_squeeze %dma_wait3A_326 : memref<1x128xi32, #tpu.memory_space<vmem>> -> memref<128xi32, #tpu.memory_space<vmem>>
        %dma_wait3A_328 = arith.constant 0 : i32
        %dma_wait3A_329 = tpu.memref_slice %arg5[%add3A_323, %dma_wait3A_328] : memref<2560x128xi32, #tpu.memory_space<hbm>> -> memref<1x128xi32, #tpu.memory_space<hbm>>
        %dma_wait3A_330 = tpu.memref_squeeze %dma_wait3A_329 : memref<1x128xi32, #tpu.memory_space<hbm>> -> memref<128xi32, #tpu.memory_space<hbm>>
        %dma_wait3A_331 = arith.constant 0 : i32
        %dma_wait3A_332 = tpu.memref_slice %arg9[%dma_wait3A_324, %dma_wait3A_331] : memref<2x128xi32, #tpu.memory_space<vmem>> -> memref<1x128xi32, #tpu.memory_space<vmem>>
        %dma_wait3A_333 = tpu.memref_squeeze %dma_wait3A_332 : memref<1x128xi32, #tpu.memory_space<vmem>> -> memref<128xi32, #tpu.memory_space<vmem>>
        %dma_wait3A_334 = arith.constant 0 : i32
        %dma_wait3A_335 = tpu.memref_slice %arg5[%add3A_323, %dma_wait3A_334] : memref<2560x128xi32, #tpu.memory_space<hbm>> -> memref<1x128xi32, #tpu.memory_space<hbm>>
        %dma_wait3A_336 = tpu.memref_squeeze %dma_wait3A_335 : memref<1x128xi32, #tpu.memory_space<hbm>> -> memref<128xi32, #tpu.memory_space<hbm>>
        tpu.wait_dma2 semaphore(%arg15 : memref<!tpu.dma_semaphore, #tpu.memory_space<semaphore_mem>>) src(%dma_wait3A_336 : memref<128xi32, #tpu.memory_space<hbm>>) dst(%dma_wait3A_333 : memref<128xi32, #tpu.memory_space<vmem>>)
        %sub3A = arith.constant 1 : i32
        %sub3A_337 = arith.subi %add3A_293, %sub3A : i32
        %dma_wait3A_338 = arith.constant 0 : i32
        %dma_wait3A_339 = tpu.memref_slice %arg10[%sub3A_337, %dma_wait3A_338] : memref<80x128xi32, #tpu.memory_space<vmem>> -> memref<1x128xi32, #tpu.memory_space<vmem>>
        %dma_wait3A_340 = tpu.memref_squeeze %dma_wait3A_339 : memref<1x128xi32, #tpu.memory_space<vmem>> -> memref<128xi32, #tpu.memory_space<vmem>>
        %dma_wait3A_341 = arith.constant 0 : i32
        %dma_wait3A_342 = arith.constant 0 : i32
        %dma_wait3A_343 = tpu.memref_slice %arg19[%dma_wait3A_341, %dma_wait3A_342] : memref<10240x128xf32, #tpu.memory_space<vmem_shared>> -> memref<10240x128xf32, #tpu.memory_space<vmem_shared>>
        tpu.wait_indirect_dma semaphore(%arg17 : memref<!tpu.dma_semaphore, #tpu.memory_space<semaphore_mem>>) src(%arg11 : memref<128x128xf32, #tpu.memory_space<vmem>>) dst(%dma_wait3A_343 : memref<10240x128xf32, #tpu.memory_space<vmem_shared>>)
        %add3A_344 = arith.constant 1 : i32
        %add3A_345 = arith.addi %add3A_293, %add3A_344 : i32
        %dma_start3A_346 = arith.constant 0 : i32
        %dma_start3A_347 = arith.constant 0 : i32
        %dma_start3A_348 = tpu.memref_slice %arg9[%dma_start3A_346, %dma_start3A_347] : memref<2x128xi32, #tpu.memory_space<vmem>> -> memref<1x128xi32, #tpu.memory_space<vmem>>
        %dma_start3A_349 = tpu.memref_squeeze %dma_start3A_348 : memref<1x128xi32, #tpu.memory_space<vmem>> -> memref<128xi32, #tpu.memory_space<vmem>>
        %dma_start3A_350 = arith.constant 0 : i32
        %dma_start3A_351 = arith.constant 0 : i32
        %dma_start3A_352 = tpu.memref_slice %arg3[%dma_start3A_350, %dma_start3A_351] : memref<10240x128xf32, #tpu.memory_space<hbm>> -> memref<10240x128xf32, #tpu.memory_space<hbm>>
        tpu.enqueue_indirect_dma source(%dma_start3A_352 : memref<10240x128xf32, #tpu.memory_space<hbm>>) target(%arg11 : memref<128x128xf32, #tpu.memory_space<vmem>>) offsets(%dma_start3A_349 : memref<128xi32, #tpu.memory_space<vmem>>) semaphore(%arg13 : memref<!tpu.dma_semaphore, #tpu.memory_space<semaphore_mem>>)
      } else {
      }
      %dma_wait3A_301 = arith.constant 1 : i32
      %dma_wait3A_302 = arith.constant 0 : i32
      %dma_wait3A_303 = tpu.memref_slice %arg9[%dma_wait3A_301, %dma_wait3A_302] : memref<2x128xi32, #tpu.memory_space<vmem>> -> memref<1x128xi32, #tpu.memory_space<vmem>>
      %dma_wait3A_304 = tpu.memref_squeeze %dma_wait3A_303 : memref<1x128xi32, #tpu.memory_space<vmem>> -> memref<128xi32, #tpu.memory_space<vmem>>
      %dma_wait3A_305 = arith.constant 0 : i32
      %dma_wait3A_306 = arith.constant 0 : i32
      %dma_wait3A_307 = tpu.memref_slice %arg3[%dma_wait3A_305, %dma_wait3A_306] : memref<10240x128xf32, #tpu.memory_space<hbm>> -> memref<10240x128xf32, #tpu.memory_space<hbm>>
      tpu.wait_indirect_dma semaphore(%arg14 : memref<!tpu.dma_semaphore, #tpu.memory_space<semaphore_mem>>) src(%dma_wait3A_307 : memref<10240x128xf32, #tpu.memory_space<hbm>>) dst(%arg12 : memref<128x128xf32, #tpu.memory_space<vmem>>)
      %dma_start3A_308 = arith.constant 0 : i32
      %dma_start3A_309 = tpu.memref_slice %arg10[%add3A_293, %dma_start3A_308] : memref<80x128xi32, #tpu.memory_space<vmem>> -> memref<1x128xi32, #tpu.memory_space<vmem>>
      %dma_start3A_310 = tpu.memref_squeeze %dma_start3A_309 : memref<1x128xi32, #tpu.memory_space<vmem>> -> memref<128xi32, #tpu.memory_space<vmem>>
      %dma_start3A_311 = arith.constant 0 : i32
      %dma_start3A_312 = arith.constant 0 : i32
      %dma_start3A_313 = tpu.memref_slice %arg19[%dma_start3A_311, %dma_start3A_312] : memref<10240x128xf32, #tpu.memory_space<vmem_shared>> -> memref<10240x128xf32, #tpu.memory_space<vmem_shared>>
      tpu.enqueue_indirect_dma source(%arg12 : memref<128x128xf32, #tpu.memory_space<vmem>>) target(%dma_start3A_313 : memref<10240x128xf32, #tpu.memory_space<vmem_shared>>) offsets(%dma_start3A_310 : memref<128xi32, #tpu.memory_space<vmem>>) semaphore(%arg18 : memref<!tpu.dma_semaphore, #tpu.memory_space<semaphore_mem>>) {add = true}
      %add3A_314 = arith.constant 2 : i32
      %add3A_315 = arith.addi %add3A_293, %add3A_314 : i32
      %lt3A_316 = arith.constant 80 : i32
      %lt3A_317 = arith.cmpi slt, %add3A_315, %lt3A_316 : i32
      %convert_element_type3A_318 = arith.extui %lt3A_317 : i1 to i32
      %cond3A_319 = arith.constant 0 : i32
      %cond3A_320 = arith.cmpi ne, %convert_element_type3A_318, %cond3A_319 : i32
      scf.if %cond3A_320 {
        %add3A_321 = arith.constant 2 : i32
        %add3A_322 = arith.addi %add3A_293, %add3A_321 : i32
        %add3A_323 = arith.addi %mul3A_2, %add3A_322 : i32
        %dma_start3A_324 = arith.constant 1 : i32
        %dma_start3A_325 = arith.constant 0 : i32
        %dma_start3A_326 = tpu.memref_slice %arg9[%dma_start3A_324, %dma_start3A_325] : memref<2x128xi32, #tpu.memory_space<vmem>> -> memref<1x128xi32, #tpu.memory_space<vmem>>
        %dma_start3A_327 = tpu.memref_squeeze %dma_start3A_326 : memref<1x128xi32, #tpu.memory_space<vmem>> -> memref<128xi32, #tpu.memory_space<vmem>>
        %dma_start3A_328 = arith.constant 0 : i32
        %dma_start3A_329 = tpu.memref_slice %arg5[%add3A_323, %dma_start3A_328] : memref<2560x128xi32, #tpu.memory_space<hbm>> -> memref<1x128xi32, #tpu.memory_space<hbm>>
        %dma_start3A_330 = tpu.memref_squeeze %dma_start3A_329 : memref<1x128xi32, #tpu.memory_space<hbm>> -> memref<128xi32, #tpu.memory_space<hbm>>
        %dma_start3A_331 = arith.constant 0 : i32
        %dma_start3A_332 = tpu.memref_slice %arg9[%dma_start3A_324, %dma_start3A_331] : memref<2x128xi32, #tpu.memory_space<vmem>> -> memref<1x128xi32, #tpu.memory_space<vmem>>
        %dma_start3A_333 = tpu.memref_squeeze %dma_start3A_332 : memref<1x128xi32, #tpu.memory_space<vmem>> -> memref<128xi32, #tpu.memory_space<vmem>>
        %dma_start3A_334 = arith.constant 0 : i32
        %dma_start3A_335 = tpu.memref_slice %arg5[%add3A_323, %dma_start3A_334] : memref<2560x128xi32, #tpu.memory_space<hbm>> -> memref<1x128xi32, #tpu.memory_space<hbm>>
        %dma_start3A_336 = tpu.memref_squeeze %dma_start3A_335 : memref<1x128xi32, #tpu.memory_space<hbm>> -> memref<128xi32, #tpu.memory_space<hbm>>
        tpu.enqueue_dma source(%dma_start3A_336 : memref<128xi32, #tpu.memory_space<hbm>>) target(%dma_start3A_333 : memref<128xi32, #tpu.memory_space<vmem>>) target_semaphore(%arg16 : memref<!tpu.dma_semaphore, #tpu.memory_space<semaphore_mem>>)
      } else {
      }
    }
    %scan3A_139 = arith.constant 40 : i32
    %dma_wait3A_140 = arith.constant 78 : i32
    %dma_wait3A_141 = arith.constant 0 : i32
    %dma_wait3A_142 = tpu.memref_slice %arg10[%dma_wait3A_140, %dma_wait3A_141] : memref<80x128xi32, #tpu.memory_space<vmem>> -> memref<1x128xi32, #tpu.memory_space<vmem>>
    %dma_wait3A_143 = tpu.memref_squeeze %dma_wait3A_142 : memref<1x128xi32, #tpu.memory_space<vmem>> -> memref<128xi32, #tpu.memory_space<vmem>>
    %dma_wait3A_144 = arith.constant 0 : i32
    %dma_wait3A_145 = arith.constant 0 : i32
    %dma_wait3A_146 = tpu.memref_slice %arg19[%dma_wait3A_144, %dma_wait3A_145] : memref<10240x128xf32, #tpu.memory_space<vmem_shared>> -> memref<10240x128xf32, #tpu.memory_space<vmem_shared>>
    tpu.wait_indirect_dma semaphore(%arg17 : memref<!tpu.dma_semaphore, #tpu.memory_space<semaphore_mem>>) src(%arg11 : memref<128x128xf32, #tpu.memory_space<vmem>>) dst(%dma_wait3A_146 : memref<10240x128xf32, #tpu.memory_space<vmem_shared>>)
    %dma_wait3A_147 = arith.constant 79 : i32
    %dma_wait3A_148 = arith.constant 0 : i32
    %dma_wait3A_149 = tpu.memref_slice %arg10[%dma_wait3A_147, %dma_wait3A_148] : memref<80x128xi32, #tpu.memory_space<vmem>> -> memref<1x128xi32, #tpu.memory_space<vmem>>
    %dma_wait3A_150 = tpu.memref_squeeze %dma_wait3A_149 : memref<1x128xi32, #tpu.memory_space<vmem>> -> memref<128xi32, #tpu.memory_space<vmem>>
    %dma_wait3A_151 = arith.constant 0 : i32
    %dma_wait3A_152 = arith.constant 0 : i32
    %dma_wait3A_153 = tpu.memref_slice %arg19[%dma_wait3A_151, %dma_wait3A_152] : memref<10240x128xf32, #tpu.memory_space<vmem_shared>> -> memref<10240x128xf32, #tpu.memory_space<vmem_shared>>
    tpu.wait_indirect_dma semaphore(%arg18 : memref<!tpu.dma_semaphore, #tpu.memory_space<semaphore_mem>>) src(%arg12 : memref<128x128xf32, #tpu.memory_space<vmem>>) dst(%dma_wait3A_153 : memref<10240x128xf32, #tpu.memory_space<vmem_shared>>)
    %barrier3A_154 = arith.constant 0 : index
    tpu.barrier barrier_id(%barrier3A_154)
    %mul3A_155 = arith.constant 640 : i32
    %mul3A_156 = arith.muli %arg1, %mul3A_155 : i32
    %mul3A_157 = arith.constant 640 : i32
    %mul3A_158 = arith.muli %arg1, %mul3A_157 : i32
    %run_scoped3A_159 = arith.constant 1 : i32
    "tpu.region"() ({
      %run_scoped3A_241 = tpu.sem_alloc : memref<!tpu.dma_semaphore, #tpu.memory_space<semaphore_mem>>
      %dma_start3A_242 = arith.constant 0 : i32
      %dma_start3A_243 = tpu.memref_slice %arg8[%run_scoped3A_159, %arg0, %mul3A_158, %dma_start3A_242] : memref<3x2x10240x128xf32, #tpu.memory_space<hbm>> -> memref<1x1x640x128xf32, #tpu.memory_space<hbm>>
      %dma_start3A_244 = tpu.memref_squeeze %dma_start3A_243 : memref<1x1x640x128xf32, #tpu.memory_space<hbm>> -> memref<640x128xf32, #tpu.memory_space<hbm>>
      %dma_start3A_245 = arith.constant 0 : i32
      %dma_start3A_246 = tpu.memref_slice %arg19[%mul3A_156, %dma_start3A_245] : memref<10240x128xf32, #tpu.memory_space<vmem_shared>> -> memref<640x128xf32, #tpu.memory_space<vmem_shared>>
      tpu.enqueue_dma source(%dma_start3A_246 : memref<640x128xf32, #tpu.memory_space<vmem_shared>>) target(%dma_start3A_244 : memref<640x128xf32, #tpu.memory_space<hbm>>) target_semaphore(%run_scoped3A_241 : memref<!tpu.dma_semaphore, #tpu.memory_space<semaphore_mem>>)
      %dma_wait3A_247 = arith.constant 0 : i32
      %dma_wait3A_248 = tpu.memref_slice %arg8[%run_scoped3A_159, %arg0, %mul3A_158, %dma_wait3A_247] : memref<3x2x10240x128xf32, #tpu.memory_space<hbm>> -> memref<1x1x640x128xf32, #tpu.memory_space<hbm>>
      %dma_wait3A_249 = tpu.memref_squeeze %dma_wait3A_248 : memref<1x1x640x128xf32, #tpu.memory_space<hbm>> -> memref<640x128xf32, #tpu.memory_space<hbm>>
      %dma_wait3A_250 = arith.constant 0 : i32
      %dma_wait3A_251 = tpu.memref_slice %arg19[%mul3A_156, %dma_wait3A_250] : memref<10240x128xf32, #tpu.memory_space<vmem_shared>> -> memref<640x128xf32, #tpu.memory_space<vmem_shared>>
      tpu.wait_dma2 semaphore(%run_scoped3A_241 : memref<!tpu.dma_semaphore, #tpu.memory_space<semaphore_mem>>) src(%dma_wait3A_251 : memref<640x128xf32, #tpu.memory_space<vmem_shared>>) dst(%dma_wait3A_249 : memref<640x128xf32, #tpu.memory_space<hbm>>)
      tpu.yield
    }) : () -> ()
    %mul3A_160 = arith.constant 640 : i32
    %mul3A_161 = arith.muli %arg1, %mul3A_160 : i32
    "tpu.region"() ({
      %run_scoped3A_241 = tpu.sem_alloc : memref<!tpu.dma_semaphore, #tpu.memory_space<semaphore_mem>>
      %dma_start3A_242 = arith.constant 0 : i32
      %dma_start3A_243 = tpu.memref_slice %arg19[%mul3A_161, %dma_start3A_242] : memref<10240x128xf32, #tpu.memory_space<vmem_shared>> -> memref<640x128xf32, #tpu.memory_space<vmem_shared>>
      tpu.enqueue_dma source(%arg7 : memref<640x128xf32, #tpu.memory_space<hbm>>) target(%dma_start3A_243 : memref<640x128xf32, #tpu.memory_space<vmem_shared>>) target_semaphore(%run_scoped3A_241 : memref<!tpu.dma_semaphore, #tpu.memory_space<semaphore_mem>>)
      %dma_wait3A_244 = arith.constant 0 : i32
      %dma_wait3A_245 = tpu.memref_slice %arg19[%mul3A_161, %dma_wait3A_244] : memref<10240x128xf32, #tpu.memory_space<vmem_shared>> -> memref<640x128xf32, #tpu.memory_space<vmem_shared>>
      tpu.wait_dma2 semaphore(%run_scoped3A_241 : memref<!tpu.dma_semaphore, #tpu.memory_space<semaphore_mem>>) src(%arg7 : memref<640x128xf32, #tpu.memory_space<hbm>>) dst(%dma_wait3A_245 : memref<640x128xf32, #tpu.memory_space<vmem_shared>>)
      tpu.yield
    }) : () -> ()
    %barrier3A_162 = arith.constant 0 : index
    tpu.barrier barrier_id(%barrier3A_162)
    %add3A_163 = arith.constant 0 : i32
    %add3A_164 = arith.addi %mul3A_2, %add3A_163 : i32
    %dma_start3A_165 = arith.constant 0 : i32
    %dma_start3A_166 = arith.constant 0 : i32
    %dma_start3A_167 = tpu.memref_slice %arg9[%dma_start3A_165, %dma_start3A_166] : memref<2x128xi32, #tpu.memory_space<vmem>> -> memref<1x128xi32, #tpu.memory_space<vmem>>
    %dma_start3A_168 = tpu.memref_squeeze %dma_start3A_167 : memref<1x128xi32, #tpu.memory_space<vmem>> -> memref<128xi32, #tpu.memory_space<vmem>>
    %dma_start3A_169 = arith.constant 0 : i32
    %dma_start3A_170 = tpu.memref_slice %arg5[%add3A_164, %dma_start3A_169] : memref<2560x128xi32, #tpu.memory_space<hbm>> -> memref<1x128xi32, #tpu.memory_space<hbm>>
    %dma_start3A_171 = tpu.memref_squeeze %dma_start3A_170 : memref<1x128xi32, #tpu.memory_space<hbm>> -> memref<128xi32, #tpu.memory_space<hbm>>
    %dma_start3A_172 = arith.constant 0 : i32
    %dma_start3A_173 = tpu.memref_slice %arg9[%dma_start3A_165, %dma_start3A_172] : memref<2x128xi32, #tpu.memory_space<vmem>> -> memref<1x128xi32, #tpu.memory_space<vmem>>
    %dma_start3A_174 = tpu.memref_squeeze %dma_start3A_173 : memref<1x128xi32, #tpu.memory_space<vmem>> -> memref<128xi32, #tpu.memory_space<vmem>>
    %dma_start3A_175 = arith.constant 0 : i32
    %dma_start3A_176 = tpu.memref_slice %arg5[%add3A_164, %dma_start3A_175] : memref<2560x128xi32, #tpu.memory_space<hbm>> -> memref<1x128xi32, #tpu.memory_space<hbm>>
    %dma_start3A_177 = tpu.memref_squeeze %dma_start3A_176 : memref<1x128xi32, #tpu.memory_space<hbm>> -> memref<128xi32, #tpu.memory_space<hbm>>
    tpu.enqueue_dma source(%dma_start3A_177 : memref<128xi32, #tpu.memory_space<hbm>>) target(%dma_start3A_174 : memref<128xi32, #tpu.memory_space<vmem>>) target_semaphore(%arg15 : memref<!tpu.dma_semaphore, #tpu.memory_space<semaphore_mem>>)
    %add3A_178 = arith.constant 1 : i32
    %add3A_179 = arith.addi %mul3A_2, %add3A_178 : i32
    %dma_start3A_180 = arith.constant 1 : i32
    %dma_start3A_181 = arith.constant 0 : i32
    %dma_start3A_182 = tpu.memref_slice %arg9[%dma_start3A_180, %dma_start3A_181] : memref<2x128xi32, #tpu.memory_space<vmem>> -> memref<1x128xi32, #tpu.memory_space<vmem>>
    %dma_start3A_183 = tpu.memref_squeeze %dma_start3A_182 : memref<1x128xi32, #tpu.memory_space<vmem>> -> memref<128xi32, #tpu.memory_space<vmem>>
    %dma_start3A_184 = arith.constant 0 : i32
    %dma_start3A_185 = tpu.memref_slice %arg5[%add3A_179, %dma_start3A_184] : memref<2560x128xi32, #tpu.memory_space<hbm>> -> memref<1x128xi32, #tpu.memory_space<hbm>>
    %dma_start3A_186 = tpu.memref_squeeze %dma_start3A_185 : memref<1x128xi32, #tpu.memory_space<hbm>> -> memref<128xi32, #tpu.memory_space<hbm>>
    %dma_start3A_187 = arith.constant 0 : i32
    %dma_start3A_188 = tpu.memref_slice %arg9[%dma_start3A_180, %dma_start3A_187] : memref<2x128xi32, #tpu.memory_space<vmem>> -> memref<1x128xi32, #tpu.memory_space<vmem>>
    %dma_start3A_189 = tpu.memref_squeeze %dma_start3A_188 : memref<1x128xi32, #tpu.memory_space<vmem>> -> memref<128xi32, #tpu.memory_space<vmem>>
    %dma_start3A_190 = arith.constant 0 : i32
    %dma_start3A_191 = tpu.memref_slice %arg5[%add3A_179, %dma_start3A_190] : memref<2560x128xi32, #tpu.memory_space<hbm>> -> memref<1x128xi32, #tpu.memory_space<hbm>>
    %dma_start3A_192 = tpu.memref_squeeze %dma_start3A_191 : memref<1x128xi32, #tpu.memory_space<hbm>> -> memref<128xi32, #tpu.memory_space<hbm>>
    tpu.enqueue_dma source(%dma_start3A_192 : memref<128xi32, #tpu.memory_space<hbm>>) target(%dma_start3A_189 : memref<128xi32, #tpu.memory_space<vmem>>) target_semaphore(%arg16 : memref<!tpu.dma_semaphore, #tpu.memory_space<semaphore_mem>>)
    %add3A_193 = arith.constant 0 : i32
    %add3A_194 = arith.addi %mul3A_2, %add3A_193 : i32
    %dma_wait3A_195 = arith.constant 0 : i32
    %dma_wait3A_196 = arith.constant 0 : i32
    %dma_wait3A_197 = tpu.memref_slice %arg9[%dma_wait3A_195, %dma_wait3A_196] : memref<2x128xi32, #tpu.memory_space<vmem>> -> memref<1x128xi32, #tpu.memory_space<vmem>>
    %dma_wait3A_198 = tpu.memref_squeeze %dma_wait3A_197 : memref<1x128xi32, #tpu.memory_space<vmem>> -> memref<128xi32, #tpu.memory_space<vmem>>
    %dma_wait3A_199 = arith.constant 0 : i32
    %dma_wait3A_200 = tpu.memref_slice %arg5[%add3A_194, %dma_wait3A_199] : memref<2560x128xi32, #tpu.memory_space<hbm>> -> memref<1x128xi32, #tpu.memory_space<hbm>>
    %dma_wait3A_201 = tpu.memref_squeeze %dma_wait3A_200 : memref<1x128xi32, #tpu.memory_space<hbm>> -> memref<128xi32, #tpu.memory_space<hbm>>
    %dma_wait3A_202 = arith.constant 0 : i32
    %dma_wait3A_203 = tpu.memref_slice %arg9[%dma_wait3A_195, %dma_wait3A_202] : memref<2x128xi32, #tpu.memory_space<vmem>> -> memref<1x128xi32, #tpu.memory_space<vmem>>
    %dma_wait3A_204 = tpu.memref_squeeze %dma_wait3A_203 : memref<1x128xi32, #tpu.memory_space<vmem>> -> memref<128xi32, #tpu.memory_space<vmem>>
    %dma_wait3A_205 = arith.constant 0 : i32
    %dma_wait3A_206 = tpu.memref_slice %arg5[%add3A_194, %dma_wait3A_205] : memref<2560x128xi32, #tpu.memory_space<hbm>> -> memref<1x128xi32, #tpu.memory_space<hbm>>
    %dma_wait3A_207 = tpu.memref_squeeze %dma_wait3A_206 : memref<1x128xi32, #tpu.memory_space<hbm>> -> memref<128xi32, #tpu.memory_space<hbm>>
    tpu.wait_dma2 semaphore(%arg15 : memref<!tpu.dma_semaphore, #tpu.memory_space<semaphore_mem>>) src(%dma_wait3A_207 : memref<128xi32, #tpu.memory_space<hbm>>) dst(%dma_wait3A_204 : memref<128xi32, #tpu.memory_space<vmem>>)
    %dma_start3A_208 = arith.constant 0 : i32
    %dma_start3A_209 = arith.constant 0 : i32
    %dma_start3A_210 = tpu.memref_slice %arg9[%dma_start3A_208, %dma_start3A_209] : memref<2x128xi32, #tpu.memory_space<vmem>> -> memref<1x128xi32, #tpu.memory_space<vmem>>
    %dma_start3A_211 = tpu.memref_squeeze %dma_start3A_210 : memref<1x128xi32, #tpu.memory_space<vmem>> -> memref<128xi32, #tpu.memory_space<vmem>>
    %dma_start3A_212 = arith.constant 0 : i32
    %dma_start3A_213 = arith.constant 0 : i32
    %dma_start3A_214 = tpu.memref_slice %arg4[%dma_start3A_212, %dma_start3A_213] : memref<10240x128xf32, #tpu.memory_space<hbm>> -> memref<10240x128xf32, #tpu.memory_space<hbm>>
    tpu.enqueue_indirect_dma source(%dma_start3A_214 : memref<10240x128xf32, #tpu.memory_space<hbm>>) target(%arg11 : memref<128x128xf32, #tpu.memory_space<vmem>>) offsets(%dma_start3A_211 : memref<128xi32, #tpu.memory_space<vmem>>) semaphore(%arg13 : memref<!tpu.dma_semaphore, #tpu.memory_space<semaphore_mem>>)
    %scan3A_215 = arith.constant 0 : i32
    %scan3A_216 = arith.constant 0 : i32
    %scan3A_217 = arith.constant 40 : i32
    %scan3A_218 = arith.addi %scan3A_216, %scan3A_217 : i32
    %scan3A_219 = arith.constant 1 : i32
    scf.for %scan3A_241 = %scan3A_216 to %scan3A_218 step %scan3A_219  : i32 {
      %mul3A_242 = arith.constant 2 : i32
      %mul3A_243 = arith.muli %mul3A_242, %scan3A_241 : i32
      %add3A_244 = arith.constant 1 : i32
      %add3A_245 = arith.addi %mul3A_243, %add3A_244 : i32
      %add3A_246 = arith.addi %mul3A_2, %add3A_245 : i32
      %dma_wait3A_247 = arith.constant 1 : i32
      %dma_wait3A_248 = arith.constant 0 : i32
      %dma_wait3A_249 = tpu.memref_slice %arg9[%dma_wait3A_247, %dma_wait3A_248] : memref<2x128xi32, #tpu.memory_space<vmem>> -> memref<1x128xi32, #tpu.memory_space<vmem>>
      %dma_wait3A_250 = tpu.memref_squeeze %dma_wait3A_249 : memref<1x128xi32, #tpu.memory_space<vmem>> -> memref<128xi32, #tpu.memory_space<vmem>>
      %dma_wait3A_251 = arith.constant 0 : i32
      %dma_wait3A_252 = tpu.memref_slice %arg5[%add3A_246, %dma_wait3A_251] : memref<2560x128xi32, #tpu.memory_space<hbm>> -> memref<1x128xi32, #tpu.memory_space<hbm>>
      %dma_wait3A_253 = tpu.memref_squeeze %dma_wait3A_252 : memref<1x128xi32, #tpu.memory_space<hbm>> -> memref<128xi32, #tpu.memory_space<hbm>>
      %dma_wait3A_254 = arith.constant 0 : i32
      %dma_wait3A_255 = tpu.memref_slice %arg9[%dma_wait3A_247, %dma_wait3A_254] : memref<2x128xi32, #tpu.memory_space<vmem>> -> memref<1x128xi32, #tpu.memory_space<vmem>>
      %dma_wait3A_256 = tpu.memref_squeeze %dma_wait3A_255 : memref<1x128xi32, #tpu.memory_space<vmem>> -> memref<128xi32, #tpu.memory_space<vmem>>
      %dma_wait3A_257 = arith.constant 0 : i32
      %dma_wait3A_258 = tpu.memref_slice %arg5[%add3A_246, %dma_wait3A_257] : memref<2560x128xi32, #tpu.memory_space<hbm>> -> memref<1x128xi32, #tpu.memory_space<hbm>>
      %dma_wait3A_259 = tpu.memref_squeeze %dma_wait3A_258 : memref<1x128xi32, #tpu.memory_space<hbm>> -> memref<128xi32, #tpu.memory_space<hbm>>
      tpu.wait_dma2 semaphore(%arg16 : memref<!tpu.dma_semaphore, #tpu.memory_space<semaphore_mem>>) src(%dma_wait3A_259 : memref<128xi32, #tpu.memory_space<hbm>>) dst(%dma_wait3A_256 : memref<128xi32, #tpu.memory_space<vmem>>)
      %gt3A = arith.constant 0 : i32
      %gt3A_260 = arith.cmpi sgt, %mul3A_243, %gt3A : i32
      %convert_element_type3A = arith.extui %gt3A_260 : i1 to i32
      %cond3A = arith.constant 0 : i32
      %cond3A_261 = arith.cmpi ne, %convert_element_type3A, %cond3A : i32
      scf.if %cond3A_261 {
        %sub3A = arith.constant 1 : i32
        %sub3A_321 = arith.subi %mul3A_243, %sub3A : i32
        %dma_wait3A_322 = arith.constant 0 : i32
        %dma_wait3A_323 = tpu.memref_slice %arg10[%sub3A_321, %dma_wait3A_322] : memref<80x128xi32, #tpu.memory_space<vmem>> -> memref<1x128xi32, #tpu.memory_space<vmem>>
        %dma_wait3A_324 = tpu.memref_squeeze %dma_wait3A_323 : memref<1x128xi32, #tpu.memory_space<vmem>> -> memref<128xi32, #tpu.memory_space<vmem>>
        %dma_wait3A_325 = arith.constant 0 : i32
        %dma_wait3A_326 = arith.constant 0 : i32
        %dma_wait3A_327 = tpu.memref_slice %arg19[%dma_wait3A_325, %dma_wait3A_326] : memref<10240x128xf32, #tpu.memory_space<vmem_shared>> -> memref<10240x128xf32, #tpu.memory_space<vmem_shared>>
        tpu.wait_indirect_dma semaphore(%arg18 : memref<!tpu.dma_semaphore, #tpu.memory_space<semaphore_mem>>) src(%arg12 : memref<128x128xf32, #tpu.memory_space<vmem>>) dst(%dma_wait3A_327 : memref<10240x128xf32, #tpu.memory_space<vmem_shared>>)
      } else {
      }
      %add3A_262 = arith.constant 1 : i32
      %add3A_263 = arith.addi %mul3A_243, %add3A_262 : i32
      %dma_start3A_264 = arith.constant 1 : i32
      %dma_start3A_265 = arith.constant 0 : i32
      %dma_start3A_266 = tpu.memref_slice %arg9[%dma_start3A_264, %dma_start3A_265] : memref<2x128xi32, #tpu.memory_space<vmem>> -> memref<1x128xi32, #tpu.memory_space<vmem>>
      %dma_start3A_267 = tpu.memref_squeeze %dma_start3A_266 : memref<1x128xi32, #tpu.memory_space<vmem>> -> memref<128xi32, #tpu.memory_space<vmem>>
      %dma_start3A_268 = arith.constant 0 : i32
      %dma_start3A_269 = arith.constant 0 : i32
      %dma_start3A_270 = tpu.memref_slice %arg4[%dma_start3A_268, %dma_start3A_269] : memref<10240x128xf32, #tpu.memory_space<hbm>> -> memref<10240x128xf32, #tpu.memory_space<hbm>>
      tpu.enqueue_indirect_dma source(%dma_start3A_270 : memref<10240x128xf32, #tpu.memory_space<hbm>>) target(%arg12 : memref<128x128xf32, #tpu.memory_space<vmem>>) offsets(%dma_start3A_267 : memref<128xi32, #tpu.memory_space<vmem>>) semaphore(%arg14 : memref<!tpu.dma_semaphore, #tpu.memory_space<semaphore_mem>>)
      %dma_wait3A_271 = arith.constant 0 : i32
      %dma_wait3A_272 = arith.constant 0 : i32
      %dma_wait3A_273 = tpu.memref_slice %arg9[%dma_wait3A_271, %dma_wait3A_272] : memref<2x128xi32, #tpu.memory_space<vmem>> -> memref<1x128xi32, #tpu.memory_space<vmem>>
      %dma_wait3A_274 = tpu.memref_squeeze %dma_wait3A_273 : memref<1x128xi32, #tpu.memory_space<vmem>> -> memref<128xi32, #tpu.memory_space<vmem>>
      %dma_wait3A_275 = arith.constant 0 : i32
      %dma_wait3A_276 = arith.constant 0 : i32
      %dma_wait3A_277 = tpu.memref_slice %arg4[%dma_wait3A_275, %dma_wait3A_276] : memref<10240x128xf32, #tpu.memory_space<hbm>> -> memref<10240x128xf32, #tpu.memory_space<hbm>>
      tpu.wait_indirect_dma semaphore(%arg13 : memref<!tpu.dma_semaphore, #tpu.memory_space<semaphore_mem>>) src(%dma_wait3A_277 : memref<10240x128xf32, #tpu.memory_space<hbm>>) dst(%arg11 : memref<128x128xf32, #tpu.memory_space<vmem>>)
      %dma_start3A_278 = arith.constant 0 : i32
      %dma_start3A_279 = tpu.memref_slice %arg10[%mul3A_243, %dma_start3A_278] : memref<80x128xi32, #tpu.memory_space<vmem>> -> memref<1x128xi32, #tpu.memory_space<vmem>>
      %dma_start3A_280 = tpu.memref_squeeze %dma_start3A_279 : memref<1x128xi32, #tpu.memory_space<vmem>> -> memref<128xi32, #tpu.memory_space<vmem>>
      %dma_start3A_281 = arith.constant 0 : i32
      %dma_start3A_282 = arith.constant 0 : i32
      %dma_start3A_283 = tpu.memref_slice %arg19[%dma_start3A_281, %dma_start3A_282] : memref<10240x128xf32, #tpu.memory_space<vmem_shared>> -> memref<10240x128xf32, #tpu.memory_space<vmem_shared>>
      tpu.enqueue_indirect_dma source(%arg11 : memref<128x128xf32, #tpu.memory_space<vmem>>) target(%dma_start3A_283 : memref<10240x128xf32, #tpu.memory_space<vmem_shared>>) offsets(%dma_start3A_280 : memref<128xi32, #tpu.memory_space<vmem>>) semaphore(%arg17 : memref<!tpu.dma_semaphore, #tpu.memory_space<semaphore_mem>>) {add = true}
      %add3A_284 = arith.constant 2 : i32
      %add3A_285 = arith.addi %mul3A_243, %add3A_284 : i32
      %lt3A = arith.constant 80 : i32
      %lt3A_286 = arith.cmpi slt, %add3A_285, %lt3A : i32
      %convert_element_type3A_287 = arith.extui %lt3A_286 : i1 to i32
      %cond3A_288 = arith.constant 0 : i32
      %cond3A_289 = arith.cmpi ne, %convert_element_type3A_287, %cond3A_288 : i32
      scf.if %cond3A_289 {
        %add3A_321 = arith.constant 2 : i32
        %add3A_322 = arith.addi %mul3A_243, %add3A_321 : i32
        %add3A_323 = arith.addi %mul3A_2, %add3A_322 : i32
        %dma_start3A_324 = arith.constant 0 : i32
        %dma_start3A_325 = arith.constant 0 : i32
        %dma_start3A_326 = tpu.memref_slice %arg9[%dma_start3A_324, %dma_start3A_325] : memref<2x128xi32, #tpu.memory_space<vmem>> -> memref<1x128xi32, #tpu.memory_space<vmem>>
        %dma_start3A_327 = tpu.memref_squeeze %dma_start3A_326 : memref<1x128xi32, #tpu.memory_space<vmem>> -> memref<128xi32, #tpu.memory_space<vmem>>
        %dma_start3A_328 = arith.constant 0 : i32
        %dma_start3A_329 = tpu.memref_slice %arg5[%add3A_323, %dma_start3A_328] : memref<2560x128xi32, #tpu.memory_space<hbm>> -> memref<1x128xi32, #tpu.memory_space<hbm>>
        %dma_start3A_330 = tpu.memref_squeeze %dma_start3A_329 : memref<1x128xi32, #tpu.memory_space<hbm>> -> memref<128xi32, #tpu.memory_space<hbm>>
        %dma_start3A_331 = arith.constant 0 : i32
        %dma_start3A_332 = tpu.memref_slice %arg9[%dma_start3A_324, %dma_start3A_331] : memref<2x128xi32, #tpu.memory_space<vmem>> -> memref<1x128xi32, #tpu.memory_space<vmem>>
        %dma_start3A_333 = tpu.memref_squeeze %dma_start3A_332 : memref<1x128xi32, #tpu.memory_space<vmem>> -> memref<128xi32, #tpu.memory_space<vmem>>
        %dma_start3A_334 = arith.constant 0 : i32
        %dma_start3A_335 = tpu.memref_slice %arg5[%add3A_323, %dma_start3A_334] : memref<2560x128xi32, #tpu.memory_space<hbm>> -> memref<1x128xi32, #tpu.memory_space<hbm>>
        %dma_start3A_336 = tpu.memref_squeeze %dma_start3A_335 : memref<1x128xi32, #tpu.memory_space<hbm>> -> memref<128xi32, #tpu.memory_space<hbm>>
        tpu.enqueue_dma source(%dma_start3A_336 : memref<128xi32, #tpu.memory_space<hbm>>) target(%dma_start3A_333 : memref<128xi32, #tpu.memory_space<vmem>>) target_semaphore(%arg15 : memref<!tpu.dma_semaphore, #tpu.memory_space<semaphore_mem>>)
      } else {
      }
      %mul3A_290 = arith.constant 2 : i32
      %mul3A_291 = arith.muli %mul3A_290, %scan3A_241 : i32
      %add3A_292 = arith.constant 1 : i32
      %add3A_293 = arith.addi %mul3A_291, %add3A_292 : i32
      %add3A_294 = arith.constant 1 : i32
      %add3A_295 = arith.addi %add3A_293, %add3A_294 : i32
      %lt3A_296 = arith.constant 80 : i32
      %lt3A_297 = arith.cmpi slt, %add3A_295, %lt3A_296 : i32
      %convert_element_type3A_298 = arith.extui %lt3A_297 : i1 to i32
      %cond3A_299 = arith.constant 0 : i32
      %cond3A_300 = arith.cmpi ne, %convert_element_type3A_298, %cond3A_299 : i32
      scf.if %cond3A_300 {
        %add3A_321 = arith.constant 1 : i32
        %add3A_322 = arith.addi %add3A_293, %add3A_321 : i32
        %add3A_323 = arith.addi %mul3A_2, %add3A_322 : i32
        %dma_wait3A_324 = arith.constant 0 : i32
        %dma_wait3A_325 = arith.constant 0 : i32
        %dma_wait3A_326 = tpu.memref_slice %arg9[%dma_wait3A_324, %dma_wait3A_325] : memref<2x128xi32, #tpu.memory_space<vmem>> -> memref<1x128xi32, #tpu.memory_space<vmem>>
        %dma_wait3A_327 = tpu.memref_squeeze %dma_wait3A_326 : memref<1x128xi32, #tpu.memory_space<vmem>> -> memref<128xi32, #tpu.memory_space<vmem>>
        %dma_wait3A_328 = arith.constant 0 : i32
        %dma_wait3A_329 = tpu.memref_slice %arg5[%add3A_323, %dma_wait3A_328] : memref<2560x128xi32, #tpu.memory_space<hbm>> -> memref<1x128xi32, #tpu.memory_space<hbm>>
        %dma_wait3A_330 = tpu.memref_squeeze %dma_wait3A_329 : memref<1x128xi32, #tpu.memory_space<hbm>> -> memref<128xi32, #tpu.memory_space<hbm>>
        %dma_wait3A_331 = arith.constant 0 : i32
        %dma_wait3A_332 = tpu.memref_slice %arg9[%dma_wait3A_324, %dma_wait3A_331] : memref<2x128xi32, #tpu.memory_space<vmem>> -> memref<1x128xi32, #tpu.memory_space<vmem>>
        %dma_wait3A_333 = tpu.memref_squeeze %dma_wait3A_332 : memref<1x128xi32, #tpu.memory_space<vmem>> -> memref<128xi32, #tpu.memory_space<vmem>>
        %dma_wait3A_334 = arith.constant 0 : i32
        %dma_wait3A_335 = tpu.memref_slice %arg5[%add3A_323, %dma_wait3A_334] : memref<2560x128xi32, #tpu.memory_space<hbm>> -> memref<1x128xi32, #tpu.memory_space<hbm>>
        %dma_wait3A_336 = tpu.memref_squeeze %dma_wait3A_335 : memref<1x128xi32, #tpu.memory_space<hbm>> -> memref<128xi32, #tpu.memory_space<hbm>>
        tpu.wait_dma2 semaphore(%arg15 : memref<!tpu.dma_semaphore, #tpu.memory_space<semaphore_mem>>) src(%dma_wait3A_336 : memref<128xi32, #tpu.memory_space<hbm>>) dst(%dma_wait3A_333 : memref<128xi32, #tpu.memory_space<vmem>>)
        %sub3A = arith.constant 1 : i32
        %sub3A_337 = arith.subi %add3A_293, %sub3A : i32
        %dma_wait3A_338 = arith.constant 0 : i32
        %dma_wait3A_339 = tpu.memref_slice %arg10[%sub3A_337, %dma_wait3A_338] : memref<80x128xi32, #tpu.memory_space<vmem>> -> memref<1x128xi32, #tpu.memory_space<vmem>>
        %dma_wait3A_340 = tpu.memref_squeeze %dma_wait3A_339 : memref<1x128xi32, #tpu.memory_space<vmem>> -> memref<128xi32, #tpu.memory_space<vmem>>
        %dma_wait3A_341 = arith.constant 0 : i32
        %dma_wait3A_342 = arith.constant 0 : i32
        %dma_wait3A_343 = tpu.memref_slice %arg19[%dma_wait3A_341, %dma_wait3A_342] : memref<10240x128xf32, #tpu.memory_space<vmem_shared>> -> memref<10240x128xf32, #tpu.memory_space<vmem_shared>>
        tpu.wait_indirect_dma semaphore(%arg17 : memref<!tpu.dma_semaphore, #tpu.memory_space<semaphore_mem>>) src(%arg11 : memref<128x128xf32, #tpu.memory_space<vmem>>) dst(%dma_wait3A_343 : memref<10240x128xf32, #tpu.memory_space<vmem_shared>>)
        %add3A_344 = arith.constant 1 : i32
        %add3A_345 = arith.addi %add3A_293, %add3A_344 : i32
        %dma_start3A_346 = arith.constant 0 : i32
        %dma_start3A_347 = arith.constant 0 : i32
        %dma_start3A_348 = tpu.memref_slice %arg9[%dma_start3A_346, %dma_start3A_347] : memref<2x128xi32, #tpu.memory_space<vmem>> -> memref<1x128xi32, #tpu.memory_space<vmem>>
        %dma_start3A_349 = tpu.memref_squeeze %dma_start3A_348 : memref<1x128xi32, #tpu.memory_space<vmem>> -> memref<128xi32, #tpu.memory_space<vmem>>
        %dma_start3A_350 = arith.constant 0 : i32
        %dma_start3A_351 = arith.constant 0 : i32
        %dma_start3A_352 = tpu.memref_slice %arg4[%dma_start3A_350, %dma_start3A_351] : memref<10240x128xf32, #tpu.memory_space<hbm>> -> memref<10240x128xf32, #tpu.memory_space<hbm>>
        tpu.enqueue_indirect_dma source(%dma_start3A_352 : memref<10240x128xf32, #tpu.memory_space<hbm>>) target(%arg11 : memref<128x128xf32, #tpu.memory_space<vmem>>) offsets(%dma_start3A_349 : memref<128xi32, #tpu.memory_space<vmem>>) semaphore(%arg13 : memref<!tpu.dma_semaphore, #tpu.memory_space<semaphore_mem>>)
      } else {
      }
      %dma_wait3A_301 = arith.constant 1 : i32
      %dma_wait3A_302 = arith.constant 0 : i32
      %dma_wait3A_303 = tpu.memref_slice %arg9[%dma_wait3A_301, %dma_wait3A_302] : memref<2x128xi32, #tpu.memory_space<vmem>> -> memref<1x128xi32, #tpu.memory_space<vmem>>
      %dma_wait3A_304 = tpu.memref_squeeze %dma_wait3A_303 : memref<1x128xi32, #tpu.memory_space<vmem>> -> memref<128xi32, #tpu.memory_space<vmem>>
      %dma_wait3A_305 = arith.constant 0 : i32
      %dma_wait3A_306 = arith.constant 0 : i32
      %dma_wait3A_307 = tpu.memref_slice %arg4[%dma_wait3A_305, %dma_wait3A_306] : memref<10240x128xf32, #tpu.memory_space<hbm>> -> memref<10240x128xf32, #tpu.memory_space<hbm>>
      tpu.wait_indirect_dma semaphore(%arg14 : memref<!tpu.dma_semaphore, #tpu.memory_space<semaphore_mem>>) src(%dma_wait3A_307 : memref<10240x128xf32, #tpu.memory_space<hbm>>) dst(%arg12 : memref<128x128xf32, #tpu.memory_space<vmem>>)
      %dma_start3A_308 = arith.constant 0 : i32
      %dma_start3A_309 = tpu.memref_slice %arg10[%add3A_293, %dma_start3A_308] : memref<80x128xi32, #tpu.memory_space<vmem>> -> memref<1x128xi32, #tpu.memory_space<vmem>>
      %dma_start3A_310 = tpu.memref_squeeze %dma_start3A_309 : memref<1x128xi32, #tpu.memory_space<vmem>> -> memref<128xi32, #tpu.memory_space<vmem>>
      %dma_start3A_311 = arith.constant 0 : i32
      %dma_start3A_312 = arith.constant 0 : i32
      %dma_start3A_313 = tpu.memref_slice %arg19[%dma_start3A_311, %dma_start3A_312] : memref<10240x128xf32, #tpu.memory_space<vmem_shared>> -> memref<10240x128xf32, #tpu.memory_space<vmem_shared>>
      tpu.enqueue_indirect_dma source(%arg12 : memref<128x128xf32, #tpu.memory_space<vmem>>) target(%dma_start3A_313 : memref<10240x128xf32, #tpu.memory_space<vmem_shared>>) offsets(%dma_start3A_310 : memref<128xi32, #tpu.memory_space<vmem>>) semaphore(%arg18 : memref<!tpu.dma_semaphore, #tpu.memory_space<semaphore_mem>>) {add = true}
      %add3A_314 = arith.constant 2 : i32
      %add3A_315 = arith.addi %add3A_293, %add3A_314 : i32
      %lt3A_316 = arith.constant 80 : i32
      %lt3A_317 = arith.cmpi slt, %add3A_315, %lt3A_316 : i32
      %convert_element_type3A_318 = arith.extui %lt3A_317 : i1 to i32
      %cond3A_319 = arith.constant 0 : i32
      %cond3A_320 = arith.cmpi ne, %convert_element_type3A_318, %cond3A_319 : i32
      scf.if %cond3A_320 {
        %add3A_321 = arith.constant 2 : i32
        %add3A_322 = arith.addi %add3A_293, %add3A_321 : i32
        %add3A_323 = arith.addi %mul3A_2, %add3A_322 : i32
        %dma_start3A_324 = arith.constant 1 : i32
        %dma_start3A_325 = arith.constant 0 : i32
        %dma_start3A_326 = tpu.memref_slice %arg9[%dma_start3A_324, %dma_start3A_325] : memref<2x128xi32, #tpu.memory_space<vmem>> -> memref<1x128xi32, #tpu.memory_space<vmem>>
        %dma_start3A_327 = tpu.memref_squeeze %dma_start3A_326 : memref<1x128xi32, #tpu.memory_space<vmem>> -> memref<128xi32, #tpu.memory_space<vmem>>
        %dma_start3A_328 = arith.constant 0 : i32
        %dma_start3A_329 = tpu.memref_slice %arg5[%add3A_323, %dma_start3A_328] : memref<2560x128xi32, #tpu.memory_space<hbm>> -> memref<1x128xi32, #tpu.memory_space<hbm>>
        %dma_start3A_330 = tpu.memref_squeeze %dma_start3A_329 : memref<1x128xi32, #tpu.memory_space<hbm>> -> memref<128xi32, #tpu.memory_space<hbm>>
        %dma_start3A_331 = arith.constant 0 : i32
        %dma_start3A_332 = tpu.memref_slice %arg9[%dma_start3A_324, %dma_start3A_331] : memref<2x128xi32, #tpu.memory_space<vmem>> -> memref<1x128xi32, #tpu.memory_space<vmem>>
        %dma_start3A_333 = tpu.memref_squeeze %dma_start3A_332 : memref<1x128xi32, #tpu.memory_space<vmem>> -> memref<128xi32, #tpu.memory_space<vmem>>
        %dma_start3A_334 = arith.constant 0 : i32
        %dma_start3A_335 = tpu.memref_slice %arg5[%add3A_323, %dma_start3A_334] : memref<2560x128xi32, #tpu.memory_space<hbm>> -> memref<1x128xi32, #tpu.memory_space<hbm>>
        %dma_start3A_336 = tpu.memref_squeeze %dma_start3A_335 : memref<1x128xi32, #tpu.memory_space<hbm>> -> memref<128xi32, #tpu.memory_space<hbm>>
        tpu.enqueue_dma source(%dma_start3A_336 : memref<128xi32, #tpu.memory_space<hbm>>) target(%dma_start3A_333 : memref<128xi32, #tpu.memory_space<vmem>>) target_semaphore(%arg16 : memref<!tpu.dma_semaphore, #tpu.memory_space<semaphore_mem>>)
      } else {
      }
    }
    %scan3A_220 = arith.constant 40 : i32
    %dma_wait3A_221 = arith.constant 78 : i32
    %dma_wait3A_222 = arith.constant 0 : i32
    %dma_wait3A_223 = tpu.memref_slice %arg10[%dma_wait3A_221, %dma_wait3A_222] : memref<80x128xi32, #tpu.memory_space<vmem>> -> memref<1x128xi32, #tpu.memory_space<vmem>>
    %dma_wait3A_224 = tpu.memref_squeeze %dma_wait3A_223 : memref<1x128xi32, #tpu.memory_space<vmem>> -> memref<128xi32, #tpu.memory_space<vmem>>
    %dma_wait3A_225 = arith.constant 0 : i32
    %dma_wait3A_226 = arith.constant 0 : i32
    %dma_wait3A_227 = tpu.memref_slice %arg19[%dma_wait3A_225, %dma_wait3A_226] : memref<10240x128xf32, #tpu.memory_space<vmem_shared>> -> memref<10240x128xf32, #tpu.memory_space<vmem_shared>>
    tpu.wait_indirect_dma semaphore(%arg17 : memref<!tpu.dma_semaphore, #tpu.memory_space<semaphore_mem>>) src(%arg11 : memref<128x128xf32, #tpu.memory_space<vmem>>) dst(%dma_wait3A_227 : memref<10240x128xf32, #tpu.memory_space<vmem_shared>>)
    %dma_wait3A_228 = arith.constant 79 : i32
    %dma_wait3A_229 = arith.constant 0 : i32
    %dma_wait3A_230 = tpu.memref_slice %arg10[%dma_wait3A_228, %dma_wait3A_229] : memref<80x128xi32, #tpu.memory_space<vmem>> -> memref<1x128xi32, #tpu.memory_space<vmem>>
    %dma_wait3A_231 = tpu.memref_squeeze %dma_wait3A_230 : memref<1x128xi32, #tpu.memory_space<vmem>> -> memref<128xi32, #tpu.memory_space<vmem>>
    %dma_wait3A_232 = arith.constant 0 : i32
    %dma_wait3A_233 = arith.constant 0 : i32
    %dma_wait3A_234 = tpu.memref_slice %arg19[%dma_wait3A_232, %dma_wait3A_233] : memref<10240x128xf32, #tpu.memory_space<vmem_shared>> -> memref<10240x128xf32, #tpu.memory_space<vmem_shared>>
    tpu.wait_indirect_dma semaphore(%arg18 : memref<!tpu.dma_semaphore, #tpu.memory_space<semaphore_mem>>) src(%arg12 : memref<128x128xf32, #tpu.memory_space<vmem>>) dst(%dma_wait3A_234 : memref<10240x128xf32, #tpu.memory_space<vmem_shared>>)
    %barrier3A_235 = arith.constant 0 : index
    tpu.barrier barrier_id(%barrier3A_235)
    %mul3A_236 = arith.constant 640 : i32
    %mul3A_237 = arith.muli %arg1, %mul3A_236 : i32
    %mul3A_238 = arith.constant 640 : i32
    %mul3A_239 = arith.muli %arg1, %mul3A_238 : i32
    %run_scoped3A_240 = arith.constant 2 : i32
    "tpu.region"() ({
      %run_scoped3A_241 = tpu.sem_alloc : memref<!tpu.dma_semaphore, #tpu.memory_space<semaphore_mem>>
      %dma_start3A_242 = arith.constant 0 : i32
      %dma_start3A_243 = tpu.memref_slice %arg8[%run_scoped3A_240, %arg0, %mul3A_239, %dma_start3A_242] : memref<3x2x10240x128xf32, #tpu.memory_space<hbm>> -> memref<1x1x640x128xf32, #tpu.memory_space<hbm>>
      %dma_start3A_244 = tpu.memref_squeeze %dma_start3A_243 : memref<1x1x640x128xf32, #tpu.memory_space<hbm>> -> memref<640x128xf32, #tpu.memory_space<hbm>>
      %dma_start3A_245 = arith.constant 0 : i32
      %dma_start3A_246 = tpu.memref_slice %arg19[%mul3A_237, %dma_start3A_245] : memref<10240x128xf32, #tpu.memory_space<vmem_shared>> -> memref<640x128xf32, #tpu.memory_space<vmem_shared>>
      tpu.enqueue_dma source(%dma_start3A_246 : memref<640x128xf32, #tpu.memory_space<vmem_shared>>) target(%dma_start3A_244 : memref<640x128xf32, #tpu.memory_space<hbm>>) target_semaphore(%run_scoped3A_241 : memref<!tpu.dma_semaphore, #tpu.memory_space<semaphore_mem>>)
      %dma_wait3A_247 = arith.constant 0 : i32
      %dma_wait3A_248 = tpu.memref_slice %arg8[%run_scoped3A_240, %arg0, %mul3A_239, %dma_wait3A_247] : memref<3x2x10240x128xf32, #tpu.memory_space<hbm>> -> memref<1x1x640x128xf32, #tpu.memory_space<hbm>>
      %dma_wait3A_249 = tpu.memref_squeeze %dma_wait3A_248 : memref<1x1x640x128xf32, #tpu.memory_space<hbm>> -> memref<640x128xf32, #tpu.memory_space<hbm>>
      %dma_wait3A_250 = arith.constant 0 : i32
      %dma_wait3A_251 = tpu.memref_slice %arg19[%mul3A_237, %dma_wait3A_250] : memref<10240x128xf32, #tpu.memory_space<vmem_shared>> -> memref<640x128xf32, #tpu.memory_space<vmem_shared>>
      tpu.wait_dma2 semaphore(%run_scoped3A_241 : memref<!tpu.dma_semaphore, #tpu.memory_space<semaphore_mem>>) src(%dma_wait3A_251 : memref<640x128xf32, #tpu.memory_space<vmem_shared>>) dst(%dma_wait3A_249 : memref<640x128xf32, #tpu.memory_space<hbm>>)
      tpu.yield
    }) : () -> ()
    return
  }
}

module attributes {stable_mosaic.version = 14 : i64} {
  func.func @_tc1_body(%arg0: i32, %arg1: memref<512x128xf32, #tpu.memory_space<vmem>>, %arg2: memref<128x384xf32, #tpu.memory_space<vmem>>, %arg3: memref<2x512x16xf32, #tpu.memory_space<vmem>>, %arg4: memref<512x128xf32, #tpu.memory_space<vmem>>, %arg5: memref<512x128xf32, #tpu.memory_space<vmem>>, %arg6: memref<512x128xf32, #tpu.memory_space<vmem>>) attributes {dimension_semantics = [#tpu.dimension_semantics<arbitrary>], iteration_bounds = array<i64: 20>, scalar_prefetch = 0 : i64, scratch_operands = 0 : i64, tpu.core_type = #tpu.core_type<tc>, window_params = [{transform_indices = @transform_0, window_bounds = array<i64: 512, 128>}, {pipeline_mode = #tpu.pipeline_mode<synchronous>, transform_indices = @transform_1, window_bounds = array<i64: 128, 384>}, {transform_indices = @transform_2, window_bounds = array<i64: 2, 512, 16>}, {transform_indices = @transform_3, window_bounds = array<i64: 512, 128>}, {transform_indices = @transform_4, window_bounds = array<i64: 512, 128>}, {transform_indices = @transform_5, window_bounds = array<i64: 512, 128>}]} {
    %get3A = arith.constant 0 : index
    %get3A_0 = arith.constant 0 : index
    %get3A_1 = arith.constant 0 : index
    %get3A_2 = vector.load %arg3[%get3A, %get3A_0, %get3A_1] : memref<2x512x16xf32, #tpu.memory_space<vmem>>, vector<1x512x16xf32>
    %get3A_3 = vector.shape_cast %get3A_2 : vector<1x512x16xf32> to vector<512x16xf32>
    %slice3A = vector.extract_strided_slice %get3A_3 {offsets = [0, 0], sizes = [512, 1], strides = [1, 1]} : vector<512x16xf32> to vector<512x1xf32>
    %get3A_4 = arith.constant 1 : index
    %get3A_5 = arith.constant 0 : index
    %get3A_6 = arith.constant 0 : index
    %get3A_7 = vector.load %arg3[%get3A_4, %get3A_5, %get3A_6] : memref<2x512x16xf32, #tpu.memory_space<vmem>>, vector<1x512x16xf32>
    %get3A_8 = vector.shape_cast %get3A_7 : vector<1x512x16xf32> to vector<512x16xf32>
    %slice3A_9 = vector.extract_strided_slice %get3A_8 {offsets = [0, 0], sizes = [512, 1], strides = [1, 1]} : vector<512x16xf32> to vector<512x1xf32>
    %add3A = arith.addf %slice3A, %slice3A_9 : vector<512x1xf32>
    %add3A_10 = arith.constant 1.000000e+00 : f32
    %add3A_11 = vector.broadcast %add3A_10 : f32 to vector<512x1xf32>
    %add3A_12 = arith.addf %add3A, %add3A_11 : vector<512x1xf32>
    %rsqrt3A = math.rsqrt %add3A_12 : vector<512x1xf32>
    %get3A_13 = arith.constant 0 : index
    %get3A_14 = arith.constant 0 : index
    %get3A_15 = vector.load %arg1[%get3A_13, %get3A_14] : memref<512x128xf32, #tpu.memory_space<vmem>>, vector<512x128xf32>
    %get3A_16 = arith.constant 0 : index
    %get3A_17 = arith.constant 0 : index
    %get3A_18 = vector.load %arg2[%get3A_16, %get3A_17] : memref<128x384xf32, #tpu.memory_space<vmem>>, vector<128x384xf32>
    %dot_general3A = arith.constant dense<0.000000e+00> : vector<512x384xf32>
    %dot_general3A_19 = tpu.matmul %get3A_15, %get3A_18, %dot_general3A {dimension_numbers = #tpu.dot_dimension_numbers<[1], [0], [0], [1], [0, 0, 1, 1], [], []>, transpose_lhs_hint = false} : vector<512x128xf32>, vector<128x384xf32>, vector<512x384xf32> -> vector<512x384xf32>
    %mul3A = vector.broadcast %rsqrt3A : vector<512x1xf32> to vector<512x384xf32>
    %mul3A_20 = arith.mulf %dot_general3A_19, %mul3A : vector<512x384xf32>
    %slice3A_21 = vector.extract_strided_slice %mul3A_20 {offsets = [0, 0], sizes = [512, 128], strides = [1, 1]} : vector<512x384xf32> to vector<512x128xf32>
    %swap3A = arith.constant 0 : index
    %swap3A_22 = arith.constant 0 : index
    %swap3A_23 = vector.load %arg4[%swap3A, %swap3A_22] : memref<512x128xf32, #tpu.memory_space<vmem>>, vector<512x128xf32>
    tpu.vector_store %arg4[%swap3A, %swap3A_22], %slice3A_21 {strides = array<i32>} : memref<512x128xf32, #tpu.memory_space<vmem>>, vector<512x128xf32>,
    %slice3A_24 = vector.extract_strided_slice %mul3A_20 {offsets = [0, 128], sizes = [512, 128], strides = [1, 1]} : vector<512x384xf32> to vector<512x128xf32>
    %swap3A_25 = arith.constant 0 : index
    %swap3A_26 = arith.constant 0 : index
    %swap3A_27 = vector.load %arg5[%swap3A_25, %swap3A_26] : memref<512x128xf32, #tpu.memory_space<vmem>>, vector<512x128xf32>
    tpu.vector_store %arg5[%swap3A_25, %swap3A_26], %slice3A_24 {strides = array<i32>} : memref<512x128xf32, #tpu.memory_space<vmem>>, vector<512x128xf32>,
    %slice3A_28 = vector.extract_strided_slice %mul3A_20 {offsets = [0, 256], sizes = [512, 128], strides = [1, 1]} : vector<512x384xf32> to vector<512x128xf32>
    %swap3A_29 = arith.constant 0 : index
    %swap3A_30 = arith.constant 0 : index
    %swap3A_31 = vector.load %arg6[%swap3A_29, %swap3A_30] : memref<512x128xf32, #tpu.memory_space<vmem>>, vector<512x128xf32>
    tpu.vector_store %arg6[%swap3A_29, %swap3A_30], %slice3A_28 {strides = array<i32>} : memref<512x128xf32, #tpu.memory_space<vmem>>, vector<512x128xf32>,
    return
  }
  func.func @transform_0(%arg0: i32) -> (i32, i32) {
    %c0_i32 = arith.constant 0 : i32
    %c0_i32_0 = arith.constant 0 : i32
    return %arg0, %c0_i32 : i32, i32
  }
  func.func @transform_1(%arg0: i32) -> (i32, i32) {
    %c0_i32 = arith.constant 0 : i32
    %c0_i32_0 = arith.constant 0 : i32
    %c0_i32_1 = arith.constant 0 : i32
    return %c0_i32, %c0_i32_0 : i32, i32
  }
  func.func @transform_2(%arg0: i32) -> (i32, i32, i32) {
    %c0_i32 = arith.constant 0 : i32
    %c0_i32_0 = arith.constant 0 : i32
    %c0_i32_1 = arith.constant 0 : i32
    return %c0_i32, %arg0, %c0_i32_0 : i32, i32, i32
  }
  func.func @transform_3(%arg0: i32) -> (i32, i32) {
    %c0_i32 = arith.constant 0 : i32
    %c0_i32_0 = arith.constant 0 : i32
    return %arg0, %c0_i32 : i32, i32
  }
  func.func @transform_4(%arg0: i32) -> (i32, i32) {
    %c0_i32 = arith.constant 0 : i32
    %c0_i32_0 = arith.constant 0 : i32
    return %arg0, %c0_i32 : i32, i32
  }
  func.func @transform_5(%arg0: i32) -> (i32, i32) {
    %c0_i32 = arith.constant 0 : i32
    %c0_i32_0 = arith.constant 0 : i32
    return %arg0, %c0_i32 : i32, i32
  }
}

module attributes {stable_mosaic.version = 14 : i64} {
  func.func @_tc2_body(%arg0: i32, %arg1: memref<3x2x512x128xf32, #tpu.memory_space<vmem>>, %arg2: memref<512x128xf32, #tpu.memory_space<vmem>>, %arg3: memref<512x128xf32, #tpu.memory_space<vmem>>, %arg4: memref<512x128xf32, #tpu.memory_space<vmem>>, %arg5: memref<2x512x16xf32, #tpu.memory_space<vmem>>, %arg6: memref<1x128xf32, #tpu.memory_space<vmem>>, %arg7: memref<1x128xf32, #tpu.memory_space<vmem>>, %arg8: memref<1x128xf32, #tpu.memory_space<vmem>>, %arg9: memref<128x128xf32, #tpu.memory_space<vmem>>, %arg10: memref<128x128xf32, #tpu.memory_space<vmem>>, %arg11: memref<128x128xf32, #tpu.memory_space<vmem>>, %arg12: memref<512x128xf32, #tpu.memory_space<vmem>>, %arg13: memref<512x128xf32, #tpu.memory_space<vmem>>, %arg14: memref<512x128xf32, #tpu.memory_space<vmem>>) attributes {dimension_semantics = [#tpu.dimension_semantics<arbitrary>], iteration_bounds = array<i64: 20>, scalar_prefetch = 0 : i64, scratch_operands = 0 : i64, tpu.core_type = #tpu.core_type<tc>, window_params = [{transform_indices = @transform_0, window_bounds = array<i64: 3, 2, 512, 128>}, {transform_indices = @transform_1, window_bounds = array<i64: 512, 128>}, {transform_indices = @transform_2, window_bounds = array<i64: 512, 128>}, {transform_indices = @transform_3, window_bounds = array<i64: 512, 128>}, {transform_indices = @transform_4, window_bounds = array<i64: 2, 512, 16>}, {pipeline_mode = #tpu.pipeline_mode<synchronous>, transform_indices = @transform_5, window_bounds = array<i64: 1, 128>}, {pipeline_mode = #tpu.pipeline_mode<synchronous>, transform_indices = @transform_6, window_bounds = array<i64: 1, 128>}, {pipeline_mode = #tpu.pipeline_mode<synchronous>, transform_indices = @transform_7, window_bounds = array<i64: 1, 128>}, {pipeline_mode = #tpu.pipeline_mode<synchronous>, transform_indices = @transform_8, window_bounds = array<i64: 128, 128>}, {pipeline_mode = #tpu.pipeline_mode<synchronous>, transform_indices = @transform_9, window_bounds = array<i64: 128, 128>}, {pipeline_mode = #tpu.pipeline_mode<synchronous>, transform_indices = @transform_10, window_bounds = array<i64: 128, 128>}, {transform_indices = @transform_11, window_bounds = array<i64: 512, 128>}, {transform_indices = @transform_12, window_bounds = array<i64: 512, 128>}, {transform_indices = @transform_13, window_bounds = array<i64: 512, 128>}]} {
    %get3A = arith.constant 0 : index
    %get3A_0 = arith.constant 0 : index
    %get3A_1 = arith.constant 0 : index
    %get3A_2 = vector.load %arg5[%get3A, %get3A_0, %get3A_1] : memref<2x512x16xf32, #tpu.memory_space<vmem>>, vector<1x512x16xf32>
    %get3A_3 = vector.shape_cast %get3A_2 : vector<1x512x16xf32> to vector<512x16xf32>
    %slice3A = vector.extract_strided_slice %get3A_3 {offsets = [0, 0], sizes = [512, 1], strides = [1, 1]} : vector<512x16xf32> to vector<512x1xf32>
    %get3A_4 = arith.constant 1 : index
    %get3A_5 = arith.constant 0 : index
    %get3A_6 = arith.constant 0 : index
    %get3A_7 = vector.load %arg5[%get3A_4, %get3A_5, %get3A_6] : memref<2x512x16xf32, #tpu.memory_space<vmem>>, vector<1x512x16xf32>
    %get3A_8 = vector.shape_cast %get3A_7 : vector<1x512x16xf32> to vector<512x16xf32>
    %slice3A_9 = vector.extract_strided_slice %get3A_8 {offsets = [0, 0], sizes = [512, 1], strides = [1, 1]} : vector<512x16xf32> to vector<512x1xf32>
    %add3A = arith.addf %slice3A, %slice3A_9 : vector<512x1xf32>
    %add3A_10 = arith.constant 1.000000e+00 : f32
    %add3A_11 = vector.broadcast %add3A_10 : f32 to vector<512x1xf32>
    %add3A_12 = arith.addf %add3A, %add3A_11 : vector<512x1xf32>
    %rsqrt3A = math.rsqrt %add3A_12 : vector<512x1xf32>
    %sqrt3A = math.sqrt %add3A_12 : vector<512x1xf32>
    %get3A_13 = arith.constant 0 : index
    %get3A_14 = arith.constant 0 : index
    %get3A_15 = vector.load %arg2[%get3A_13, %get3A_14] : memref<512x128xf32, #tpu.memory_space<vmem>>, vector<512x128xf32>
    %get3A_16 = arith.constant 0 : index
    %get3A_17 = arith.constant 0 : index
    %get3A_18 = arith.constant 0 : index
    %get3A_19 = arith.constant 0 : index
    %get3A_20 = vector.load %arg1[%get3A_16, %get3A_17, %get3A_18, %get3A_19] : memref<3x2x512x128xf32, #tpu.memory_space<vmem>>, vector<1x1x512x128xf32>
    %get3A_21 = vector.shape_cast %get3A_20 : vector<1x1x512x128xf32> to vector<512x128xf32>
    %get3A_22 = arith.constant 0 : index
    %get3A_23 = arith.constant 1 : index
    %get3A_24 = arith.constant 0 : index
    %get3A_25 = arith.constant 0 : index
    %get3A_26 = vector.load %arg1[%get3A_22, %get3A_23, %get3A_24, %get3A_25] : memref<3x2x512x128xf32, #tpu.memory_space<vmem>>, vector<1x1x512x128xf32>
    %get3A_27 = vector.shape_cast %get3A_26 : vector<1x1x512x128xf32> to vector<512x128xf32>
    %add3A_28 = arith.addf %get3A_21, %get3A_27 : vector<512x128xf32>
    %add3A_29 = arith.addf %add3A_28, %get3A_15 : vector<512x128xf32>
    %mul3A = vector.broadcast %rsqrt3A : vector<512x1xf32> to vector<512x128xf32>
    %mul3A_30 = arith.mulf %mul3A, %add3A_29 : vector<512x128xf32>
    %get3A_31 = arith.constant 0 : index
    %get3A_32 = arith.constant 0 : index
    %get3A_33 = vector.load %arg6[%get3A_31, %get3A_32] : memref<1x128xf32, #tpu.memory_space<vmem>>, vector<1x128xf32>
    %add3A_34 = vector.broadcast %get3A_33 : vector<1x128xf32> to vector<512x128xf32>
    %add3A_35 = arith.addf %mul3A_30, %add3A_34 : vector<512x128xf32>
    %get3A_36 = arith.constant 0 : index
    %get3A_37 = arith.constant 0 : index
    %get3A_38 = vector.load %arg3[%get3A_36, %get3A_37] : memref<512x128xf32, #tpu.memory_space<vmem>>, vector<512x128xf32>
    %get3A_39 = arith.constant 1 : index
    %get3A_40 = arith.constant 0 : index
    %get3A_41 = arith.constant 0 : index
    %get3A_42 = arith.constant 0 : index
    %get3A_43 = vector.load %arg1[%get3A_39, %get3A_40, %get3A_41, %get3A_42] : memref<3x2x512x128xf32, #tpu.memory_space<vmem>>, vector<1x1x512x128xf32>
    %get3A_44 = vector.shape_cast %get3A_43 : vector<1x1x512x128xf32> to vector<512x128xf32>
    %get3A_45 = arith.constant 1 : index
    %get3A_46 = arith.constant 1 : index
    %get3A_47 = arith.constant 0 : index
    %get3A_48 = arith.constant 0 : index
    %get3A_49 = vector.load %arg1[%get3A_45, %get3A_46, %get3A_47, %get3A_48] : memref<3x2x512x128xf32, #tpu.memory_space<vmem>>, vector<1x1x512x128xf32>
    %get3A_50 = vector.shape_cast %get3A_49 : vector<1x1x512x128xf32> to vector<512x128xf32>
    %add3A_51 = arith.addf %get3A_44, %get3A_50 : vector<512x128xf32>
    %add3A_52 = arith.addf %add3A_51, %get3A_38 : vector<512x128xf32>
    %mul3A_53 = vector.broadcast %rsqrt3A : vector<512x1xf32> to vector<512x128xf32>
    %mul3A_54 = arith.mulf %mul3A_53, %add3A_52 : vector<512x128xf32>
    %mul3A_55 = vector.broadcast %sqrt3A : vector<512x1xf32> to vector<512x128xf32>
    %mul3A_56 = arith.mulf %mul3A_55, %get3A_38 : vector<512x128xf32>
    %sub3A = arith.subf %mul3A_56, %mul3A_54 : vector<512x128xf32>
    %get3A_57 = arith.constant 0 : index
    %get3A_58 = arith.constant 0 : index
    %get3A_59 = vector.load %arg7[%get3A_57, %get3A_58] : memref<1x128xf32, #tpu.memory_space<vmem>>, vector<1x128xf32>
    %add3A_60 = vector.broadcast %get3A_59 : vector<1x128xf32> to vector<512x128xf32>
    %add3A_61 = arith.addf %sub3A, %add3A_60 : vector<512x128xf32>
    %get3A_62 = arith.constant 0 : index
    %get3A_63 = arith.constant 0 : index
    %get3A_64 = vector.load %arg4[%get3A_62, %get3A_63] : memref<512x128xf32, #tpu.memory_space<vmem>>, vector<512x128xf32>
    %get3A_65 = arith.constant 2 : index
    %get3A_66 = arith.constant 0 : index
    %get3A_67 = arith.constant 0 : index
    %get3A_68 = arith.constant 0 : index
    %get3A_69 = vector.load %arg1[%get3A_65, %get3A_66, %get3A_67, %get3A_68] : memref<3x2x512x128xf32, #tpu.memory_space<vmem>>, vector<1x1x512x128xf32>
    %get3A_70 = vector.shape_cast %get3A_69 : vector<1x1x512x128xf32> to vector<512x128xf32>
    %get3A_71 = arith.constant 2 : index
    %get3A_72 = arith.constant 1 : index
    %get3A_73 = arith.constant 0 : index
    %get3A_74 = arith.constant 0 : index
    %get3A_75 = vector.load %arg1[%get3A_71, %get3A_72, %get3A_73, %get3A_74] : memref<3x2x512x128xf32, #tpu.memory_space<vmem>>, vector<1x1x512x128xf32>
    %get3A_76 = vector.shape_cast %get3A_75 : vector<1x1x512x128xf32> to vector<512x128xf32>
    %add3A_77 = arith.addf %get3A_70, %get3A_76 : vector<512x128xf32>
    %add3A_78 = arith.addf %add3A_77, %get3A_64 : vector<512x128xf32>
    %mul3A_79 = vector.broadcast %rsqrt3A : vector<512x1xf32> to vector<512x128xf32>
    %mul3A_80 = arith.mulf %mul3A_79, %add3A_78 : vector<512x128xf32>
    %mul3A_81 = vector.broadcast %sqrt3A : vector<512x1xf32> to vector<512x128xf32>
    %mul3A_82 = arith.mulf %mul3A_81, %get3A_64 : vector<512x128xf32>
    %add3A_83 = arith.addf %mul3A_82, %mul3A_80 : vector<512x128xf32>
    %get3A_84 = arith.constant 0 : index
    %get3A_85 = arith.constant 0 : index
    %get3A_86 = vector.load %arg8[%get3A_84, %get3A_85] : memref<1x128xf32, #tpu.memory_space<vmem>>, vector<1x128xf32>
    %add3A_87 = vector.broadcast %get3A_86 : vector<1x128xf32> to vector<512x128xf32>
    %add3A_88 = arith.addf %add3A_83, %add3A_87 : vector<512x128xf32>
    %max3A = arith.constant 0.000000e+00 : f32
    %max3A_89 = vector.broadcast %max3A : f32 to vector<512x128xf32>
    %max3A_90 = arith.maximumf %add3A_35, %max3A_89 : vector<512x128xf32>
    %get3A_91 = arith.constant 0 : index
    %get3A_92 = arith.constant 0 : index
    %get3A_93 = vector.load %arg9[%get3A_91, %get3A_92] : memref<128x128xf32, #tpu.memory_space<vmem>>, vector<128x128xf32>
    %dot_general3A = arith.constant dense<0.000000e+00> : vector<512x128xf32>
    %dot_general3A_94 = tpu.matmul %max3A_90, %get3A_93, %dot_general3A {dimension_numbers = #tpu.dot_dimension_numbers<[1], [0], [0], [1], [0, 0, 1, 1], [], []>, transpose_lhs_hint = false} : vector<512x128xf32>, vector<128x128xf32>, vector<512x128xf32> -> vector<512x128xf32>
    %mul3A_95 = vector.broadcast %rsqrt3A : vector<512x1xf32> to vector<512x128xf32>
    %mul3A_96 = arith.mulf %dot_general3A_94, %mul3A_95 : vector<512x128xf32>
    %swap3A = arith.constant 0 : index
    %swap3A_97 = arith.constant 0 : index
    %swap3A_98 = vector.load %arg12[%swap3A, %swap3A_97] : memref<512x128xf32, #tpu.memory_space<vmem>>, vector<512x128xf32>
    tpu.vector_store %arg12[%swap3A, %swap3A_97], %mul3A_96 {strides = array<i32>} : memref<512x128xf32, #tpu.memory_space<vmem>>, vector<512x128xf32>,
    %max3A_99 = arith.constant 0.000000e+00 : f32
    %max3A_100 = vector.broadcast %max3A_99 : f32 to vector<512x128xf32>
    %max3A_101 = arith.maximumf %add3A_61, %max3A_100 : vector<512x128xf32>
    %get3A_102 = arith.constant 0 : index
    %get3A_103 = arith.constant 0 : index
    %get3A_104 = vector.load %arg10[%get3A_102, %get3A_103] : memref<128x128xf32, #tpu.memory_space<vmem>>, vector<128x128xf32>
    %dot_general3A_105 = arith.constant dense<0.000000e+00> : vector<512x128xf32>
    %dot_general3A_106 = tpu.matmul %max3A_101, %get3A_104, %dot_general3A_105 {dimension_numbers = #tpu.dot_dimension_numbers<[1], [0], [0], [1], [0, 0, 1, 1], [], []>, transpose_lhs_hint = false} : vector<512x128xf32>, vector<128x128xf32>, vector<512x128xf32> -> vector<512x128xf32>
    %mul3A_107 = vector.broadcast %rsqrt3A : vector<512x1xf32> to vector<512x128xf32>
    %mul3A_108 = arith.mulf %dot_general3A_106, %mul3A_107 : vector<512x128xf32>
    %swap3A_109 = arith.constant 0 : index
    %swap3A_110 = arith.constant 0 : index
    %swap3A_111 = vector.load %arg13[%swap3A_109, %swap3A_110] : memref<512x128xf32, #tpu.memory_space<vmem>>, vector<512x128xf32>
    tpu.vector_store %arg13[%swap3A_109, %swap3A_110], %mul3A_108 {strides = array<i32>} : memref<512x128xf32, #tpu.memory_space<vmem>>, vector<512x128xf32>,
    %max3A_112 = arith.constant 0.000000e+00 : f32
    %max3A_113 = vector.broadcast %max3A_112 : f32 to vector<512x128xf32>
    %max3A_114 = arith.maximumf %add3A_88, %max3A_113 : vector<512x128xf32>
    %get3A_115 = arith.constant 0 : index
    %get3A_116 = arith.constant 0 : index
    %get3A_117 = vector.load %arg11[%get3A_115, %get3A_116] : memref<128x128xf32, #tpu.memory_space<vmem>>, vector<128x128xf32>
    %dot_general3A_118 = arith.constant dense<0.000000e+00> : vector<512x128xf32>
    %dot_general3A_119 = tpu.matmul %max3A_114, %get3A_117, %dot_general3A_118 {dimension_numbers = #tpu.dot_dimension_numbers<[1], [0], [0], [1], [0, 0, 1, 1], [], []>, transpose_lhs_hint = false} : vector<512x128xf32>, vector<128x128xf32>, vector<512x128xf32> -> vector<512x128xf32>
    %mul3A_120 = vector.broadcast %rsqrt3A : vector<512x1xf32> to vector<512x128xf32>
    %mul3A_121 = arith.mulf %dot_general3A_119, %mul3A_120 : vector<512x128xf32>
    %swap3A_122 = arith.constant 0 : index
    %swap3A_123 = arith.constant 0 : index
    %swap3A_124 = vector.load %arg14[%swap3A_122, %swap3A_123] : memref<512x128xf32, #tpu.memory_space<vmem>>, vector<512x128xf32>
    tpu.vector_store %arg14[%swap3A_122, %swap3A_123], %mul3A_121 {strides = array<i32>} : memref<512x128xf32, #tpu.memory_space<vmem>>, vector<512x128xf32>,
    return
  }
  func.func @transform_0(%arg0: i32) -> (i32, i32, i32, i32) {
    %c0_i32 = arith.constant 0 : i32
    %c0_i32_0 = arith.constant 0 : i32
    %c0_i32_1 = arith.constant 0 : i32
    %c0_i32_2 = arith.constant 0 : i32
    return %c0_i32, %c0_i32_0, %arg0, %c0_i32_1 : i32, i32, i32, i32
  }
  func.func @transform_1(%arg0: i32) -> (i32, i32) {
    %c0_i32 = arith.constant 0 : i32
    %c0_i32_0 = arith.constant 0 : i32
    return %arg0, %c0_i32 : i32, i32
  }
  func.func @transform_2(%arg0: i32) -> (i32, i32) {
    %c0_i32 = arith.constant 0 : i32
    %c0_i32_0 = arith.constant 0 : i32
    return %arg0, %c0_i32 : i32, i32
  }
  func.func @transform_3(%arg0: i32) -> (i32, i32) {
    %c0_i32 = arith.constant 0 : i32
    %c0_i32_0 = arith.constant 0 : i32
    return %arg0, %c0_i32 : i32, i32
  }
  func.func @transform_4(%arg0: i32) -> (i32, i32, i32) {
    %c0_i32 = arith.constant 0 : i32
    %c0_i32_0 = arith.constant 0 : i32
    %c0_i32_1 = arith.constant 0 : i32
    return %c0_i32, %arg0, %c0_i32_0 : i32, i32, i32
  }
  func.func @transform_5(%arg0: i32) -> (i32, i32) {
    %c0_i32 = arith.constant 0 : i32
    %c0_i32_0 = arith.constant 0 : i32
    %c0_i32_1 = arith.constant 0 : i32
    return %c0_i32, %c0_i32_0 : i32, i32
  }
  func.func @transform_6(%arg0: i32) -> (i32, i32) {
    %c0_i32 = arith.constant 0 : i32
    %c0_i32_0 = arith.constant 0 : i32
    %c0_i32_1 = arith.constant 0 : i32
    return %c0_i32, %c0_i32_0 : i32, i32
  }
  func.func @transform_7(%arg0: i32) -> (i32, i32) {
    %c0_i32 = arith.constant 0 : i32
    %c0_i32_0 = arith.constant 0 : i32
    %c0_i32_1 = arith.constant 0 : i32
    return %c0_i32, %c0_i32_0 : i32, i32
  }
  func.func @transform_8(%arg0: i32) -> (i32, i32) {
    %c0_i32 = arith.constant 0 : i32
    %c0_i32_0 = arith.constant 0 : i32
    %c0_i32_1 = arith.constant 0 : i32
    return %c0_i32, %c0_i32_0 : i32, i32
  }
  func.func @transform_9(%arg0: i32) -> (i32, i32) {
    %c0_i32 = arith.constant 0 : i32
    %c0_i32_0 = arith.constant 0 : i32
    %c0_i32_1 = arith.constant 0 : i32
    return %c0_i32, %c0_i32_0 : i32, i32
  }
  func.func @transform_10(%arg0: i32) -> (i32, i32) {
    %c0_i32 = arith.constant 0 : i32
    %c0_i32_0 = arith.constant 0 : i32
    %c0_i32_1 = arith.constant 0 : i32
    return %c0_i32, %c0_i32_0 : i32, i32
  }
  func.func @transform_11(%arg0: i32) -> (i32, i32) {
    %c0_i32 = arith.constant 0 : i32
    %c0_i32_0 = arith.constant 0 : i32
    return %arg0, %c0_i32 : i32, i32
  }
  func.func @transform_12(%arg0: i32) -> (i32, i32) {
    %c0_i32 = arith.constant 0 : i32
    %c0_i32_0 = arith.constant 0 : i32
    return %arg0, %c0_i32 : i32, i32
  }
  func.func @transform_13(%arg0: i32) -> (i32, i32) {
    %c0_i32 = arith.constant 0 : i32
    %c0_i32_0 = arith.constant 0 : i32
    return %arg0, %c0_i32 : i32, i32
  }
}

module attributes {stable_mosaic.version = 14 : i64} {
  func.func @_tc3_body(%arg0: i32, %arg1: memref<3x2x512x128xf32, #tpu.memory_space<vmem>>, %arg2: memref<512x128xf32, #tpu.memory_space<vmem>>, %arg3: memref<512x128xf32, #tpu.memory_space<vmem>>, %arg4: memref<512x128xf32, #tpu.memory_space<vmem>>, %arg5: memref<2x512x16xf32, #tpu.memory_space<vmem>>, %arg6: memref<1x128xf32, #tpu.memory_space<vmem>>, %arg7: memref<1x128xf32, #tpu.memory_space<vmem>>, %arg8: memref<1x128xf32, #tpu.memory_space<vmem>>, %arg9: memref<384x128xf32, #tpu.memory_space<vmem>>, %arg10: memref<1x128xf32, #tpu.memory_space<vmem>>, %arg11: memref<512x128xf32, #tpu.memory_space<vmem>>) attributes {dimension_semantics = [#tpu.dimension_semantics<arbitrary>], iteration_bounds = array<i64: 20>, scalar_prefetch = 0 : i64, scratch_operands = 0 : i64, tpu.core_type = #tpu.core_type<tc>, window_params = [{transform_indices = @transform_0, window_bounds = array<i64: 3, 2, 512, 128>}, {transform_indices = @transform_1, window_bounds = array<i64: 512, 128>}, {transform_indices = @transform_2, window_bounds = array<i64: 512, 128>}, {transform_indices = @transform_3, window_bounds = array<i64: 512, 128>}, {transform_indices = @transform_4, window_bounds = array<i64: 2, 512, 16>}, {pipeline_mode = #tpu.pipeline_mode<synchronous>, transform_indices = @transform_5, window_bounds = array<i64: 1, 128>}, {pipeline_mode = #tpu.pipeline_mode<synchronous>, transform_indices = @transform_6, window_bounds = array<i64: 1, 128>}, {pipeline_mode = #tpu.pipeline_mode<synchronous>, transform_indices = @transform_7, window_bounds = array<i64: 1, 128>}, {pipeline_mode = #tpu.pipeline_mode<synchronous>, transform_indices = @transform_8, window_bounds = array<i64: 384, 128>}, {pipeline_mode = #tpu.pipeline_mode<synchronous>, transform_indices = @transform_9, window_bounds = array<i64: 1, 128>}, {transform_indices = @transform_10, window_bounds = array<i64: 512, 128>}]} {
    %get3A = arith.constant 0 : index
    %get3A_0 = arith.constant 0 : index
    %get3A_1 = arith.constant 0 : index
    %get3A_2 = vector.load %arg5[%get3A, %get3A_0, %get3A_1] : memref<2x512x16xf32, #tpu.memory_space<vmem>>, vector<1x512x16xf32>
    %get3A_3 = vector.shape_cast %get3A_2 : vector<1x512x16xf32> to vector<512x16xf32>
    %slice3A = vector.extract_strided_slice %get3A_3 {offsets = [0, 0], sizes = [512, 1], strides = [1, 1]} : vector<512x16xf32> to vector<512x1xf32>
    %get3A_4 = arith.constant 1 : index
    %get3A_5 = arith.constant 0 : index
    %get3A_6 = arith.constant 0 : index
    %get3A_7 = vector.load %arg5[%get3A_4, %get3A_5, %get3A_6] : memref<2x512x16xf32, #tpu.memory_space<vmem>>, vector<1x512x16xf32>
    %get3A_8 = vector.shape_cast %get3A_7 : vector<1x512x16xf32> to vector<512x16xf32>
    %slice3A_9 = vector.extract_strided_slice %get3A_8 {offsets = [0, 0], sizes = [512, 1], strides = [1, 1]} : vector<512x16xf32> to vector<512x1xf32>
    %add3A = arith.addf %slice3A, %slice3A_9 : vector<512x1xf32>
    %add3A_10 = arith.constant 1.000000e+00 : f32
    %add3A_11 = vector.broadcast %add3A_10 : f32 to vector<512x1xf32>
    %add3A_12 = arith.addf %add3A, %add3A_11 : vector<512x1xf32>
    %rsqrt3A = math.rsqrt %add3A_12 : vector<512x1xf32>
    %sqrt3A = math.sqrt %add3A_12 : vector<512x1xf32>
    %get3A_13 = arith.constant 0 : index
    %get3A_14 = arith.constant 0 : index
    %get3A_15 = vector.load %arg2[%get3A_13, %get3A_14] : memref<512x128xf32, #tpu.memory_space<vmem>>, vector<512x128xf32>
    %get3A_16 = arith.constant 0 : index
    %get3A_17 = arith.constant 0 : index
    %get3A_18 = arith.constant 0 : index
    %get3A_19 = arith.constant 0 : index
    %get3A_20 = vector.load %arg1[%get3A_16, %get3A_17, %get3A_18, %get3A_19] : memref<3x2x512x128xf32, #tpu.memory_space<vmem>>, vector<1x1x512x128xf32>
    %get3A_21 = vector.shape_cast %get3A_20 : vector<1x1x512x128xf32> to vector<512x128xf32>
    %get3A_22 = arith.constant 0 : index
    %get3A_23 = arith.constant 1 : index
    %get3A_24 = arith.constant 0 : index
    %get3A_25 = arith.constant 0 : index
    %get3A_26 = vector.load %arg1[%get3A_22, %get3A_23, %get3A_24, %get3A_25] : memref<3x2x512x128xf32, #tpu.memory_space<vmem>>, vector<1x1x512x128xf32>
    %get3A_27 = vector.shape_cast %get3A_26 : vector<1x1x512x128xf32> to vector<512x128xf32>
    %add3A_28 = arith.addf %get3A_21, %get3A_27 : vector<512x128xf32>
    %add3A_29 = arith.addf %add3A_28, %get3A_15 : vector<512x128xf32>
    %mul3A = vector.broadcast %rsqrt3A : vector<512x1xf32> to vector<512x128xf32>
    %mul3A_30 = arith.mulf %mul3A, %add3A_29 : vector<512x128xf32>
    %get3A_31 = arith.constant 0 : index
    %get3A_32 = arith.constant 0 : index
    %get3A_33 = vector.load %arg6[%get3A_31, %get3A_32] : memref<1x128xf32, #tpu.memory_space<vmem>>, vector<1x128xf32>
    %add3A_34 = vector.broadcast %get3A_33 : vector<1x128xf32> to vector<512x128xf32>
    %add3A_35 = arith.addf %mul3A_30, %add3A_34 : vector<512x128xf32>
    %get3A_36 = arith.constant 0 : index
    %get3A_37 = arith.constant 0 : index
    %get3A_38 = vector.load %arg3[%get3A_36, %get3A_37] : memref<512x128xf32, #tpu.memory_space<vmem>>, vector<512x128xf32>
    %get3A_39 = arith.constant 1 : index
    %get3A_40 = arith.constant 0 : index
    %get3A_41 = arith.constant 0 : index
    %get3A_42 = arith.constant 0 : index
    %get3A_43 = vector.load %arg1[%get3A_39, %get3A_40, %get3A_41, %get3A_42] : memref<3x2x512x128xf32, #tpu.memory_space<vmem>>, vector<1x1x512x128xf32>
    %get3A_44 = vector.shape_cast %get3A_43 : vector<1x1x512x128xf32> to vector<512x128xf32>
    %get3A_45 = arith.constant 1 : index
    %get3A_46 = arith.constant 1 : index
    %get3A_47 = arith.constant 0 : index
    %get3A_48 = arith.constant 0 : index
    %get3A_49 = vector.load %arg1[%get3A_45, %get3A_46, %get3A_47, %get3A_48] : memref<3x2x512x128xf32, #tpu.memory_space<vmem>>, vector<1x1x512x128xf32>
    %get3A_50 = vector.shape_cast %get3A_49 : vector<1x1x512x128xf32> to vector<512x128xf32>
    %add3A_51 = arith.addf %get3A_44, %get3A_50 : vector<512x128xf32>
    %add3A_52 = arith.addf %add3A_51, %get3A_38 : vector<512x128xf32>
    %mul3A_53 = vector.broadcast %rsqrt3A : vector<512x1xf32> to vector<512x128xf32>
    %mul3A_54 = arith.mulf %mul3A_53, %add3A_52 : vector<512x128xf32>
    %mul3A_55 = vector.broadcast %sqrt3A : vector<512x1xf32> to vector<512x128xf32>
    %mul3A_56 = arith.mulf %mul3A_55, %get3A_38 : vector<512x128xf32>
    %sub3A = arith.subf %mul3A_56, %mul3A_54 : vector<512x128xf32>
    %get3A_57 = arith.constant 0 : index
    %get3A_58 = arith.constant 0 : index
    %get3A_59 = vector.load %arg7[%get3A_57, %get3A_58] : memref<1x128xf32, #tpu.memory_space<vmem>>, vector<1x128xf32>
    %add3A_60 = vector.broadcast %get3A_59 : vector<1x128xf32> to vector<512x128xf32>
    %add3A_61 = arith.addf %sub3A, %add3A_60 : vector<512x128xf32>
    %get3A_62 = arith.constant 0 : index
    %get3A_63 = arith.constant 0 : index
    %get3A_64 = vector.load %arg4[%get3A_62, %get3A_63] : memref<512x128xf32, #tpu.memory_space<vmem>>, vector<512x128xf32>
    %get3A_65 = arith.constant 2 : index
    %get3A_66 = arith.constant 0 : index
    %get3A_67 = arith.constant 0 : index
    %get3A_68 = arith.constant 0 : index
    %get3A_69 = vector.load %arg1[%get3A_65, %get3A_66, %get3A_67, %get3A_68] : memref<3x2x512x128xf32, #tpu.memory_space<vmem>>, vector<1x1x512x128xf32>
    %get3A_70 = vector.shape_cast %get3A_69 : vector<1x1x512x128xf32> to vector<512x128xf32>
    %get3A_71 = arith.constant 2 : index
    %get3A_72 = arith.constant 1 : index
    %get3A_73 = arith.constant 0 : index
    %get3A_74 = arith.constant 0 : index
    %get3A_75 = vector.load %arg1[%get3A_71, %get3A_72, %get3A_73, %get3A_74] : memref<3x2x512x128xf32, #tpu.memory_space<vmem>>, vector<1x1x512x128xf32>
    %get3A_76 = vector.shape_cast %get3A_75 : vector<1x1x512x128xf32> to vector<512x128xf32>
    %add3A_77 = arith.addf %get3A_70, %get3A_76 : vector<512x128xf32>
    %add3A_78 = arith.addf %add3A_77, %get3A_64 : vector<512x128xf32>
    %mul3A_79 = vector.broadcast %rsqrt3A : vector<512x1xf32> to vector<512x128xf32>
    %mul3A_80 = arith.mulf %mul3A_79, %add3A_78 : vector<512x128xf32>
    %mul3A_81 = vector.broadcast %sqrt3A : vector<512x1xf32> to vector<512x128xf32>
    %mul3A_82 = arith.mulf %mul3A_81, %get3A_64 : vector<512x128xf32>
    %add3A_83 = arith.addf %mul3A_82, %mul3A_80 : vector<512x128xf32>
    %get3A_84 = arith.constant 0 : index
    %get3A_85 = arith.constant 0 : index
    %get3A_86 = vector.load %arg8[%get3A_84, %get3A_85] : memref<1x128xf32, #tpu.memory_space<vmem>>, vector<1x128xf32>
    %add3A_87 = vector.broadcast %get3A_86 : vector<1x128xf32> to vector<512x128xf32>
    %add3A_88 = arith.addf %add3A_83, %add3A_87 : vector<512x128xf32>
    %get3A_89 = arith.constant 0 : index
    %get3A_90 = arith.constant 0 : index
    %get3A_91 = vector.load %arg10[%get3A_89, %get3A_90] : memref<1x128xf32, #tpu.memory_space<vmem>>, vector<1x128xf32>
    %get3A_92 = arith.constant 0 : index
    %get3A_93 = arith.constant 0 : index
    %get3A_94 = vector.load %arg9[%get3A_92, %get3A_93] : memref<384x128xf32, #tpu.memory_space<vmem>>, vector<128x128xf32>
    %dot_general3A = arith.constant dense<0.000000e+00> : vector<512x128xf32>
    %dot_general3A_95 = tpu.matmul %add3A_35, %get3A_94, %dot_general3A {dimension_numbers = #tpu.dot_dimension_numbers<[1], [0], [0], [1], [0, 0, 1, 1], [], []>, transpose_lhs_hint = false} : vector<512x128xf32>, vector<128x128xf32>, vector<512x128xf32> -> vector<512x128xf32>
    %add3A_96 = vector.broadcast %get3A_91 : vector<1x128xf32> to vector<512x128xf32>
    %add3A_97 = arith.addf %add3A_96, %dot_general3A_95 : vector<512x128xf32>
    %get3A_98 = arith.constant 128 : index
    %get3A_99 = arith.constant 0 : index
    %get3A_100 = vector.load %arg9[%get3A_98, %get3A_99] : memref<384x128xf32, #tpu.memory_space<vmem>>, vector<128x128xf32>
    %dot_general3A_101 = arith.constant dense<0.000000e+00> : vector<512x128xf32>
    %dot_general3A_102 = tpu.matmul %add3A_61, %get3A_100, %dot_general3A_101 {dimension_numbers = #tpu.dot_dimension_numbers<[1], [0], [0], [1], [0, 0, 1, 1], [], []>, transpose_lhs_hint = false} : vector<512x128xf32>, vector<128x128xf32>, vector<512x128xf32> -> vector<512x128xf32>
    %add3A_103 = arith.addf %add3A_97, %dot_general3A_102 : vector<512x128xf32>
    %get3A_104 = arith.constant 256 : index
    %get3A_105 = arith.constant 0 : index
    %get3A_106 = vector.load %arg9[%get3A_104, %get3A_105] : memref<384x128xf32, #tpu.memory_space<vmem>>, vector<128x128xf32>
    %dot_general3A_107 = arith.constant dense<0.000000e+00> : vector<512x128xf32>
    %dot_general3A_108 = tpu.matmul %add3A_88, %get3A_106, %dot_general3A_107 {dimension_numbers = #tpu.dot_dimension_numbers<[1], [0], [0], [1], [0, 0, 1, 1], [], []>, transpose_lhs_hint = false} : vector<512x128xf32>, vector<128x128xf32>, vector<512x128xf32> -> vector<512x128xf32>
    %add3A_109 = arith.addf %add3A_103, %dot_general3A_108 : vector<512x128xf32>
    %swap3A = arith.constant 0 : index
    %swap3A_110 = arith.constant 0 : index
    %swap3A_111 = vector.load %arg11[%swap3A, %swap3A_110] : memref<512x128xf32, #tpu.memory_space<vmem>>, vector<512x128xf32>
    tpu.vector_store %arg11[%swap3A, %swap3A_110], %add3A_109 {strides = array<i32>} : memref<512x128xf32, #tpu.memory_space<vmem>>, vector<512x128xf32>,
    return
  }
  func.func @transform_0(%arg0: i32) -> (i32, i32, i32, i32) {
    %c0_i32 = arith.constant 0 : i32
    %c0_i32_0 = arith.constant 0 : i32
    %c0_i32_1 = arith.constant 0 : i32
    %c0_i32_2 = arith.constant 0 : i32
    return %c0_i32, %c0_i32_0, %arg0, %c0_i32_1 : i32, i32, i32, i32
  }
  func.func @transform_1(%arg0: i32) -> (i32, i32) {
    %c0_i32 = arith.constant 0 : i32
    %c0_i32_0 = arith.constant 0 : i32
    return %arg0, %c0_i32 : i32, i32
  }
  func.func @transform_2(%arg0: i32) -> (i32, i32) {
    %c0_i32 = arith.constant 0 : i32
    %c0_i32_0 = arith.constant 0 : i32
    return %arg0, %c0_i32 : i32, i32
  }
  func.func @transform_3(%arg0: i32) -> (i32, i32) {
    %c0_i32 = arith.constant 0 : i32
    %c0_i32_0 = arith.constant 0 : i32
    return %arg0, %c0_i32 : i32, i32
  }
  func.func @transform_4(%arg0: i32) -> (i32, i32, i32) {
    %c0_i32 = arith.constant 0 : i32
    %c0_i32_0 = arith.constant 0 : i32
    %c0_i32_1 = arith.constant 0 : i32
    return %c0_i32, %arg0, %c0_i32_0 : i32, i32, i32
  }
  func.func @transform_5(%arg0: i32) -> (i32, i32) {
    %c0_i32 = arith.constant 0 : i32
    %c0_i32_0 = arith.constant 0 : i32
    %c0_i32_1 = arith.constant 0 : i32
    return %c0_i32, %c0_i32_0 : i32, i32
  }
  func.func @transform_6(%arg0: i32) -> (i32, i32) {
    %c0_i32 = arith.constant 0 : i32
    %c0_i32_0 = arith.constant 0 : i32
    %c0_i32_1 = arith.constant 0 : i32
    return %c0_i32, %c0_i32_0 : i32, i32
  }
  func.func @transform_7(%arg0: i32) -> (i32, i32) {
    %c0_i32 = arith.constant 0 : i32
    %c0_i32_0 = arith.constant 0 : i32
    %c0_i32_1 = arith.constant 0 : i32
    return %c0_i32, %c0_i32_0 : i32, i32
  }
  func.func @transform_8(%arg0: i32) -> (i32, i32) {
    %c0_i32 = arith.constant 0 : i32
    %c0_i32_0 = arith.constant 0 : i32
    %c0_i32_1 = arith.constant 0 : i32
    return %c0_i32, %c0_i32_0 : i32, i32
  }
  func.func @transform_9(%arg0: i32) -> (i32, i32) {
    %c0_i32 = arith.constant 0 : i32
    %c0_i32_0 = arith.constant 0 : i32
    %c0_i32_1 = arith.constant 0 : i32
    return %c0_i32, %c0_i32_0 : i32, i32
  }
  func.func @transform_10(%arg0: i32) -> (i32, i32) {
    %c0_i32 = arith.constant 0 : i32
    %c0_i32_0 = arith.constant 0 : i32
    return %arg0, %c0_i32 : i32, i32
  }
}

</mosaic_0001>

<sc_bundles>
// kernel: kernel.11.cloned.1.call-start
scs
__scs_entry_jumppad:
0x0: {  	(pc) =	sbr.rel $0x88, $3  }
0x1: {  	(tag) =	ssettag $0x0;
	lr =	simm.s32 $0x1  }
0x2: {  	[smem:$0x3F91] =	sst lr;
	_ =	strace $0xD0000000  }
0x3: {  	_ = 	snop  }
0x4: {  	_ = 	snop  }
0x5: {  	_ = 	snop  }
0x6: {  	_ = 	snop  }
0x7: {  	_ = 	snop  }
__scs_overlays_trampoline_lowered:
0x8: {  	[smem:$0x3FA0] =	sst s0  }
0x9: {  	[smem:$0x3FA1] =	sst s1  }
0xa: {  	[smem:$0x3FA2] =	sst s2  }
0xb: {  	[smem:$0x3FA3] =	sst s3  }
0xc: {  	[smem:$0x3FA4] =	sst s4  }
0xd: {  	[smem:$0x3FA5] =	sst s5  }
0xe: {  	[smem:$0x3FA6] =	sst s6  }
0xf: {  	[smem:$0x3FA7] =	sst s7  }
0x10: {  	[smem:$0x3FA8] =	sst s8  }
0x11: {  	[smem:$0x3FA9] =	sst s9;
	s0 =	simm.s32 @!p0 $0x0  }
0x12: {  	s1 =	sld [smem:$0x3F8F];
	s0 =	simm.s32 @p0 $0x1  }
0x13: {  	[smem:$0x3FAA] =	sst s0;
	s0 =	simm.s32 @!p1 $0x0  }
0x14: {  	s2 =	sld [smem:$0x3F8E];
	s0 =	simm.s32 @p1 $0x1  }
0x15: {  	[smem:$0x3FAB] =	sst s0;
	s0 =	simm.s32 @!p2 $0x0  }
0x16: {  	s3 =	sld [smem:$0x3FDB];
	s0 =	simm.s32 @p2 $0x1  }
0x17: {  	s4 =	simm.s32 $0x1BF5;
	[smem:$0x3FAD] =	sst s0  }
0x18: {  	s0 =	sld [smem:$0x3F90];
	_ =	swait.ge [sflag:s4], $0x0  }
0x19: {  	s7 =	sld [smem:$0x3F91]  }
0x1a: {  	s8 =	sadd.s32 $0xFFFFE003, lr  }
0x1b: {  	s9 =	sadd.s32 $0xFFFFFEF7, lr;
	s5 =	simm.s32 $0xFFFFFFFF;
	p2 =	slt.u32 s8, $0xFFFFF086  }
0x1c: {  	p1 =	slt.u32 s9, $0xF7A;
	s5 =	simm.s32 @!p2 $0x0  }
0x1d: {  	s5 =	simm.s32 @p1 $0x1;
	p0 =	seq.s32 s7, s2  }
0x1e: {  	s7 =	smul.u32 @!p0 $0xF7A, s2;
	p2 =	seq.s32 @!p0 s5, $0x0  }
0x1f: {  	s9 =	smul.u32 $0xF7A, s1;
	s8 =	simm.s32 @!p0 $0x1BF5;
	p2 =	por !p2, p0  }
0x20: {  	[sflag:s8] =	ssyncset.s32 @!p0 $0xFFFFF086;
	s6 =	sadd.s32 @!p0 s3, s7;
	s7 =	simm.s32 @!p0 $0x108  }
0x21: {  	s3 =	sadd.s32 s3, s9;
	s6 =	sadd.s32 @!p0 $0x88, s6;
	s7 =	simm.s32 @p2 $0x1082  }
0x22: {  	[simem:s7], [sflag:s8] =	dma.local @!p0 [hbm:s6], $0xF7A  }
0x23: {  	s9 =	sor.u32 $0xD0000000, s2;
	s6 =	simm.s32 $0x108;
	_ =	swait.ge @!p0 [sflag:s8], $0x0  }
0x24: {  	s3 =	sadd.s32 $0x88, s3;
	s6 =	simm.s32 @!p1 $0x1082;
	[sflag:s4] =	ssyncset.s32 $0xFFFFF086  }
0x25: {  	[simem:s6], [sflag:s4] =	dma.local [hbm:s3], $0xF7A  }
0x26: {  	[smem:$0x3F91] =	sst s1;
	(tag) =	ssettag s2;
	_ =	strace s9  }
0x27: {  	s1 =	sld [smem:$0x3FA1]  }
0x28: {  	s2 =	sld [smem:$0x3FA2]  }
0x29: {  	s4 =	sld [smem:$0x3FA4]  }
0x2a: {  	p0 =	seq.s32 s5, $0x0;
	s5 =	sld [smem:$0x3FA5]  }
0x2b: {  	s6 =	sld [smem:$0x3FA6]  }
0x2c: {  	s7 =	sld [smem:$0x3FA7]  }
0x2d: {  	s3 =	simm.s32 $0x108;
	s8 =	sld [smem:$0x3FA8]  }
0x2e: {  	s3 =	simm.s32 @!p0 $0x1082;
	s9 =	sld [smem:$0x3FA9]  }
0x2f: {  	lr =	sadd.s32 s0, s3;
	s0 =	sld [smem:$0x3FA0]  }
0x30: {  	s3 =	sld [smem:$0x3FA3]  }
0x31: {  	[smem:$0x3FAC] =	sst s10  }
0x32: {  	s10 =	sld [smem:$0x3FAA];
	_ =	sdelay $0x3  }
0x33: {  	p0 =	seq.s32 s10, $0x1;
	s10 =	sld [smem:$0x3FAC];
	_ =	sdelay $0x3  }
0x34: {  	[smem:$0x3FAC] =	sst s10  }
0x35: {  	s10 =	sld [smem:$0x3FAB];
	_ =	sdelay $0x3  }
0x36: {  	p1 =	seq.s32 s10, $0x1;
	s10 =	sld [smem:$0x3FAC];
	_ =	sdelay $0x3  }
0x37: {  	[smem:$0x3FAC] =	sst s10  }
0x38: {  	s10 =	sld [smem:$0x3FAD]  }
0x39: {  	_ = 	snop;
	(pc) =	sbr.ind lr, $3  }
0x3a: {  	_ = 	snop  }
0x3b: {  	_ = 	snop  }
0x3c: {  	p2 =	seq.s32 s10, $0x1;
	s10 =	sld [smem:$0x3FAC]  }
0x3d: {  	_ =	shalt  }
0x3e: {  	_ =	shalt  }
0x3f: {  	_ =	shalt  }
0x40: {  	_ =	shalt  }
0x41: {  	_ =	shalt  }
0x42: {  	_ =	shalt  }
0x43: {  	_ =	shalt  }
0x44: {  	_ =	shalt  }
0x45: {  	_ =	shalt  }
0x46: {  	_ =	shalt  }
0x47: {  	_ =	shalt  }
0x48: {  	_ =	shalt  }
0x49: {  	_ =	shalt  }
0x4a: {  	_ =	shalt  }
0x4b: {  	_ =	shalt  }
0x4c: {  	_ =	shalt  }
0x4d: {  	_ =	shalt  }
0x4e: {  	_ =	shalt  }
0x4f: {  	_ =	shalt  }
0x50: {  	_ =	shalt  }
0x51: {  	_ =	shalt  }
0x52: {  	_ =	shalt  }
0x53: {  	_ =	shalt  }
0x54: {  	_ =	shalt  }
0x55: {  	_ =	shalt  }
0x56: {  	_ =	shalt  }
0x57: {  	_ =	shalt  }
0x58: {  	_ =	shalt  }
0x59: {  	_ =	shalt  }
0x5a: {  	_ =	shalt  }
0x5b: {  	_ =	shalt  }
0x5c: {  	_ =	shalt  }
0x5d: {  	_ =	shalt  }
0x5e: {  	_ =	shalt  }
0x5f: {  	_ =	shalt  }
0x60: {  	_ =	shalt  }
0x61: {  	_ =	shalt  }
0x62: {  	_ =	shalt  }
0x63: {  	_ =	shalt  }
0x64: {  	_ =	shalt  }
0x65: {  	_ =	shalt  }
0x66: {  	_ =	shalt  }
0x67: {  	_ =	shalt  }
0x68: {  	_ =	shalt  }
0x69: {  	_ =	shalt  }
0x6a: {  	_ =	shalt  }
0x6b: {  	_ =	shalt  }
0x6c: {  	_ =	shalt  }
0x6d: {  	_ =	shalt  }
0x6e: {  	_ =	shalt  }
0x6f: {  	_ =	shalt  }
0x70: {  	_ =	shalt  }
0x71: {  	_ =	shalt  }
0x72: {  	_ =	shalt  }
0x73: {  	_ =	shalt  }
0x74: {  	_ =	shalt  }
0x75: {  	_ =	shalt  }
0x76: {  	_ =	shalt  }
0x77: {  	_ =	shalt  }
0x78: {  	_ =	shalt  }
0x79: {  	_ =	shalt  }
0x7a: {  	_ =	shalt  }
0x7b: {  	_ =	shalt  }
0x7c: {  	_ =	shalt  }
0x7d: {  	_ =	shalt  }
0x7e: {  	_ =	shalt  }
0x7f: {  	_ =	shalt  }
0x80: {  	_ =	shalt  }
0x81: {  	_ =	shalt  }
0x82: {  	_ =	shalt  }
0x83: {  	_ =	shalt  }
0x84: {  	_ =	shalt  }
0x85: {  	_ =	shalt  }
0x86: {  	_ =	shalt  }
0x87: {  	_ =	shalt  }
.Lfunc_end0:
.L_simem_size_0:
called_computation.1_lowered:
.L_overlay_start_0:
0x88: {  	s2 =	sld [smem:$0x3FD9]  }
0x89: {  	s3 =	sld [smem:$0x3FFE];
	_ =	sdelay $0x1  }
0x8a: {  	s1 =	srdreg.scid  }
0x8b: {  	s0 =	sand.u32 $0x1, s1  }
0x8c: {  	s17 =	sshll.u32 s0, $0xA;
	s2 =	sadd.s32 s3, s2  }
0x8d: {  	s2 =	sadd.s32 s2, s17  }
0x8e: {  	[smem:$0x3FB8] =	sst s2  }
0x8f: {  	_ = 	snop  }
0x90: {  	s2 =	sld [smem:$0x3FD0];
	(tm) =	ssettm $0x1  }
0x91: {  	s18 =	sld [smem:$0x3FFB];
	_ =	sdelay $0x3  }
0x92: {  	_ =	strace s18  }
0x93: {  	s3 =	sld [smem:$0x3FFC];
	_ =	sdelay $0x3  }
0x94: {  	_ =	strace s3  }
0x95: {  	s3 =	sld [smem:$0x3FFD];
	_ =	sdelay $0x3  }
0x96: {  	_ =	strace s3  }
0x97: {  	_ =	strace $0x8FFFFFFF  }
0x98: {  	s19 =	sld [smem:$0x3FDB];
	_ =	sdelay $0x1  }
0x99: {  	s4 =	simm.s32 $_scs_section_size  }
0x9a: {  	s5 =	simm.s32 $_size__tile_overlayer_lowered;
	s6 =	simm.s32 $_tile_overlayer_lowered  }
0x9b: {  	s22 =	simm.s32 $0x1BFF;
	s21 =	sshll.u32 s6, $0x1;
	s3 =	sadd.s32 s4, s19  }
0x9c: {  	s7 =	simm.s32 $0x0;
	s20 =	sshll.u32 s5, $0x1;
	s5 =	sadd.s32 s21, s3  }
0x9d: {  	[timem:s7], [sflag:s22] =	dma.local [hbm:s5], s20  }
0x9e: {  	_ =	swait.ge [sflag:s22], s20  }
0x9f: {  	s4 =	ssub.s32 $0x0, s20;
	[sflag:s22] =	ssyncset.done $0x0  }
0xa0: {  	[sflag:s22] =	ssyncadd.s32 s4;
	_ =	sdelay $0x1  }
0xa1: {  	s23 =	simm.s32 $0x1B8B  }
0xa2: {  	_ =	swait.ge [sflag:s23], $0x1  }
0xa3: {  	[sflag:s23] =	ssyncset.done $0x0  }
0xa4: {  	s25 =	simm.s32 $0x1B8E;
	s24 =	sld [smem:$0x3FFE];
	[sflag:s23] =	ssyncadd.s32 $0xFFFFFFFF  }
0xa5: {  	s26 =	simm.s32 $execute0_lowered;
	[smem:$0x3FD2] =	sst s25  }
0xa6: {  	s5 =	sshll.u32 s26, $0x1;
	_ =	strace $0x80000049;
	[dreg:$0x1] =	wrdreg $0xFFFFFFFF  }
0xa7: {  	s28 =	simm.s32 $_size_execute0_lowered;
	s3 =	sadd.s32 s3, s5;
	[dreg:$0x0] =	wrdreg $0x0  }
0xa8: {  	s5 =	sshll.u32 s28, $0x1;
	[dreg:$0x2] =	wrdreg s3  }
0xa9: {  	[dreg:$0x3] =	wrdreg s5  }
0xaa: {  	[dreg:$0x4] =	wrdreg $0xC0  }
0xab: {  	_ =	task [dreg:s7], $0x5FFFF  }
0xac: {  	[dreg:$0x1] =	wrdreg $0xFFFFFFFF  }
0xad: {  	[dreg:$0x0] =	wrdreg $0x60  }
0xae: {  	[dreg:$0x2] =	wrdreg s24  }
0xaf: {  	[dreg:$0x3] =	wrdreg s2  }
0xb0: {  	[dreg:$0x4] =	wrdreg $0xA9000  }
0xb1: {  	[dreg:$0x5] =	wrdreg $0x9  }
0xb2: {  	_ =	task.clear_ibuf [dreg:s7], $0x6FFFF;
	_ =	strace $0x90000049  }
0xb3: {  	s29 =	simm.s32 $0x9;
	_ =	strace $0x8000004B  }
0xb4: {  	_ =	swait.ge [sflag:s29], $0x1  }
0xb5: {  	[sflag:s29] =	ssyncadd.s32 $0xFFFFFFFF  }
0xb6: {  	_ =	strace $0x9000004B  }
0xb7: {  	_ =	sfence  }
0xb8: {  	s30 =	sld [smem:$0x0];
	_ =	sdelay $0x2  }
0xb9: {  	s31 =	sshll.u32 s1, $0xD;
	s1 =	sshrl.u32 s1, $0x2  }
0xba: {  	s3 =	sand.u32 $0x4000, s31;
	s1 =	sadd.s32 s1, s30  }
0xbb: {  	s0 =	sor.u32 s3, s0;
	s1 =	sshll.u32 s1, $0x11  }
0xbc: {  	s0 =	sor.u32 s1, s0  }
0xbd: {  	s0 =	sadd.s32 $0x8F2B, s0  }
0xbe: {  	[sflag:s0] =	ssyncadd.remote.s32 $0x1  }
0xbf: {  	_ =	sfence.sel $0xFFFF  }
0xc0: {  	[dreg:$0x0] =	wrdreg $0xFFFFFFFF;
	(pc) =	sbr.abs _section_cstart, $3  }
0xc1: {  	[dreg:$0x1] =	wrdreg $0xFFFFFFFF  }
0xc2: {  	_ =	task.clear_ibuf [dreg:s7], $0x2FFFF;
	_ =	strace $0x9FFFFFFF  }
0xc3: {  	(tm) =	ssettm $0x7FFFFFFF  }
tec
execute0_lowered:
.L_overlay_start_1:
0x0: {  	(tag) =	ssettag $0x1  }
0x1: {  	s0 =	rddreg [dreg:$0x0]  }
0x2: {  	s2 =	rddreg [dreg:$0x1]  }
0x3: {  	s1 =	rddreg [dreg:$0x2];
	s3 =	simm.s32 $0x0  }
0x4: {  	s4 =	srdreg.scid;
	s14 =	stileid.u32;
	s28 =	simm.s32 $0x6900  }
0x5: {  	s29 =	simm.s32 $0x1;
	s30 =	simm.s32 $0x5;
	s31 =	simm.s32 $0x2  }
0x6: {  	[smem:$0x7FF] =	sst s3;
	s8 =	sand.u32 $0x1, s4;
	s10 =	smul.u32 $0x14000, s14  }
0x7: {  	s4 =	sadd.s32 $0x74000, s0;
	s5 =	sadd.s32 $0x9C000, s0;
	s12 =	smul.u32 $0x50000, s14  }
0x8: {  	s6 =	sadd.s32 $0xC4000, s0;
	s7 =	sadd.s32 $0x1A000, s0;
	s23 =	smul.u32 $0x500, s14  }
0x9: {  	s11 =	sadd.s32 $0x5A00, s0;
	s26 =	sshll.u32 s14, $0x6;
	s9 =	smul.u32 $0x140000, s8  }
0xa: {  	_ =	strace $0x8000004A;
	s15 =	sshll.u32 s8, $0x4;
	s16 =	ssub.s32 $0x2, s8  }
0xb: {  	s13 =	sshrl.u32 s16, $0x1;
	s9 =	sadd.s32 s10, s9;
	s10 =	sor.u32 s14, s15  }
0xc: {  	s17 =	ssub.s32 s16, s13;
	s9 =	sshrl.u32 s9, $0x3;
	s10 =	smul.u32 $0x500, s10  }
0xd: {  	[dreg:$0x4] =	wrdreg s11;
	s0 =	sadd.s32 s9, s0;
	s9 =	smax.u32 s17, $0x1  }
0xe: {  	s8 =	smul.u32 $0x5000, s8;
	s2 =	sadd.s32 s2, s10;
	[dreg:$0xb] =	wrdreg s9  }
0xf: {  	s18 =	sshrl.u32 s12, $0x2;
	s21 =	sadd.s32 $0xEC000, s0;
	[dreg:$0x5] =	wrdreg s2  }
0x10: {  	s12 =	simm.s32 $0x0;
	s22 =	sadd.s32 $0x13C000, s0;
	[dreg:$0x8] =	wrdreg s21  }
0x11: {  	s19 =	sadd.s32 s18, s1;
	s0 =	sadd.s32 $0x18C000, s0;
	[dreg:$0x9] =	wrdreg s22  }
0x12: {  	s18 =	sadd.s32 s23, s8;
	s10 =	sadd.s32 s7, s10;
	[dreg:$0xa] =	wrdreg s0  }
0x13: {  	s23 =	simm.s32 $0x80;
	s20 =	sadd.s32 $0x10, s10;
	[dreg:$0x6] =	wrdreg s10  }
0x14: {  	s24 =	sadd.s32 $0x20, s10;
	s25 =	sadd.s32 $0x30, s10;
	[dreg:$0x7] =	wrdreg s20  }
0x15: {  	s21 =	sor.u32 $0x1C07, s26;
	s22 =	sshrl.u32 s19, $0x3;
	[dreg:$0xc] =	wrdreg s24  }
0x16: {  	s26 =	simm.s32 $0x4;
	s2 =	simm.s32 $0x6;
	[dreg:$0xd] =	wrdreg s25  }
0x17: {  	s20 =	simm.s32 $0x7;
	s24 =	simm.s32 $0x3;
	s25 =	simm.s32 $0x2900  }
.LBB2_1:
0x18: {  	s0 =	rddreg [dreg:$0x5];
	s8 =	simm.s32 $0x100  }
0x19: {  	[tilespmem:s8], [sflag:$0x7] =	stream.linear.gather [hbm4b:s0+s3], $0x2800, $0x38;
	[tilespmem:$0x1E900] =	vst v63  }
0x1a: {  	_ =	swait.ge [sflag:s20], $0x2800  }
0x1b: {  	[sflag:s20] =	ssyncset.done $0x0  }
0x1c: {  	s17 =	rddreg [dreg:$0x4];
	[sflag:s20] =	ssyncadd.s32 $0xFFFFD800  }
0x1d: {  	[spmem:s22], [sflag:s21] =	dma.local [hbm:s17], $0x2800  }
0x1e: {  	_ =	swait.ge [sflag:s20], $0x2800  }
0x1f: {  	[sflag:s20] =	ssyncset.done $0x0  }
0x20: {  	[sflag:s20] =	ssyncadd.s32 $0xFFFFD800  }
0x21: {  	[bflag:$0x0] =	sbarrier.arrive $0xFFFF  }
0x22: {  	s19 =	rddreg [dreg:$0x6]  }
0x23: {  	[tilespmem:s3], [sflag:$0x3] =	stream.linear.gather [hbm4b:s19+s3], $0x80, $0x38;
	[tilespmem:$0x1E900] =	vst v63  }
0x24: {  	s9 =	rddreg [dreg:$0x7]  }
0x25: {  	[tilespmem:s23], [sflag:$0x4] =	stream.linear.gather [hbm4b:s9+s3], $0x80, $0x38;
	[tilespmem:$0x1E900] =	vst v63  }
0x26: {  	_ =	swait.ge [sflag:s24], $0x80  }
0x27: {  	[sflag:s24] =	ssyncset.done $0x0  }
0x28: {  	[sflag:s24] =	ssyncadd.s32 $0xFFFFFF80  }
0x29: {  	[tilespmem:s25], [sflag:$0x1] =	stream.indirect.gather [hbm4b:s4+s23], $0x80, s3, s23, $0xb8;
	[tilespmem:$0x1E900] =	vst v63  }
0x2a: {  	_ =	swait.ge [sflag:s26], $0x80  }
0x2b: {  	[sflag:s26] =	ssyncset.done $0x0  }
0x2c: {  	[sflag:s26] =	ssyncadd.s32 $0xFFFFFF80  }
0x2d: {  	[tilespmem:s28], [sflag:$0x2] =	stream.indirect.gather [hbm4b:s4+s23], $0x80, s23, s23, $0xb8;
	[tilespmem:$0x1E900] =	vst v63  }
0x2e: {  	_ =	swait.ge [sflag:s29], $0x4000  }
0x2f: {  	[sflag:s29] =	ssyncset.done $0x0  }
0x30: {  	[sflag:s29] =	ssyncadd.s32 $0xFFFFC000  }
0x31: {  	[spmem:s1] =	stream.indirect.scatter.add.f32 [tilespmem:s25], [sflag:$0x5], $0x80, s8, s23, $0xb8;
	[tilespmem:$0x1E900] =	vst v63  }
0x32: {  	s10 =	rddreg [dreg:$0xc]  }
0x33: {  	[tilespmem:s3], [sflag:$0x3] =	stream.linear.gather [hbm4b:s10+s3], $0x80, $0x38;
	[tilespmem:$0x1E900] =	vst v63  }
0x34: {  	_ =	swait.ge [sflag:s24], $0x80  }
0x35: {  	[sflag:s24] =	ssyncset.done $0x0  }
0x36: {  	[sflag:s24] =	ssyncadd.s32 $0xFFFFFF80  }
0x37: {  	_ =	swait.ge [sflag:s30], $0x4000  }
0x38: {  	[sflag:s30] =	ssyncset.done $0x0  }
0x39: {  	[sflag:s30] =	ssyncadd.s32 $0xFFFFC000  }
0x3a: {  	[tilespmem:s25], [sflag:$0x1] =	stream.indirect.gather [hbm4b:s4+s23], $0x80, s3, s23, $0xb8;
	[tilespmem:$0x1E900] =	vst v63  }
0x3b: {  	_ =	swait.ge [sflag:s31], $0x4000  }
0x3c: {  	[sflag:s31] =	ssyncset.done $0x0  }
0x3d: {  	s11 =	simm.s32 $0x180;
	[sflag:s31] =	ssyncadd.s32 $0xFFFFC000  }
0x3e: {  	[spmem:s1] =	stream.indirect.scatter.add.f32 [tilespmem:s28], [sflag:$0x6], $0x80, s11, s23, $0xb8;
	[tilespmem:$0x1E900] =	vst v63  }
0x3f: {  	s13 =	rddreg [dreg:$0xd]  }
0x40: {  	[tilespmem:s23], [sflag:$0x4] =	stream.linear.gather [hbm4b:s13+s3], $0x80, $0x38;
	[tilespmem:$0x1E900] =	vst v63  }
0x41: {  	_ =	swait.ge [sflag:s26], $0x80  }
0x42: {  	[sflag:s26] =	ssyncset.done $0x0  }
0x43: {  	[sflag:s26] =	ssyncadd.s32 $0xFFFFFF80  }
0x44: {  	_ =	swait.ge [sflag:s2], $0x4000  }
0x45: {  	[sflag:s2] =	ssyncset.done $0x0  }
0x46: {  	s14 =	simm.s32 $0x200;
	[sflag:s2] =	ssyncadd.s32 $0xFFFFC000  }
0x47: {  	[tilespmem:s28], [sflag:$0x2] =	stream.indirect.gather [hbm4b:s4+s23], $0x80, s23, s23, $0xb8;
	[tilespmem:$0x1E900] =	vst v63  }
0x48: {  	s15 =	sadd.s32 $0x50, s18;
	s16 =	simm.s32 $0x40;
	_ =	swait.ge [sflag:s29], $0x4000  }
0x49: {  	s9 =	sadd.s32 $0xFFFFFFF0, s15;
	s8 =	sand.u32 $0x60, s16;
	[sflag:s29] =	ssyncset.done $0x0  }
0x4a: {  	s9 =	sand.u32 $0xFFFFF80, s9;
	s8 =	sadd.s32 s7, s8;
	[sflag:s29] =	ssyncadd.s32 $0xFFFFC000  }
0x4b: {  	[spmem:s1] =	stream.indirect.scatter.add.f32 [tilespmem:s25], [sflag:$0x5], $0x80, s14, s23, $0xb8;
	[tilespmem:$0x1E900] =	vst v63  }
0x4c: {  	s8 =	sadd.s32 s9, s8  }
0x4d: {  	[tilespmem:s3], [sflag:$0x3] =	stream.linear.gather [hbm4b:s8+s3], $0x80, $0x38;
	[tilespmem:$0x1E900] =	vst v63  }
0x4e: {  	_ =	swait.ge [sflag:s24], $0x80  }
0x4f: {  	[sflag:s24] =	ssyncset.done $0x0  }
0x50: {  	[sflag:s24] =	ssyncadd.s32 $0xFFFFFF80  }
0x51: {  	_ =	swait.ge [sflag:s30], $0x4000  }
0x52: {  	[sflag:s30] =	ssyncset.done $0x0  }
0x53: {  	[sflag:s30] =	ssyncadd.s32 $0xFFFFC000  }
0x54: {  	[tilespmem:s25], [sflag:$0x1] =	stream.indirect.gather [hbm4b:s4+s23], $0x80, s3, s23, $0xb8;
	[tilespmem:$0x1E900] =	vst v63  }
0x55: {  	s17 =	simm.s32 $0x50;
	_ =	swait.ge [sflag:s31], $0x4000  }
0x56: {  	s0 =	sand.u32 $0xFFFFF80, s15;
	s8 =	sand.u32 $0x70, s17;
	[sflag:s31] =	ssyncset.done $0x0  }
0x57: {  	s19 =	simm.s32 $0x280;
	s8 =	sadd.s32 s7, s8;
	[sflag:s31] =	ssyncadd.s32 $0xFFFFC000  }
0x58: {  	[spmem:s1] =	stream.indirect.scatter.add.f32 [tilespmem:s28], [sflag:$0x6], $0x80, s19, s23, $0xb8;
	[tilespmem:$0x1E900] =	vst v63  }
0x59: {  	s0 =	sadd.s32 s0, s8  }
0x5a: {  	[tilespmem:s23], [sflag:$0x4] =	stream.linear.gather [hbm4b:s0+s3], $0x80, $0x38;
	[tilespmem:$0x1E900] =	vst v63  }
0x5b: {  	_ =	swait.ge [sflag:s26], $0x80  }
0x5c: {  	[sflag:s26] =	ssyncset.done $0x0  }
0x5d: {  	s15 =	simm.s32 $0x70;
	s9 =	simm.s32 $0x300;
	[sflag:s26] =	ssyncadd.s32 $0xFFFFFF80  }
0x5e: {  	s11 =	simm.s32 $0x60;
	s13 =	simm.s32 $0x480;
	_ =	swait.ge [sflag:s2], $0x4000  }
0x5f: {  	s14 =	simm.s32 $0x400;
	s17 =	sand.u32 $0x60, s11;
	[sflag:s2] =	ssyncset.done $0x0  }
0x60: {  	s8 =	simm.s32 $0x90;
	s19 =	sadd.s32 $0x70, s18;
	[sflag:s2] =	ssyncadd.s32 $0xFFFFC000  }
0x61: {  	[tilespmem:s28], [sflag:$0x2] =	stream.indirect.gather [hbm4b:s4+s23], $0x80, s23, s23, $0xb8;
	[tilespmem:$0x1E900] =	vst v63  }
0x62: {  	s16 =	sadd.s32 $0xFFFFFFF0, s19;
	s0 =	simm.s32 $0x380;
	_ =	swait.ge [sflag:s29], $0x4000  }
.LBB2_2:
0x63: {  	s16 =	sand.u32 $0xFFFFF80, s16  }
0x64: {  	s17 =	sadd.s32 s7, s17;
	[sflag:s29] =	ssyncset.done $0x0;
	s10 =	smov.u32 s8  }
0x65: {  	s11 =	sadd.s32 $0x20, s8;
	s16 =	sadd.s32 s16, s17;
	[sflag:s29] =	ssyncadd.s32 $0xFFFFC000  }
0x66: {  	[spmem:s1] =	stream.indirect.scatter.add.f32 [tilespmem:s25], [sflag:$0x5], $0x80, s9, s23, $0xb8;
	[tilespmem:$0x1E900] =	vst v63  }
0x67: {  	p0 =	sne.s32 s8, $0x4F0;
	s9 =	smov.u32 s14;
	s14 =	sadd.s32 $0x80, s13  }
0x68: {  	[tilespmem:s3], [sflag:$0x3] =	stream.linear.gather [hbm4b:s16+s3], $0x80, $0x38;
	[tilespmem:$0x1E900] =	vst v63  }
0x69: {  	_ =	swait.ge [sflag:s24], $0x80  }
0x6a: {  	[sflag:s24] =	ssyncset.done $0x0  }
0x6b: {  	[sflag:s24] =	ssyncadd.s32 $0xFFFFFF80  }
0x6c: {  	_ =	swait.ge [sflag:s30], $0x4000  }
0x6d: {  	[sflag:s30] =	ssyncset.done $0x0  }
0x6e: {  	[sflag:s30] =	ssyncadd.s32 $0xFFFFC000  }
0x6f: {  	[tilespmem:s25], [sflag:$0x1] =	stream.indirect.gather [hbm4b:s4+s23], $0x80, s3, s23, $0xb8;
	[tilespmem:$0x1E900] =	vst v63  }
0x70: {  	_ =	swait.ge [sflag:s31], $0x4000  }
0x71: {  	s8 =	sand.u32 $0x70, s15;
	s15 =	smov.u32 s10;
	[sflag:s31] =	ssyncset.done $0x0  }
0x72: {  	s10 =	sand.u32 $0xFFFFF80, s19;
	s8 =	sadd.s32 s7, s8;
	[sflag:s31] =	ssyncadd.s32 $0xFFFFC000  }
0x73: {  	[spmem:s1] =	stream.indirect.scatter.add.f32 [tilespmem:s28], [sflag:$0x6], $0x80, s0, s23, $0xb8;
	[tilespmem:$0x1E900] =	vst v63  }
0x74: {  	s8 =	sadd.s32 s10, s8;
	s0 =	smov.u32 s13  }
0x75: {  	[tilespmem:s23], [sflag:$0x4] =	stream.linear.gather [hbm4b:s8+s3], $0x80, $0x38;
	[tilespmem:$0x1E900] =	vst v63  }
0x76: {  	_ =	swait.ge [sflag:s26], $0x80  }
0x77: {  	[sflag:s26] =	ssyncset.done $0x0  }
0x78: {  	[sflag:s26] =	ssyncadd.s32 $0xFFFFFF80  }
.Ltmp0:
0x79: {  	_ =	swait.ge [sflag:s2], $0x4000;
	(pc) =	sbr.rel @p0 .LBB2_2-.Ltmp0, $4  }
0x7a: {  	s19 =	sadd.s32 s15, s18;
	s13 =	sadd.s32 $0x100, s13;
	[sflag:s2] =	ssyncset.done $0x0  }
0x7b: {  	s16 =	sadd.s32 $0xFFFFFFF0, s19;
	s8 =	sadd.s32 $0xFFFFFFF0, s15;
	[sflag:s2] =	ssyncadd.s32 $0xFFFFC000  }
0x7c: {  	[tilespmem:s28], [sflag:$0x2] =	stream.indirect.gather [hbm4b:s4+s23], $0x80, s23, s23, $0xb8;
	[tilespmem:$0x1E900] =	vst v63  }
0x7d: {  	s17 =	sand.u32 $0x60, s8;
	s8 =	smov.u32 s11;
	_ =	swait.ge [sflag:s29], $0x4000  }
0x7e: {  	[sflag:s29] =	ssyncset.done $0x0  }
0x7f: {  	s8 =	sand.u32 $0xFFFFF80, s16;
	s10 =	sadd.s32 s7, s17;
	[sflag:s29] =	ssyncadd.s32 $0xFFFFC000  }
0x80: {  	[spmem:s1] =	stream.indirect.scatter.add.f32 [tilespmem:s25], [sflag:$0x5], $0x80, s9, s23, $0xb8;
	[tilespmem:$0x1E900] =	vst v63  }
0x81: {  	s8 =	sadd.s32 s8, s10  }
0x82: {  	[tilespmem:s3], [sflag:$0x3] =	stream.linear.gather [hbm4b:s8+s3], $0x80, $0x38;
	[tilespmem:$0x1E900] =	vst v63  }
0x83: {  	_ =	swait.ge [sflag:s24], $0x80  }
0x84: {  	[sflag:s24] =	ssyncset.done $0x0  }
0x85: {  	[sflag:s24] =	ssyncadd.s32 $0xFFFFFF80  }
0x86: {  	_ =	swait.ge [sflag:s30], $0x4000  }
0x87: {  	[sflag:s30] =	ssyncset.done $0x0  }
0x88: {  	[sflag:s30] =	ssyncadd.s32 $0xFFFFC000  }
0x89: {  	[tilespmem:s25], [sflag:$0x1] =	stream.indirect.gather [hbm4b:s4+s23], $0x80, s3, s23, $0xb8;
	[tilespmem:$0x1E900] =	vst v63  }
0x8a: {  	_ =	swait.ge [sflag:s31], $0x4000  }
0x8b: {  	s9 =	sand.u32 $0x70, s15;
	[sflag:s31] =	ssyncset.done $0x0  }
0x8c: {  	s10 =	sand.u32 $0xFFFFF80, s19;
	s8 =	sadd.s32 s7, s9;
	[sflag:s31] =	ssyncadd.s32 $0xFFFFC000  }
0x8d: {  	[spmem:s1] =	stream.indirect.scatter.add.f32 [tilespmem:s28], [sflag:$0x6], $0x80, s0, s23, $0xb8;
	[tilespmem:$0x1E900] =	vst v63  }
0x8e: {  	s11 =	sadd.s32 s10, s8  }
0x8f: {  	[tilespmem:s23], [sflag:$0x4] =	stream.linear.gather [hbm4b:s11+s3], $0x80, $0x38;
	[tilespmem:$0x1E900] =	vst v63  }
0x90: {  	_ =	swait.ge [sflag:s26], $0x80  }
0x91: {  	[sflag:s26] =	ssyncset.done $0x0  }
0x92: {  	[sflag:s26] =	ssyncadd.s32 $0xFFFFFF80  }
0x93: {  	_ =	swait.ge [sflag:s2], $0x4000  }
0x94: {  	[sflag:s2] =	ssyncset.done $0x0  }
0x95: {  	[sflag:s2] =	ssyncadd.s32 $0xFFFFC000  }
0x96: {  	[tilespmem:s28], [sflag:$0x2] =	stream.indirect.gather [hbm4b:s4+s23], $0x80, s23, s23, $0xb8;
	[tilespmem:$0x1E900] =	vst v63  }
0x97: {  	_ =	swait.ge [sflag:s29], $0x4000  }
0x98: {  	[sflag:s29] =	ssyncset.done $0x0  }
0x99: {  	[sflag:s29] =	ssyncadd.s32 $0xFFFFC000  }
0x9a: {  	[spmem:s1] =	stream.indirect.scatter.add.f32 [tilespmem:s25], [sflag:$0x5], $0x80, s14, s23, $0xb8;
	[tilespmem:$0x1E900] =	vst v63  }
0x9b: {  	_ =	swait.ge [sflag:s31], $0x4000  }
0x9c: {  	[sflag:s31] =	ssyncset.done $0x0  }
0x9d: {  	[sflag:s31] =	ssyncadd.s32 $0xFFFFC000  }
0x9e: {  	[spmem:s1] =	stream.indirect.scatter.add.f32 [tilespmem:s28], [sflag:$0x6], $0x80, s13, s23, $0xb8;
	[tilespmem:$0x1E900] =	vst v63  }
0x9f: {  	_ =	swait.ge [sflag:s30], $0x4000  }
0xa0: {  	[sflag:s30] =	ssyncset.done $0x0  }
0xa1: {  	[sflag:s30] =	ssyncadd.s32 $0xFFFFC000  }
0xa2: {  	_ =	swait.ge [sflag:s2], $0x4000  }
0xa3: {  	[sflag:s2] =	ssyncset.done $0x0  }
0xa4: {  	[sflag:s2] =	ssyncadd.s32 $0xFFFFC000  }
0xa5: {  	[bflag:$0x0] =	sbarrier.arrive $0xFFFF  }
0xa6: {  	s13 =	rddreg [dreg:$0x8]  }
0xa7: {  	[hbm:s13], [sflag:s21] =	dma.local [spmem:s22], $0x2800  }
0xa8: {  	_ =	swait.ge [sflag:s20], $0x2800  }
0xa9: {  	[sflag:s20] =	ssyncset.done $0x0  }
0xaa: {  	s14 =	rddreg [dreg:$0x4];
	[sflag:s20] =	ssyncadd.s32 $0xFFFFD800  }
0xab: {  	[spmem:s22], [sflag:s21] =	dma.local [hbm:s14], $0x2800  }
0xac: {  	_ =	swait.ge [sflag:s20], $0x2800  }
0xad: {  	[sflag:s20] =	ssyncset.done $0x0  }
0xae: {  	[sflag:s20] =	ssyncadd.s32 $0xFFFFD800  }
0xaf: {  	[bflag:$0x0] =	sbarrier.arrive $0xFFFF  }
0xb0: {  	s15 =	rddreg [dreg:$0x6]  }
0xb1: {  	[tilespmem:s3], [sflag:$0x3] =	stream.linear.gather [hbm4b:s15+s3], $0x80, $0x38;
	[tilespmem:$0x1E900] =	vst v63  }
0xb2: {  	s16 =	rddreg [dreg:$0x7]  }
0xb3: {  	[tilespmem:s23], [sflag:$0x4] =	stream.linear.gather [hbm4b:s16+s3], $0x80, $0x38;
	[tilespmem:$0x1E900] =	vst v63  }
0xb4: {  	_ =	swait.ge [sflag:s24], $0x80  }
0xb5: {  	[sflag:s24] =	ssyncset.done $0x0  }
0xb6: {  	[sflag:s24] =	ssyncadd.s32 $0xFFFFFF80  }
0xb7: {  	[tilespmem:s25], [sflag:$0x1] =	stream.indirect.gather [hbm4b:s5+s23], $0x80, s3, s23, $0xb8;
	[tilespmem:$0x1E900] =	vst v63  }
0xb8: {  	_ =	swait.ge [sflag:s26], $0x80  }
0xb9: {  	[sflag:s26] =	ssyncset.done $0x0  }
0xba: {  	[sflag:s26] =	ssyncadd.s32 $0xFFFFFF80  }
0xbb: {  	[tilespmem:s28], [sflag:$0x2] =	stream.indirect.gather [hbm4b:s5+s23], $0x80, s23, s23, $0xb8;
	[tilespmem:$0x1E900] =	vst v63  }
0xbc: {  	_ =	swait.ge [sflag:s29], $0x4000  }
0xbd: {  	[sflag:s29] =	ssyncset.done $0x0  }
0xbe: {  	s17 =	simm.s32 $0x100;
	[sflag:s29] =	ssyncadd.s32 $0xFFFFC000  }
0xbf: {  	[spmem:s1] =	stream.indirect.scatter.add.f32 [tilespmem:s25], [sflag:$0x5], $0x80, s17, s23, $0xb8;
	[tilespmem:$0x1E900] =	vst v63  }
0xc0: {  	s19 =	rddreg [dreg:$0xc]  }
0xc1: {  	[tilespmem:s3], [sflag:$0x3] =	stream.linear.gather [hbm4b:s19+s3], $0x80, $0x38;
	[tilespmem:$0x1E900] =	vst v63  }
0xc2: {  	_ =	swait.ge [sflag:s24], $0x80  }
0xc3: {  	[sflag:s24] =	ssyncset.done $0x0  }
0xc4: {  	[sflag:s24] =	ssyncadd.s32 $0xFFFFFF80  }
0xc5: {  	_ =	swait.ge [sflag:s30], $0x4000  }
0xc6: {  	[sflag:s30] =	ssyncset.done $0x0  }
0xc7: {  	[sflag:s30] =	ssyncadd.s32 $0xFFFFC000  }
0xc8: {  	[tilespmem:s25], [sflag:$0x1] =	stream.indirect.gather [hbm4b:s5+s23], $0x80, s3, s23, $0xb8;
	[tilespmem:$0x1E900] =	vst v63  }
0xc9: {  	_ =	swait.ge [sflag:s31], $0x4000  }
0xca: {  	[sflag:s31] =	ssyncset.done $0x0  }
0xcb: {  	s8 =	simm.s32 $0x180;
	[sflag:s31] =	ssyncadd.s32 $0xFFFFC000  }
0xcc: {  	[spmem:s1] =	stream.indirect.scatter.add.f32 [tilespmem:s28], [sflag:$0x6], $0x80, s8, s23, $0xb8;
	[tilespmem:$0x1E900] =	vst v63  }
0xcd: {  	s9 =	rddreg [dreg:$0xd]  }
0xce: {  	[tilespmem:s23], [sflag:$0x4] =	stream.linear.gather [hbm4b:s9+s3], $0x80, $0x38;
	[tilespmem:$0x1E900] =	vst v63  }
0xcf: {  	_ =	swait.ge [sflag:s26], $0x80  }
0xd0: {  	[sflag:s26] =	ssyncset.done $0x0  }
0xd1: {  	[sflag:s26] =	ssyncadd.s32 $0xFFFFFF80  }
0xd2: {  	_ =	swait.ge [sflag:s2], $0x4000  }
0xd3: {  	[sflag:s2] =	ssyncset.done $0x0  }
0xd4: {  	s10 =	simm.s32 $0x200;
	[sflag:s2] =	ssyncadd.s32 $0xFFFFC000  }
0xd5: {  	[tilespmem:s28], [sflag:$0x2] =	stream.indirect.gather [hbm4b:s5+s23], $0x80, s23, s23, $0xb8;
	[tilespmem:$0x1E900] =	vst v63  }
0xd6: {  	s11 =	sadd.s32 $0x50, s18;
	s13 =	simm.s32 $0x40;
	_ =	swait.ge [sflag:s29], $0x4000  }
0xd7: {  	s14 =	sadd.s32 $0xFFFFFFF0, s11;
	s8 =	sand.u32 $0x60, s13;
	[sflag:s29] =	ssyncset.done $0x0  }
0xd8: {  	s8 =	sadd.s32 s7, s8;
	s9 =	sand.u32 $0xFFFFF80, s14;
	[sflag:s29] =	ssyncadd.s32 $0xFFFFC000  }
0xd9: {  	[spmem:s1] =	stream.indirect.scatter.add.f32 [tilespmem:s25], [sflag:$0x5], $0x80, s10, s23, $0xb8;
	[tilespmem:$0x1E900] =	vst v63  }
0xda: {  	s8 =	sadd.s32 s9, s8  }
0xdb: {  	[tilespmem:s3], [sflag:$0x3] =	stream.linear.gather [hbm4b:s8+s3], $0x80, $0x38;
	[tilespmem:$0x1E900] =	vst v63  }
0xdc: {  	_ =	swait.ge [sflag:s24], $0x80  }
0xdd: {  	[sflag:s24] =	ssyncset.done $0x0  }
0xde: {  	[sflag:s24] =	ssyncadd.s32 $0xFFFFFF80  }
0xdf: {  	_ =	swait.ge [sflag:s30], $0x4000  }
0xe0: {  	[sflag:s30] =	ssyncset.done $0x0  }
0xe1: {  	[sflag:s30] =	ssyncadd.s32 $0xFFFFC000  }
0xe2: {  	[tilespmem:s25], [sflag:$0x1] =	stream.indirect.gather [hbm4b:s5+s23], $0x80, s3, s23, $0xb8;
	[tilespmem:$0x1E900] =	vst v63  }
0xe3: {  	s15 =	simm.s32 $0x50;
	_ =	swait.ge [sflag:s31], $0x4000  }
0xe4: {  	s0 =	sand.u32 $0xFFFFF80, s11;
	s8 =	sand.u32 $0x70, s15;
	[sflag:s31] =	ssyncset.done $0x0  }
0xe5: {  	s16 =	simm.s32 $0x280;
	s8 =	sadd.s32 s7, s8;
	[sflag:s31] =	ssyncadd.s32 $0xFFFFC000  }
0xe6: {  	[spmem:s1] =	stream.indirect.scatter.add.f32 [tilespmem:s28], [sflag:$0x6], $0x80, s16, s23, $0xb8;
	[tilespmem:$0x1E900] =	vst v63  }
0xe7: {  	s0 =	sadd.s32 s0, s8  }
0xe8: {  	[tilespmem:s23], [sflag:$0x4] =	stream.linear.gather [hbm4b:s0+s3], $0x80, $0x38;
	[tilespmem:$0x1E900] =	vst v63  }
0xe9: {  	_ =	swait.ge [sflag:s26], $0x80  }
0xea: {  	[sflag:s26] =	ssyncset.done $0x0  }
0xeb: {  	s11 =	simm.s32 $0x90;
	s17 =	simm.s32 $0x60;
	[sflag:s26] =	ssyncadd.s32 $0xFFFFFF80  }
0xec: {  	s17 =	sand.u32 $0x60, s17;
	s19 =	sadd.s32 $0x70, s18;
	_ =	swait.ge [sflag:s2], $0x4000  }
0xed: {  	s13 =	simm.s32 $0x480;
	s14 =	simm.s32 $0x400;
	[sflag:s2] =	ssyncset.done $0x0  }
0xee: {  	s9 =	simm.s32 $0x300;
	s15 =	simm.s32 $0x70;
	[sflag:s2] =	ssyncadd.s32 $0xFFFFC000  }
0xef: {  	[tilespmem:s28], [sflag:$0x2] =	stream.indirect.gather [hbm4b:s5+s23], $0x80, s23, s23, $0xb8;
	[tilespmem:$0x1E900] =	vst v63  }
0xf0: {  	s16 =	sadd.s32 $0xFFFFFFF0, s19;
	s0 =	simm.s32 $0x380;
	_ =	swait.ge [sflag:s29], $0x4000  }
.LBB2_4:
0xf1: {  	s10 =	sand.u32 $0xFFFFF80, s16  }
0xf2: {  	s16 =	sadd.s32 s7, s17;
	[sflag:s29] =	ssyncset.done $0x0;
	s17 =	smov.u32 s11  }
0xf3: {  	s8 =	sadd.s32 $0x20, s11;
	s10 =	sadd.s32 s10, s16;
	[sflag:s29] =	ssyncadd.s32 $0xFFFFC000  }
0xf4: {  	[spmem:s1] =	stream.indirect.scatter.add.f32 [tilespmem:s25], [sflag:$0x5], $0x80, s9, s23, $0xb8;
	[tilespmem:$0x1E900] =	vst v63  }
0xf5: {  	p0 =	sne.s32 s11, $0x4F0;
	s9 =	smov.u32 s14;
	s14 =	sadd.s32 $0x80, s13  }
0xf6: {  	[tilespmem:s3], [sflag:$0x3] =	stream.linear.gather [hbm4b:s10+s3], $0x80, $0x38;
	[tilespmem:$0x1E900] =	vst v63  }
0xf7: {  	_ =	swait.ge [sflag:s24], $0x80  }
0xf8: {  	[sflag:s24] =	ssyncset.done $0x0  }
0xf9: {  	[sflag:s24] =	ssyncadd.s32 $0xFFFFFF80  }
0xfa: {  	_ =	swait.ge [sflag:s30], $0x4000  }
0xfb: {  	[sflag:s30] =	ssyncset.done $0x0  }
0xfc: {  	[sflag:s30] =	ssyncadd.s32 $0xFFFFC000  }
0xfd: {  	[tilespmem:s25], [sflag:$0x1] =	stream.indirect.gather [hbm4b:s5+s23], $0x80, s3, s23, $0xb8;
	[tilespmem:$0x1E900] =	vst v63  }
0xfe: {  	_ =	swait.ge [sflag:s31], $0x4000  }
0xff: {  	s10 =	sand.u32 $0x70, s15;
	s15 =	smov.u32 s17;
	[sflag:s31] =	ssyncset.done $0x0  }
0x100: {  	s11 =	sand.u32 $0xFFFFF80, s19;
	s10 =	sadd.s32 s7, s10;
	[sflag:s31] =	ssyncadd.s32 $0xFFFFC000  }
0x101: {  	[spmem:s1] =	stream.indirect.scatter.add.f32 [tilespmem:s28], [sflag:$0x6], $0x80, s0, s23, $0xb8;
	[tilespmem:$0x1E900] =	vst v63  }
0x102: {  	s10 =	sadd.s32 s11, s10;
	s0 =	smov.u32 s13  }
0x103: {  	[tilespmem:s23], [sflag:$0x4] =	stream.linear.gather [hbm4b:s10+s3], $0x80, $0x38;
	[tilespmem:$0x1E900] =	vst v63  }
0x104: {  	_ =	swait.ge [sflag:s26], $0x80  }
0x105: {  	[sflag:s26] =	ssyncset.done $0x0  }
0x106: {  	[sflag:s26] =	ssyncadd.s32 $0xFFFFFF80  }
.Ltmp1:
0x107: {  	_ =	swait.ge [sflag:s2], $0x4000;
	(pc) =	sbr.rel @p0 .LBB2_4-.Ltmp1, $4  }
0x108: {  	s19 =	sadd.s32 s15, s18;
	s13 =	sadd.s32 $0x100, s13;
	[sflag:s2] =	ssyncset.done $0x0  }
0x109: {  	s16 =	sadd.s32 $0xFFFFFFF0, s19;
	s10 =	sadd.s32 $0xFFFFFFF0, s15;
	[sflag:s2] =	ssyncadd.s32 $0xFFFFC000  }
0x10a: {  	[tilespmem:s28], [sflag:$0x2] =	stream.indirect.gather [hbm4b:s5+s23], $0x80, s23, s23, $0xb8;
	[tilespmem:$0x1E900] =	vst v63  }
0x10b: {  	s11 =	smov.u32 s8;
	s17 =	sand.u32 $0x60, s10;
	_ =	swait.ge [sflag:s29], $0x4000  }
0x10c: {  	[sflag:s29] =	ssyncset.done $0x0  }
0x10d: {  	s8 =	sand.u32 $0xFFFFF80, s16;
	s10 =	sadd.s32 s7, s17;
	[sflag:s29] =	ssyncadd.s32 $0xFFFFC000  }
0x10e: {  	[spmem:s1] =	stream.indirect.scatter.add.f32 [tilespmem:s25], [sflag:$0x5], $0x80, s9, s23, $0xb8;
	[tilespmem:$0x1E900] =	vst v63  }
0x10f: {  	s8 =	sadd.s32 s8, s10  }
0x110: {  	[tilespmem:s3], [sflag:$0x3] =	stream.linear.gather [hbm4b:s8+s3], $0x80, $0x38;
	[tilespmem:$0x1E900] =	vst v63  }
0x111: {  	_ =	swait.ge [sflag:s24], $0x80  }
0x112: {  	[sflag:s24] =	ssyncset.done $0x0  }
0x113: {  	[sflag:s24] =	ssyncadd.s32 $0xFFFFFF80  }
0x114: {  	_ =	swait.ge [sflag:s30], $0x4000  }
0x115: {  	[sflag:s30] =	ssyncset.done $0x0  }
0x116: {  	[sflag:s30] =	ssyncadd.s32 $0xFFFFC000  }
0x117: {  	[tilespmem:s25], [sflag:$0x1] =	stream.indirect.gather [hbm4b:s5+s23], $0x80, s3, s23, $0xb8;
	[tilespmem:$0x1E900] =	vst v63  }
0x118: {  	_ =	swait.ge [sflag:s31], $0x4000  }
0x119: {  	s9 =	sand.u32 $0x70, s15;
	[sflag:s31] =	ssyncset.done $0x0  }
0x11a: {  	s10 =	sand.u32 $0xFFFFF80, s19;
	s8 =	sadd.s32 s7, s9;
	[sflag:s31] =	ssyncadd.s32 $0xFFFFC000  }
0x11b: {  	[spmem:s1] =	stream.indirect.scatter.add.f32 [tilespmem:s28], [sflag:$0x6], $0x80, s0, s23, $0xb8;
	[tilespmem:$0x1E900] =	vst v63  }
0x11c: {  	s11 =	sadd.s32 s10, s8  }
0x11d: {  	[tilespmem:s23], [sflag:$0x4] =	stream.linear.gather [hbm4b:s11+s3], $0x80, $0x38;
	[tilespmem:$0x1E900] =	vst v63  }
0x11e: {  	_ =	swait.ge [sflag:s26], $0x80  }
0x11f: {  	[sflag:s26] =	ssyncset.done $0x0  }
0x120: {  	[sflag:s26] =	ssyncadd.s32 $0xFFFFFF80  }
0x121: {  	_ =	swait.ge [sflag:s2], $0x4000  }
0x122: {  	[sflag:s2] =	ssyncset.done $0x0  }
0x123: {  	[sflag:s2] =	ssyncadd.s32 $0xFFFFC000  }
0x124: {  	[tilespmem:s28], [sflag:$0x2] =	stream.indirect.gather [hbm4b:s5+s23], $0x80, s23, s23, $0xb8;
	[tilespmem:$0x1E900] =	vst v63  }
0x125: {  	_ =	swait.ge [sflag:s29], $0x4000  }
0x126: {  	[sflag:s29] =	ssyncset.done $0x0  }
0x127: {  	[sflag:s29] =	ssyncadd.s32 $0xFFFFC000  }
0x128: {  	[spmem:s1] =	stream.indirect.scatter.add.f32 [tilespmem:s25], [sflag:$0x5], $0x80, s14, s23, $0xb8;
	[tilespmem:$0x1E900] =	vst v63  }
0x129: {  	_ =	swait.ge [sflag:s31], $0x4000  }
0x12a: {  	[sflag:s31] =	ssyncset.done $0x0  }
0x12b: {  	[sflag:s31] =	ssyncadd.s32 $0xFFFFC000  }
0x12c: {  	[spmem:s1] =	stream.indirect.scatter.add.f32 [tilespmem:s28], [sflag:$0x6], $0x80, s13, s23, $0xb8;
	[tilespmem:$0x1E900] =	vst v63  }
0x12d: {  	_ =	swait.ge [sflag:s30], $0x4000  }
0x12e: {  	[sflag:s30] =	ssyncset.done $0x0  }
0x12f: {  	[sflag:s30] =	ssyncadd.s32 $0xFFFFC000  }
0x130: {  	_ =	swait.ge [sflag:s2], $0x4000  }
0x131: {  	[sflag:s2] =	ssyncset.done $0x0  }
0x132: {  	[sflag:s2] =	ssyncadd.s32 $0xFFFFC000  }
0x133: {  	[bflag:$0x0] =	sbarrier.arrive $0xFFFF  }
0x134: {  	s13 =	rddreg [dreg:$0x9]  }
0x135: {  	[hbm:s13], [sflag:s21] =	dma.local [spmem:s22], $0x2800  }
0x136: {  	_ =	swait.ge [sflag:s20], $0x2800  }
0x137: {  	[sflag:s20] =	ssyncset.done $0x0  }
0x138: {  	s14 =	rddreg [dreg:$0x4];
	[sflag:s20] =	ssyncadd.s32 $0xFFFFD800  }
0x139: {  	[spmem:s22], [sflag:s21] =	dma.local [hbm:s14], $0x2800  }
0x13a: {  	_ =	swait.ge [sflag:s20], $0x2800  }
0x13b: {  	[sflag:s20] =	ssyncset.done $0x0  }
0x13c: {  	[sflag:s20] =	ssyncadd.s32 $0xFFFFD800  }
0x13d: {  	[bflag:$0x0] =	sbarrier.arrive $0xFFFF  }
0x13e: {  	s15 =	rddreg [dreg:$0x6]  }
0x13f: {  	[tilespmem:s3], [sflag:$0x3] =	stream.linear.gather [hbm4b:s15+s3], $0x80, $0x38;
	[tilespmem:$0x1E900] =	vst v63  }
0x140: {  	s16 =	rddreg [dreg:$0x7]  }
0x141: {  	[tilespmem:s23], [sflag:$0x4] =	stream.linear.gather [hbm4b:s16+s3], $0x80, $0x38;
	[tilespmem:$0x1E900] =	vst v63  }
0x142: {  	_ =	swait.ge [sflag:s24], $0x80  }
0x143: {  	[sflag:s24] =	ssyncset.done $0x0  }
0x144: {  	[sflag:s24] =	ssyncadd.s32 $0xFFFFFF80  }
0x145: {  	[tilespmem:s25], [sflag:$0x1] =	stream.indirect.gather [hbm4b:s6+s23], $0x80, s3, s23, $0xb8;
	[tilespmem:$0x1E900] =	vst v63  }
0x146: {  	_ =	swait.ge [sflag:s26], $0x80  }
0x147: {  	[sflag:s26] =	ssyncset.done $0x0  }
0x148: {  	[sflag:s26] =	ssyncadd.s32 $0xFFFFFF80  }
0x149: {  	[tilespmem:s28], [sflag:$0x2] =	stream.indirect.gather [hbm4b:s6+s23], $0x80, s23, s23, $0xb8;
	[tilespmem:$0x1E900] =	vst v63  }
0x14a: {  	_ =	swait.ge [sflag:s29], $0x4000  }
0x14b: {  	[sflag:s29] =	ssyncset.done $0x0  }
0x14c: {  	s17 =	simm.s32 $0x100;
	[sflag:s29] =	ssyncadd.s32 $0xFFFFC000  }
0x14d: {  	[spmem:s1] =	stream.indirect.scatter.add.f32 [tilespmem:s25], [sflag:$0x5], $0x80, s17, s23, $0xb8;
	[tilespmem:$0x1E900] =	vst v63  }
0x14e: {  	s19 =	rddreg [dreg:$0xc]  }
0x14f: {  	[tilespmem:s3], [sflag:$0x3] =	stream.linear.gather [hbm4b:s19+s3], $0x80, $0x38;
	[tilespmem:$0x1E900] =	vst v63  }
0x150: {  	_ =	swait.ge [sflag:s24], $0x80  }
0x151: {  	[sflag:s24] =	ssyncset.done $0x0  }
0x152: {  	[sflag:s24] =	ssyncadd.s32 $0xFFFFFF80  }
0x153: {  	_ =	swait.ge [sflag:s30], $0x4000  }
0x154: {  	[sflag:s30] =	ssyncset.done $0x0  }
0x155: {  	[sflag:s30] =	ssyncadd.s32 $0xFFFFC000  }
0x156: {  	[tilespmem:s25], [sflag:$0x1] =	stream.indirect.gather [hbm4b:s6+s23], $0x80, s3, s23, $0xb8;
	[tilespmem:$0x1E900] =	vst v63  }
0x157: {  	_ =	swait.ge [sflag:s31], $0x4000  }
0x158: {  	[sflag:s31] =	ssyncset.done $0x0  }
0x159: {  	s8 =	simm.s32 $0x180;
	[sflag:s31] =	ssyncadd.s32 $0xFFFFC000  }
0x15a: {  	[spmem:s1] =	stream.indirect.scatter.add.f32 [tilespmem:s28], [sflag:$0x6], $0x80, s8, s23, $0xb8;
	[tilespmem:$0x1E900] =	vst v63  }
0x15b: {  	s9 =	rddreg [dreg:$0xd]  }
0x15c: {  	[tilespmem:s23], [sflag:$0x4] =	stream.linear.gather [hbm4b:s9+s3], $0x80, $0x38;
	[tilespmem:$0x1E900] =	vst v63  }
0x15d: {  	_ =	swait.ge [sflag:s26], $0x80  }
0x15e: {  	[sflag:s26] =	ssyncset.done $0x0  }
0x15f: {  	[sflag:s26] =	ssyncadd.s32 $0xFFFFFF80  }
0x160: {  	_ =	swait.ge [sflag:s2], $0x4000  }
0x161: {  	[sflag:s2] =	ssyncset.done $0x0  }
0x162: {  	s10 =	simm.s32 $0x200;
	[sflag:s2] =	ssyncadd.s32 $0xFFFFC000  }
0x163: {  	[tilespmem:s28], [sflag:$0x2] =	stream.indirect.gather [hbm4b:s6+s23], $0x80, s23, s23, $0xb8;
	[tilespmem:$0x1E900] =	vst v63  }
0x164: {  	s11 =	sadd.s32 $0x50, s18;
	s13 =	simm.s32 $0x40;
	_ =	swait.ge [sflag:s29], $0x4000  }
0x165: {  	s14 =	sadd.s32 $0xFFFFFFF0, s11;
	s8 =	sand.u32 $0x60, s13;
	[sflag:s29] =	ssyncset.done $0x0  }
0x166: {  	s8 =	sadd.s32 s7, s8;
	s9 =	sand.u32 $0xFFFFF80, s14;
	[sflag:s29] =	ssyncadd.s32 $0xFFFFC000  }
0x167: {  	[spmem:s1] =	stream.indirect.scatter.add.f32 [tilespmem:s25], [sflag:$0x5], $0x80, s10, s23, $0xb8;
	[tilespmem:$0x1E900] =	vst v63  }
0x168: {  	s8 =	sadd.s32 s9, s8  }
0x169: {  	[tilespmem:s3], [sflag:$0x3] =	stream.linear.gather [hbm4b:s8+s3], $0x80, $0x38;
	[tilespmem:$0x1E900] =	vst v63  }
0x16a: {  	_ =	swait.ge [sflag:s24], $0x80  }
0x16b: {  	[sflag:s24] =	ssyncset.done $0x0  }
0x16c: {  	[sflag:s24] =	ssyncadd.s32 $0xFFFFFF80  }
0x16d: {  	_ =	swait.ge [sflag:s30], $0x4000  }
0x16e: {  	[sflag:s30] =	ssyncset.done $0x0  }
0x16f: {  	[sflag:s30] =	ssyncadd.s32 $0xFFFFC000  }
0x170: {  	[tilespmem:s25], [sflag:$0x1] =	stream.indirect.gather [hbm4b:s6+s23], $0x80, s3, s23, $0xb8;
	[tilespmem:$0x1E900] =	vst v63  }
0x171: {  	s15 =	simm.s32 $0x50;
	_ =	swait.ge [sflag:s31], $0x4000  }
0x172: {  	s0 =	sand.u32 $0xFFFFF80, s11;
	s8 =	sand.u32 $0x70, s15;
	[sflag:s31] =	ssyncset.done $0x0  }
0x173: {  	s16 =	simm.s32 $0x280;
	s8 =	sadd.s32 s7, s8;
	[sflag:s31] =	ssyncadd.s32 $0xFFFFC000  }
0x174: {  	[spmem:s1] =	stream.indirect.scatter.add.f32 [tilespmem:s28], [sflag:$0x6], $0x80, s16, s23, $0xb8;
	[tilespmem:$0x1E900] =	vst v63  }
0x175: {  	s0 =	sadd.s32 s0, s8  }
0x176: {  	[tilespmem:s23], [sflag:$0x4] =	stream.linear.gather [hbm4b:s0+s3], $0x80, $0x38;
	[tilespmem:$0x1E900] =	vst v63  }
0x177: {  	_ =	swait.ge [sflag:s26], $0x80  }
0x178: {  	[sflag:s26] =	ssyncset.done $0x0  }
0x179: {  	s11 =	simm.s32 $0x90;
	s17 =	simm.s32 $0x60;
	[sflag:s26] =	ssyncadd.s32 $0xFFFFFF80  }
0x17a: {  	s17 =	sand.u32 $0x60, s17;
	s19 =	sadd.s32 $0x70, s18;
	_ =	swait.ge [sflag:s2], $0x4000  }
0x17b: {  	s13 =	simm.s32 $0x480;
	s14 =	simm.s32 $0x400;
	[sflag:s2] =	ssyncset.done $0x0  }
0x17c: {  	s9 =	simm.s32 $0x300;
	s15 =	simm.s32 $0x70;
	[sflag:s2] =	ssyncadd.s32 $0xFFFFC000  }
0x17d: {  	[tilespmem:s28], [sflag:$0x2] =	stream.indirect.gather [hbm4b:s6+s23], $0x80, s23, s23, $0xb8;
	[tilespmem:$0x1E900] =	vst v63  }
0x17e: {  	s16 =	sadd.s32 $0xFFFFFFF0, s19;
	s0 =	simm.s32 $0x380;
	_ =	swait.ge [sflag:s29], $0x4000  }
.LBB2_6:
0x17f: {  	s10 =	sand.u32 $0xFFFFF80, s16  }
0x180: {  	s16 =	sadd.s32 s7, s17;
	[sflag:s29] =	ssyncset.done $0x0;
	s17 =	smov.u32 s11  }
0x181: {  	s8 =	sadd.s32 $0x20, s11;
	s10 =	sadd.s32 s10, s16;
	[sflag:s29] =	ssyncadd.s32 $0xFFFFC000  }
0x182: {  	[spmem:s1] =	stream.indirect.scatter.add.f32 [tilespmem:s25], [sflag:$0x5], $0x80, s9, s23, $0xb8;
	[tilespmem:$0x1E900] =	vst v63  }
0x183: {  	p0 =	sne.s32 s11, $0x4F0;
	s9 =	smov.u32 s14;
	s14 =	sadd.s32 $0x80, s13  }
0x184: {  	[tilespmem:s3], [sflag:$0x3] =	stream.linear.gather [hbm4b:s10+s3], $0x80, $0x38;
	[tilespmem:$0x1E900] =	vst v63  }
0x185: {  	_ =	swait.ge [sflag:s24], $0x80  }
0x186: {  	[sflag:s24] =	ssyncset.done $0x0  }
0x187: {  	[sflag:s24] =	ssyncadd.s32 $0xFFFFFF80  }
0x188: {  	_ =	swait.ge [sflag:s30], $0x4000  }
0x189: {  	[sflag:s30] =	ssyncset.done $0x0  }
0x18a: {  	[sflag:s30] =	ssyncadd.s32 $0xFFFFC000  }
0x18b: {  	[tilespmem:s25], [sflag:$0x1] =	stream.indirect.gather [hbm4b:s6+s23], $0x80, s3, s23, $0xb8;
	[tilespmem:$0x1E900] =	vst v63  }
0x18c: {  	_ =	swait.ge [sflag:s31], $0x4000  }
0x18d: {  	s10 =	sand.u32 $0x70, s15;
	s15 =	smov.u32 s17;
	[sflag:s31] =	ssyncset.done $0x0  }
0x18e: {  	s11 =	sand.u32 $0xFFFFF80, s19;
	s10 =	sadd.s32 s7, s10;
	[sflag:s31] =	ssyncadd.s32 $0xFFFFC000  }
0x18f: {  	[spmem:s1] =	stream.indirect.scatter.add.f32 [tilespmem:s28], [sflag:$0x6], $0x80, s0, s23, $0xb8;
	[tilespmem:$0x1E900] =	vst v63  }
0x190: {  	s10 =	sadd.s32 s11, s10;
	s0 =	smov.u32 s13  }
0x191: {  	[tilespmem:s23], [sflag:$0x4] =	stream.linear.gather [hbm4b:s10+s3], $0x80, $0x38;
	[tilespmem:$0x1E900] =	vst v63  }
0x192: {  	_ =	swait.ge [sflag:s26], $0x80  }
0x193: {  	[sflag:s26] =	ssyncset.done $0x0  }
0x194: {  	[sflag:s26] =	ssyncadd.s32 $0xFFFFFF80  }
.Ltmp2:
0x195: {  	_ =	swait.ge [sflag:s2], $0x4000;
	(pc) =	sbr.rel @p0 .LBB2_6-.Ltmp2, $4  }
0x196: {  	s19 =	sadd.s32 s15, s18;
	s13 =	sadd.s32 $0x100, s13;
	[sflag:s2] =	ssyncset.done $0x0  }
0x197: {  	s16 =	sadd.s32 $0xFFFFFFF0, s19;
	s10 =	sadd.s32 $0xFFFFFFF0, s15;
	[sflag:s2] =	ssyncadd.s32 $0xFFFFC000  }
0x198: {  	[tilespmem:s28], [sflag:$0x2] =	stream.indirect.gather [hbm4b:s6+s23], $0x80, s23, s23, $0xb8;
	[tilespmem:$0x1E900] =	vst v63  }
0x199: {  	s11 =	smov.u32 s8;
	s17 =	sand.u32 $0x60, s10;
	_ =	swait.ge [sflag:s29], $0x4000  }
0x19a: {  	[sflag:s29] =	ssyncset.done $0x0  }
0x19b: {  	s8 =	sand.u32 $0xFFFFF80, s16;
	s11 =	sadd.s32 s7, s17;
	[sflag:s29] =	ssyncadd.s32 $0xFFFFC000  }
0x19c: {  	[spmem:s1] =	stream.indirect.scatter.add.f32 [tilespmem:s25], [sflag:$0x5], $0x80, s9, s23, $0xb8;
	[tilespmem:$0x1E900] =	vst v63  }
0x19d: {  	s8 =	sadd.s32 s8, s11  }
0x19e: {  	[tilespmem:s3], [sflag:$0x3] =	stream.linear.gather [hbm4b:s8+s3], $0x80, $0x38;
	[tilespmem:$0x1E900] =	vst v63  }
0x19f: {  	_ =	swait.ge [sflag:s24], $0x80  }
0x1a0: {  	[sflag:s24] =	ssyncset.done $0x0  }
0x1a1: {  	[sflag:s24] =	ssyncadd.s32 $0xFFFFFF80  }
0x1a2: {  	_ =	swait.ge [sflag:s30], $0x4000  }
0x1a3: {  	[sflag:s30] =	ssyncset.done $0x0  }
0x1a4: {  	[sflag:s30] =	ssyncadd.s32 $0xFFFFC000  }
0x1a5: {  	[tilespmem:s25], [sflag:$0x1] =	stream.indirect.gather [hbm4b:s6+s23], $0x80, s3, s23, $0xb8;
	[tilespmem:$0x1E900] =	vst v63  }
0x1a6: {  	_ =	swait.ge [sflag:s31], $0x4000  }
0x1a7: {  	[sflag:s31] =	ssyncset.done $0x0  }
0x1a8: {  	s15 =	sand.u32 $0x70, s15;
	[sflag:s31] =	ssyncadd.s32 $0xFFFFC000  }
0x1a9: {  	[spmem:s1] =	stream.indirect.scatter.add.f32 [tilespmem:s28], [sflag:$0x6], $0x80, s0, s23, $0xb8;
	[tilespmem:$0x1E900] =	vst v63  }
0x1aa: {  	s16 =	sand.u32 $0xFFFFF80, s19;
	s0 =	sadd.s32 s7, s15  }
0x1ab: {  	s0 =	sadd.s32 s16, s0  }
0x1ac: {  	[tilespmem:s23], [sflag:$0x4] =	stream.linear.gather [hbm4b:s0+s3], $0x80, $0x38;
	[tilespmem:$0x1E900] =	vst v63  }
0x1ad: {  	_ =	swait.ge [sflag:s26], $0x80  }
0x1ae: {  	[sflag:s26] =	ssyncset.done $0x0  }
0x1af: {  	[sflag:s26] =	ssyncadd.s32 $0xFFFFFF80  }
0x1b0: {  	_ =	swait.ge [sflag:s2], $0x4000  }
0x1b1: {  	[sflag:s2] =	ssyncset.done $0x0  }
0x1b2: {  	[sflag:s2] =	ssyncadd.s32 $0xFFFFC000  }
0x1b3: {  	[tilespmem:s28], [sflag:$0x2] =	stream.indirect.gather [hbm4b:s6+s23], $0x80, s23, s23, $0xb8;
	[tilespmem:$0x1E900] =	vst v63  }
0x1b4: {  	_ =	swait.ge [sflag:s29], $0x4000  }
0x1b5: {  	[sflag:s29] =	ssyncset.done $0x0  }
0x1b6: {  	[sflag:s29] =	ssyncadd.s32 $0xFFFFC000  }
0x1b7: {  	[spmem:s1] =	stream.indirect.scatter.add.f32 [tilespmem:s25], [sflag:$0x5], $0x80, s14, s23, $0xb8;
	[tilespmem:$0x1E900] =	vst v63  }
0x1b8: {  	_ =	swait.ge [sflag:s31], $0x4000  }
0x1b9: {  	[sflag:s31] =	ssyncset.done $0x0  }
0x1ba: {  	[sflag:s31] =	ssyncadd.s32 $0xFFFFC000  }
0x1bb: {  	[spmem:s1] =	stream.indirect.scatter.add.f32 [tilespmem:s28], [sflag:$0x6], $0x80, s13, s23, $0xb8;
	[tilespmem:$0x1E900] =	vst v63  }
0x1bc: {  	_ =	swait.ge [sflag:s30], $0x4000  }
0x1bd: {  	[sflag:s30] =	ssyncset.done $0x0  }
0x1be: {  	[sflag:s30] =	ssyncadd.s32 $0xFFFFC000  }
0x1bf: {  	_ =	swait.ge [sflag:s2], $0x4000  }
0x1c0: {  	[sflag:s2] =	ssyncset.done $0x0  }
0x1c1: {  	[sflag:s2] =	ssyncadd.s32 $0xFFFFC000  }
0x1c2: {  	[bflag:$0x0] =	sbarrier.arrive $0xFFFF  }
0x1c3: {  	s17 =	rddreg [dreg:$0xa]  }
0x1c4: {  	[hbm:s17], [sflag:s21] =	dma.local [spmem:s22], $0x2800  }
0x1c5: {  	_ =	swait.ge [sflag:s20], $0x2800  }
0x1c6: {  	s12 =	sadd.s32 $0x1, s12;
	s19 =	rddreg [dreg:$0xb]  }
0x1c7: {  	p0 =	sne.s32 s12, s19  }
.Ltmp3:
0x1c8: {  	_ = 	snop;
	(pc) =	sbr.rel @p0 .LBB2_1-.Ltmp3, $3  }
0x1c9: {  	_ =	sdelay $0x1  }
0x1ca: {  	[sflag:s20] =	ssyncset.done $0x0  }
0x1cb: {  	[sflag:s20] =	ssyncadd.s32 $0xFFFFD800  }
0x1cc: {  	_ =	sfence.sel $0x180000  }
0x1cd: {  	[bflag:$0x0] =	sbarrier.arrive $0xFFFF  }
0x1ce: {  	_ =	strace $0x9000004A  }
0x1cf: {  	s0 =	stileid.u32;
	[bflag:$0x2] =	sbarrier.arrive $0xFFFF  }
0x1d0: {  	p0 =	sne.s32 s0, $0x0;
	s0 =	rddreg [dreg:$0x3]  }
0x1d1: {  	s0 =	sadd.s32 @!p0 $0x100000, s0  }
0x1d2: {  	[sflag:s0] =	ssyncadd.tile.s32 @!p0 $0x1;
	_ =	shalt  }
.Lfunc_end2:
_tile_overlayer_lowered:
.L_overlay_start_2:
0x1d3: {  	(tag) =	ssettag $0x2  }
0x1d4: {  	s0 =	rddreg [dreg:$0x0];
	s2 =	stileid.u32  }
0x1d5: {  	s1 =	rddreg [dreg:$0x1];
	p0 =	sne.s32 s2, $0x0  }
0x1d6: {  	s3 =	rddreg [dreg:$0x2];
	[bflag:$0x3] =	sbarrier.arrive $0xFFFF;
	s2 =	simm.s32 @!p0 $0x1C07  }
0x1d7: {  	[timem:s3], [sflag:s2] =	dma.local @!p0 [hbm:s0], s1  }
0x1d8: {  	s0 =	simm.s32 @!p0 $0x7  }
0x1d9: {  	_ =	swait.ge @!p0 [sflag:s0], s1  }
0x1da: {  	s1 =	ssub.s32 @!p0 $0x0, s1;
	[sflag:s0] =	ssyncset.done @!p0 $0x0  }
0x1db: {  	[sflag:s0] =	ssyncadd.s32 @!p0 s1  }
0x1dc: {  	[bflag:$0x3] =	sbarrier.arrive $0xFFFF  }
0x1dd: {  	_ =	shalt  }

// kernel: kernel.14.cloned.1.call-start
scs
__scs_entry_jumppad:
0x0: {  	(pc) =	sbr.rel $0x88, $3  }
0x1: {  	(tag) =	ssettag $0x0;
	lr =	simm.s32 $0x1  }
0x2: {  	[smem:$0x3F91] =	sst lr;
	_ =	strace $0xD0000000  }
0x3: {  	_ = 	snop  }
0x4: {  	_ = 	snop  }
0x5: {  	_ = 	snop  }
0x6: {  	_ = 	snop  }
0x7: {  	_ = 	snop  }
__scs_overlays_trampoline_lowered:
0x8: {  	[smem:$0x3FA0] =	sst s0  }
0x9: {  	[smem:$0x3FA1] =	sst s1  }
0xa: {  	[smem:$0x3FA2] =	sst s2  }
0xb: {  	[smem:$0x3FA3] =	sst s3  }
0xc: {  	[smem:$0x3FA4] =	sst s4  }
0xd: {  	[smem:$0x3FA5] =	sst s5  }
0xe: {  	[smem:$0x3FA6] =	sst s6  }
0xf: {  	[smem:$0x3FA7] =	sst s7  }
0x10: {  	[smem:$0x3FA8] =	sst s8  }
0x11: {  	[smem:$0x3FA9] =	sst s9;
	s0 =	simm.s32 @!p0 $0x0  }
0x12: {  	s1 =	sld [smem:$0x3F8F];
	s0 =	simm.s32 @p0 $0x1  }
0x13: {  	[smem:$0x3FAA] =	sst s0;
	s0 =	simm.s32 @!p1 $0x0  }
0x14: {  	s2 =	sld [smem:$0x3F8E];
	s0 =	simm.s32 @p1 $0x1  }
0x15: {  	[smem:$0x3FAB] =	sst s0;
	s0 =	simm.s32 @!p2 $0x0  }
0x16: {  	s3 =	sld [smem:$0x3FDB];
	s0 =	simm.s32 @p2 $0x1  }
0x17: {  	s4 =	simm.s32 $0x1BF5;
	[smem:$0x3FAD] =	sst s0  }
0x18: {  	s0 =	sld [smem:$0x3F90];
	_ =	swait.ge [sflag:s4], $0x0  }
0x19: {  	s7 =	sld [smem:$0x3F91]  }
0x1a: {  	s8 =	sadd.s32 $0xFFFFE003, lr  }
0x1b: {  	s9 =	sadd.s32 $0xFFFFFEF7, lr;
	s5 =	simm.s32 $0xFFFFFFFF;
	p2 =	slt.u32 s8, $0xFFFFF086  }
0x1c: {  	p1 =	slt.u32 s9, $0xF7A;
	s5 =	simm.s32 @!p2 $0x0  }
0x1d: {  	s5 =	simm.s32 @p1 $0x1;
	p0 =	seq.s32 s7, s2  }
0x1e: {  	s7 =	smul.u32 @!p0 $0xF7A, s2;
	p2 =	seq.s32 @!p0 s5, $0x0  }
0x1f: {  	s9 =	smul.u32 $0xF7A, s1;
	s8 =	simm.s32 @!p0 $0x1BF5;
	p2 =	por !p2, p0  }
0x20: {  	[sflag:s8] =	ssyncset.s32 @!p0 $0xFFFFF086;
	s6 =	sadd.s32 @!p0 s3, s7;
	s7 =	simm.s32 @!p0 $0x108  }
0x21: {  	s3 =	sadd.s32 s3, s9;
	s6 =	sadd.s32 @!p0 $0x88, s6;
	s7 =	simm.s32 @p2 $0x1082  }
0x22: {  	[simem:s7], [sflag:s8] =	dma.local @!p0 [hbm:s6], $0xF7A  }
0x23: {  	s9 =	sor.u32 $0xD0000000, s2;
	s6 =	simm.s32 $0x108;
	_ =	swait.ge @!p0 [sflag:s8], $0x0  }
0x24: {  	s3 =	sadd.s32 $0x88, s3;
	s6 =	simm.s32 @!p1 $0x1082;
	[sflag:s4] =	ssyncset.s32 $0xFFFFF086  }
0x25: {  	[simem:s6], [sflag:s4] =	dma.local [hbm:s3], $0xF7A  }
0x26: {  	[smem:$0x3F91] =	sst s1;
	(tag) =	ssettag s2;
	_ =	strace s9  }
0x27: {  	s1 =	sld [smem:$0x3FA1]  }
0x28: {  	s2 =	sld [smem:$0x3FA2]  }
0x29: {  	s4 =	sld [smem:$0x3FA4]  }
0x2a: {  	p0 =	seq.s32 s5, $0x0;
	s5 =	sld [smem:$0x3FA5]  }
0x2b: {  	s6 =	sld [smem:$0x3FA6]  }
0x2c: {  	s7 =	sld [smem:$0x3FA7]  }
0x2d: {  	s3 =	simm.s32 $0x108;
	s8 =	sld [smem:$0x3FA8]  }
0x2e: {  	s3 =	simm.s32 @!p0 $0x1082;
	s9 =	sld [smem:$0x3FA9]  }
0x2f: {  	lr =	sadd.s32 s0, s3;
	s0 =	sld [smem:$0x3FA0]  }
0x30: {  	s3 =	sld [smem:$0x3FA3]  }
0x31: {  	[smem:$0x3FAC] =	sst s10  }
0x32: {  	s10 =	sld [smem:$0x3FAA];
	_ =	sdelay $0x3  }
0x33: {  	p0 =	seq.s32 s10, $0x1;
	s10 =	sld [smem:$0x3FAC];
	_ =	sdelay $0x3  }
0x34: {  	[smem:$0x3FAC] =	sst s10  }
0x35: {  	s10 =	sld [smem:$0x3FAB];
	_ =	sdelay $0x3  }
0x36: {  	p1 =	seq.s32 s10, $0x1;
	s10 =	sld [smem:$0x3FAC];
	_ =	sdelay $0x3  }
0x37: {  	[smem:$0x3FAC] =	sst s10  }
0x38: {  	s10 =	sld [smem:$0x3FAD]  }
0x39: {  	_ = 	snop;
	(pc) =	sbr.ind lr, $3  }
0x3a: {  	_ = 	snop  }
0x3b: {  	_ = 	snop  }
0x3c: {  	p2 =	seq.s32 s10, $0x1;
	s10 =	sld [smem:$0x3FAC]  }
0x3d: {  	_ =	shalt  }
0x3e: {  	_ =	shalt  }
0x3f: {  	_ =	shalt  }
0x40: {  	_ =	shalt  }
0x41: {  	_ =	shalt  }
0x42: {  	_ =	shalt  }
0x43: {  	_ =	shalt  }
0x44: {  	_ =	shalt  }
0x45: {  	_ =	shalt  }
0x46: {  	_ =	shalt  }
0x47: {  	_ =	shalt  }
0x48: {  	_ =	shalt  }
0x49: {  	_ =	shalt  }
0x4a: {  	_ =	shalt  }
0x4b: {  	_ =	shalt  }
0x4c: {  	_ =	shalt  }
0x4d: {  	_ =	shalt  }
0x4e: {  	_ =	shalt  }
0x4f: {  	_ =	shalt  }
0x50: {  	_ =	shalt  }
0x51: {  	_ =	shalt  }
0x52: {  	_ =	shalt  }
0x53: {  	_ =	shalt  }
0x54: {  	_ =	shalt  }
0x55: {  	_ =	shalt  }
0x56: {  	_ =	shalt  }
0x57: {  	_ =	shalt  }
0x58: {  	_ =	shalt  }
0x59: {  	_ =	shalt  }
0x5a: {  	_ =	shalt  }
0x5b: {  	_ =	shalt  }
0x5c: {  	_ =	shalt  }
0x5d: {  	_ =	shalt  }
0x5e: {  	_ =	shalt  }
0x5f: {  	_ =	shalt  }
0x60: {  	_ =	shalt  }
0x61: {  	_ =	shalt  }
0x62: {  	_ =	shalt  }
0x63: {  	_ =	shalt  }
0x64: {  	_ =	shalt  }
0x65: {  	_ =	shalt  }
0x66: {  	_ =	shalt  }
0x67: {  	_ =	shalt  }
0x68: {  	_ =	shalt  }
0x69: {  	_ =	shalt  }
0x6a: {  	_ =	shalt  }
0x6b: {  	_ =	shalt  }
0x6c: {  	_ =	shalt  }
0x6d: {  	_ =	shalt  }
0x6e: {  	_ =	shalt  }
0x6f: {  	_ =	shalt  }
0x70: {  	_ =	shalt  }
0x71: {  	_ =	shalt  }
0x72: {  	_ =	shalt  }
0x73: {  	_ =	shalt  }
0x74: {  	_ =	shalt  }
0x75: {  	_ =	shalt  }
0x76: {  	_ =	shalt  }
0x77: {  	_ =	shalt  }
0x78: {  	_ =	shalt  }
0x79: {  	_ =	shalt  }
0x7a: {  	_ =	shalt  }
0x7b: {  	_ =	shalt  }
0x7c: {  	_ =	shalt  }
0x7d: {  	_ =	shalt  }
0x7e: {  	_ =	shalt  }
0x7f: {  	_ =	shalt  }
0x80: {  	_ =	shalt  }
0x81: {  	_ =	shalt  }
0x82: {  	_ =	shalt  }
0x83: {  	_ =	shalt  }
0x84: {  	_ =	shalt  }
0x85: {  	_ =	shalt  }
0x86: {  	_ =	shalt  }
0x87: {  	_ =	shalt  }
.Lfunc_end0:
.L_simem_size_0:
called_computation.2_lowered:
.L_overlay_start_0:
0x88: {  	s2 =	sld [smem:$0x3FD9]  }
0x89: {  	s3 =	sld [smem:$0x3FFE];
	_ =	sdelay $0x1  }
0x8a: {  	s1 =	srdreg.scid  }
0x8b: {  	s0 =	sand.u32 $0x1, s1  }
0x8c: {  	s17 =	sshll.u32 s0, $0xA;
	s2 =	sadd.s32 s3, s2  }
0x8d: {  	s2 =	sadd.s32 s2, s17  }
0x8e: {  	[smem:$0x3FB8] =	sst s2  }
0x8f: {  	_ = 	snop  }
0x90: {  	s2 =	sld [smem:$0x3FD0];
	(tm) =	ssettm $0x1  }
0x91: {  	s18 =	sld [smem:$0x3FFB];
	_ =	sdelay $0x3  }
0x92: {  	_ =	strace s18  }
0x93: {  	s3 =	sld [smem:$0x3FFC];
	_ =	sdelay $0x3  }
0x94: {  	_ =	strace s3  }
0x95: {  	s3 =	sld [smem:$0x3FFD];
	_ =	sdelay $0x3  }
0x96: {  	_ =	strace s3  }
0x97: {  	_ =	strace $0x8FFFFFFF  }
0x98: {  	s19 =	sld [smem:$0x3FDB];
	_ =	sdelay $0x1  }
0x99: {  	s4 =	simm.s32 $_scs_section_size  }
0x9a: {  	s5 =	simm.s32 $_size__tile_overlayer_lowered;
	s6 =	simm.s32 $_tile_overlayer_lowered  }
0x9b: {  	s22 =	simm.s32 $0x1BFF;
	s21 =	sshll.u32 s6, $0x1;
	s3 =	sadd.s32 s4, s19  }
0x9c: {  	s7 =	simm.s32 $0x0;
	s20 =	sshll.u32 s5, $0x1;
	s5 =	sadd.s32 s21, s3  }
0x9d: {  	[timem:s7], [sflag:s22] =	dma.local [hbm:s5], s20  }
0x9e: {  	_ =	swait.ge [sflag:s22], s20  }
0x9f: {  	s4 =	ssub.s32 $0x0, s20;
	[sflag:s22] =	ssyncset.done $0x0  }
0xa0: {  	[sflag:s22] =	ssyncadd.s32 s4;
	_ =	sdelay $0x1  }
0xa1: {  	s23 =	simm.s32 $0x1B8B  }
0xa2: {  	_ =	swait.ge [sflag:s23], $0x1  }
0xa3: {  	[sflag:s23] =	ssyncset.done $0x0  }
0xa4: {  	s25 =	simm.s32 $0x1B8E;
	s24 =	sld [smem:$0x3FFE];
	[sflag:s23] =	ssyncadd.s32 $0xFFFFFFFF  }
0xa5: {  	s26 =	simm.s32 $execute0_lowered;
	[smem:$0x3FD2] =	sst s25  }
0xa6: {  	s5 =	sshll.u32 s26, $0x1;
	_ =	strace $0x8000004C;
	[dreg:$0x1] =	wrdreg $0xFFFFFFFF  }
0xa7: {  	s28 =	simm.s32 $_size_execute0_lowered;
	s3 =	sadd.s32 s3, s5;
	[dreg:$0x0] =	wrdreg $0x0  }
0xa8: {  	s5 =	sshll.u32 s28, $0x1;
	[dreg:$0x2] =	wrdreg s3  }
0xa9: {  	[dreg:$0x3] =	wrdreg s5  }
0xaa: {  	[dreg:$0x4] =	wrdreg $0xC0  }
0xab: {  	_ =	task [dreg:s7], $0x5FFFF  }
0xac: {  	[dreg:$0x1] =	wrdreg $0xFFFFFFFF  }
0xad: {  	[dreg:$0x0] =	wrdreg $0x60  }
0xae: {  	[dreg:$0x2] =	wrdreg s24  }
0xaf: {  	[dreg:$0x3] =	wrdreg s2  }
0xb0: {  	[dreg:$0x4] =	wrdreg $0xA9000  }
0xb1: {  	[dreg:$0x5] =	wrdreg $0x9  }
0xb2: {  	_ =	task.clear_ibuf [dreg:s7], $0x6FFFF;
	_ =	strace $0x9000004C  }
0xb3: {  	s29 =	simm.s32 $0x9;
	_ =	strace $0x8000004E  }
0xb4: {  	_ =	swait.ge [sflag:s29], $0x1  }
0xb5: {  	[sflag:s29] =	ssyncadd.s32 $0xFFFFFFFF  }
0xb6: {  	_ =	strace $0x9000004E  }
0xb7: {  	_ =	sfence  }
0xb8: {  	s30 =	sld [smem:$0x0];
	_ =	sdelay $0x2  }
0xb9: {  	s31 =	sshll.u32 s1, $0xD;
	s1 =	sshrl.u32 s1, $0x2  }
0xba: {  	s3 =	sand.u32 $0x4000, s31;
	s1 =	sadd.s32 s1, s30  }
0xbb: {  	s0 =	sor.u32 s3, s0;
	s1 =	sshll.u32 s1, $0x11  }
0xbc: {  	s0 =	sor.u32 s1, s0  }
0xbd: {  	s0 =	sadd.s32 $0x8F2B, s0  }
0xbe: {  	[sflag:s0] =	ssyncadd.remote.s32 $0x1  }
0xbf: {  	_ =	sfence.sel $0xFFFF  }
0xc0: {  	[dreg:$0x0] =	wrdreg $0xFFFFFFFF;
	(pc) =	sbr.abs _section_cstart, $3  }
0xc1: {  	[dreg:$0x1] =	wrdreg $0xFFFFFFFF  }
0xc2: {  	_ =	task.clear_ibuf [dreg:s7], $0x2FFFF;
	_ =	strace $0x9FFFFFFF  }
0xc3: {  	(tm) =	ssettm $0x7FFFFFFF  }
tec
execute0_lowered:
.L_overlay_start_1:
0x0: {  	(tag) =	ssettag $0x1  }
0x1: {  	s0 =	rddreg [dreg:$0x0]  }
0x2: {  	s2 =	rddreg [dreg:$0x1]  }
0x3: {  	s1 =	rddreg [dreg:$0x2];
	s3 =	simm.s32 $0x0  }
0x4: {  	s4 =	srdreg.scid;
	s14 =	stileid.u32;
	s28 =	simm.s32 $0x6900  }
0x5: {  	s29 =	simm.s32 $0x1;
	s30 =	simm.s32 $0x5;
	s31 =	simm.s32 $0x2  }
0x6: {  	[smem:$0x7FF] =	sst s3;
	s8 =	sand.u32 $0x1, s4;
	s10 =	smul.u32 $0x14000, s14  }
0x7: {  	s4 =	sadd.s32 $0x74000, s0;
	s5 =	sadd.s32 $0x9C000, s0;
	s12 =	smul.u32 $0x50000, s14  }
0x8: {  	s6 =	sadd.s32 $0xC4000, s0;
	s7 =	sadd.s32 $0x1A000, s0;
	s23 =	smul.u32 $0x500, s14  }
0x9: {  	s11 =	sadd.s32 $0x5A00, s0;
	s26 =	sshll.u32 s14, $0x6;
	s9 =	smul.u32 $0x140000, s8  }
0xa: {  	_ =	strace $0x8000004D;
	s15 =	sshll.u32 s8, $0x4;
	s16 =	ssub.s32 $0x2, s8  }
0xb: {  	s13 =	sshrl.u32 s16, $0x1;
	s9 =	sadd.s32 s10, s9;
	s10 =	sor.u32 s14, s15  }
0xc: {  	s17 =	ssub.s32 s16, s13;
	s9 =	sshrl.u32 s9, $0x3;
	s10 =	smul.u32 $0x500, s10  }
0xd: {  	[dreg:$0x4] =	wrdreg s11;
	s0 =	sadd.s32 s9, s0;
	s9 =	smax.u32 s17, $0x1  }
0xe: {  	s8 =	smul.u32 $0x5000, s8;
	s2 =	sadd.s32 s2, s10;
	[dreg:$0xb] =	wrdreg s9  }
0xf: {  	s18 =	sshrl.u32 s12, $0x2;
	s21 =	sadd.s32 $0xEC000, s0;
	[dreg:$0x5] =	wrdreg s2  }
0x10: {  	s12 =	simm.s32 $0x0;
	s22 =	sadd.s32 $0x13C000, s0;
	[dreg:$0x8] =	wrdreg s21  }
0x11: {  	s19 =	sadd.s32 s18, s1;
	s0 =	sadd.s32 $0x18C000, s0;
	[dreg:$0x9] =	wrdreg s22  }
0x12: {  	s18 =	sadd.s32 s23, s8;
	s10 =	sadd.s32 s7, s10;
	[dreg:$0xa] =	wrdreg s0  }
0x13: {  	s23 =	simm.s32 $0x80;
	s20 =	sadd.s32 $0x10, s10;
	[dreg:$0x6] =	wrdreg s10  }
0x14: {  	s24 =	sadd.s32 $0x20, s10;
	s25 =	sadd.s32 $0x30, s10;
	[dreg:$0x7] =	wrdreg s20  }
0x15: {  	s21 =	sor.u32 $0x1C07, s26;
	s22 =	sshrl.u32 s19, $0x3;
	[dreg:$0xc] =	wrdreg s24  }
0x16: {  	s26 =	simm.s32 $0x4;
	s2 =	simm.s32 $0x6;
	[dreg:$0xd] =	wrdreg s25  }
0x17: {  	s20 =	simm.s32 $0x7;
	s24 =	simm.s32 $0x3;
	s25 =	simm.s32 $0x2900  }
.LBB2_1:
0x18: {  	s0 =	rddreg [dreg:$0x5];
	s8 =	simm.s32 $0x100  }
0x19: {  	[tilespmem:s8], [sflag:$0x7] =	stream.linear.gather [hbm4b:s0+s3], $0x2800, $0x38;
	[tilespmem:$0x1E900] =	vst v63  }
0x1a: {  	_ =	swait.ge [sflag:s20], $0x2800  }
0x1b: {  	[sflag:s20] =	ssyncset.done $0x0  }
0x1c: {  	s17 =	rddreg [dreg:$0x4];
	[sflag:s20] =	ssyncadd.s32 $0xFFFFD800  }
0x1d: {  	[spmem:s22], [sflag:s21] =	dma.local [hbm:s17], $0x2800  }
0x1e: {  	_ =	swait.ge [sflag:s20], $0x2800  }
0x1f: {  	[sflag:s20] =	ssyncset.done $0x0  }
0x20: {  	[sflag:s20] =	ssyncadd.s32 $0xFFFFD800  }
0x21: {  	[bflag:$0x0] =	sbarrier.arrive $0xFFFF  }
0x22: {  	s19 =	rddreg [dreg:$0x6]  }
0x23: {  	[tilespmem:s3], [sflag:$0x3] =	stream.linear.gather [hbm4b:s19+s3], $0x80, $0x38;
	[tilespmem:$0x1E900] =	vst v63  }
0x24: {  	s9 =	rddreg [dreg:$0x7]  }
0x25: {  	[tilespmem:s23], [sflag:$0x4] =	stream.linear.gather [hbm4b:s9+s3], $0x80, $0x38;
	[tilespmem:$0x1E900] =	vst v63  }
0x26: {  	_ =	swait.ge [sflag:s24], $0x80  }
0x27: {  	[sflag:s24] =	ssyncset.done $0x0  }
0x28: {  	[sflag:s24] =	ssyncadd.s32 $0xFFFFFF80  }
0x29: {  	[tilespmem:s25], [sflag:$0x1] =	stream.indirect.gather [hbm4b:s4+s23], $0x80, s3, s23, $0xb8;
	[tilespmem:$0x1E900] =	vst v63  }
0x2a: {  	_ =	swait.ge [sflag:s26], $0x80  }
0x2b: {  	[sflag:s26] =	ssyncset.done $0x0  }
0x2c: {  	[sflag:s26] =	ssyncadd.s32 $0xFFFFFF80  }
0x2d: {  	[tilespmem:s28], [sflag:$0x2] =	stream.indirect.gather [hbm4b:s4+s23], $0x80, s23, s23, $0xb8;
	[tilespmem:$0x1E900] =	vst v63  }
0x2e: {  	_ =	swait.ge [sflag:s29], $0x4000  }
0x2f: {  	[sflag:s29] =	ssyncset.done $0x0  }
0x30: {  	[sflag:s29] =	ssyncadd.s32 $0xFFFFC000  }
0x31: {  	[spmem:s1] =	stream.indirect.scatter.add.f32 [tilespmem:s25], [sflag:$0x5], $0x80, s8, s23, $0xb8;
	[tilespmem:$0x1E900] =	vst v63  }
0x32: {  	s10 =	rddreg [dreg:$0xc]  }
0x33: {  	[tilespmem:s3], [sflag:$0x3] =	stream.linear.gather [hbm4b:s10+s3], $0x80, $0x38;
	[tilespmem:$0x1E900] =	vst v63  }
0x34: {  	_ =	swait.ge [sflag:s24], $0x80  }
0x35: {  	[sflag:s24] =	ssyncset.done $0x0  }
0x36: {  	[sflag:s24] =	ssyncadd.s32 $0xFFFFFF80  }
0x37: {  	_ =	swait.ge [sflag:s30], $0x4000  }
0x38: {  	[sflag:s30] =	ssyncset.done $0x0  }
0x39: {  	[sflag:s30] =	ssyncadd.s32 $0xFFFFC000  }
0x3a: {  	[tilespmem:s25], [sflag:$0x1] =	stream.indirect.gather [hbm4b:s4+s23], $0x80, s3, s23, $0xb8;
	[tilespmem:$0x1E900] =	vst v63  }
0x3b: {  	_ =	swait.ge [sflag:s31], $0x4000  }
0x3c: {  	[sflag:s31] =	ssyncset.done $0x0  }
0x3d: {  	s11 =	simm.s32 $0x180;
	[sflag:s31] =	ssyncadd.s32 $0xFFFFC000  }
0x3e: {  	[spmem:s1] =	stream.indirect.scatter.add.f32 [tilespmem:s28], [sflag:$0x6], $0x80, s11, s23, $0xb8;
	[tilespmem:$0x1E900] =	vst v63  }
0x3f: {  	s13 =	rddreg [dreg:$0xd]  }
0x40: {  	[tilespmem:s23], [sflag:$0x4] =	stream.linear.gather [hbm4b:s13+s3], $0x80, $0x38;
	[tilespmem:$0x1E900] =	vst v63  }
0x41: {  	_ =	swait.ge [sflag:s26], $0x80  }
0x42: {  	[sflag:s26] =	ssyncset.done $0x0  }
0x43: {  	[sflag:s26] =	ssyncadd.s32 $0xFFFFFF80  }
0x44: {  	_ =	swait.ge [sflag:s2], $0x4000  }
0x45: {  	[sflag:s2] =	ssyncset.done $0x0  }
0x46: {  	s14 =	simm.s32 $0x200;
	[sflag:s2] =	ssyncadd.s32 $0xFFFFC000  }
0x47: {  	[tilespmem:s28], [sflag:$0x2] =	stream.indirect.gather [hbm4b:s4+s23], $0x80, s23, s23, $0xb8;
	[tilespmem:$0x1E900] =	vst v63  }
0x48: {  	s15 =	sadd.s32 $0x50, s18;
	s16 =	simm.s32 $0x40;
	_ =	swait.ge [sflag:s29], $0x4000  }
0x49: {  	s9 =	sadd.s32 $0xFFFFFFF0, s15;
	s8 =	sand.u32 $0x60, s16;
	[sflag:s29] =	ssyncset.done $0x0  }
0x4a: {  	s9 =	sand.u32 $0xFFFFF80, s9;
	s8 =	sadd.s32 s7, s8;
	[sflag:s29] =	ssyncadd.s32 $0xFFFFC000  }
0x4b: {  	[spmem:s1] =	stream.indirect.scatter.add.f32 [tilespmem:s25], [sflag:$0x5], $0x80, s14, s23, $0xb8;
	[tilespmem:$0x1E900] =	vst v63  }
0x4c: {  	s8 =	sadd.s32 s9, s8  }
0x4d: {  	[tilespmem:s3], [sflag:$0x3] =	stream.linear.gather [hbm4b:s8+s3], $0x80, $0x38;
	[tilespmem:$0x1E900] =	vst v63  }
0x4e: {  	_ =	swait.ge [sflag:s24], $0x80  }
0x4f: {  	[sflag:s24] =	ssyncset.done $0x0  }
0x50: {  	[sflag:s24] =	ssyncadd.s32 $0xFFFFFF80  }
0x51: {  	_ =	swait.ge [sflag:s30], $0x4000  }
0x52: {  	[sflag:s30] =	ssyncset.done $0x0  }
0x53: {  	[sflag:s30] =	ssyncadd.s32 $0xFFFFC000  }
0x54: {  	[tilespmem:s25], [sflag:$0x1] =	stream.indirect.gather [hbm4b:s4+s23], $0x80, s3, s23, $0xb8;
	[tilespmem:$0x1E900] =	vst v63  }
0x55: {  	s17 =	simm.s32 $0x50;
	_ =	swait.ge [sflag:s31], $0x4000  }
0x56: {  	s0 =	sand.u32 $0xFFFFF80, s15;
	s8 =	sand.u32 $0x70, s17;
	[sflag:s31] =	ssyncset.done $0x0  }
0x57: {  	s19 =	simm.s32 $0x280;
	s8 =	sadd.s32 s7, s8;
	[sflag:s31] =	ssyncadd.s32 $0xFFFFC000  }
0x58: {  	[spmem:s1] =	stream.indirect.scatter.add.f32 [tilespmem:s28], [sflag:$0x6], $0x80, s19, s23, $0xb8;
	[tilespmem:$0x1E900] =	vst v63  }
0x59: {  	s0 =	sadd.s32 s0, s8  }
0x5a: {  	[tilespmem:s23], [sflag:$0x4] =	stream.linear.gather [hbm4b:s0+s3], $0x80, $0x38;
	[tilespmem:$0x1E900] =	vst v63  }
0x5b: {  	_ =	swait.ge [sflag:s26], $0x80  }
0x5c: {  	[sflag:s26] =	ssyncset.done $0x0  }
0x5d: {  	s15 =	simm.s32 $0x70;
	s9 =	simm.s32 $0x300;
	[sflag:s26] =	ssyncadd.s32 $0xFFFFFF80  }
0x5e: {  	s11 =	simm.s32 $0x60;
	s13 =	simm.s32 $0x480;
	_ =	swait.ge [sflag:s2], $0x4000  }
0x5f: {  	s14 =	simm.s32 $0x400;
	s17 =	sand.u32 $0x60, s11;
	[sflag:s2] =	ssyncset.done $0x0  }
0x60: {  	s8 =	simm.s32 $0x90;
	s19 =	sadd.s32 $0x70, s18;
	[sflag:s2] =	ssyncadd.s32 $0xFFFFC000  }
0x61: {  	[tilespmem:s28], [sflag:$0x2] =	stream.indirect.gather [hbm4b:s4+s23], $0x80, s23, s23, $0xb8;
	[tilespmem:$0x1E900] =	vst v63  }
0x62: {  	s16 =	sadd.s32 $0xFFFFFFF0, s19;
	s0 =	simm.s32 $0x380;
	_ =	swait.ge [sflag:s29], $0x4000  }
.LBB2_2:
0x63: {  	s16 =	sand.u32 $0xFFFFF80, s16  }
0x64: {  	s17 =	sadd.s32 s7, s17;
	[sflag:s29] =	ssyncset.done $0x0;
	s10 =	smov.u32 s8  }
0x65: {  	s11 =	sadd.s32 $0x20, s8;
	s16 =	sadd.s32 s16, s17;
	[sflag:s29] =	ssyncadd.s32 $0xFFFFC000  }
0x66: {  	[spmem:s1] =	stream.indirect.scatter.add.f32 [tilespmem:s25], [sflag:$0x5], $0x80, s9, s23, $0xb8;
	[tilespmem:$0x1E900] =	vst v63  }
0x67: {  	p0 =	sne.s32 s8, $0x4F0;
	s9 =	smov.u32 s14;
	s14 =	sadd.s32 $0x80, s13  }
0x68: {  	[tilespmem:s3], [sflag:$0x3] =	stream.linear.gather [hbm4b:s16+s3], $0x80, $0x38;
	[tilespmem:$0x1E900] =	vst v63  }
0x69: {  	_ =	swait.ge [sflag:s24], $0x80  }
0x6a: {  	[sflag:s24] =	ssyncset.done $0x0  }
0x6b: {  	[sflag:s24] =	ssyncadd.s32 $0xFFFFFF80  }
0x6c: {  	_ =	swait.ge [sflag:s30], $0x4000  }
0x6d: {  	[sflag:s30] =	ssyncset.done $0x0  }
0x6e: {  	[sflag:s30] =	ssyncadd.s32 $0xFFFFC000  }
0x6f: {  	[tilespmem:s25], [sflag:$0x1] =	stream.indirect.gather [hbm4b:s4+s23], $0x80, s3, s23, $0xb8;
	[tilespmem:$0x1E900] =	vst v63  }
0x70: {  	_ =	swait.ge [sflag:s31], $0x4000  }
0x71: {  	s8 =	sand.u32 $0x70, s15;
	s15 =	smov.u32 s10;
	[sflag:s31] =	ssyncset.done $0x0  }
0x72: {  	s10 =	sand.u32 $0xFFFFF80, s19;
	s8 =	sadd.s32 s7, s8;
	[sflag:s31] =	ssyncadd.s32 $0xFFFFC000  }
0x73: {  	[spmem:s1] =	stream.indirect.scatter.add.f32 [tilespmem:s28], [sflag:$0x6], $0x80, s0, s23, $0xb8;
	[tilespmem:$0x1E900] =	vst v63  }
0x74: {  	s8 =	sadd.s32 s10, s8;
	s0 =	smov.u32 s13  }
0x75: {  	[tilespmem:s23], [sflag:$0x4] =	stream.linear.gather [hbm4b:s8+s3], $0x80, $0x38;
	[tilespmem:$0x1E900] =	vst v63  }
0x76: {  	_ =	swait.ge [sflag:s26], $0x80  }
0x77: {  	[sflag:s26] =	ssyncset.done $0x0  }
0x78: {  	[sflag:s26] =	ssyncadd.s32 $0xFFFFFF80  }
.Ltmp0:
0x79: {  	_ =	swait.ge [sflag:s2], $0x4000;
	(pc) =	sbr.rel @p0 .LBB2_2-.Ltmp0, $4  }
0x7a: {  	s19 =	sadd.s32 s15, s18;
	s13 =	sadd.s32 $0x100, s13;
	[sflag:s2] =	ssyncset.done $0x0  }
0x7b: {  	s16 =	sadd.s32 $0xFFFFFFF0, s19;
	s8 =	sadd.s32 $0xFFFFFFF0, s15;
	[sflag:s2] =	ssyncadd.s32 $0xFFFFC000  }
0x7c: {  	[tilespmem:s28], [sflag:$0x2] =	stream.indirect.gather [hbm4b:s4+s23], $0x80, s23, s23, $0xb8;
	[tilespmem:$0x1E900] =	vst v63  }
0x7d: {  	s17 =	sand.u32 $0x60, s8;
	s8 =	smov.u32 s11;
	_ =	swait.ge [sflag:s29], $0x4000  }
0x7e: {  	[sflag:s29] =	ssyncset.done $0x0  }
0x7f: {  	s8 =	sand.u32 $0xFFFFF80, s16;
	s10 =	sadd.s32 s7, s17;
	[sflag:s29] =	ssyncadd.s32 $0xFFFFC000  }
0x80: {  	[spmem:s1] =	stream.indirect.scatter.add.f32 [tilespmem:s25], [sflag:$0x5], $0x80, s9, s23, $0xb8;
	[tilespmem:$0x1E900] =	vst v63  }
0x81: {  	s8 =	sadd.s32 s8, s10  }
0x82: {  	[tilespmem:s3], [sflag:$0x3] =	stream.linear.gather [hbm4b:s8+s3], $0x80, $0x38;
	[tilespmem:$0x1E900] =	vst v63  }
0x83: {  	_ =	swait.ge [sflag:s24], $0x80  }
0x84: {  	[sflag:s24] =	ssyncset.done $0x0  }
0x85: {  	[sflag:s24] =	ssyncadd.s32 $0xFFFFFF80  }
0x86: {  	_ =	swait.ge [sflag:s30], $0x4000  }
0x87: {  	[sflag:s30] =	ssyncset.done $0x0  }
0x88: {  	[sflag:s30] =	ssyncadd.s32 $0xFFFFC000  }
0x89: {  	[tilespmem:s25], [sflag:$0x1] =	stream.indirect.gather [hbm4b:s4+s23], $0x80, s3, s23, $0xb8;
	[tilespmem:$0x1E900] =	vst v63  }
0x8a: {  	_ =	swait.ge [sflag:s31], $0x4000  }
0x8b: {  	s9 =	sand.u32 $0x70, s15;
	[sflag:s31] =	ssyncset.done $0x0  }
0x8c: {  	s10 =	sand.u32 $0xFFFFF80, s19;
	s8 =	sadd.s32 s7, s9;
	[sflag:s31] =	ssyncadd.s32 $0xFFFFC000  }
0x8d: {  	[spmem:s1] =	stream.indirect.scatter.add.f32 [tilespmem:s28], [sflag:$0x6], $0x80, s0, s23, $0xb8;
	[tilespmem:$0x1E900] =	vst v63  }
0x8e: {  	s11 =	sadd.s32 s10, s8  }
0x8f: {  	[tilespmem:s23], [sflag:$0x4] =	stream.linear.gather [hbm4b:s11+s3], $0x80, $0x38;
	[tilespmem:$0x1E900] =	vst v63  }
0x90: {  	_ =	swait.ge [sflag:s26], $0x80  }
0x91: {  	[sflag:s26] =	ssyncset.done $0x0  }
0x92: {  	[sflag:s26] =	ssyncadd.s32 $0xFFFFFF80  }
0x93: {  	_ =	swait.ge [sflag:s2], $0x4000  }
0x94: {  	[sflag:s2] =	ssyncset.done $0x0  }
0x95: {  	[sflag:s2] =	ssyncadd.s32 $0xFFFFC000  }
0x96: {  	[tilespmem:s28], [sflag:$0x2] =	stream.indirect.gather [hbm4b:s4+s23], $0x80, s23, s23, $0xb8;
	[tilespmem:$0x1E900] =	vst v63  }
0x97: {  	_ =	swait.ge [sflag:s29], $0x4000  }
0x98: {  	[sflag:s29] =	ssyncset.done $0x0  }
0x99: {  	[sflag:s29] =	ssyncadd.s32 $0xFFFFC000  }
0x9a: {  	[spmem:s1] =	stream.indirect.scatter.add.f32 [tilespmem:s25], [sflag:$0x5], $0x80, s14, s23, $0xb8;
	[tilespmem:$0x1E900] =	vst v63  }
0x9b: {  	_ =	swait.ge [sflag:s31], $0x4000  }
0x9c: {  	[sflag:s31] =	ssyncset.done $0x0  }
0x9d: {  	[sflag:s31] =	ssyncadd.s32 $0xFFFFC000  }
0x9e: {  	[spmem:s1] =	stream.indirect.scatter.add.f32 [tilespmem:s28], [sflag:$0x6], $0x80, s13, s23, $0xb8;
	[tilespmem:$0x1E900] =	vst v63  }
0x9f: {  	_ =	swait.ge [sflag:s30], $0x4000  }
0xa0: {  	[sflag:s30] =	ssyncset.done $0x0  }
0xa1: {  	[sflag:s30] =	ssyncadd.s32 $0xFFFFC000  }
0xa2: {  	_ =	swait.ge [sflag:s2], $0x4000  }
0xa3: {  	[sflag:s2] =	ssyncset.done $0x0  }
0xa4: {  	[sflag:s2] =	ssyncadd.s32 $0xFFFFC000  }
0xa5: {  	[bflag:$0x0] =	sbarrier.arrive $0xFFFF  }
0xa6: {  	s13 =	rddreg [dreg:$0x8]  }
0xa7: {  	[hbm:s13], [sflag:s21] =	dma.local [spmem:s22], $0x2800  }
0xa8: {  	_ =	swait.ge [sflag:s20], $0x2800  }
0xa9: {  	[sflag:s20] =	ssyncset.done $0x0  }
0xaa: {  	s14 =	rddreg [dreg:$0x4];
	[sflag:s20] =	ssyncadd.s32 $0xFFFFD800  }
0xab: {  	[spmem:s22], [sflag:s21] =	dma.local [hbm:s14], $0x2800  }
0xac: {  	_ =	swait.ge [sflag:s20], $0x2800  }
0xad: {  	[sflag:s20] =	ssyncset.done $0x0  }
0xae: {  	[sflag:s20] =	ssyncadd.s32 $0xFFFFD800  }
0xaf: {  	[bflag:$0x0] =	sbarrier.arrive $0xFFFF  }
0xb0: {  	s15 =	rddreg [dreg:$0x6]  }
0xb1: {  	[tilespmem:s3], [sflag:$0x3] =	stream.linear.gather [hbm4b:s15+s3], $0x80, $0x38;
	[tilespmem:$0x1E900] =	vst v63  }
0xb2: {  	s16 =	rddreg [dreg:$0x7]  }
0xb3: {  	[tilespmem:s23], [sflag:$0x4] =	stream.linear.gather [hbm4b:s16+s3], $0x80, $0x38;
	[tilespmem:$0x1E900] =	vst v63  }
0xb4: {  	_ =	swait.ge [sflag:s24], $0x80  }
0xb5: {  	[sflag:s24] =	ssyncset.done $0x0  }
0xb6: {  	[sflag:s24] =	ssyncadd.s32 $0xFFFFFF80  }
0xb7: {  	[tilespmem:s25], [sflag:$0x1] =	stream.indirect.gather [hbm4b:s5+s23], $0x80, s3, s23, $0xb8;
	[tilespmem:$0x1E900] =	vst v63  }
0xb8: {  	_ =	swait.ge [sflag:s26], $0x80  }
0xb9: {  	[sflag:s26] =	ssyncset.done $0x0  }
0xba: {  	[sflag:s26] =	ssyncadd.s32 $0xFFFFFF80  }
0xbb: {  	[tilespmem:s28], [sflag:$0x2] =	stream.indirect.gather [hbm4b:s5+s23], $0x80, s23, s23, $0xb8;
	[tilespmem:$0x1E900] =	vst v63  }
0xbc: {  	_ =	swait.ge [sflag:s29], $0x4000  }
0xbd: {  	[sflag:s29] =	ssyncset.done $0x0  }
0xbe: {  	s17 =	simm.s32 $0x100;
	[sflag:s29] =	ssyncadd.s32 $0xFFFFC000  }
0xbf: {  	[spmem:s1] =	stream.indirect.scatter.add.f32 [tilespmem:s25], [sflag:$0x5], $0x80, s17, s23, $0xb8;
	[tilespmem:$0x1E900] =	vst v63  }
0xc0: {  	s19 =	rddreg [dreg:$0xc]  }
0xc1: {  	[tilespmem:s3], [sflag:$0x3] =	stream.linear.gather [hbm4b:s19+s3], $0x80, $0x38;
	[tilespmem:$0x1E900] =	vst v63  }
0xc2: {  	_ =	swait.ge [sflag:s24], $0x80  }
0xc3: {  	[sflag:s24] =	ssyncset.done $0x0  }
0xc4: {  	[sflag:s24] =	ssyncadd.s32 $0xFFFFFF80  }
0xc5: {  	_ =	swait.ge [sflag:s30], $0x4000  }
0xc6: {  	[sflag:s30] =	ssyncset.done $0x0  }
0xc7: {  	[sflag:s30] =	ssyncadd.s32 $0xFFFFC000  }
0xc8: {  	[tilespmem:s25], [sflag:$0x1] =	stream.indirect.gather [hbm4b:s5+s23], $0x80, s3, s23, $0xb8;
	[tilespmem:$0x1E900] =	vst v63  }
0xc9: {  	_ =	swait.ge [sflag:s31], $0x4000  }
0xca: {  	[sflag:s31] =	ssyncset.done $0x0  }
0xcb: {  	s8 =	simm.s32 $0x180;
	[sflag:s31] =	ssyncadd.s32 $0xFFFFC000  }
0xcc: {  	[spmem:s1] =	stream.indirect.scatter.add.f32 [tilespmem:s28], [sflag:$0x6], $0x80, s8, s23, $0xb8;
	[tilespmem:$0x1E900] =	vst v63  }
0xcd: {  	s9 =	rddreg [dreg:$0xd]  }
0xce: {  	[tilespmem:s23], [sflag:$0x4] =	stream.linear.gather [hbm4b:s9+s3], $0x80, $0x38;
	[tilespmem:$0x1E900] =	vst v63  }
0xcf: {  	_ =	swait.ge [sflag:s26], $0x80  }
0xd0: {  	[sflag:s26] =	ssyncset.done $0x0  }
0xd1: {  	[sflag:s26] =	ssyncadd.s32 $0xFFFFFF80  }
0xd2: {  	_ =	swait.ge [sflag:s2], $0x4000  }
0xd3: {  	[sflag:s2] =	ssyncset.done $0x0  }
0xd4: {  	s10 =	simm.s32 $0x200;
	[sflag:s2] =	ssyncadd.s32 $0xFFFFC000  }
0xd5: {  	[tilespmem:s28], [sflag:$0x2] =	stream.indirect.gather [hbm4b:s5+s23], $0x80, s23, s23, $0xb8;
	[tilespmem:$0x1E900] =	vst v63  }
0xd6: {  	s11 =	sadd.s32 $0x50, s18;
	s13 =	simm.s32 $0x40;
	_ =	swait.ge [sflag:s29], $0x4000  }
0xd7: {  	s14 =	sadd.s32 $0xFFFFFFF0, s11;
	s8 =	sand.u32 $0x60, s13;
	[sflag:s29] =	ssyncset.done $0x0  }
0xd8: {  	s8 =	sadd.s32 s7, s8;
	s9 =	sand.u32 $0xFFFFF80, s14;
	[sflag:s29] =	ssyncadd.s32 $0xFFFFC000  }
0xd9: {  	[spmem:s1] =	stream.indirect.scatter.add.f32 [tilespmem:s25], [sflag:$0x5], $0x80, s10, s23, $0xb8;
	[tilespmem:$0x1E900] =	vst v63  }
0xda: {  	s8 =	sadd.s32 s9, s8  }
0xdb: {  	[tilespmem:s3], [sflag:$0x3] =	stream.linear.gather [hbm4b:s8+s3], $0x80, $0x38;
	[tilespmem:$0x1E900] =	vst v63  }
0xdc: {  	_ =	swait.ge [sflag:s24], $0x80  }
0xdd: {  	[sflag:s24] =	ssyncset.done $0x0  }
0xde: {  	[sflag:s24] =	ssyncadd.s32 $0xFFFFFF80  }
0xdf: {  	_ =	swait.ge [sflag:s30], $0x4000  }
0xe0: {  	[sflag:s30] =	ssyncset.done $0x0  }
0xe1: {  	[sflag:s30] =	ssyncadd.s32 $0xFFFFC000  }
0xe2: {  	[tilespmem:s25], [sflag:$0x1] =	stream.indirect.gather [hbm4b:s5+s23], $0x80, s3, s23, $0xb8;
	[tilespmem:$0x1E900] =	vst v63  }
0xe3: {  	s15 =	simm.s32 $0x50;
	_ =	swait.ge [sflag:s31], $0x4000  }
0xe4: {  	s0 =	sand.u32 $0xFFFFF80, s11;
	s8 =	sand.u32 $0x70, s15;
	[sflag:s31] =	ssyncset.done $0x0  }
0xe5: {  	s16 =	simm.s32 $0x280;
	s8 =	sadd.s32 s7, s8;
	[sflag:s31] =	ssyncadd.s32 $0xFFFFC000  }
0xe6: {  	[spmem:s1] =	stream.indirect.scatter.add.f32 [tilespmem:s28], [sflag:$0x6], $0x80, s16, s23, $0xb8;
	[tilespmem:$0x1E900] =	vst v63  }
0xe7: {  	s0 =	sadd.s32 s0, s8  }
0xe8: {  	[tilespmem:s23], [sflag:$0x4] =	stream.linear.gather [hbm4b:s0+s3], $0x80, $0x38;
	[tilespmem:$0x1E900] =	vst v63  }
0xe9: {  	_ =	swait.ge [sflag:s26], $0x80  }
0xea: {  	[sflag:s26] =	ssyncset.done $0x0  }
0xeb: {  	s11 =	simm.s32 $0x90;
	s17 =	simm.s32 $0x60;
	[sflag:s26] =	ssyncadd.s32 $0xFFFFFF80  }
0xec: {  	s17 =	sand.u32 $0x60, s17;
	s19 =	sadd.s32 $0x70, s18;
	_ =	swait.ge [sflag:s2], $0x4000  }
0xed: {  	s13 =	simm.s32 $0x480;
	s14 =	simm.s32 $0x400;
	[sflag:s2] =	ssyncset.done $0x0  }
0xee: {  	s9 =	simm.s32 $0x300;
	s15 =	simm.s32 $0x70;
	[sflag:s2] =	ssyncadd.s32 $0xFFFFC000  }
0xef: {  	[tilespmem:s28], [sflag:$0x2] =	stream.indirect.gather [hbm4b:s5+s23], $0x80, s23, s23, $0xb8;
	[tilespmem:$0x1E900] =	vst v63  }
0xf0: {  	s16 =	sadd.s32 $0xFFFFFFF0, s19;
	s0 =	simm.s32 $0x380;
	_ =	swait.ge [sflag:s29], $0x4000  }
.LBB2_4:
0xf1: {  	s10 =	sand.u32 $0xFFFFF80, s16  }
0xf2: {  	s16 =	sadd.s32 s7, s17;
	[sflag:s29] =	ssyncset.done $0x0;
	s17 =	smov.u32 s11  }
0xf3: {  	s8 =	sadd.s32 $0x20, s11;
	s10 =	sadd.s32 s10, s16;
	[sflag:s29] =	ssyncadd.s32 $0xFFFFC000  }
0xf4: {  	[spmem:s1] =	stream.indirect.scatter.add.f32 [tilespmem:s25], [sflag:$0x5], $0x80, s9, s23, $0xb8;
	[tilespmem:$0x1E900] =	vst v63  }
0xf5: {  	p0 =	sne.s32 s11, $0x4F0;
	s9 =	smov.u32 s14;
	s14 =	sadd.s32 $0x80, s13  }
0xf6: {  	[tilespmem:s3], [sflag:$0x3] =	stream.linear.gather [hbm4b:s10+s3], $0x80, $0x38;
	[tilespmem:$0x1E900] =	vst v63  }
0xf7: {  	_ =	swait.ge [sflag:s24], $0x80  }
0xf8: {  	[sflag:s24] =	ssyncset.done $0x0  }
0xf9: {  	[sflag:s24] =	ssyncadd.s32 $0xFFFFFF80  }
0xfa: {  	_ =	swait.ge [sflag:s30], $0x4000  }
0xfb: {  	[sflag:s30] =	ssyncset.done $0x0  }
0xfc: {  	[sflag:s30] =	ssyncadd.s32 $0xFFFFC000  }
0xfd: {  	[tilespmem:s25], [sflag:$0x1] =	stream.indirect.gather [hbm4b:s5+s23], $0x80, s3, s23, $0xb8;
	[tilespmem:$0x1E900] =	vst v63  }
0xfe: {  	_ =	swait.ge [sflag:s31], $0x4000  }
0xff: {  	s10 =	sand.u32 $0x70, s15;
	s15 =	smov.u32 s17;
	[sflag:s31] =	ssyncset.done $0x0  }
0x100: {  	s11 =	sand.u32 $0xFFFFF80, s19;
	s10 =	sadd.s32 s7, s10;
	[sflag:s31] =	ssyncadd.s32 $0xFFFFC000  }
0x101: {  	[spmem:s1] =	stream.indirect.scatter.add.f32 [tilespmem:s28], [sflag:$0x6], $0x80, s0, s23, $0xb8;
	[tilespmem:$0x1E900] =	vst v63  }
0x102: {  	s10 =	sadd.s32 s11, s10;
	s0 =	smov.u32 s13  }
0x103: {  	[tilespmem:s23], [sflag:$0x4] =	stream.linear.gather [hbm4b:s10+s3], $0x80, $0x38;
	[tilespmem:$0x1E900] =	vst v63  }
0x104: {  	_ =	swait.ge [sflag:s26], $0x80  }
0x105: {  	[sflag:s26] =	ssyncset.done $0x0  }
0x106: {  	[sflag:s26] =	ssyncadd.s32 $0xFFFFFF80  }
.Ltmp1:
0x107: {  	_ =	swait.ge [sflag:s2], $0x4000;
	(pc) =	sbr.rel @p0 .LBB2_4-.Ltmp1, $4  }
0x108: {  	s19 =	sadd.s32 s15, s18;
	s13 =	sadd.s32 $0x100, s13;
	[sflag:s2] =	ssyncset.done $0x0  }
0x109: {  	s16 =	sadd.s32 $0xFFFFFFF0, s19;
	s10 =	sadd.s32 $0xFFFFFFF0, s15;
	[sflag:s2] =	ssyncadd.s32 $0xFFFFC000  }
0x10a: {  	[tilespmem:s28], [sflag:$0x2] =	stream.indirect.gather [hbm4b:s5+s23], $0x80, s23, s23, $0xb8;
	[tilespmem:$0x1E900] =	vst v63  }
0x10b: {  	s11 =	smov.u32 s8;
	s17 =	sand.u32 $0x60, s10;
	_ =	swait.ge [sflag:s29], $0x4000  }
0x10c: {  	[sflag:s29] =	ssyncset.done $0x0  }
0x10d: {  	s8 =	sand.u32 $0xFFFFF80, s16;
	s10 =	sadd.s32 s7, s17;
	[sflag:s29] =	ssyncadd.s32 $0xFFFFC000  }
0x10e: {  	[spmem:s1] =	stream.indirect.scatter.add.f32 [tilespmem:s25], [sflag:$0x5], $0x80, s9, s23, $0xb8;
	[tilespmem:$0x1E900] =	vst v63  }
0x10f: {  	s8 =	sadd.s32 s8, s10  }
0x110: {  	[tilespmem:s3], [sflag:$0x3] =	stream.linear.gather [hbm4b:s8+s3], $0x80, $0x38;
	[tilespmem:$0x1E900] =	vst v63  }
0x111: {  	_ =	swait.ge [sflag:s24], $0x80  }
0x112: {  	[sflag:s24] =	ssyncset.done $0x0  }
0x113: {  	[sflag:s24] =	ssyncadd.s32 $0xFFFFFF80  }
0x114: {  	_ =	swait.ge [sflag:s30], $0x4000  }
0x115: {  	[sflag:s30] =	ssyncset.done $0x0  }
0x116: {  	[sflag:s30] =	ssyncadd.s32 $0xFFFFC000  }
0x117: {  	[tilespmem:s25], [sflag:$0x1] =	stream.indirect.gather [hbm4b:s5+s23], $0x80, s3, s23, $0xb8;
	[tilespmem:$0x1E900] =	vst v63  }
0x118: {  	_ =	swait.ge [sflag:s31], $0x4000  }
0x119: {  	s9 =	sand.u32 $0x70, s15;
	[sflag:s31] =	ssyncset.done $0x0  }
0x11a: {  	s10 =	sand.u32 $0xFFFFF80, s19;
	s8 =	sadd.s32 s7, s9;
	[sflag:s31] =	ssyncadd.s32 $0xFFFFC000  }
0x11b: {  	[spmem:s1] =	stream.indirect.scatter.add.f32 [tilespmem:s28], [sflag:$0x6], $0x80, s0, s23, $0xb8;
	[tilespmem:$0x1E900] =	vst v63  }
0x11c: {  	s11 =	sadd.s32 s10, s8  }
0x11d: {  	[tilespmem:s23], [sflag:$0x4] =	stream.linear.gather [hbm4b:s11+s3], $0x80, $0x38;
	[tilespmem:$0x1E900] =	vst v63  }
0x11e: {  	_ =	swait.ge [sflag:s26], $0x80  }
0x11f: {  	[sflag:s26] =	ssyncset.done $0x0  }
0x120: {  	[sflag:s26] =	ssyncadd.s32 $0xFFFFFF80  }
0x121: {  	_ =	swait.ge [sflag:s2], $0x4000  }
0x122: {  	[sflag:s2] =	ssyncset.done $0x0  }
0x123: {  	[sflag:s2] =	ssyncadd.s32 $0xFFFFC000  }
0x124: {  	[tilespmem:s28], [sflag:$0x2] =	stream.indirect.gather [hbm4b:s5+s23], $0x80, s23, s23, $0xb8;
	[tilespmem:$0x1E900] =	vst v63  }
0x125: {  	_ =	swait.ge [sflag:s29], $0x4000  }
0x126: {  	[sflag:s29] =	ssyncset.done $0x0  }
0x127: {  	[sflag:s29] =	ssyncadd.s32 $0xFFFFC000  }
0x128: {  	[spmem:s1] =	stream.indirect.scatter.add.f32 [tilespmem:s25], [sflag:$0x5], $0x80, s14, s23, $0xb8;
	[tilespmem:$0x1E900] =	vst v63  }
0x129: {  	_ =	swait.ge [sflag:s31], $0x4000  }
0x12a: {  	[sflag:s31] =	ssyncset.done $0x0  }
0x12b: {  	[sflag:s31] =	ssyncadd.s32 $0xFFFFC000  }
0x12c: {  	[spmem:s1] =	stream.indirect.scatter.add.f32 [tilespmem:s28], [sflag:$0x6], $0x80, s13, s23, $0xb8;
	[tilespmem:$0x1E900] =	vst v63  }
0x12d: {  	_ =	swait.ge [sflag:s30], $0x4000  }
0x12e: {  	[sflag:s30] =	ssyncset.done $0x0  }
0x12f: {  	[sflag:s30] =	ssyncadd.s32 $0xFFFFC000  }
0x130: {  	_ =	swait.ge [sflag:s2], $0x4000  }
0x131: {  	[sflag:s2] =	ssyncset.done $0x0  }
0x132: {  	[sflag:s2] =	ssyncadd.s32 $0xFFFFC000  }
0x133: {  	[bflag:$0x0] =	sbarrier.arrive $0xFFFF  }
0x134: {  	s13 =	rddreg [dreg:$0x9]  }
0x135: {  	[hbm:s13], [sflag:s21] =	dma.local [spmem:s22], $0x2800  }
0x136: {  	_ =	swait.ge [sflag:s20], $0x2800  }
0x137: {  	[sflag:s20] =	ssyncset.done $0x0  }
0x138: {  	s14 =	rddreg [dreg:$0x4];
	[sflag:s20] =	ssyncadd.s32 $0xFFFFD800  }
0x139: {  	[spmem:s22], [sflag:s21] =	dma.local [hbm:s14], $0x2800  }
0x13a: {  	_ =	swait.ge [sflag:s20], $0x2800  }
0x13b: {  	[sflag:s20] =	ssyncset.done $0x0  }
0x13c: {  	[sflag:s20] =	ssyncadd.s32 $0xFFFFD800  }
0x13d: {  	[bflag:$0x0] =	sbarrier.arrive $0xFFFF  }
0x13e: {  	s15 =	rddreg [dreg:$0x6]  }
0x13f: {  	[tilespmem:s3], [sflag:$0x3] =	stream.linear.gather [hbm4b:s15+s3], $0x80, $0x38;
	[tilespmem:$0x1E900] =	vst v63  }
0x140: {  	s16 =	rddreg [dreg:$0x7]  }
0x141: {  	[tilespmem:s23], [sflag:$0x4] =	stream.linear.gather [hbm4b:s16+s3], $0x80, $0x38;
	[tilespmem:$0x1E900] =	vst v63  }
0x142: {  	_ =	swait.ge [sflag:s24], $0x80  }
0x143: {  	[sflag:s24] =	ssyncset.done $0x0  }
0x144: {  	[sflag:s24] =	ssyncadd.s32 $0xFFFFFF80  }
0x145: {  	[tilespmem:s25], [sflag:$0x1] =	stream.indirect.gather [hbm4b:s6+s23], $0x80, s3, s23, $0xb8;
	[tilespmem:$0x1E900] =	vst v63  }
0x146: {  	_ =	swait.ge [sflag:s26], $0x80  }
0x147: {  	[sflag:s26] =	ssyncset.done $0x0  }
0x148: {  	[sflag:s26] =	ssyncadd.s32 $0xFFFFFF80  }
0x149: {  	[tilespmem:s28], [sflag:$0x2] =	stream.indirect.gather [hbm4b:s6+s23], $0x80, s23, s23, $0xb8;
	[tilespmem:$0x1E900] =	vst v63  }
0x14a: {  	_ =	swait.ge [sflag:s29], $0x4000  }
0x14b: {  	[sflag:s29] =	ssyncset.done $0x0  }
0x14c: {  	s17 =	simm.s32 $0x100;
	[sflag:s29] =	ssyncadd.s32 $0xFFFFC000  }
0x14d: {  	[spmem:s1] =	stream.indirect.scatter.add.f32 [tilespmem:s25], [sflag:$0x5], $0x80, s17, s23, $0xb8;
	[tilespmem:$0x1E900] =	vst v63  }
0x14e: {  	s19 =	rddreg [dreg:$0xc]  }
0x14f: {  	[tilespmem:s3], [sflag:$0x3] =	stream.linear.gather [hbm4b:s19+s3], $0x80, $0x38;
	[tilespmem:$0x1E900] =	vst v63  }
0x150: {  	_ =	swait.ge [sflag:s24], $0x80  }
0x151: {  	[sflag:s24] =	ssyncset.done $0x0  }
0x152: {  	[sflag:s24] =	ssyncadd.s32 $0xFFFFFF80  }
0x153: {  	_ =	swait.ge [sflag:s30], $0x4000  }
0x154: {  	[sflag:s30] =	ssyncset.done $0x0  }
0x155: {  	[sflag:s30] =	ssyncadd.s32 $0xFFFFC000  }
0x156: {  	[tilespmem:s25], [sflag:$0x1] =	stream.indirect.gather [hbm4b:s6+s23], $0x80, s3, s23, $0xb8;
	[tilespmem:$0x1E900] =	vst v63  }
0x157: {  	_ =	swait.ge [sflag:s31], $0x4000  }
0x158: {  	[sflag:s31] =	ssyncset.done $0x0  }
0x159: {  	s8 =	simm.s32 $0x180;
	[sflag:s31] =	ssyncadd.s32 $0xFFFFC000  }
0x15a: {  	[spmem:s1] =	stream.indirect.scatter.add.f32 [tilespmem:s28], [sflag:$0x6], $0x80, s8, s23, $0xb8;
	[tilespmem:$0x1E900] =	vst v63  }
0x15b: {  	s9 =	rddreg [dreg:$0xd]  }
0x15c: {  	[tilespmem:s23], [sflag:$0x4] =	stream.linear.gather [hbm4b:s9+s3], $0x80, $0x38;
	[tilespmem:$0x1E900] =	vst v63  }
0x15d: {  	_ =	swait.ge [sflag:s26], $0x80  }
0x15e: {  	[sflag:s26] =	ssyncset.done $0x0  }
0x15f: {  	[sflag:s26] =	ssyncadd.s32 $0xFFFFFF80  }
0x160: {  	_ =	swait.ge [sflag:s2], $0x4000  }
0x161: {  	[sflag:s2] =	ssyncset.done $0x0  }
0x162: {  	s10 =	simm.s32 $0x200;
	[sflag:s2] =	ssyncadd.s32 $0xFFFFC000  }
0x163: {  	[tilespmem:s28], [sflag:$0x2] =	stream.indirect.gather [hbm4b:s6+s23], $0x80, s23, s23, $0xb8;
	[tilespmem:$0x1E900] =	vst v63  }
0x164: {  	s11 =	sadd.s32 $0x50, s18;
	s13 =	simm.s32 $0x40;
	_ =	swait.ge [sflag:s29], $0x4000  }
0x165: {  	s14 =	sadd.s32 $0xFFFFFFF0, s11;
	s8 =	sand.u32 $0x60, s13;
	[sflag:s29] =	ssyncset.done $0x0  }
0x166: {  	s8 =	sadd.s32 s7, s8;
	s9 =	sand.u32 $0xFFFFF80, s14;
	[sflag:s29] =	ssyncadd.s32 $0xFFFFC000  }
0x167: {  	[spmem:s1] =	stream.indirect.scatter.add.f32 [tilespmem:s25], [sflag:$0x5], $0x80, s10, s23, $0xb8;
	[tilespmem:$0x1E900] =	vst v63  }
0x168: {  	s8 =	sadd.s32 s9, s8  }
0x169: {  	[tilespmem:s3], [sflag:$0x3] =	stream.linear.gather [hbm4b:s8+s3], $0x80, $0x38;
	[tilespmem:$0x1E900] =	vst v63  }
0x16a: {  	_ =	swait.ge [sflag:s24], $0x80  }
0x16b: {  	[sflag:s24] =	ssyncset.done $0x0  }
0x16c: {  	[sflag:s24] =	ssyncadd.s32 $0xFFFFFF80  }
0x16d: {  	_ =	swait.ge [sflag:s30], $0x4000  }
0x16e: {  	[sflag:s30] =	ssyncset.done $0x0  }
0x16f: {  	[sflag:s30] =	ssyncadd.s32 $0xFFFFC000  }
0x170: {  	[tilespmem:s25], [sflag:$0x1] =	stream.indirect.gather [hbm4b:s6+s23], $0x80, s3, s23, $0xb8;
	[tilespmem:$0x1E900] =	vst v63  }
0x171: {  	s15 =	simm.s32 $0x50;
	_ =	swait.ge [sflag:s31], $0x4000  }
0x172: {  	s0 =	sand.u32 $0xFFFFF80, s11;
	s8 =	sand.u32 $0x70, s15;
	[sflag:s31] =	ssyncset.done $0x0  }
0x173: {  	s16 =	simm.s32 $0x280;
	s8 =	sadd.s32 s7, s8;
	[sflag:s31] =	ssyncadd.s32 $0xFFFFC000  }
0x174: {  	[spmem:s1] =	stream.indirect.scatter.add.f32 [tilespmem:s28], [sflag:$0x6], $0x80, s16, s23, $0xb8;
	[tilespmem:$0x1E900] =	vst v63  }
0x175: {  	s0 =	sadd.s32 s0, s8  }
0x176: {  	[tilespmem:s23], [sflag:$0x4] =	stream.linear.gather [hbm4b:s0+s3], $0x80, $0x38;
	[tilespmem:$0x1E900] =	vst v63  }
0x177: {  	_ =	swait.ge [sflag:s26], $0x80  }
0x178: {  	[sflag:s26] =	ssyncset.done $0x0  }
0x179: {  	s11 =	simm.s32 $0x90;
	s17 =	simm.s32 $0x60;
	[sflag:s26] =	ssyncadd.s32 $0xFFFFFF80  }
0x17a: {  	s17 =	sand.u32 $0x60, s17;
	s19 =	sadd.s32 $0x70, s18;
	_ =	swait.ge [sflag:s2], $0x4000  }
0x17b: {  	s13 =	simm.s32 $0x480;
	s14 =	simm.s32 $0x400;
	[sflag:s2] =	ssyncset.done $0x0  }
0x17c: {  	s9 =	simm.s32 $0x300;
	s15 =	simm.s32 $0x70;
	[sflag:s2] =	ssyncadd.s32 $0xFFFFC000  }
0x17d: {  	[tilespmem:s28], [sflag:$0x2] =	stream.indirect.gather [hbm4b:s6+s23], $0x80, s23, s23, $0xb8;
	[tilespmem:$0x1E900] =	vst v63  }
0x17e: {  	s16 =	sadd.s32 $0xFFFFFFF0, s19;
	s0 =	simm.s32 $0x380;
	_ =	swait.ge [sflag:s29], $0x4000  }
.LBB2_6:
0x17f: {  	s10 =	sand.u32 $0xFFFFF80, s16  }
0x180: {  	s16 =	sadd.s32 s7, s17;
	[sflag:s29] =	ssyncset.done $0x0;
	s17 =	smov.u32 s11  }
0x181: {  	s8 =	sadd.s32 $0x20, s11;
	s10 =	sadd.s32 s10, s16;
	[sflag:s29] =	ssyncadd.s32 $0xFFFFC000  }
0x182: {  	[spmem:s1] =	stream.indirect.scatter.add.f32 [tilespmem:s25], [sflag:$0x5], $0x80, s9, s23, $0xb8;
	[tilespmem:$0x1E900] =	vst v63  }
0x183: {  	p0 =	sne.s32 s11, $0x4F0;
	s9 =	smov.u32 s14;
	s14 =	sadd.s32 $0x80, s13  }
0x184: {  	[tilespmem:s3], [sflag:$0x3] =	stream.linear.gather [hbm4b:s10+s3], $0x80, $0x38;
	[tilespmem:$0x1E900] =	vst v63  }
0x185: {  	_ =	swait.ge [sflag:s24], $0x80  }
0x186: {  	[sflag:s24] =	ssyncset.done $0x0  }
0x187: {  	[sflag:s24] =	ssyncadd.s32 $0xFFFFFF80  }
0x188: {  	_ =	swait.ge [sflag:s30], $0x4000  }
0x189: {  	[sflag:s30] =	ssyncset.done $0x0  }
0x18a: {  	[sflag:s30] =	ssyncadd.s32 $0xFFFFC000  }
0x18b: {  	[tilespmem:s25], [sflag:$0x1] =	stream.indirect.gather [hbm4b:s6+s23], $0x80, s3, s23, $0xb8;
	[tilespmem:$0x1E900] =	vst v63  }
0x18c: {  	_ =	swait.ge [sflag:s31], $0x4000  }
0x18d: {  	s10 =	sand.u32 $0x70, s15;
	s15 =	smov.u32 s17;
	[sflag:s31] =	ssyncset.done $0x0  }
0x18e: {  	s11 =	sand.u32 $0xFFFFF80, s19;
	s10 =	sadd.s32 s7, s10;
	[sflag:s31] =	ssyncadd.s32 $0xFFFFC000  }
0x18f: {  	[spmem:s1] =	stream.indirect.scatter.add.f32 [tilespmem:s28], [sflag:$0x6], $0x80, s0, s23, $0xb8;
	[tilespmem:$0x1E900] =	vst v63  }
0x190: {  	s10 =	sadd.s32 s11, s10;
	s0 =	smov.u32 s13  }
0x191: {  	[tilespmem:s23], [sflag:$0x4] =	stream.linear.gather [hbm4b:s10+s3], $0x80, $0x38;
	[tilespmem:$0x1E900] =	vst v63  }
0x192: {  	_ =	swait.ge [sflag:s26], $0x80  }
0x193: {  	[sflag:s26] =	ssyncset.done $0x0  }
0x194: {  	[sflag:s26] =	ssyncadd.s32 $0xFFFFFF80  }
.Ltmp2:
0x195: {  	_ =	swait.ge [sflag:s2], $0x4000;
	(pc) =	sbr.rel @p0 .LBB2_6-.Ltmp2, $4  }
0x196: {  	s19 =	sadd.s32 s15, s18;
	s13 =	sadd.s32 $0x100, s13;
	[sflag:s2] =	ssyncset.done $0x0  }
0x197: {  	s16 =	sadd.s32 $0xFFFFFFF0, s19;
	s10 =	sadd.s32 $0xFFFFFFF0, s15;
	[sflag:s2] =	ssyncadd.s32 $0xFFFFC000  }
0x198: {  	[tilespmem:s28], [sflag:$0x2] =	stream.indirect.gather [hbm4b:s6+s23], $0x80, s23, s23, $0xb8;
	[tilespmem:$0x1E900] =	vst v63  }
0x199: {  	s11 =	smov.u32 s8;
	s17 =	sand.u32 $0x60, s10;
	_ =	swait.ge [sflag:s29], $0x4000  }
0x19a: {  	[sflag:s29] =	ssyncset.done $0x0  }
0x19b: {  	s8 =	sand.u32 $0xFFFFF80, s16;
	s11 =	sadd.s32 s7, s17;
	[sflag:s29] =	ssyncadd.s32 $0xFFFFC000  }
0x19c: {  	[spmem:s1] =	stream.indirect.scatter.add.f32 [tilespmem:s25], [sflag:$0x5], $0x80, s9, s23, $0xb8;
	[tilespmem:$0x1E900] =	vst v63  }
0x19d: {  	s8 =	sadd.s32 s8, s11  }
0x19e: {  	[tilespmem:s3], [sflag:$0x3] =	stream.linear.gather [hbm4b:s8+s3], $0x80, $0x38;
	[tilespmem:$0x1E900] =	vst v63  }
0x19f: {  	_ =	swait.ge [sflag:s24], $0x80  }
0x1a0: {  	[sflag:s24] =	ssyncset.done $0x0  }
0x1a1: {  	[sflag:s24] =	ssyncadd.s32 $0xFFFFFF80  }
0x1a2: {  	_ =	swait.ge [sflag:s30], $0x4000  }
0x1a3: {  	[sflag:s30] =	ssyncset.done $0x0  }
0x1a4: {  	[sflag:s30] =	ssyncadd.s32 $0xFFFFC000  }
0x1a5: {  	[tilespmem:s25], [sflag:$0x1] =	stream.indirect.gather [hbm4b:s6+s23], $0x80, s3, s23, $0xb8;
	[tilespmem:$0x1E900] =	vst v63  }
0x1a6: {  	_ =	swait.ge [sflag:s31], $0x4000  }
0x1a7: {  	[sflag:s31] =	ssyncset.done $0x0  }
0x1a8: {  	s15 =	sand.u32 $0x70, s15;
	[sflag:s31] =	ssyncadd.s32 $0xFFFFC000  }
0x1a9: {  	[spmem:s1] =	stream.indirect.scatter.add.f32 [tilespmem:s28], [sflag:$0x6], $0x80, s0, s23, $0xb8;
	[tilespmem:$0x1E900] =	vst v63  }
0x1aa: {  	s16 =	sand.u32 $0xFFFFF80, s19;
	s0 =	sadd.s32 s7, s15  }
0x1ab: {  	s0 =	sadd.s32 s16, s0  }
0x1ac: {  	[tilespmem:s23], [sflag:$0x4] =	stream.linear.gather [hbm4b:s0+s3], $0x80, $0x38;
	[tilespmem:$0x1E900] =	vst v63  }
0x1ad: {  	_ =	swait.ge [sflag:s26], $0x80  }
0x1ae: {  	[sflag:s26] =	ssyncset.done $0x0  }
0x1af: {  	[sflag:s26] =	ssyncadd.s32 $0xFFFFFF80  }
0x1b0: {  	_ =	swait.ge [sflag:s2], $0x4000  }
0x1b1: {  	[sflag:s2] =	ssyncset.done $0x0  }
0x1b2: {  	[sflag:s2] =	ssyncadd.s32 $0xFFFFC000  }
0x1b3: {  	[tilespmem:s28], [sflag:$0x2] =	stream.indirect.gather [hbm4b:s6+s23], $0x80, s23, s23, $0xb8;
	[tilespmem:$0x1E900] =	vst v63  }
0x1b4: {  	_ =	swait.ge [sflag:s29], $0x4000  }
0x1b5: {  	[sflag:s29] =	ssyncset.done $0x0  }
0x1b6: {  	[sflag:s29] =	ssyncadd.s32 $0xFFFFC000  }
0x1b7: {  	[spmem:s1] =	stream.indirect.scatter.add.f32 [tilespmem:s25], [sflag:$0x5], $0x80, s14, s23, $0xb8;
	[tilespmem:$0x1E900] =	vst v63  }
0x1b8: {  	_ =	swait.ge [sflag:s31], $0x4000  }
0x1b9: {  	[sflag:s31] =	ssyncset.done $0x0  }
0x1ba: {  	[sflag:s31] =	ssyncadd.s32 $0xFFFFC000  }
0x1bb: {  	[spmem:s1] =	stream.indirect.scatter.add.f32 [tilespmem:s28], [sflag:$0x6], $0x80, s13, s23, $0xb8;
	[tilespmem:$0x1E900] =	vst v63  }
0x1bc: {  	_ =	swait.ge [sflag:s30], $0x4000  }
0x1bd: {  	[sflag:s30] =	ssyncset.done $0x0  }
0x1be: {  	[sflag:s30] =	ssyncadd.s32 $0xFFFFC000  }
0x1bf: {  	_ =	swait.ge [sflag:s2], $0x4000  }
0x1c0: {  	[sflag:s2] =	ssyncset.done $0x0  }
0x1c1: {  	[sflag:s2] =	ssyncadd.s32 $0xFFFFC000  }
0x1c2: {  	[bflag:$0x0] =	sbarrier.arrive $0xFFFF  }
0x1c3: {  	s17 =	rddreg [dreg:$0xa]  }
0x1c4: {  	[hbm:s17], [sflag:s21] =	dma.local [spmem:s22], $0x2800  }
0x1c5: {  	_ =	swait.ge [sflag:s20], $0x2800  }
0x1c6: {  	s12 =	sadd.s32 $0x1, s12;
	s19 =	rddreg [dreg:$0xb]  }
0x1c7: {  	p0 =	sne.s32 s12, s19  }
.Ltmp3:
0x1c8: {  	_ = 	snop;
	(pc) =	sbr.rel @p0 .LBB2_1-.Ltmp3, $3  }
0x1c9: {  	_ =	sdelay $0x1  }
0x1ca: {  	[sflag:s20] =	ssyncset.done $0x0  }
0x1cb: {  	[sflag:s20] =	ssyncadd.s32 $0xFFFFD800  }
0x1cc: {  	_ =	sfence.sel $0x180000  }
0x1cd: {  	[bflag:$0x0] =	sbarrier.arrive $0xFFFF  }
0x1ce: {  	_ =	strace $0x9000004D  }
0x1cf: {  	s0 =	stileid.u32;
	[bflag:$0x2] =	sbarrier.arrive $0xFFFF  }
0x1d0: {  	p0 =	sne.s32 s0, $0x0;
	s0 =	rddreg [dreg:$0x3]  }
0x1d1: {  	s0 =	sadd.s32 @!p0 $0x100000, s0  }
0x1d2: {  	[sflag:s0] =	ssyncadd.tile.s32 @!p0 $0x1;
	_ =	shalt  }
.Lfunc_end2:
_tile_overlayer_lowered:
.L_overlay_start_2:
0x1d3: {  	(tag) =	ssettag $0x2  }
0x1d4: {  	s0 =	rddreg [dreg:$0x0];
	s2 =	stileid.u32  }
0x1d5: {  	s1 =	rddreg [dreg:$0x1];
	p0 =	sne.s32 s2, $0x0  }
0x1d6: {  	s3 =	rddreg [dreg:$0x2];
	[bflag:$0x3] =	sbarrier.arrive $0xFFFF;
	s2 =	simm.s32 @!p0 $0x1C07  }
0x1d7: {  	[timem:s3], [sflag:s2] =	dma.local @!p0 [hbm:s0], s1  }
0x1d8: {  	s0 =	simm.s32 @!p0 $0x7  }
0x1d9: {  	_ =	swait.ge @!p0 [sflag:s0], s1  }
0x1da: {  	s1 =	ssub.s32 @!p0 $0x0, s1;
	[sflag:s0] =	ssyncset.done @!p0 $0x0  }
0x1db: {  	[sflag:s0] =	ssyncadd.s32 @!p0 s1  }
0x1dc: {  	[bflag:$0x3] =	sbarrier.arrive $0xFFFF  }
0x1dd: {  	_ =	shalt  }

// kernel: kernel.8.cloned.1.call-start
scs
__scs_entry_jumppad:
0x0: {  	(pc) =	sbr.rel $0x88, $3  }
0x1: {  	(tag) =	ssettag $0x0;
	lr =	simm.s32 $0x1  }
0x2: {  	[smem:$0x3F91] =	sst lr;
	_ =	strace $0xD0000000  }
0x3: {  	_ = 	snop  }
0x4: {  	_ = 	snop  }
0x5: {  	_ = 	snop  }
0x6: {  	_ = 	snop  }
0x7: {  	_ = 	snop  }
__scs_overlays_trampoline_lowered:
0x8: {  	[smem:$0x3FA0] =	sst s0  }
0x9: {  	[smem:$0x3FA1] =	sst s1  }
0xa: {  	[smem:$0x3FA2] =	sst s2  }
0xb: {  	[smem:$0x3FA3] =	sst s3  }
0xc: {  	[smem:$0x3FA4] =	sst s4  }
0xd: {  	[smem:$0x3FA5] =	sst s5  }
0xe: {  	[smem:$0x3FA6] =	sst s6  }
0xf: {  	[smem:$0x3FA7] =	sst s7  }
0x10: {  	[smem:$0x3FA8] =	sst s8  }
0x11: {  	[smem:$0x3FA9] =	sst s9;
	s0 =	simm.s32 @!p0 $0x0  }
0x12: {  	s1 =	sld [smem:$0x3F8F];
	s0 =	simm.s32 @p0 $0x1  }
0x13: {  	[smem:$0x3FAA] =	sst s0;
	s0 =	simm.s32 @!p1 $0x0  }
0x14: {  	s2 =	sld [smem:$0x3F8E];
	s0 =	simm.s32 @p1 $0x1  }
0x15: {  	[smem:$0x3FAB] =	sst s0;
	s0 =	simm.s32 @!p2 $0x0  }
0x16: {  	s3 =	sld [smem:$0x3FDB];
	s0 =	simm.s32 @p2 $0x1  }
0x17: {  	s4 =	simm.s32 $0x1BF5;
	[smem:$0x3FAD] =	sst s0  }
0x18: {  	s0 =	sld [smem:$0x3F90];
	_ =	swait.ge [sflag:s4], $0x0  }
0x19: {  	s7 =	sld [smem:$0x3F91]  }
0x1a: {  	s8 =	sadd.s32 $0xFFFFE003, lr  }
0x1b: {  	s9 =	sadd.s32 $0xFFFFFEF7, lr;
	s5 =	simm.s32 $0xFFFFFFFF;
	p2 =	slt.u32 s8, $0xFFFFF086  }
0x1c: {  	p1 =	slt.u32 s9, $0xF7A;
	s5 =	simm.s32 @!p2 $0x0  }
0x1d: {  	s5 =	simm.s32 @p1 $0x1;
	p0 =	seq.s32 s7, s2  }
0x1e: {  	s7 =	smul.u32 @!p0 $0xF7A, s2;
	p2 =	seq.s32 @!p0 s5, $0x0  }
0x1f: {  	s9 =	smul.u32 $0xF7A, s1;
	s8 =	simm.s32 @!p0 $0x1BF5;
	p2 =	por !p2, p0  }
0x20: {  	[sflag:s8] =	ssyncset.s32 @!p0 $0xFFFFF086;
	s6 =	sadd.s32 @!p0 s3, s7;
	s7 =	simm.s32 @!p0 $0x108  }
0x21: {  	s3 =	sadd.s32 s3, s9;
	s6 =	sadd.s32 @!p0 $0x88, s6;
	s7 =	simm.s32 @p2 $0x1082  }
0x22: {  	[simem:s7], [sflag:s8] =	dma.local @!p0 [hbm:s6], $0xF7A  }
0x23: {  	s9 =	sor.u32 $0xD0000000, s2;
	s6 =	simm.s32 $0x108;
	_ =	swait.ge @!p0 [sflag:s8], $0x0  }
0x24: {  	s3 =	sadd.s32 $0x88, s3;
	s6 =	simm.s32 @!p1 $0x1082;
	[sflag:s4] =	ssyncset.s32 $0xFFFFF086  }
0x25: {  	[simem:s6], [sflag:s4] =	dma.local [hbm:s3], $0xF7A  }
0x26: {  	[smem:$0x3F91] =	sst s1;
	(tag) =	ssettag s2;
	_ =	strace s9  }
0x27: {  	s1 =	sld [smem:$0x3FA1]  }
0x28: {  	s2 =	sld [smem:$0x3FA2]  }
0x29: {  	s4 =	sld [smem:$0x3FA4]  }
0x2a: {  	p0 =	seq.s32 s5, $0x0;
	s5 =	sld [smem:$0x3FA5]  }
0x2b: {  	s6 =	sld [smem:$0x3FA6]  }
0x2c: {  	s7 =	sld [smem:$0x3FA7]  }
0x2d: {  	s3 =	simm.s32 $0x108;
	s8 =	sld [smem:$0x3FA8]  }
0x2e: {  	s3 =	simm.s32 @!p0 $0x1082;
	s9 =	sld [smem:$0x3FA9]  }
0x2f: {  	lr =	sadd.s32 s0, s3;
	s0 =	sld [smem:$0x3FA0]  }
0x30: {  	s3 =	sld [smem:$0x3FA3]  }
0x31: {  	[smem:$0x3FAC] =	sst s10  }
0x32: {  	s10 =	sld [smem:$0x3FAA];
	_ =	sdelay $0x3  }
0x33: {  	p0 =	seq.s32 s10, $0x1;
	s10 =	sld [smem:$0x3FAC];
	_ =	sdelay $0x3  }
0x34: {  	[smem:$0x3FAC] =	sst s10  }
0x35: {  	s10 =	sld [smem:$0x3FAB];
	_ =	sdelay $0x3  }
0x36: {  	p1 =	seq.s32 s10, $0x1;
	s10 =	sld [smem:$0x3FAC];
	_ =	sdelay $0x3  }
0x37: {  	[smem:$0x3FAC] =	sst s10  }
0x38: {  	s10 =	sld [smem:$0x3FAD]  }
0x39: {  	_ = 	snop;
	(pc) =	sbr.ind lr, $3  }
0x3a: {  	_ = 	snop  }
0x3b: {  	_ = 	snop  }
0x3c: {  	p2 =	seq.s32 s10, $0x1;
	s10 =	sld [smem:$0x3FAC]  }
0x3d: {  	_ =	shalt  }
0x3e: {  	_ =	shalt  }
0x3f: {  	_ =	shalt  }
0x40: {  	_ =	shalt  }
0x41: {  	_ =	shalt  }
0x42: {  	_ =	shalt  }
0x43: {  	_ =	shalt  }
0x44: {  	_ =	shalt  }
0x45: {  	_ =	shalt  }
0x46: {  	_ =	shalt  }
0x47: {  	_ =	shalt  }
0x48: {  	_ =	shalt  }
0x49: {  	_ =	shalt  }
0x4a: {  	_ =	shalt  }
0x4b: {  	_ =	shalt  }
0x4c: {  	_ =	shalt  }
0x4d: {  	_ =	shalt  }
0x4e: {  	_ =	shalt  }
0x4f: {  	_ =	shalt  }
0x50: {  	_ =	shalt  }
0x51: {  	_ =	shalt  }
0x52: {  	_ =	shalt  }
0x53: {  	_ =	shalt  }
0x54: {  	_ =	shalt  }
0x55: {  	_ =	shalt  }
0x56: {  	_ =	shalt  }
0x57: {  	_ =	shalt  }
0x58: {  	_ =	shalt  }
0x59: {  	_ =	shalt  }
0x5a: {  	_ =	shalt  }
0x5b: {  	_ =	shalt  }
0x5c: {  	_ =	shalt  }
0x5d: {  	_ =	shalt  }
0x5e: {  	_ =	shalt  }
0x5f: {  	_ =	shalt  }
0x60: {  	_ =	shalt  }
0x61: {  	_ =	shalt  }
0x62: {  	_ =	shalt  }
0x63: {  	_ =	shalt  }
0x64: {  	_ =	shalt  }
0x65: {  	_ =	shalt  }
0x66: {  	_ =	shalt  }
0x67: {  	_ =	shalt  }
0x68: {  	_ =	shalt  }
0x69: {  	_ =	shalt  }
0x6a: {  	_ =	shalt  }
0x6b: {  	_ =	shalt  }
0x6c: {  	_ =	shalt  }
0x6d: {  	_ =	shalt  }
0x6e: {  	_ =	shalt  }
0x6f: {  	_ =	shalt  }
0x70: {  	_ =	shalt  }
0x71: {  	_ =	shalt  }
0x72: {  	_ =	shalt  }
0x73: {  	_ =	shalt  }
0x74: {  	_ =	shalt  }
0x75: {  	_ =	shalt  }
0x76: {  	_ =	shalt  }
0x77: {  	_ =	shalt  }
0x78: {  	_ =	shalt  }
0x79: {  	_ =	shalt  }
0x7a: {  	_ =	shalt  }
0x7b: {  	_ =	shalt  }
0x7c: {  	_ =	shalt  }
0x7d: {  	_ =	shalt  }
0x7e: {  	_ =	shalt  }
0x7f: {  	_ =	shalt  }
0x80: {  	_ =	shalt  }
0x81: {  	_ =	shalt  }
0x82: {  	_ =	shalt  }
0x83: {  	_ =	shalt  }
0x84: {  	_ =	shalt  }
0x85: {  	_ =	shalt  }
0x86: {  	_ =	shalt  }
0x87: {  	_ =	shalt  }
.Lfunc_end0:
.L_simem_size_0:
called_computation_lowered:
.L_overlay_start_0:
0x88: {  	s2 =	sld [smem:$0x3FD9]  }
0x89: {  	s3 =	sld [smem:$0x3FFE];
	_ =	sdelay $0x1  }
0x8a: {  	s1 =	srdreg.scid  }
0x8b: {  	s0 =	sand.u32 $0x1, s1  }
0x8c: {  	s16 =	sshll.u32 s0, $0xA;
	s2 =	sadd.s32 s3, s2  }
0x8d: {  	s2 =	sadd.s32 s2, s16  }
0x8e: {  	[smem:$0x3FB8] =	sst s2  }
0x8f: {  	_ = 	snop  }
0x90: {  	(tm) =	ssettm $0x1  }
0x91: {  	s17 =	sld [smem:$0x3FFB];
	_ =	sdelay $0x3  }
0x92: {  	_ =	strace s17  }
0x93: {  	s2 =	sld [smem:$0x3FFC];
	_ =	sdelay $0x3  }
0x94: {  	_ =	strace s2  }
0x95: {  	s2 =	sld [smem:$0x3FFD];
	_ =	sdelay $0x3  }
0x96: {  	_ =	strace s2  }
0x97: {  	_ =	strace $0x8FFFFFFF  }
0x98: {  	s18 =	sld [smem:$0x3FDB];
	_ =	sdelay $0x1  }
0x99: {  	s19 =	simm.s32 $_scs_section_size  }
0x9a: {  	s4 =	simm.s32 $_size__tile_overlayer_lowered;
	s5 =	simm.s32 $_tile_overlayer_lowered  }
0x9b: {  	s22 =	simm.s32 $0x1BFF;
	s21 =	sshll.u32 s5, $0x1;
	s2 =	sadd.s32 s19, s18  }
0x9c: {  	s6 =	simm.s32 $0x0;
	s20 =	sshll.u32 s4, $0x1;
	s4 =	sadd.s32 s21, s2  }
0x9d: {  	[timem:s6], [sflag:s22] =	dma.local [hbm:s4], s20  }
0x9e: {  	_ =	swait.ge [sflag:s22], s20  }
0x9f: {  	s3 =	ssub.s32 $0x0, s20;
	[sflag:s22] =	ssyncset.done $0x0  }
0xa0: {  	[sflag:s22] =	ssyncadd.s32 s3;
	_ =	sdelay $0x1  }
0xa1: {  	s23 =	simm.s32 $0x1B8B  }
0xa2: {  	_ =	swait.ge [sflag:s23], $0x1  }
0xa3: {  	[sflag:s23] =	ssyncset.done $0x0  }
0xa4: {  	s25 =	simm.s32 $0x1B8E;
	s24 =	sld [smem:$0x3FFE];
	[sflag:s23] =	ssyncadd.s32 $0xFFFFFFFF  }
0xa5: {  	s26 =	simm.s32 $execute0_lowered;
	[smem:$0x3FD2] =	sst s25  }
0xa6: {  	s4 =	sshll.u32 s26, $0x1;
	_ =	strace $0x80000046;
	[dreg:$0x1] =	wrdreg $0xFFFFFFFF  }
0xa7: {  	s28 =	simm.s32 $_size_execute0_lowered;
	s2 =	sadd.s32 s2, s4;
	[dreg:$0x0] =	wrdreg $0x0  }
0xa8: {  	s4 =	sshll.u32 s28, $0x1;
	[dreg:$0x2] =	wrdreg s2  }
0xa9: {  	[dreg:$0x3] =	wrdreg s4  }
0xaa: {  	[dreg:$0x4] =	wrdreg $0xC0  }
0xab: {  	_ =	task [dreg:s6], $0x5FFFF  }
0xac: {  	[dreg:$0x1] =	wrdreg $0xFFFFFFFF  }
0xad: {  	[dreg:$0x0] =	wrdreg $0x60  }
0xae: {  	[dreg:$0x2] =	wrdreg s24  }
0xaf: {  	[dreg:$0x3] =	wrdreg $0x2F800  }
0xb0: {  	[dreg:$0x4] =	wrdreg $0x9  }
0xb1: {  	_ =	task.clear_ibuf [dreg:s6], $0x5FFFF;
	_ =	strace $0x90000046  }
0xb2: {  	s29 =	simm.s32 $0x9;
	_ =	strace $0x80000048  }
0xb3: {  	_ =	swait.ge [sflag:s29], $0x1  }
0xb4: {  	[sflag:s29] =	ssyncadd.s32 $0xFFFFFFFF  }
0xb5: {  	_ =	strace $0x90000048  }
0xb6: {  	_ =	sfence  }
0xb7: {  	s30 =	sld [smem:$0x0];
	_ =	sdelay $0x2  }
0xb8: {  	s31 =	sshll.u32 s1, $0xD;
	s1 =	sshrl.u32 s1, $0x2  }
0xb9: {  	s3 =	sand.u32 $0x4000, s31;
	s1 =	sadd.s32 s1, s30  }
0xba: {  	s0 =	sor.u32 s3, s0;
	s1 =	sshll.u32 s1, $0x11  }
0xbb: {  	s0 =	sor.u32 s1, s0  }
0xbc: {  	s0 =	sadd.s32 $0x8F2B, s0  }
0xbd: {  	[sflag:s0] =	ssyncadd.remote.s32 $0x1  }
0xbe: {  	_ =	sfence.sel $0xFFFF  }
0xbf: {  	[dreg:$0x0] =	wrdreg $0xFFFFFFFF;
	(pc) =	sbr.abs _section_cstart, $3  }
0xc0: {  	[dreg:$0x1] =	wrdreg $0xFFFFFFFF  }
0xc1: {  	_ =	task.clear_ibuf [dreg:s6], $0x2FFFF;
	_ =	strace $0x9FFFFFFF  }
0xc2: {  	(tm) =	ssettm $0x7FFFFFFF  }
0xc3: {  	_ =	shalt  }
tec
execute0_lowered:
.L_overlay_start_1:
0x0: {  	(tag) =	ssettag $0x1  }
0x1: {  	s6 =	rddreg [dreg:$0x0]  }
0x2: {  	s0 =	srdreg.scid;
	s2 =	rddreg [dreg:$0x1];
	s3 =	simm.s32 $0x0  }
0x3: {  	s12 =	simm.s32 $0x2780;
	s5 =	sand.u32 $0x1, s0;
	s0 =	stileid.u32  }
0x4: {  	s13 =	simm.s32 $0x80;
	s14 =	simm.s32 $0x0;
	s7 =	smul.u32 $0x2800, s0  }
0x5: {  	[smem:$0x7FF] =	sst s3;
	s1 =	sshll.u32 s5, $0x4;
	s8 =	smul.u32 $0x28000, s5  }
0x6: {  	s10 =	ssub.s32 $0x2, s5;
	s5 =	sadd.s32 $0xFA00, s6;
	s1 =	sor.u32 s0, s1  }
0x7: {  	s31 =	sshll.u32 s0, $0x6;
	s30 =	sshrl.u32 s10, $0x1;
	s4 =	smul.u32 $0x4F0, s1  }
0x8: {  	s1 =	rddreg [dreg:$0x2];
	_ =	strace $0x80000047;
	s8 =	sadd.s32 s7, s8  }
0x9: {  	s10 =	ssub.s32 s10, s30;
	s11 =	sadd.s32 s7, s2;
	s8 =	sshrl.u32 s8, $0x3  }
0xa: {  	s9 =	sadd.s32 s4, s6;
	s4 =	sadd.s32 $0xF800, s6;
	s8 =	sadd.s32 s8, s6  }
0xb: {  	s6 =	sor.u32 $0x1C01, s31;
	s7 =	sadd.s32 $0x5A00, s9;
	s8 =	sadd.s32 $0x10000, s8  }
0xc: {  	s9 =	smax.u32 s10, $0x1;
	s10 =	sshrl.u32 s11, $0x3;
	s11 =	simm.s32 $0x1  }
.LBB2_1:
0xd: {  	[spmem:s10], [sflag:s6] =	dma.local [hbm:s5], $0x500  }
0xe: {  	_ =	swait.ge [sflag:s11], $0x500  }
0xf: {  	[sflag:s11] =	ssyncset.done $0x0  }
0x10: {  	[sflag:s11] =	ssyncadd.s32 $0xFFFFFB00  }
0x11: {  	[tilespmem:s3], [sflag:$0x1] =	stream.linear.gather [hbm4b:s7+s3], $0x2780, $0x38;
	[tilespmem:$0x5780] =	vst v63  }
0x12: {  	_ =	swait.ge [sflag:s11], $0x2780  }
0x13: {  	[sflag:s11] =	ssyncset.done $0x0  }
0x14: {  	[sflag:s11] =	ssyncadd.s32 $0xFFFFD880  }
0x15: {  	[tilespmem:s12], [sflag:$0x1] =	stream.linear.gather [hbm4b:s4+s3], $0x800, $0x38;
	[tilespmem:$0x5780] =	vst v63  }
0x16: {  	_ =	swait.ge [sflag:s11], $0x800  }
0x17: {  	[sflag:s11] =	ssyncset.done $0x0  }
0x18: {  	[sflag:s11] =	ssyncadd.s32 $0xFFFFF800  }
0x19: {  	s15 =	simm.s32 $0x0;
	[bflag:$0x0] =	sbarrier.arrive $0xFFFF  }
0x1a: {  	[spmem:s2] =	stream.indirect.scatter.add.f32 [tilespmem:s12], [sflag:$0x1], $0x10, s15, s13, $0xb8;
	[tilespmem:$0x5780] =	vst v63  }
0x1b: {  	_ =	swait.ge [sflag:s11], $0x800  }
0x1c: {  	s15 =	simm.s32 $0x200;
	[sflag:s11] =	ssyncset.done $0x0  }
.LBB2_2:
0x1d: {  	s16 =	sshra.s32 s15, $0x2;
	[sflag:s11] =	ssyncadd.s32 $0xFFFFF800;
	p0 =	sne.s32 s15, $0x9C00  }
0x1e: {  	[spmem:s2] =	stream.indirect.scatter.add.f32 [tilespmem:s12], [sflag:$0x1], $0x10, s16, s13, $0xb8;
	[tilespmem:$0x5780] =	vst v63  }
.Ltmp0:
0x1f: {  	_ = 	snop;
	(pc) =	sbr.rel @p0 .LBB2_2-.Ltmp0, $4  }
0x20: {  	_ = 	snop  }
0x21: {  	s15 =	sadd.s32 $0x200, s15  }
0x22: {  	_ =	swait.ge [sflag:s11], $0x800  }
0x23: {  	[sflag:s11] =	ssyncset.done $0x0  }
0x24: {  	s14 =	sadd.s32 $0x1, s14  }
0x25: {  	[sflag:s11] =	ssyncadd.s32 $0xFFFFF800;
	p0 =	sne.s32 s14, s9  }
.Ltmp1:
0x26: {  	[bflag:$0x0] =	sbarrier.arrive $0xFFFF;
	(pc) =	sbr.rel @p0 .LBB2_1-.Ltmp1, $4  }
0x27: {  	[hbm:s8], [sflag:s6] =	dma.local [spmem:s10], $0x500  }
0x28: {  	_ =	swait.ge [sflag:s11], $0x500  }
0x29: {  	[sflag:s11] =	ssyncset.done $0x0  }
0x2a: {  	[sflag:s11] =	ssyncadd.s32 $0xFFFFFB00  }
0x2b: {  	_ =	sfence.sel $0x180000  }
0x2c: {  	[bflag:$0x0] =	sbarrier.arrive $0xFFFF  }
0x2d: {  	p0 =	sne.s32 s0, $0x0;
	_ =	strace $0x90000047  }
0x2e: {  	s0 =	sadd.s32 @!p0 $0x100000, s1;
	[bflag:$0x2] =	sbarrier.arrive $0xFFFF  }
0x2f: {  	[sflag:s0] =	ssyncadd.tile.s32 @!p0 $0x1;
	_ =	shalt  }
.Lfunc_end2:
_tile_overlayer_lowered:
.L_overlay_start_2:
0x30: {  	(tag) =	ssettag $0x2  }
0x31: {  	s0 =	rddreg [dreg:$0x0];
	s2 =	stileid.u32  }
0x32: {  	s1 =	rddreg [dreg:$0x1];
	p0 =	sne.s32 s2, $0x0  }
0x33: {  	s3 =	rddreg [dreg:$0x2];
	[bflag:$0x3] =	sbarrier.arrive $0xFFFF;
	s2 =	simm.s32 @!p0 $0x1C01  }
0x34: {  	[timem:s3], [sflag:s2] =	dma.local @!p0 [hbm:s0], s1  }
0x35: {  	s0 =	simm.s32 @!p0 $0x1  }
0x36: {  	_ =	swait.ge @!p0 [sflag:s0], s1  }
0x37: {  	s1 =	ssub.s32 @!p0 $0x0, s1;
	[sflag:s0] =	ssyncset.done @!p0 $0x0  }
0x38: {  	[sflag:s0] =	ssyncadd.s32 @!p0 s1  }
0x39: {  	[bflag:$0x3] =	sbarrier.arrive $0xFFFF  }
0x3a: {  	_ =	shalt  }

</sc_bundles>
